<compile_context>
chip_gen: v7x
topology: tpu7x:2x2x1
jax: 0.10.2.dev20260603
libtpu: 0.0.44.dev20260713+nightly
codegen_flags: <defaults>
</compile_context>

<pallas_src>
import functools

import jax
import jax.numpy as jnp
from jax import lax
from jax.experimental import pallas as pl
from jax.experimental.pallas import tpu as pltpu
from jax.experimental.pallas import tpu_sc as plsc

NN = 10000
NNP = 10240
EE = 320000
HH = 128
GG = 64
DP = 16
CW = 128
NROWS = 2560
EEP = NROWS * CW
NC = 2
NS = 16
NW = NC * NS
RW = NROWS // NW
RWC = (136, 24)
RWMAX = max(RWC)
CBASE = (0, NS * RWC[0])
ZR = 128
NPW = NNP // NS
MF = GG * NNP
MPW = MF // NS
MZC = 4096


def _sc_mesh():
  return plsc.VectorSubcoreMesh(core_axis_name="c", subcore_axis_name="s",
                                num_cores=NC, num_subcores=NS)


@functools.cache
def _deg_kernel():
  @functools.partial(
      pl.kernel,
      out_type=jax.ShapeDtypeStruct((NC, NNP), jnp.float32),
      mesh=_sc_mesh(),
      compiler_params=pltpu.CompilerParams(use_tc_tiling_on_sc=False),
      scratch_types=[
          pltpu.VMEM((RW * CW,), jnp.int32),
          pltpu.VMEM((RW * CW,), jnp.float32),
          pltpu.VMEM((NPW,), jnp.float32),
          pltpu.VMEM_SHARED((NNP,), jnp.float32),
      ],
  )
  def deg(dst_hbm, out_hbm, dstv, onesv, zb, acc):
    c = lax.axis_index("c")
    s = lax.axis_index("s")
    wid = c * NS + s

    def fill1(i, _):
      onesv[pl.ds(i * 16, 16)] = jnp.ones((16,), jnp.float32)
      return 0
    lax.fori_loop(0, RW * CW // 16, fill1, 0)

    def fill0(i, _):
      zb[pl.ds(i * 16, 16)] = jnp.zeros((16,), jnp.float32)
      return 0
    lax.fori_loop(0, NPW // 16, fill0, 0)

    pltpu.sync_copy(dst_hbm.at[pl.ds(wid * RW * CW, RW * CW)], dstv)
    pltpu.sync_copy(zb, acc.at[pl.ds(s * NPW, NPW)])
    plsc.subcore_barrier()

    pltpu.sync_copy(onesv, acc.at[dstv], add=True)

    plsc.subcore_barrier()
    pltpu.sync_copy(acc.at[pl.ds(s * NPW, NPW)],
                    out_hbm.at[c, pl.ds(s * NPW, NPW)])

  return deg


@functools.cache
def _prop_kernel(F):
  @functools.partial(
      pl.kernel,
      out_type=jax.ShapeDtypeStruct((NC, NNP, F), jnp.float32),
      mesh=_sc_mesh(),
      compiler_params=pltpu.CompilerParams(use_tc_tiling_on_sc=False),
      scratch_types=[
          pltpu.VMEM((RWMAX, CW), jnp.int32),
          pltpu.VMEM((RWMAX, CW), jnp.int32),
          pltpu.VMEM((CW, F), jnp.float32),
          pltpu.VMEM((CW, F), jnp.float32),
          pltpu.VMEM((CW, F), jnp.float32),
          pltpu.VMEM((CW, F), jnp.float32),
          pltpu.VMEM((ZR, F), jnp.float32),
          pltpu.VMEM_SHARED((NNP, F), jnp.float32),
          pltpu.SemaphoreType.DMA,
          pltpu.SemaphoreType.DMA,
          pltpu.SemaphoreType.DMA,
          pltpu.SemaphoreType.DMA,
          pltpu.SemaphoreType.DMA,
          pltpu.SemaphoreType.DMA,
          pltpu.SemaphoreType.DMA,
          pltpu.SemaphoreType.DMA,
      ],
  )
  def prop(h_hbm, src_hbm, dst_hbm, out_hbm, srcv, dstv, rb0, rb1, rb2, rb3,
           zb, acc, sg0, sg1, sg2, sg3, ss0, ss1, ss2, ss3):
    c = lax.axis_index("c")
    s = lax.axis_index("s")
    rbufs = (rb0, rb1, rb2, rb3)
    sgs = (sg0, sg1, sg2, sg3)
    sss = (ss0, ss1, ss2, ss3)

    def z0(i, _):
      def z1(k, _):
        zb[i, pl.ds(k * 16, 16)] = jnp.zeros((16,), jnp.float32)
        return 0
      lax.fori_loop(0, F // 16, z1, 0)
      return 0
    lax.fori_loop(0, ZR, z0, 0)

    def zc(t, _):
      pltpu.sync_copy(zb, acc.at[pl.ds(s * NPW + t * ZR, ZR)])
      return 0
    lax.fori_loop(0, NPW // ZR, zc, 0)

    base = jnp.where(c == 0, s * RWC[0],
                     jnp.minimum(CBASE[1] + s * RWC[1], NROWS - RWMAX))
    ofs = jnp.where(c == 0, 0, CBASE[1] + s * RWC[1] - base)
    pltpu.sync_copy(src_hbm.at[pl.ds(base, RWMAX)], srcv)
    pltpu.sync_copy(dst_hbm.at[pl.ds(base, RWMAX)], dstv)
    plsc.subcore_barrier()

    def run(cc):
      rows = RWC[cc]

      pltpu.async_copy(h_hbm.at[srcv.at[ofs]], rb0, sg0)
      pltpu.async_copy(h_hbm.at[srcv.at[ofs + 1]], rb1, sg1)

      def body(j, _):
        def make_branch(b):
          b2 = (b + 2) % 4

          def br():
            pltpu.make_async_copy(h_hbm.at[srcv.at[ofs + j]], rbufs[b],
                                  sgs[b]).wait()
            pltpu.async_copy(rbufs[b], acc.at[dstv.at[ofs + j]], sss[b],
                             add=True)

            @pl.when(j + 2 < rows)
            def _():
              @pl.when(j >= 2)
              def _():
                pltpu.make_async_copy(rbufs[b2], acc.at[dstv.at[ofs + j - 2]],
                                      sss[b2]).wait()
              pltpu.async_copy(h_hbm.at[srcv.at[ofs + j + 2]], rbufs[b2],
                               sgs[b2])
          return br

        for b in range(4):
          pl.when(j % 4 == b)(make_branch(b))
        return 0
      lax.fori_loop(0, rows, body, 0)

      for b in range(4):
        pltpu.make_async_copy(rbufs[(rows - 4 + b) % 4],
                              acc.at[dstv.at[ofs + rows - 4 + b]],
                              sss[(rows - 4 + b) % 4]).wait()

    for cc in range(NC):
      pl.when(c == cc)(lambda cc=cc: run(cc))

    plsc.subcore_barrier()

    def wo(t, _):
      off = s * NPW + t * ZR
      pltpu.sync_copy(acc.at[pl.ds(off, ZR)], out_hbm.at[c, pl.ds(off, ZR)])
      return 0
    lax.fori_loop(0, NPW // ZR, wo, 0)

  return prop


@functools.cache
def _mbuild_kernel():
  @functools.partial(
      pl.kernel,
      out_type=jax.ShapeDtypeStruct((NC, MF), jnp.float32),
      mesh=_sc_mesh(),
      compiler_params=pltpu.CompilerParams(use_tc_tiling_on_sc=False,
                                           needs_layout_passes=False),
      scratch_types=[
          pltpu.VMEM((NNP,), jnp.float32),
          pltpu.VMEM((NNP,), jnp.float32),
          pltpu.VMEM((NNP,), jnp.int32),
          pltpu.VMEM((RW * CW,), jnp.int32),
          pltpu.VMEM((RW * CW,), jnp.int32),
          pltpu.VMEM((RW * CW,), jnp.float32),
          pltpu.VMEM((RW * CW,), jnp.int32),
          pltpu.VMEM((MZC,), jnp.float32),
          pltpu.VMEM_SHARED((MF,), jnp.float32),
      ],
  )
  def mbuild(src_hbm, dst_hbm, dinv_hbm, dinvc_hbm, fiv_hbm, out_hbm,
             dinvv, dinvcv, fivv, srcv, dstv, vals, fidx, zb, macc):
    c = lax.axis_index("c")
    s = lax.axis_index("s")

    wid = c * NS + s

    def fz(i, _):
      zb[pl.ds(i * 16, 16)] = jnp.zeros((16,), jnp.float32)
      return 0
    lax.fori_loop(0, MZC // 16, fz, 0)

    pltpu.sync_copy(dinv_hbm, dinvv)
    pltpu.sync_copy(dinvc_hbm, dinvcv)
    pltpu.sync_copy(fiv_hbm, fivv)
    pltpu.sync_copy(src_hbm.at[pl.ds(wid * RW * CW, RW * CW)], srcv)
    pltpu.sync_copy(dst_hbm.at[pl.ds(wid * RW * CW, RW * CW)], dstv)

    def zc(t, _):
      pltpu.sync_copy(zb, macc.at[pl.ds(s * MPW + t * MZC, MZC)])
      return 0
    lax.fori_loop(0, MPW // MZC, zc, 0)

    plsc.subcore_barrier()

    def body(i, _):
      sl = pl.ds(i * 16, 16)
      s16 = srcv[sl]
      d16 = dstv[sl]
      a = plsc.load_gather(dinvv, [s16])
      b = plsc.load_gather(dinvcv, [d16])
      f = plsc.load_gather(fivv, [d16])
      vals[sl] = a * b
      fidx[sl] = f + s16
      return 0
    lax.fori_loop(0, RW * CW // 16, body, 0)
    pltpu.sync_copy(vals, macc.at[fidx], add=True)

    plsc.subcore_barrier()

    def wo(t, _):
      off = s * MPW + t * MZC
      pltpu.sync_copy(macc.at[pl.ds(off, MZC)], out_hbm.at[c, pl.ds(off, MZC)])
      return 0
    lax.fori_loop(0, MPW // MZC, wo, 0)

  return mbuild


def _stats_tc(degp, batch_col, xp):
  def body(degp_ref, b_ref, x_ref, dinv_ref, xs_ref, dinvc_ref, fiv_ref,
           invc_ref, mask_ref):
    deg = degp_ref[0] + degp_ref[1] + 1.0
    dinv = lax.rsqrt(deg)
    b = b_ref[:]
    io = lax.broadcasted_iota(jnp.int32, (NN, GG), 1)
    oh = (b == io).astype(jnp.float32)
    cnt = jnp.sum(oh, axis=0, keepdims=True)
    invc = 1.0 / jnp.maximum(cnt, 1.0)
    ipn = lax.dot_general(oh, invc, (((1,), (1,)), ((), ())),
                          preferred_element_type=jnp.float32)
    dinv_ref[:] = dinv
    xs_ref[:] = x_ref[:] * dinv
    dinvc_ref[:] = dinv * ipn
    fiv_ref[:] = b * NNP
    invc_ref[:] = invc
    mask_ref[:] = (cnt > 0.0).astype(jnp.float32)

  return pl.pallas_call(
      body,
      out_shape=(
          jax.ShapeDtypeStruct((NN, 1), jnp.float32),
          jax.ShapeDtypeStruct((NN, DP), jnp.float32),
          jax.ShapeDtypeStruct((NN, 1), jnp.float32),
          jax.ShapeDtypeStruct((NN, 1), jnp.int32),
          jax.ShapeDtypeStruct((1, GG), jnp.float32),
          jax.ShapeDtypeStruct((1, GG), jnp.float32),
      ),
  )(degp, batch_col, xp)


def _layer_tc(p, hprev, dinv_col, Wm, bias, relu, scale_out):
  Fout = HH if Wm is None else Wm.shape[1]

  def body(p_ref, h_ref, d_ref, *rest):
    if Wm is None:
      b_ref, o_ref = rest
    else:
      w_ref, b_ref, o_ref = rest
    z = (p_ref[0] + p_ref[1] + h_ref[:]) * d_ref[:]
    if Wm is not None:
      z = jnp.dot(z, w_ref[:], preferred_element_type=jnp.float32)
    h = z + b_ref[:]
    if relu:
      h = jnp.maximum(h, 0.0)
    if scale_out:
      h = h * d_ref[:]
    o_ref[:] = h

  args = (p, hprev, dinv_col) + (() if Wm is None else (Wm,)) + (bias,)
  return pl.pallas_call(
      body, out_shape=jax.ShapeDtypeStruct((NN, Fout), jnp.float32)
  )(*args)


def _layer2_tc(p_lo, p_hi, hprev, dinv_col, Wm, bias):
  def body(plo_ref, phi_ref, h_ref, d_ref, w_ref, b_ref, o_ref):
    p = jnp.concatenate([plo_ref[0] + plo_ref[1], phi_ref[0] + phi_ref[1]],
                        axis=1)
    z = (p + h_ref[:]) * d_ref[:]
    h = jnp.dot(z, w_ref[:], preferred_element_type=jnp.float32) + b_ref[:]
    o_ref[:] = jnp.maximum(h, 0.0)

  return pl.pallas_call(
      body, out_shape=jax.ShapeDtypeStruct((NN, HH), jnp.float32)
  )(p_lo, p_hi, hprev, dinv_col, Wm, bias)


def _head_tc(Mp, h2, batch_row, dinv_row, invc_col, mask_col, W3, b3r, Wl, blr):
  def body(mp_ref, h2_ref, b_ref, dv_ref, ic_ref, mk_ref, w3_ref, b3_ref,
           wl_ref, bl_ref, o_ref):
    io = lax.broadcasted_iota(jnp.int32, (GG, NN), 0)
    oh = (b_ref[:] == io).astype(jnp.float32)
    dv = dv_ref[:]
    mtot = mp_ref[0] + mp_ref[1] + oh * (dv * dv) * ic_ref[:]
    pooled = jnp.dot(mtot, h2_ref[:], preferred_element_type=jnp.float32)
    pooled = (jnp.dot(pooled, w3_ref[:], preferred_element_type=jnp.float32)
              + mk_ref[:] * b3_ref[:])
    o_ref[:] = (jnp.dot(pooled, wl_ref[:], preferred_element_type=jnp.float32)
                + bl_ref[:])

  return pl.pallas_call(
      body, out_shape=jax.ShapeDtypeStruct((GG, 2), jnp.float32)
  )(Mp, h2, batch_row, dinv_row, invc_col, mask_col, W3, b3r, Wl, blr)


def _pad_rows(a, rows):
  return jnp.pad(a, ((0, rows - a.shape[0]),) + ((0, 0),) * (a.ndim - 1))


def kernel(x, edge_index, batch, W1, b1, W2, b2, W3, b3, Wl, bl):
  pad_e = jnp.full((EEP - EE,), NN, jnp.int32)
  src1 = jnp.concatenate([edge_index[0], pad_e])
  dst1 = jnp.concatenate([edge_index[1], pad_e])
  src2 = src1.reshape(NROWS, CW)
  dst2 = dst1.reshape(NROWS, CW)
  xp = jnp.pad(x, ((0, 0), (0, DP - x.shape[1])))
  W1p = jnp.pad(W1, ((0, DP - W1.shape[0]), (0, 0)))

  degp = _deg_kernel()(dst1)
  dinv_col, xs, dinvc_col, fiv_col, invc_row, mask_row = _stats_tc(
      degp[:, :NN].reshape(NC, NN, 1), batch.reshape(NN, 1), xp)

  p1 = _prop_kernel(DP)(_pad_rows(xs, NNP), src2, dst2)
  hs1 = _layer_tc(p1[:, :NN, :], xs, dinv_col, W1p, b1.reshape(1, HH),
                  relu=True, scale_out=True)

  hs1p = _pad_rows(hs1, NNP)
  p2lo = _prop_kernel(HH // 2)(hs1p[:, :HH // 2], src2, dst2)
  p2hi = _prop_kernel(HH // 2)(hs1p[:, HH // 2:], src2, dst2)
  h2 = _layer2_tc(p2lo[:, :NN, :], p2hi[:, :NN, :], hs1, dinv_col, W2,
                  b2.reshape(1, HH))

  Mp = _mbuild_kernel()(src1, dst1, _pad_rows(dinv_col.reshape(NN), NNP),
                        _pad_rows(dinvc_col.reshape(NN), NNP),
                        _pad_rows(fiv_col.reshape(NN), NNP))

  return _head_tc(Mp.reshape(NC, GG, NNP)[:, :, :NN], h2, batch.reshape(1, NN),
                  dinv_col.reshape(1, NN), invc_row.reshape(GG, 1),
                  mask_row.reshape(GG, 1), W3, b3.reshape(1, HH), Wl,
                  bl.reshape(1, 2))

# --- scband reference (transcript-rebuilt; emitter-appended) ---
"""Pipeline reference for scband-gcn-25331717112484 (READ-ONLY COPY).

The authoritative reference and input builder live on the scoring server;
editing this copy changes nothing except your own understanding.
"""

import jax, jax.numpy as jnp
import numpy as np

N = 10000
E = 320000
H = 128
G = 64
D_IN = 10


def setup_inputs(seed: int = 0) -> dict:
    key = jax.random.key(seed)
    ks = jax.random.split(key, 12)
    x = jax.random.normal(ks[0], (N, D_IN), dtype=jnp.float32)
    edge_index = jax.random.randint(ks[1], (2, E), 0, N, dtype=jnp.int32)
    batch = jnp.sort(jax.random.randint(ks[2], (N,), 0, G, dtype=jnp.int32))
    W1 = jax.random.normal(ks[3], (D_IN, H), dtype=jnp.float32) / np.sqrt(D_IN)
    b1 = jnp.zeros((H,), dtype=jnp.float32)
    W2 = jax.random.normal(ks[4], (H, H), dtype=jnp.float32) / np.sqrt(H)
    b2 = jnp.zeros((H,), dtype=jnp.float32)
    W3 = jax.random.normal(ks[5], (H, H), dtype=jnp.float32) / np.sqrt(H)
    b3 = jnp.zeros((H,), dtype=jnp.float32)
    Wl = jax.random.normal(ks[6], (H, 2), dtype=jnp.float32) / np.sqrt(H)
    bl = jnp.zeros((2,), dtype=jnp.float32)
    return {"x": x, "edge_index": edge_index, "batch": batch,
            "W1": W1, "b1": b1, "W2": W2, "b2": b2,
            "W3": W3, "b3": b3, "Wl": Wl, "bl": bl}


def gcn_conv(x, edge_index, W, b):
    # GCNConv: add self-loops, symmetric normalization D^-1/2 (A+I) D^-1/2 X W + b
    n = x.shape[0]
    loop = jnp.arange(n, dtype=edge_index.dtype)
    src = jnp.concatenate([edge_index[0], loop])
    dst = jnp.concatenate([edge_index[1], loop])
    deg = jnp.zeros((n,), x.dtype).at[dst].add(1.0)
    dinv = jnp.where(deg > 0, deg ** -0.5, 0.0)
    w = dinv[src] * dinv[dst]
    h = x @ W
    out = jnp.zeros((n, W.shape[1]), x.dtype).at[dst].add(h[src] * w[:, None])
    return out + b


def reference(x, edge_index, batch, W1, b1, W2, b2, W3, b3, Wl, bl):
    h = jax.nn.relu(gcn_conv(x, edge_index, W1, b1))
    h = jax.nn.relu(gcn_conv(h, edge_index, W2, b2))
    h = gcn_conv(h, edge_index, W3, b3)
    # global_mean_pool over graph-assignment vector `batch`
    sums = jax.ops.segment_sum(h, batch, num_segments=G)
    cnt = jax.ops.segment_sum(jnp.ones((h.shape[0], 1), h.dtype), batch, num_segments=G)
    pooled = sums / jnp.maximum(cnt, 1.0)
    # dropout p=0.5 is identity in eval mode
    return pooled @ Wl + bl

if __name__ == "__main__":
    import jax
    _d = setup_inputs()
    print(jax.jit(kernel)(*tuple(_d.values())))

</pallas_src>

<mosaic_0001>
#map = affine_map<(d0, d1) -> (0)>
#map1 = affine_map<(d0, d1) -> (0, 0)>
module attributes {stable_mosaic.version = 14 : i64} {
  func.func @deg(%arg0: i32, %arg1: i32, %arg2: memref<327680xi32, #tpu.memory_space<hbm>>, %arg3: memref<2x10240xf32, #tpu.memory_space<hbm>>, %arg4: memref<10240xi32, #tpu.memory_space<vmem>>, %arg5: memref<10240xf32, #tpu.memory_space<vmem>>, %arg6: memref<640xf32, #tpu.memory_space<vmem>>, %arg7: memref<10240xf32, #tpu.memory_space<vmem_shared>>) attributes {dimension_semantics = [#tpu.dimension_semantics<core_parallel>, #tpu.dimension_semantics<subcore_parallel>], iteration_bounds = array<i64: 2, 16>, scalar_prefetch = 0 : i64, scratch_operands = 4 : i64, tpu.core_type = #tpu.core_type<sc_vector_subcore>, window_params = [{transform_indices = #map}, {transform_indices = #map1}]} {
    %mul3A = arith.constant 16 : i32
    %mul3A_0 = arith.muli %arg0, %mul3A : i32
    %add3A = arith.addi %mul3A_0, %arg1 : i32
    %scan3A = arith.constant 0 : i32
    %scan3A_1 = arith.constant 0 : i32
    %scan3A_2 = arith.constant 640 : i32
    %scan3A_3 = arith.addi %scan3A_1, %scan3A_2 : i32
    %scan3A_4 = arith.constant 1 : i32
    %scan3A_5 = scf.for %scan3A_25 = %scan3A_1 to %scan3A_3 step %scan3A_4 iter_args(%scan3A_26 = %scan3A) -> (i32)  : i32 {
      %broadcast_in_dim3A = arith.constant 1.000000e+00 : f32
      %broadcast_in_dim3A_27 = vector.broadcast %broadcast_in_dim3A : f32 to vector<16xf32>
      %mul3A_28 = arith.constant 16 : i32
      %mul3A_29 = arith.muli %scan3A_25, %mul3A_28 : i32
      %swap3A = arith.index_cast %mul3A_29 : i32 to index
      %swap3A_30 = tpu.vector_load %arg5[%swap3A] {strides = array<i32>} : memref<10240xf32, #tpu.memory_space<vmem>>, vector<16xf32>,
      %swap3A_31 = vector.shape_cast %swap3A_30 : vector<16xf32> to vector<16xf32>
      %swap3A_32 = vector.shape_cast %broadcast_in_dim3A_27 : vector<16xf32> to vector<16xf32>
      tpu.vector_store %arg5[%swap3A], %swap3A_32 {strides = array<i32>} : memref<10240xf32, #tpu.memory_space<vmem>>, vector<16xf32>,
      %scan3A_33 = arith.constant 0 : i32
      scf.yield %scan3A_33 : i32
    }
    %scan3A_6 = arith.constant 640 : i32
    %scan3A_7 = arith.constant 0 : i32
    %scan3A_8 = arith.constant 0 : i32
    %scan3A_9 = arith.constant 40 : i32
    %scan3A_10 = arith.addi %scan3A_8, %scan3A_9 : i32
    %scan3A_11 = arith.constant 1 : i32
    %scan3A_12 = scf.for %scan3A_25 = %scan3A_8 to %scan3A_10 step %scan3A_11 iter_args(%scan3A_26 = %scan3A_7) -> (i32)  : i32 {
      %broadcast_in_dim3A = arith.constant 0.000000e+00 : f32
      %broadcast_in_dim3A_27 = vector.broadcast %broadcast_in_dim3A : f32 to vector<16xf32>
      %mul3A_28 = arith.constant 16 : i32
      %mul3A_29 = arith.muli %scan3A_25, %mul3A_28 : i32
      %swap3A = arith.index_cast %mul3A_29 : i32 to index
      %swap3A_30 = tpu.vector_load %arg6[%swap3A] {strides = array<i32>} : memref<640xf32, #tpu.memory_space<vmem>>, vector<16xf32>,
      %swap3A_31 = vector.shape_cast %swap3A_30 : vector<16xf32> to vector<16xf32>
      %swap3A_32 = vector.shape_cast %broadcast_in_dim3A_27 : vector<16xf32> to vector<16xf32>
      tpu.vector_store %arg6[%swap3A], %swap3A_32 {strides = array<i32>} : memref<640xf32, #tpu.memory_space<vmem>>, vector<16xf32>,
      %scan3A_33 = arith.constant 0 : i32
      scf.yield %scan3A_33 : i32
    }
    %scan3A_13 = arith.constant 40 : i32
    %mul3A_14 = arith.constant 80 : i32
    %mul3A_15 = arith.muli %add3A, %mul3A_14 : i32
    %mul3A_16 = arith.constant 128 : i32
    %mul3A_17 = arith.muli %mul3A_15, %mul3A_16 : i32
    "tpu.region"() ({
      %run_scoped3A = tpu.sem_alloc : memref<!tpu.dma_semaphore, #tpu.memory_space<semaphore_mem>>
      %dma_start3A = tpu.memref_slice %arg2[%mul3A_17] : memref<327680xi32, #tpu.memory_space<hbm>> -> memref<10240xi32, #tpu.memory_space<hbm>>
      %dma_start3A_25 = tpu.memref_slice %arg2[%mul3A_17] : memref<327680xi32, #tpu.memory_space<hbm>> -> memref<10240xi32, #tpu.memory_space<hbm>>
      tpu.enqueue_dma source(%dma_start3A_25 : memref<10240xi32, #tpu.memory_space<hbm>>) target(%arg4 : memref<10240xi32, #tpu.memory_space<vmem>>) target_semaphore(%run_scoped3A : memref<!tpu.dma_semaphore, #tpu.memory_space<semaphore_mem>>)
      %dma_wait3A = tpu.memref_slice %arg2[%mul3A_17] : memref<327680xi32, #tpu.memory_space<hbm>> -> memref<10240xi32, #tpu.memory_space<hbm>>
      %dma_wait3A_26 = tpu.memref_slice %arg2[%mul3A_17] : memref<327680xi32, #tpu.memory_space<hbm>> -> memref<10240xi32, #tpu.memory_space<hbm>>
      tpu.wait_dma2 semaphore(%run_scoped3A : memref<!tpu.dma_semaphore, #tpu.memory_space<semaphore_mem>>) src(%dma_wait3A_26 : memref<10240xi32, #tpu.memory_space<hbm>>) dst(%arg4 : memref<10240xi32, #tpu.memory_space<vmem>>)
      tpu.yield
    }) : () -> ()
    %mul3A_18 = arith.constant 640 : i32
    %mul3A_19 = arith.muli %arg1, %mul3A_18 : i32
    "tpu.region"() ({
      %run_scoped3A = tpu.sem_alloc : memref<!tpu.dma_semaphore, #tpu.memory_space<semaphore_mem>>
      %dma_start3A = tpu.memref_slice %arg7[%mul3A_19] : memref<10240xf32, #tpu.memory_space<vmem_shared>> -> memref<640xf32, #tpu.memory_space<vmem_shared>>
      %dma_start3A_25 = tpu.memref_slice %arg7[%mul3A_19] : memref<10240xf32, #tpu.memory_space<vmem_shared>> -> memref<640xf32, #tpu.memory_space<vmem_shared>>
      tpu.enqueue_dma source(%arg6 : memref<640xf32, #tpu.memory_space<vmem>>) target(%dma_start3A_25 : memref<640xf32, #tpu.memory_space<vmem_shared>>) target_semaphore(%run_scoped3A : memref<!tpu.dma_semaphore, #tpu.memory_space<semaphore_mem>>)
      %dma_wait3A = tpu.memref_slice %arg7[%mul3A_19] : memref<10240xf32, #tpu.memory_space<vmem_shared>> -> memref<640xf32, #tpu.memory_space<vmem_shared>>
      %dma_wait3A_26 = tpu.memref_slice %arg7[%mul3A_19] : memref<10240xf32, #tpu.memory_space<vmem_shared>> -> memref<640xf32, #tpu.memory_space<vmem_shared>>
      tpu.wait_dma2 semaphore(%run_scoped3A : memref<!tpu.dma_semaphore, #tpu.memory_space<semaphore_mem>>) src(%arg6 : memref<640xf32, #tpu.memory_space<vmem>>) dst(%dma_wait3A_26 : memref<640xf32, #tpu.memory_space<vmem_shared>>)
      tpu.yield
    }) : () -> ()
    %barrier3A = arith.constant 0 : index
    tpu.barrier barrier_id(%barrier3A)
    "tpu.region"() ({
      %run_scoped3A = tpu.sem_alloc : memref<!tpu.dma_semaphore, #tpu.memory_space<semaphore_mem>>
      %dma_start3A = arith.constant 0 : i32
      %dma_start3A_25 = tpu.memref_slice %arg7[%dma_start3A] : memref<10240xf32, #tpu.memory_space<vmem_shared>> -> memref<10240xf32, #tpu.memory_space<vmem_shared>>
      tpu.enqueue_indirect_dma source(%arg5 : memref<10240xf32, #tpu.memory_space<vmem>>) target(%dma_start3A_25 : memref<10240xf32, #tpu.memory_space<vmem_shared>>) offsets(%arg4 : memref<10240xi32, #tpu.memory_space<vmem>>) semaphore(%run_scoped3A : memref<!tpu.dma_semaphore, #tpu.memory_space<semaphore_mem>>) {add = true}
      %dma_wait3A = arith.constant 0 : i32
      %dma_wait3A_26 = tpu.memref_slice %arg7[%dma_wait3A] : memref<10240xf32, #tpu.memory_space<vmem_shared>> -> memref<10240xf32, #tpu.memory_space<vmem_shared>>
      tpu.wait_indirect_dma semaphore(%run_scoped3A : memref<!tpu.dma_semaphore, #tpu.memory_space<semaphore_mem>>) src(%arg5 : memref<10240xf32, #tpu.memory_space<vmem>>) dst(%dma_wait3A_26 : memref<10240xf32, #tpu.memory_space<vmem_shared>>)
      tpu.yield
    }) : () -> ()
    %barrier3A_20 = arith.constant 0 : index
    tpu.barrier barrier_id(%barrier3A_20)
    %mul3A_21 = arith.constant 640 : i32
    %mul3A_22 = arith.muli %arg1, %mul3A_21 : i32
    %mul3A_23 = arith.constant 640 : i32
    %mul3A_24 = arith.muli %arg1, %mul3A_23 : i32
    "tpu.region"() ({
      %run_scoped3A = tpu.sem_alloc : memref<!tpu.dma_semaphore, #tpu.memory_space<semaphore_mem>>
      %dma_start3A = tpu.memref_slice %arg3[%arg0, %mul3A_24] : memref<2x10240xf32, #tpu.memory_space<hbm>> -> memref<1x640xf32, #tpu.memory_space<hbm>>
      %dma_start3A_25 = tpu.memref_squeeze %dma_start3A : memref<1x640xf32, #tpu.memory_space<hbm>> -> memref<640xf32, #tpu.memory_space<hbm>>
      %dma_start3A_26 = tpu.memref_slice %arg7[%mul3A_22] : memref<10240xf32, #tpu.memory_space<vmem_shared>> -> memref<640xf32, #tpu.memory_space<vmem_shared>>
      tpu.enqueue_dma source(%dma_start3A_26 : memref<640xf32, #tpu.memory_space<vmem_shared>>) target(%dma_start3A_25 : memref<640xf32, #tpu.memory_space<hbm>>) target_semaphore(%run_scoped3A : memref<!tpu.dma_semaphore, #tpu.memory_space<semaphore_mem>>)
      %dma_wait3A = tpu.memref_slice %arg3[%arg0, %mul3A_24] : memref<2x10240xf32, #tpu.memory_space<hbm>> -> memref<1x640xf32, #tpu.memory_space<hbm>>
      %dma_wait3A_27 = tpu.memref_squeeze %dma_wait3A : memref<1x640xf32, #tpu.memory_space<hbm>> -> memref<640xf32, #tpu.memory_space<hbm>>
      %dma_wait3A_28 = tpu.memref_slice %arg7[%mul3A_22] : memref<10240xf32, #tpu.memory_space<vmem_shared>> -> memref<640xf32, #tpu.memory_space<vmem_shared>>
      tpu.wait_dma2 semaphore(%run_scoped3A : memref<!tpu.dma_semaphore, #tpu.memory_space<semaphore_mem>>) src(%dma_wait3A_28 : memref<640xf32, #tpu.memory_space<vmem_shared>>) dst(%dma_wait3A_27 : memref<640xf32, #tpu.memory_space<hbm>>)
      tpu.yield
    }) : () -> ()
    return
  }
}

#map = affine_map<(d0, d1) -> (0, 0)>
#map1 = affine_map<(d0, d1) -> (0, 0, 0)>
module attributes {stable_mosaic.version = 14 : i64} {
  func.func @prop(%arg0: i32, %arg1: i32, %arg2: memref<10240x64xf32, #tpu.memory_space<hbm>>, %arg3: memref<2560x128xi32, #tpu.memory_space<hbm>>, %arg4: memref<2560x128xi32, #tpu.memory_space<hbm>>, %arg5: memref<2x10240x64xf32, #tpu.memory_space<hbm>>, %arg6: memref<136x128xi32, #tpu.memory_space<vmem>>, %arg7: memref<136x128xi32, #tpu.memory_space<vmem>>, %arg8: memref<128x64xf32, #tpu.memory_space<vmem>>, %arg9: memref<128x64xf32, #tpu.memory_space<vmem>>, %arg10: memref<128x64xf32, #tpu.memory_space<vmem>>, %arg11: memref<128x64xf32, #tpu.memory_space<vmem>>, %arg12: memref<128x64xf32, #tpu.memory_space<vmem>>, %arg13: memref<10240x64xf32, #tpu.memory_space<vmem_shared>>, %arg14: memref<!tpu.dma_semaphore, #tpu.memory_space<semaphore_mem>>, %arg15: memref<!tpu.dma_semaphore, #tpu.memory_space<semaphore_mem>>, %arg16: memref<!tpu.dma_semaphore, #tpu.memory_space<semaphore_mem>>, %arg17: memref<!tpu.dma_semaphore, #tpu.memory_space<semaphore_mem>>, %arg18: memref<!tpu.dma_semaphore, #tpu.memory_space<semaphore_mem>>, %arg19: memref<!tpu.dma_semaphore, #tpu.memory_space<semaphore_mem>>, %arg20: memref<!tpu.dma_semaphore, #tpu.memory_space<semaphore_mem>>, %arg21: memref<!tpu.dma_semaphore, #tpu.memory_space<semaphore_mem>>) attributes {dimension_semantics = [#tpu.dimension_semantics<core_parallel>, #tpu.dimension_semantics<subcore_parallel>], iteration_bounds = array<i64: 2, 16>, scalar_prefetch = 0 : i64, scratch_operands = 16 : i64, tpu.core_type = #tpu.core_type<sc_vector_subcore>, window_params = [{transform_indices = #map}, {transform_indices = #map}, {transform_indices = #map}, {transform_indices = #map1}]} {
    %scan3A = arith.constant 0 : i32
    %scan3A_0 = arith.constant 0 : i32
    %scan3A_1 = arith.constant 128 : i32
    %scan3A_2 = arith.addi %scan3A_0, %scan3A_1 : i32
    %scan3A_3 = arith.constant 1 : i32
    %scan3A_4 = scf.for %scan3A_42 = %scan3A_0 to %scan3A_2 step %scan3A_3 iter_args(%scan3A_43 = %scan3A) -> (i32)  : i32 {
      %scan3A_44 = arith.constant 0 : i32
      %scan3A_45 = arith.constant 0 : i32
      %scan3A_46 = arith.constant 4 : i32
      %scan3A_47 = arith.addi %scan3A_45, %scan3A_46 : i32
      %scan3A_48 = arith.constant 1 : i32
      %scan3A_49 = scf.for %scan3A_52 = %scan3A_45 to %scan3A_47 step %scan3A_48 iter_args(%scan3A_53 = %scan3A_44) -> (i32)  : i32 {
        %broadcast_in_dim3A = arith.constant 0.000000e+00 : f32
        %broadcast_in_dim3A_54 = vector.broadcast %broadcast_in_dim3A : f32 to vector<16xf32>
        %mul3A_55 = arith.constant 16 : i32
        %mul3A_56 = arith.muli %scan3A_52, %mul3A_55 : i32
        %swap3A = arith.index_cast %scan3A_42 : i32 to index
        %swap3A_57 = arith.index_cast %mul3A_56 : i32 to index
        %swap3A_58 = tpu.vector_load %arg12[%swap3A, %swap3A_57] {strides = array<i32>} : memref<128x64xf32, #tpu.memory_space<vmem>>, vector<1x16xf32>,
        %swap3A_59 = vector.shape_cast %swap3A_58 : vector<1x16xf32> to vector<16xf32>
        %swap3A_60 = vector.shape_cast %broadcast_in_dim3A_54 : vector<16xf32> to vector<1x16xf32>
        tpu.vector_store %arg12[%swap3A, %swap3A_57], %swap3A_60 {strides = array<i32>} : memref<128x64xf32, #tpu.memory_space<vmem>>, vector<1x16xf32>,
        %scan3A_61 = arith.constant 0 : i32
        scf.yield %scan3A_61 : i32
      }
      %scan3A_50 = arith.constant 4 : i32
      %scan3A_51 = arith.constant 0 : i32
      scf.yield %scan3A_51 : i32
    }
    %scan3A_5 = arith.constant 128 : i32
    %scan3A_6 = arith.constant 0 : i32
    %scan3A_7 = arith.constant 0 : i32
    %scan3A_8 = arith.constant 5 : i32
    %scan3A_9 = arith.addi %scan3A_7, %scan3A_8 : i32
    %scan3A_10 = arith.constant 1 : i32
    %scan3A_11 = scf.for %scan3A_42 = %scan3A_7 to %scan3A_9 step %scan3A_10 iter_args(%scan3A_43 = %scan3A_6) -> (i32)  : i32 {
      %mul3A_44 = arith.constant 640 : i32
      %mul3A_45 = arith.muli %arg1, %mul3A_44 : i32
      %mul3A_46 = arith.constant 128 : i32
      %mul3A_47 = arith.muli %scan3A_42, %mul3A_46 : i32
      %add3A_48 = arith.addi %mul3A_45, %mul3A_47 : i32
      "tpu.region"() ({
        %run_scoped3A = tpu.sem_alloc : memref<!tpu.dma_semaphore, #tpu.memory_space<semaphore_mem>>
        %dma_start3A = arith.constant 0 : i32
        %dma_start3A_50 = tpu.memref_slice %arg13[%add3A_48, %dma_start3A] : memref<10240x64xf32, #tpu.memory_space<vmem_shared>> -> memref<128x64xf32, #tpu.memory_space<vmem_shared>>
        %dma_start3A_51 = arith.constant 0 : i32
        %dma_start3A_52 = tpu.memref_slice %arg13[%add3A_48, %dma_start3A_51] : memref<10240x64xf32, #tpu.memory_space<vmem_shared>> -> memref<128x64xf32, #tpu.memory_space<vmem_shared>>
        tpu.enqueue_dma source(%arg12 : memref<128x64xf32, #tpu.memory_space<vmem>>) target(%dma_start3A_52 : memref<128x64xf32, #tpu.memory_space<vmem_shared>>) target_semaphore(%run_scoped3A : memref<!tpu.dma_semaphore, #tpu.memory_space<semaphore_mem>>)
        %dma_wait3A = arith.constant 0 : i32
        %dma_wait3A_53 = tpu.memref_slice %arg13[%add3A_48, %dma_wait3A] : memref<10240x64xf32, #tpu.memory_space<vmem_shared>> -> memref<128x64xf32, #tpu.memory_space<vmem_shared>>
        %dma_wait3A_54 = arith.constant 0 : i32
        %dma_wait3A_55 = tpu.memref_slice %arg13[%add3A_48, %dma_wait3A_54] : memref<10240x64xf32, #tpu.memory_space<vmem_shared>> -> memref<128x64xf32, #tpu.memory_space<vmem_shared>>
        tpu.wait_dma2 semaphore(%run_scoped3A : memref<!tpu.dma_semaphore, #tpu.memory_space<semaphore_mem>>) src(%arg12 : memref<128x64xf32, #tpu.memory_space<vmem>>) dst(%dma_wait3A_55 : memref<128x64xf32, #tpu.memory_space<vmem_shared>>)
        tpu.yield
      }) : () -> ()
      %scan3A_49 = arith.constant 0 : i32
      scf.yield %scan3A_49 : i32
    }
    %scan3A_12 = arith.constant 5 : i32
    %eq3A = arith.constant 0 : i32
    %eq3A_13 = arith.cmpi eq, %arg0, %eq3A : i32
    %mul3A = arith.constant 136 : i32
    %mul3A_14 = arith.muli %arg1, %mul3A : i32
    %mul3A_15 = arith.constant 24 : i32
    %mul3A_16 = arith.muli %arg1, %mul3A_15 : i32
    %add3A = arith.constant 2176 : i32
    %add3A_17 = arith.addi %add3A, %mul3A_16 : i32
    %min3A = arith.constant 2424 : i32
    %min3A_18 = arith.minsi %add3A_17, %min3A : i32
    %select_n3A = arith.select %eq3A_13, %mul3A_14, %min3A_18 : i32
    %eq3A_19 = arith.constant 0 : i32
    %eq3A_20 = arith.cmpi eq, %arg0, %eq3A_19 : i32
    %mul3A_21 = arith.constant 24 : i32
    %mul3A_22 = arith.muli %arg1, %mul3A_21 : i32
    %add3A_23 = arith.constant 2176 : i32
    %add3A_24 = arith.addi %add3A_23, %mul3A_22 : i32
    %sub3A = arith.subi %add3A_24, %select_n3A : i32
    %jit3A = arith.constant 0 : i32
    %select_n3A_25 = arith.select %eq3A_20, %jit3A, %sub3A : i32
    "tpu.region"() ({
      %run_scoped3A = tpu.sem_alloc : memref<!tpu.dma_semaphore, #tpu.memory_space<semaphore_mem>>
      %dma_start3A = arith.constant 0 : i32
      %dma_start3A_42 = tpu.memref_slice %arg3[%select_n3A, %dma_start3A] : memref<2560x128xi32, #tpu.memory_space<hbm>> -> memref<136x128xi32, #tpu.memory_space<hbm>>
      %dma_start3A_43 = arith.constant 0 : i32
      %dma_start3A_44 = tpu.memref_slice %arg3[%select_n3A, %dma_start3A_43] : memref<2560x128xi32, #tpu.memory_space<hbm>> -> memref<136x128xi32, #tpu.memory_space<hbm>>
      tpu.enqueue_dma source(%dma_start3A_44 : memref<136x128xi32, #tpu.memory_space<hbm>>) target(%arg6 : memref<136x128xi32, #tpu.memory_space<vmem>>) target_semaphore(%run_scoped3A : memref<!tpu.dma_semaphore, #tpu.memory_space<semaphore_mem>>)
      %dma_wait3A = arith.constant 0 : i32
      %dma_wait3A_45 = tpu.memref_slice %arg3[%select_n3A, %dma_wait3A] : memref<2560x128xi32, #tpu.memory_space<hbm>> -> memref<136x128xi32, #tpu.memory_space<hbm>>
      %dma_wait3A_46 = arith.constant 0 : i32
      %dma_wait3A_47 = tpu.memref_slice %arg3[%select_n3A, %dma_wait3A_46] : memref<2560x128xi32, #tpu.memory_space<hbm>> -> memref<136x128xi32, #tpu.memory_space<hbm>>
      tpu.wait_dma2 semaphore(%run_scoped3A : memref<!tpu.dma_semaphore, #tpu.memory_space<semaphore_mem>>) src(%dma_wait3A_47 : memref<136x128xi32, #tpu.memory_space<hbm>>) dst(%arg6 : memref<136x128xi32, #tpu.memory_space<vmem>>)
      tpu.yield
    }) : () -> ()
    "tpu.region"() ({
      %run_scoped3A = tpu.sem_alloc : memref<!tpu.dma_semaphore, #tpu.memory_space<semaphore_mem>>
      %dma_start3A = arith.constant 0 : i32
      %dma_start3A_42 = tpu.memref_slice %arg4[%select_n3A, %dma_start3A] : memref<2560x128xi32, #tpu.memory_space<hbm>> -> memref<136x128xi32, #tpu.memory_space<hbm>>
      %dma_start3A_43 = arith.constant 0 : i32
      %dma_start3A_44 = tpu.memref_slice %arg4[%select_n3A, %dma_start3A_43] : memref<2560x128xi32, #tpu.memory_space<hbm>> -> memref<136x128xi32, #tpu.memory_space<hbm>>
      tpu.enqueue_dma source(%dma_start3A_44 : memref<136x128xi32, #tpu.memory_space<hbm>>) target(%arg7 : memref<136x128xi32, #tpu.memory_space<vmem>>) target_semaphore(%run_scoped3A : memref<!tpu.dma_semaphore, #tpu.memory_space<semaphore_mem>>)
      %dma_wait3A = arith.constant 0 : i32
      %dma_wait3A_45 = tpu.memref_slice %arg4[%select_n3A, %dma_wait3A] : memref<2560x128xi32, #tpu.memory_space<hbm>> -> memref<136x128xi32, #tpu.memory_space<hbm>>
      %dma_wait3A_46 = arith.constant 0 : i32
      %dma_wait3A_47 = tpu.memref_slice %arg4[%select_n3A, %dma_wait3A_46] : memref<2560x128xi32, #tpu.memory_space<hbm>> -> memref<136x128xi32, #tpu.memory_space<hbm>>
      tpu.wait_dma2 semaphore(%run_scoped3A : memref<!tpu.dma_semaphore, #tpu.memory_space<semaphore_mem>>) src(%dma_wait3A_47 : memref<136x128xi32, #tpu.memory_space<hbm>>) dst(%arg7 : memref<136x128xi32, #tpu.memory_space<vmem>>)
      tpu.yield
    }) : () -> ()
    %barrier3A = arith.constant 0 : index
    tpu.barrier barrier_id(%barrier3A)
    %eq3A_26 = arith.constant 0 : i32
    %eq3A_27 = arith.cmpi eq, %arg0, %eq3A_26 : i32
    %convert_element_type3A = arith.extui %eq3A_27 : i1 to i32
    %cond3A = arith.constant 0 : i32
    %cond3A_28 = arith.cmpi ne, %convert_element_type3A, %cond3A : i32
    scf.if %cond3A_28 {
      %dma_start3A = arith.constant 0 : i32
      %dma_start3A_42 = tpu.memref_slice %arg6[%select_n3A_25, %dma_start3A] : memref<136x128xi32, #tpu.memory_space<vmem>> -> memref<1x128xi32, #tpu.memory_space<vmem>>
      %dma_start3A_43 = tpu.memref_squeeze %dma_start3A_42 : memref<1x128xi32, #tpu.memory_space<vmem>> -> memref<128xi32, #tpu.memory_space<vmem>>
      %dma_start3A_44 = arith.constant 0 : i32
      %dma_start3A_45 = arith.constant 0 : i32
      %dma_start3A_46 = tpu.memref_slice %arg2[%dma_start3A_44, %dma_start3A_45] : memref<10240x64xf32, #tpu.memory_space<hbm>> -> memref<10240x64xf32, #tpu.memory_space<hbm>>
      tpu.enqueue_indirect_dma source(%dma_start3A_46 : memref<10240x64xf32, #tpu.memory_space<hbm>>) target(%arg8 : memref<128x64xf32, #tpu.memory_space<vmem>>) offsets(%dma_start3A_43 : memref<128xi32, #tpu.memory_space<vmem>>) semaphore(%arg14 : memref<!tpu.dma_semaphore, #tpu.memory_space<semaphore_mem>>)
      %add3A_47 = arith.constant 1 : i32
      %add3A_48 = arith.addi %select_n3A_25, %add3A_47 : i32
      %dma_start3A_49 = arith.constant 0 : i32
      %dma_start3A_50 = tpu.memref_slice %arg6[%add3A_48, %dma_start3A_49] : memref<136x128xi32, #tpu.memory_space<vmem>> -> memref<1x128xi32, #tpu.memory_space<vmem>>
      %dma_start3A_51 = tpu.memref_squeeze %dma_start3A_50 : memref<1x128xi32, #tpu.memory_space<vmem>> -> memref<128xi32, #tpu.memory_space<vmem>>
      %dma_start3A_52 = arith.constant 0 : i32
      %dma_start3A_53 = arith.constant 0 : i32
      %dma_start3A_54 = tpu.memref_slice %arg2[%dma_start3A_52, %dma_start3A_53] : memref<10240x64xf32, #tpu.memory_space<hbm>> -> memref<10240x64xf32, #tpu.memory_space<hbm>>
      tpu.enqueue_indirect_dma source(%dma_start3A_54 : memref<10240x64xf32, #tpu.memory_space<hbm>>) target(%arg9 : memref<128x64xf32, #tpu.memory_space<vmem>>) offsets(%dma_start3A_51 : memref<128xi32, #tpu.memory_space<vmem>>) semaphore(%arg15 : memref<!tpu.dma_semaphore, #tpu.memory_space<semaphore_mem>>)
      %scan3A_55 = arith.constant 0 : i32
      %scan3A_56 = arith.constant 0 : i32
      %scan3A_57 = arith.constant 136 : i32
      %scan3A_58 = arith.addi %scan3A_56, %scan3A_57 : i32
      %scan3A_59 = arith.constant 1 : i32
      %scan3A_60 = scf.for %scan3A_109 = %scan3A_56 to %scan3A_58 step %scan3A_59 iter_args(%scan3A_110 = %scan3A_55) -> (i32)  : i32 {
        %jit3A_111 = arith.constant 4 : i32
        %eq3A_112 = arith.constant 0 : i32
        %eq3A_113 = arith.cmpi eq, %jit3A_111, %eq3A_112 : i32
        %jit3A_114 = arith.constant 1 : i32
        %select_n3A_115 = arith.select %eq3A_113, %jit3A_114, %jit3A_111 : i32
        %rem3A = arith.remsi %scan3A_109, %select_n3A_115 : i32
        %ne3A = arith.constant 0 : i32
        %ne3A_116 = arith.cmpi ne, %rem3A, %ne3A : i32
        %lt3A = arith.constant 0 : i32
        %lt3A_117 = arith.cmpi slt, %rem3A, %lt3A : i32
        %lt3A_118 = arith.constant 0 : i32
        %lt3A_119 = arith.cmpi slt, %select_n3A_115, %lt3A_118 : i32
        %ne3A_120 = arith.xori %lt3A_117, %lt3A_119 : i1
        %and3A = arith.andi %ne3A_120, %ne3A_116 : i1
        %add3A_121 = arith.addi %rem3A, %select_n3A_115 : i32
        %select_n3A_122 = arith.select %and3A, %add3A_121, %rem3A : i32
        %eq3A_123 = arith.constant 0 : i32
        %eq3A_124 = arith.cmpi eq, %select_n3A_122, %eq3A_123 : i32
        %convert_element_type3A_125 = arith.extui %eq3A_124 : i1 to i32
        %cond3A_126 = arith.constant 0 : i32
        %cond3A_127 = arith.cmpi ne, %convert_element_type3A_125, %cond3A_126 : i32
        scf.if %cond3A_127 {
          %add3A_192 = arith.addi %select_n3A_25, %scan3A_109 : i32
          %dma_wait3A_193 = arith.constant 0 : i32
          %dma_wait3A_194 = tpu.memref_slice %arg6[%add3A_192, %dma_wait3A_193] : memref<136x128xi32, #tpu.memory_space<vmem>> -> memref<1x128xi32, #tpu.memory_space<vmem>>
          %dma_wait3A_195 = tpu.memref_squeeze %dma_wait3A_194 : memref<1x128xi32, #tpu.memory_space<vmem>> -> memref<128xi32, #tpu.memory_space<vmem>>
          %dma_wait3A_196 = arith.constant 0 : i32
          %dma_wait3A_197 = arith.constant 0 : i32
          %dma_wait3A_198 = tpu.memref_slice %arg2[%dma_wait3A_196, %dma_wait3A_197] : memref<10240x64xf32, #tpu.memory_space<hbm>> -> memref<10240x64xf32, #tpu.memory_space<hbm>>
          tpu.wait_indirect_dma semaphore(%arg14 : memref<!tpu.dma_semaphore, #tpu.memory_space<semaphore_mem>>) src(%dma_wait3A_198 : memref<10240x64xf32, #tpu.memory_space<hbm>>) dst(%arg8 : memref<128x64xf32, #tpu.memory_space<vmem>>)
          %add3A_199 = arith.addi %select_n3A_25, %scan3A_109 : i32
          %dma_start3A_200 = arith.constant 0 : i32
          %dma_start3A_201 = tpu.memref_slice %arg7[%add3A_199, %dma_start3A_200] : memref<136x128xi32, #tpu.memory_space<vmem>> -> memref<1x128xi32, #tpu.memory_space<vmem>>
          %dma_start3A_202 = tpu.memref_squeeze %dma_start3A_201 : memref<1x128xi32, #tpu.memory_space<vmem>> -> memref<128xi32, #tpu.memory_space<vmem>>
          %dma_start3A_203 = arith.constant 0 : i32
          %dma_start3A_204 = arith.constant 0 : i32
          %dma_start3A_205 = tpu.memref_slice %arg13[%dma_start3A_203, %dma_start3A_204] : memref<10240x64xf32, #tpu.memory_space<vmem_shared>> -> memref<10240x64xf32, #tpu.memory_space<vmem_shared>>
          tpu.enqueue_indirect_dma source(%arg8 : memref<128x64xf32, #tpu.memory_space<vmem>>) target(%dma_start3A_205 : memref<10240x64xf32, #tpu.memory_space<vmem_shared>>) offsets(%dma_start3A_202 : memref<128xi32, #tpu.memory_space<vmem>>) semaphore(%arg18 : memref<!tpu.dma_semaphore, #tpu.memory_space<semaphore_mem>>) {add = true}
          %add3A_206 = arith.constant 2 : i32
          %add3A_207 = arith.addi %scan3A_109, %add3A_206 : i32
          %lt3A_208 = arith.constant 136 : i32
          %lt3A_209 = arith.cmpi slt, %add3A_207, %lt3A_208 : i32
          %convert_element_type3A_210 = arith.extui %lt3A_209 : i1 to i32
          %cond3A_211 = arith.constant 0 : i32
          %cond3A_212 = arith.cmpi ne, %convert_element_type3A_210, %cond3A_211 : i32
          scf.if %cond3A_212 {
            %ge3A = arith.constant 2 : i32
            %ge3A_213 = arith.cmpi sge, %scan3A_109, %ge3A : i32
            %convert_element_type3A_214 = arith.extui %ge3A_213 : i1 to i32
            %cond3A_215 = arith.constant 0 : i32
            %cond3A_216 = arith.cmpi ne, %convert_element_type3A_214, %cond3A_215 : i32
            scf.if %cond3A_216 {
              %add3A_226 = arith.addi %select_n3A_25, %scan3A_109 : i32
              %sub3A_227 = arith.constant 2 : i32
              %sub3A_228 = arith.subi %add3A_226, %sub3A_227 : i32
              %dma_wait3A_229 = arith.constant 0 : i32
              %dma_wait3A_230 = tpu.memref_slice %arg7[%sub3A_228, %dma_wait3A_229] : memref<136x128xi32, #tpu.memory_space<vmem>> -> memref<1x128xi32, #tpu.memory_space<vmem>>
              %dma_wait3A_231 = tpu.memref_squeeze %dma_wait3A_230 : memref<1x128xi32, #tpu.memory_space<vmem>> -> memref<128xi32, #tpu.memory_space<vmem>>
              %dma_wait3A_232 = arith.constant 0 : i32
              %dma_wait3A_233 = arith.constant 0 : i32
              %dma_wait3A_234 = tpu.memref_slice %arg13[%dma_wait3A_232, %dma_wait3A_233] : memref<10240x64xf32, #tpu.memory_space<vmem_shared>> -> memref<10240x64xf32, #tpu.memory_space<vmem_shared>>
              tpu.wait_indirect_dma semaphore(%arg20 : memref<!tpu.dma_semaphore, #tpu.memory_space<semaphore_mem>>) src(%arg10 : memref<128x64xf32, #tpu.memory_space<vmem>>) dst(%dma_wait3A_234 : memref<10240x64xf32, #tpu.memory_space<vmem_shared>>)
            } else {
            }
            %add3A_217 = arith.addi %select_n3A_25, %scan3A_109 : i32
            %add3A_218 = arith.constant 2 : i32
            %add3A_219 = arith.addi %add3A_217, %add3A_218 : i32
            %dma_start3A_220 = arith.constant 0 : i32
            %dma_start3A_221 = tpu.memref_slice %arg6[%add3A_219, %dma_start3A_220] : memref<136x128xi32, #tpu.memory_space<vmem>> -> memref<1x128xi32, #tpu.memory_space<vmem>>
            %dma_start3A_222 = tpu.memref_squeeze %dma_start3A_221 : memref<1x128xi32, #tpu.memory_space<vmem>> -> memref<128xi32, #tpu.memory_space<vmem>>
            %dma_start3A_223 = arith.constant 0 : i32
            %dma_start3A_224 = arith.constant 0 : i32
            %dma_start3A_225 = tpu.memref_slice %arg2[%dma_start3A_223, %dma_start3A_224] : memref<10240x64xf32, #tpu.memory_space<hbm>> -> memref<10240x64xf32, #tpu.memory_space<hbm>>
            tpu.enqueue_indirect_dma source(%dma_start3A_225 : memref<10240x64xf32, #tpu.memory_space<hbm>>) target(%arg10 : memref<128x64xf32, #tpu.memory_space<vmem>>) offsets(%dma_start3A_222 : memref<128xi32, #tpu.memory_space<vmem>>) semaphore(%arg16 : memref<!tpu.dma_semaphore, #tpu.memory_space<semaphore_mem>>)
          } else {
          }
        } else {
        }
        %jit3A_128 = arith.constant 4 : i32
        %eq3A_129 = arith.constant 0 : i32
        %eq3A_130 = arith.cmpi eq, %jit3A_128, %eq3A_129 : i32
        %jit3A_131 = arith.constant 1 : i32
        %select_n3A_132 = arith.select %eq3A_130, %jit3A_131, %jit3A_128 : i32
        %rem3A_133 = arith.remsi %scan3A_109, %select_n3A_132 : i32
        %ne3A_134 = arith.constant 0 : i32
        %ne3A_135 = arith.cmpi ne, %rem3A_133, %ne3A_134 : i32
        %lt3A_136 = arith.constant 0 : i32
        %lt3A_137 = arith.cmpi slt, %rem3A_133, %lt3A_136 : i32
        %lt3A_138 = arith.constant 0 : i32
        %lt3A_139 = arith.cmpi slt, %select_n3A_132, %lt3A_138 : i32
        %ne3A_140 = arith.xori %lt3A_137, %lt3A_139 : i1
        %and3A_141 = arith.andi %ne3A_140, %ne3A_135 : i1
        %add3A_142 = arith.addi %rem3A_133, %select_n3A_132 : i32
        %select_n3A_143 = arith.select %and3A_141, %add3A_142, %rem3A_133 : i32
        %eq3A_144 = arith.constant 1 : i32
        %eq3A_145 = arith.cmpi eq, %select_n3A_143, %eq3A_144 : i32
        %convert_element_type3A_146 = arith.extui %eq3A_145 : i1 to i32
        %cond3A_147 = arith.constant 0 : i32
        %cond3A_148 = arith.cmpi ne, %convert_element_type3A_146, %cond3A_147 : i32
        scf.if %cond3A_148 {
          %add3A_192 = arith.addi %select_n3A_25, %scan3A_109 : i32
          %dma_wait3A_193 = arith.constant 0 : i32
          %dma_wait3A_194 = tpu.memref_slice %arg6[%add3A_192, %dma_wait3A_193] : memref<136x128xi32, #tpu.memory_space<vmem>> -> memref<1x128xi32, #tpu.memory_space<vmem>>
          %dma_wait3A_195 = tpu.memref_squeeze %dma_wait3A_194 : memref<1x128xi32, #tpu.memory_space<vmem>> -> memref<128xi32, #tpu.memory_space<vmem>>
          %dma_wait3A_196 = arith.constant 0 : i32
          %dma_wait3A_197 = arith.constant 0 : i32
          %dma_wait3A_198 = tpu.memref_slice %arg2[%dma_wait3A_196, %dma_wait3A_197] : memref<10240x64xf32, #tpu.memory_space<hbm>> -> memref<10240x64xf32, #tpu.memory_space<hbm>>
          tpu.wait_indirect_dma semaphore(%arg15 : memref<!tpu.dma_semaphore, #tpu.memory_space<semaphore_mem>>) src(%dma_wait3A_198 : memref<10240x64xf32, #tpu.memory_space<hbm>>) dst(%arg9 : memref<128x64xf32, #tpu.memory_space<vmem>>)
          %add3A_199 = arith.addi %select_n3A_25, %scan3A_109 : i32
          %dma_start3A_200 = arith.constant 0 : i32
          %dma_start3A_201 = tpu.memref_slice %arg7[%add3A_199, %dma_start3A_200] : memref<136x128xi32, #tpu.memory_space<vmem>> -> memref<1x128xi32, #tpu.memory_space<vmem>>
          %dma_start3A_202 = tpu.memref_squeeze %dma_start3A_201 : memref<1x128xi32, #tpu.memory_space<vmem>> -> memref<128xi32, #tpu.memory_space<vmem>>
          %dma_start3A_203 = arith.constant 0 : i32
          %dma_start3A_204 = arith.constant 0 : i32
          %dma_start3A_205 = tpu.memref_slice %arg13[%dma_start3A_203, %dma_start3A_204] : memref<10240x64xf32, #tpu.memory_space<vmem_shared>> -> memref<10240x64xf32, #tpu.memory_space<vmem_shared>>
          tpu.enqueue_indirect_dma source(%arg9 : memref<128x64xf32, #tpu.memory_space<vmem>>) target(%dma_start3A_205 : memref<10240x64xf32, #tpu.memory_space<vmem_shared>>) offsets(%dma_start3A_202 : memref<128xi32, #tpu.memory_space<vmem>>) semaphore(%arg19 : memref<!tpu.dma_semaphore, #tpu.memory_space<semaphore_mem>>) {add = true}
          %add3A_206 = arith.constant 2 : i32
          %add3A_207 = arith.addi %scan3A_109, %add3A_206 : i32
          %lt3A_208 = arith.constant 136 : i32
          %lt3A_209 = arith.cmpi slt, %add3A_207, %lt3A_208 : i32
          %convert_element_type3A_210 = arith.extui %lt3A_209 : i1 to i32
          %cond3A_211 = arith.constant 0 : i32
          %cond3A_212 = arith.cmpi ne, %convert_element_type3A_210, %cond3A_211 : i32
          scf.if %cond3A_212 {
            %ge3A = arith.constant 2 : i32
            %ge3A_213 = arith.cmpi sge, %scan3A_109, %ge3A : i32
            %convert_element_type3A_214 = arith.extui %ge3A_213 : i1 to i32
            %cond3A_215 = arith.constant 0 : i32
            %cond3A_216 = arith.cmpi ne, %convert_element_type3A_214, %cond3A_215 : i32
            scf.if %cond3A_216 {
              %add3A_226 = arith.addi %select_n3A_25, %scan3A_109 : i32
              %sub3A_227 = arith.constant 2 : i32
              %sub3A_228 = arith.subi %add3A_226, %sub3A_227 : i32
              %dma_wait3A_229 = arith.constant 0 : i32
              %dma_wait3A_230 = tpu.memref_slice %arg7[%sub3A_228, %dma_wait3A_229] : memref<136x128xi32, #tpu.memory_space<vmem>> -> memref<1x128xi32, #tpu.memory_space<vmem>>
              %dma_wait3A_231 = tpu.memref_squeeze %dma_wait3A_230 : memref<1x128xi32, #tpu.memory_space<vmem>> -> memref<128xi32, #tpu.memory_space<vmem>>
              %dma_wait3A_232 = arith.constant 0 : i32
              %dma_wait3A_233 = arith.constant 0 : i32
              %dma_wait3A_234 = tpu.memref_slice %arg13[%dma_wait3A_232, %dma_wait3A_233] : memref<10240x64xf32, #tpu.memory_space<vmem_shared>> -> memref<10240x64xf32, #tpu.memory_space<vmem_shared>>
              tpu.wait_indirect_dma semaphore(%arg21 : memref<!tpu.dma_semaphore, #tpu.memory_space<semaphore_mem>>) src(%arg11 : memref<128x64xf32, #tpu.memory_space<vmem>>) dst(%dma_wait3A_234 : memref<10240x64xf32, #tpu.memory_space<vmem_shared>>)
            } else {
            }
            %add3A_217 = arith.addi %select_n3A_25, %scan3A_109 : i32
            %add3A_218 = arith.constant 2 : i32
            %add3A_219 = arith.addi %add3A_217, %add3A_218 : i32
            %dma_start3A_220 = arith.constant 0 : i32
            %dma_start3A_221 = tpu.memref_slice %arg6[%add3A_219, %dma_start3A_220] : memref<136x128xi32, #tpu.memory_space<vmem>> -> memref<1x128xi32, #tpu.memory_space<vmem>>
            %dma_start3A_222 = tpu.memref_squeeze %dma_start3A_221 : memref<1x128xi32, #tpu.memory_space<vmem>> -> memref<128xi32, #tpu.memory_space<vmem>>
            %dma_start3A_223 = arith.constant 0 : i32
            %dma_start3A_224 = arith.constant 0 : i32
            %dma_start3A_225 = tpu.memref_slice %arg2[%dma_start3A_223, %dma_start3A_224] : memref<10240x64xf32, #tpu.memory_space<hbm>> -> memref<10240x64xf32, #tpu.memory_space<hbm>>
            tpu.enqueue_indirect_dma source(%dma_start3A_225 : memref<10240x64xf32, #tpu.memory_space<hbm>>) target(%arg11 : memref<128x64xf32, #tpu.memory_space<vmem>>) offsets(%dma_start3A_222 : memref<128xi32, #tpu.memory_space<vmem>>) semaphore(%arg17 : memref<!tpu.dma_semaphore, #tpu.memory_space<semaphore_mem>>)
          } else {
          }
        } else {
        }
        %jit3A_149 = arith.constant 4 : i32
        %eq3A_150 = arith.constant 0 : i32
        %eq3A_151 = arith.cmpi eq, %jit3A_149, %eq3A_150 : i32
        %jit3A_152 = arith.constant 1 : i32
        %select_n3A_153 = arith.select %eq3A_151, %jit3A_152, %jit3A_149 : i32
        %rem3A_154 = arith.remsi %scan3A_109, %select_n3A_153 : i32
        %ne3A_155 = arith.constant 0 : i32
        %ne3A_156 = arith.cmpi ne, %rem3A_154, %ne3A_155 : i32
        %lt3A_157 = arith.constant 0 : i32
        %lt3A_158 = arith.cmpi slt, %rem3A_154, %lt3A_157 : i32
        %lt3A_159 = arith.constant 0 : i32
        %lt3A_160 = arith.cmpi slt, %select_n3A_153, %lt3A_159 : i32
        %ne3A_161 = arith.xori %lt3A_158, %lt3A_160 : i1
        %and3A_162 = arith.andi %ne3A_161, %ne3A_156 : i1
        %add3A_163 = arith.addi %rem3A_154, %select_n3A_153 : i32
        %select_n3A_164 = arith.select %and3A_162, %add3A_163, %rem3A_154 : i32
        %eq3A_165 = arith.constant 2 : i32
        %eq3A_166 = arith.cmpi eq, %select_n3A_164, %eq3A_165 : i32
        %convert_element_type3A_167 = arith.extui %eq3A_166 : i1 to i32
        %cond3A_168 = arith.constant 0 : i32
        %cond3A_169 = arith.cmpi ne, %convert_element_type3A_167, %cond3A_168 : i32
        scf.if %cond3A_169 {
          %add3A_192 = arith.addi %select_n3A_25, %scan3A_109 : i32
          %dma_wait3A_193 = arith.constant 0 : i32
          %dma_wait3A_194 = tpu.memref_slice %arg6[%add3A_192, %dma_wait3A_193] : memref<136x128xi32, #tpu.memory_space<vmem>> -> memref<1x128xi32, #tpu.memory_space<vmem>>
          %dma_wait3A_195 = tpu.memref_squeeze %dma_wait3A_194 : memref<1x128xi32, #tpu.memory_space<vmem>> -> memref<128xi32, #tpu.memory_space<vmem>>
          %dma_wait3A_196 = arith.constant 0 : i32
          %dma_wait3A_197 = arith.constant 0 : i32
          %dma_wait3A_198 = tpu.memref_slice %arg2[%dma_wait3A_196, %dma_wait3A_197] : memref<10240x64xf32, #tpu.memory_space<hbm>> -> memref<10240x64xf32, #tpu.memory_space<hbm>>
          tpu.wait_indirect_dma semaphore(%arg16 : memref<!tpu.dma_semaphore, #tpu.memory_space<semaphore_mem>>) src(%dma_wait3A_198 : memref<10240x64xf32, #tpu.memory_space<hbm>>) dst(%arg10 : memref<128x64xf32, #tpu.memory_space<vmem>>)
          %add3A_199 = arith.addi %select_n3A_25, %scan3A_109 : i32
          %dma_start3A_200 = arith.constant 0 : i32
          %dma_start3A_201 = tpu.memref_slice %arg7[%add3A_199, %dma_start3A_200] : memref<136x128xi32, #tpu.memory_space<vmem>> -> memref<1x128xi32, #tpu.memory_space<vmem>>
          %dma_start3A_202 = tpu.memref_squeeze %dma_start3A_201 : memref<1x128xi32, #tpu.memory_space<vmem>> -> memref<128xi32, #tpu.memory_space<vmem>>
          %dma_start3A_203 = arith.constant 0 : i32
          %dma_start3A_204 = arith.constant 0 : i32
          %dma_start3A_205 = tpu.memref_slice %arg13[%dma_start3A_203, %dma_start3A_204] : memref<10240x64xf32, #tpu.memory_space<vmem_shared>> -> memref<10240x64xf32, #tpu.memory_space<vmem_shared>>
          tpu.enqueue_indirect_dma source(%arg10 : memref<128x64xf32, #tpu.memory_space<vmem>>) target(%dma_start3A_205 : memref<10240x64xf32, #tpu.memory_space<vmem_shared>>) offsets(%dma_start3A_202 : memref<128xi32, #tpu.memory_space<vmem>>) semaphore(%arg20 : memref<!tpu.dma_semaphore, #tpu.memory_space<semaphore_mem>>) {add = true}
          %add3A_206 = arith.constant 2 : i32
          %add3A_207 = arith.addi %scan3A_109, %add3A_206 : i32
          %lt3A_208 = arith.constant 136 : i32
          %lt3A_209 = arith.cmpi slt, %add3A_207, %lt3A_208 : i32
          %convert_element_type3A_210 = arith.extui %lt3A_209 : i1 to i32
          %cond3A_211 = arith.constant 0 : i32
          %cond3A_212 = arith.cmpi ne, %convert_element_type3A_210, %cond3A_211 : i32
          scf.if %cond3A_212 {
            %ge3A = arith.constant 2 : i32
            %ge3A_213 = arith.cmpi sge, %scan3A_109, %ge3A : i32
            %convert_element_type3A_214 = arith.extui %ge3A_213 : i1 to i32
            %cond3A_215 = arith.constant 0 : i32
            %cond3A_216 = arith.cmpi ne, %convert_element_type3A_214, %cond3A_215 : i32
            scf.if %cond3A_216 {
              %add3A_226 = arith.addi %select_n3A_25, %scan3A_109 : i32
              %sub3A_227 = arith.constant 2 : i32
              %sub3A_228 = arith.subi %add3A_226, %sub3A_227 : i32
              %dma_wait3A_229 = arith.constant 0 : i32
              %dma_wait3A_230 = tpu.memref_slice %arg7[%sub3A_228, %dma_wait3A_229] : memref<136x128xi32, #tpu.memory_space<vmem>> -> memref<1x128xi32, #tpu.memory_space<vmem>>
              %dma_wait3A_231 = tpu.memref_squeeze %dma_wait3A_230 : memref<1x128xi32, #tpu.memory_space<vmem>> -> memref<128xi32, #tpu.memory_space<vmem>>
              %dma_wait3A_232 = arith.constant 0 : i32
              %dma_wait3A_233 = arith.constant 0 : i32
              %dma_wait3A_234 = tpu.memref_slice %arg13[%dma_wait3A_232, %dma_wait3A_233] : memref<10240x64xf32, #tpu.memory_space<vmem_shared>> -> memref<10240x64xf32, #tpu.memory_space<vmem_shared>>
              tpu.wait_indirect_dma semaphore(%arg18 : memref<!tpu.dma_semaphore, #tpu.memory_space<semaphore_mem>>) src(%arg8 : memref<128x64xf32, #tpu.memory_space<vmem>>) dst(%dma_wait3A_234 : memref<10240x64xf32, #tpu.memory_space<vmem_shared>>)
            } else {
            }
            %add3A_217 = arith.addi %select_n3A_25, %scan3A_109 : i32
            %add3A_218 = arith.constant 2 : i32
            %add3A_219 = arith.addi %add3A_217, %add3A_218 : i32
            %dma_start3A_220 = arith.constant 0 : i32
            %dma_start3A_221 = tpu.memref_slice %arg6[%add3A_219, %dma_start3A_220] : memref<136x128xi32, #tpu.memory_space<vmem>> -> memref<1x128xi32, #tpu.memory_space<vmem>>
            %dma_start3A_222 = tpu.memref_squeeze %dma_start3A_221 : memref<1x128xi32, #tpu.memory_space<vmem>> -> memref<128xi32, #tpu.memory_space<vmem>>
            %dma_start3A_223 = arith.constant 0 : i32
            %dma_start3A_224 = arith.constant 0 : i32
            %dma_start3A_225 = tpu.memref_slice %arg2[%dma_start3A_223, %dma_start3A_224] : memref<10240x64xf32, #tpu.memory_space<hbm>> -> memref<10240x64xf32, #tpu.memory_space<hbm>>
            tpu.enqueue_indirect_dma source(%dma_start3A_225 : memref<10240x64xf32, #tpu.memory_space<hbm>>) target(%arg8 : memref<128x64xf32, #tpu.memory_space<vmem>>) offsets(%dma_start3A_222 : memref<128xi32, #tpu.memory_space<vmem>>) semaphore(%arg14 : memref<!tpu.dma_semaphore, #tpu.memory_space<semaphore_mem>>)
          } else {
          }
        } else {
        }
        %jit3A_170 = arith.constant 4 : i32
        %eq3A_171 = arith.constant 0 : i32
        %eq3A_172 = arith.cmpi eq, %jit3A_170, %eq3A_171 : i32
        %jit3A_173 = arith.constant 1 : i32
        %select_n3A_174 = arith.select %eq3A_172, %jit3A_173, %jit3A_170 : i32
        %rem3A_175 = arith.remsi %scan3A_109, %select_n3A_174 : i32
        %ne3A_176 = arith.constant 0 : i32
        %ne3A_177 = arith.cmpi ne, %rem3A_175, %ne3A_176 : i32
        %lt3A_178 = arith.constant 0 : i32
        %lt3A_179 = arith.cmpi slt, %rem3A_175, %lt3A_178 : i32
        %lt3A_180 = arith.constant 0 : i32
        %lt3A_181 = arith.cmpi slt, %select_n3A_174, %lt3A_180 : i32
        %ne3A_182 = arith.xori %lt3A_179, %lt3A_181 : i1
        %and3A_183 = arith.andi %ne3A_182, %ne3A_177 : i1
        %add3A_184 = arith.addi %rem3A_175, %select_n3A_174 : i32
        %select_n3A_185 = arith.select %and3A_183, %add3A_184, %rem3A_175 : i32
        %eq3A_186 = arith.constant 3 : i32
        %eq3A_187 = arith.cmpi eq, %select_n3A_185, %eq3A_186 : i32
        %convert_element_type3A_188 = arith.extui %eq3A_187 : i1 to i32
        %cond3A_189 = arith.constant 0 : i32
        %cond3A_190 = arith.cmpi ne, %convert_element_type3A_188, %cond3A_189 : i32
        scf.if %cond3A_190 {
          %add3A_192 = arith.addi %select_n3A_25, %scan3A_109 : i32
          %dma_wait3A_193 = arith.constant 0 : i32
          %dma_wait3A_194 = tpu.memref_slice %arg6[%add3A_192, %dma_wait3A_193] : memref<136x128xi32, #tpu.memory_space<vmem>> -> memref<1x128xi32, #tpu.memory_space<vmem>>
          %dma_wait3A_195 = tpu.memref_squeeze %dma_wait3A_194 : memref<1x128xi32, #tpu.memory_space<vmem>> -> memref<128xi32, #tpu.memory_space<vmem>>
          %dma_wait3A_196 = arith.constant 0 : i32
          %dma_wait3A_197 = arith.constant 0 : i32
          %dma_wait3A_198 = tpu.memref_slice %arg2[%dma_wait3A_196, %dma_wait3A_197] : memref<10240x64xf32, #tpu.memory_space<hbm>> -> memref<10240x64xf32, #tpu.memory_space<hbm>>
          tpu.wait_indirect_dma semaphore(%arg17 : memref<!tpu.dma_semaphore, #tpu.memory_space<semaphore_mem>>) src(%dma_wait3A_198 : memref<10240x64xf32, #tpu.memory_space<hbm>>) dst(%arg11 : memref<128x64xf32, #tpu.memory_space<vmem>>)
          %add3A_199 = arith.addi %select_n3A_25, %scan3A_109 : i32
          %dma_start3A_200 = arith.constant 0 : i32
          %dma_start3A_201 = tpu.memref_slice %arg7[%add3A_199, %dma_start3A_200] : memref<136x128xi32, #tpu.memory_space<vmem>> -> memref<1x128xi32, #tpu.memory_space<vmem>>
          %dma_start3A_202 = tpu.memref_squeeze %dma_start3A_201 : memref<1x128xi32, #tpu.memory_space<vmem>> -> memref<128xi32, #tpu.memory_space<vmem>>
          %dma_start3A_203 = arith.constant 0 : i32
          %dma_start3A_204 = arith.constant 0 : i32
          %dma_start3A_205 = tpu.memref_slice %arg13[%dma_start3A_203, %dma_start3A_204] : memref<10240x64xf32, #tpu.memory_space<vmem_shared>> -> memref<10240x64xf32, #tpu.memory_space<vmem_shared>>
          tpu.enqueue_indirect_dma source(%arg11 : memref<128x64xf32, #tpu.memory_space<vmem>>) target(%dma_start3A_205 : memref<10240x64xf32, #tpu.memory_space<vmem_shared>>) offsets(%dma_start3A_202 : memref<128xi32, #tpu.memory_space<vmem>>) semaphore(%arg21 : memref<!tpu.dma_semaphore, #tpu.memory_space<semaphore_mem>>) {add = true}
          %add3A_206 = arith.constant 2 : i32
          %add3A_207 = arith.addi %scan3A_109, %add3A_206 : i32
          %lt3A_208 = arith.constant 136 : i32
          %lt3A_209 = arith.cmpi slt, %add3A_207, %lt3A_208 : i32
          %convert_element_type3A_210 = arith.extui %lt3A_209 : i1 to i32
          %cond3A_211 = arith.constant 0 : i32
          %cond3A_212 = arith.cmpi ne, %convert_element_type3A_210, %cond3A_211 : i32
          scf.if %cond3A_212 {
            %ge3A = arith.constant 2 : i32
            %ge3A_213 = arith.cmpi sge, %scan3A_109, %ge3A : i32
            %convert_element_type3A_214 = arith.extui %ge3A_213 : i1 to i32
            %cond3A_215 = arith.constant 0 : i32
            %cond3A_216 = arith.cmpi ne, %convert_element_type3A_214, %cond3A_215 : i32
            scf.if %cond3A_216 {
              %add3A_226 = arith.addi %select_n3A_25, %scan3A_109 : i32
              %sub3A_227 = arith.constant 2 : i32
              %sub3A_228 = arith.subi %add3A_226, %sub3A_227 : i32
              %dma_wait3A_229 = arith.constant 0 : i32
              %dma_wait3A_230 = tpu.memref_slice %arg7[%sub3A_228, %dma_wait3A_229] : memref<136x128xi32, #tpu.memory_space<vmem>> -> memref<1x128xi32, #tpu.memory_space<vmem>>
              %dma_wait3A_231 = tpu.memref_squeeze %dma_wait3A_230 : memref<1x128xi32, #tpu.memory_space<vmem>> -> memref<128xi32, #tpu.memory_space<vmem>>
              %dma_wait3A_232 = arith.constant 0 : i32
              %dma_wait3A_233 = arith.constant 0 : i32
              %dma_wait3A_234 = tpu.memref_slice %arg13[%dma_wait3A_232, %dma_wait3A_233] : memref<10240x64xf32, #tpu.memory_space<vmem_shared>> -> memref<10240x64xf32, #tpu.memory_space<vmem_shared>>
              tpu.wait_indirect_dma semaphore(%arg19 : memref<!tpu.dma_semaphore, #tpu.memory_space<semaphore_mem>>) src(%arg9 : memref<128x64xf32, #tpu.memory_space<vmem>>) dst(%dma_wait3A_234 : memref<10240x64xf32, #tpu.memory_space<vmem_shared>>)
            } else {
            }
            %add3A_217 = arith.addi %select_n3A_25, %scan3A_109 : i32
            %add3A_218 = arith.constant 2 : i32
            %add3A_219 = arith.addi %add3A_217, %add3A_218 : i32
            %dma_start3A_220 = arith.constant 0 : i32
            %dma_start3A_221 = tpu.memref_slice %arg6[%add3A_219, %dma_start3A_220] : memref<136x128xi32, #tpu.memory_space<vmem>> -> memref<1x128xi32, #tpu.memory_space<vmem>>
            %dma_start3A_222 = tpu.memref_squeeze %dma_start3A_221 : memref<1x128xi32, #tpu.memory_space<vmem>> -> memref<128xi32, #tpu.memory_space<vmem>>
            %dma_start3A_223 = arith.constant 0 : i32
            %dma_start3A_224 = arith.constant 0 : i32
            %dma_start3A_225 = tpu.memref_slice %arg2[%dma_start3A_223, %dma_start3A_224] : memref<10240x64xf32, #tpu.memory_space<hbm>> -> memref<10240x64xf32, #tpu.memory_space<hbm>>
            tpu.enqueue_indirect_dma source(%dma_start3A_225 : memref<10240x64xf32, #tpu.memory_space<hbm>>) target(%arg9 : memref<128x64xf32, #tpu.memory_space<vmem>>) offsets(%dma_start3A_222 : memref<128xi32, #tpu.memory_space<vmem>>) semaphore(%arg15 : memref<!tpu.dma_semaphore, #tpu.memory_space<semaphore_mem>>)
          } else {
          }
        } else {
        }
        %scan3A_191 = arith.constant 0 : i32
        scf.yield %scan3A_191 : i32
      }
      %scan3A_61 = arith.constant 136 : i32
      %add3A_62 = arith.constant 136 : i32
      %add3A_63 = arith.addi %select_n3A_25, %add3A_62 : i32
      %sub3A_64 = arith.constant 4 : i32
      %sub3A_65 = arith.subi %add3A_63, %sub3A_64 : i32
      %add3A_66 = arith.constant 0 : i32
      %add3A_67 = arith.addi %sub3A_65, %add3A_66 : i32
      %dma_wait3A = arith.constant 0 : i32
      %dma_wait3A_68 = tpu.memref_slice %arg7[%add3A_67, %dma_wait3A] : memref<136x128xi32, #tpu.memory_space<vmem>> -> memref<1x128xi32, #tpu.memory_space<vmem>>
      %dma_wait3A_69 = tpu.memref_squeeze %dma_wait3A_68 : memref<1x128xi32, #tpu.memory_space<vmem>> -> memref<128xi32, #tpu.memory_space<vmem>>
      %dma_wait3A_70 = arith.constant 0 : i32
      %dma_wait3A_71 = arith.constant 0 : i32
      %dma_wait3A_72 = tpu.memref_slice %arg13[%dma_wait3A_70, %dma_wait3A_71] : memref<10240x64xf32, #tpu.memory_space<vmem_shared>> -> memref<10240x64xf32, #tpu.memory_space<vmem_shared>>
      tpu.wait_indirect_dma semaphore(%arg18 : memref<!tpu.dma_semaphore, #tpu.memory_space<semaphore_mem>>) src(%arg8 : memref<128x64xf32, #tpu.memory_space<vmem>>) dst(%dma_wait3A_72 : memref<10240x64xf32, #tpu.memory_space<vmem_shared>>)
      %add3A_73 = arith.constant 136 : i32
      %add3A_74 = arith.addi %select_n3A_25, %add3A_73 : i32
      %sub3A_75 = arith.constant 4 : i32
      %sub3A_76 = arith.subi %add3A_74, %sub3A_75 : i32
      %add3A_77 = arith.constant 1 : i32
      %add3A_78 = arith.addi %sub3A_76, %add3A_77 : i32
      %dma_wait3A_79 = arith.constant 0 : i32
      %dma_wait3A_80 = tpu.memref_slice %arg7[%add3A_78, %dma_wait3A_79] : memref<136x128xi32, #tpu.memory_space<vmem>> -> memref<1x128xi32, #tpu.memory_space<vmem>>
      %dma_wait3A_81 = tpu.memref_squeeze %dma_wait3A_80 : memref<1x128xi32, #tpu.memory_space<vmem>> -> memref<128xi32, #tpu.memory_space<vmem>>
      %dma_wait3A_82 = arith.constant 0 : i32
      %dma_wait3A_83 = arith.constant 0 : i32
      %dma_wait3A_84 = tpu.memref_slice %arg13[%dma_wait3A_82, %dma_wait3A_83] : memref<10240x64xf32, #tpu.memory_space<vmem_shared>> -> memref<10240x64xf32, #tpu.memory_space<vmem_shared>>
      tpu.wait_indirect_dma semaphore(%arg19 : memref<!tpu.dma_semaphore, #tpu.memory_space<semaphore_mem>>) src(%arg9 : memref<128x64xf32, #tpu.memory_space<vmem>>) dst(%dma_wait3A_84 : memref<10240x64xf32, #tpu.memory_space<vmem_shared>>)
      %add3A_85 = arith.constant 136 : i32
      %add3A_86 = arith.addi %select_n3A_25, %add3A_85 : i32
      %sub3A_87 = arith.constant 4 : i32
      %sub3A_88 = arith.subi %add3A_86, %sub3A_87 : i32
      %add3A_89 = arith.constant 2 : i32
      %add3A_90 = arith.addi %sub3A_88, %add3A_89 : i32
      %dma_wait3A_91 = arith.constant 0 : i32
      %dma_wait3A_92 = tpu.memref_slice %arg7[%add3A_90, %dma_wait3A_91] : memref<136x128xi32, #tpu.memory_space<vmem>> -> memref<1x128xi32, #tpu.memory_space<vmem>>
      %dma_wait3A_93 = tpu.memref_squeeze %dma_wait3A_92 : memref<1x128xi32, #tpu.memory_space<vmem>> -> memref<128xi32, #tpu.memory_space<vmem>>
      %dma_wait3A_94 = arith.constant 0 : i32
      %dma_wait3A_95 = arith.constant 0 : i32
      %dma_wait3A_96 = tpu.memref_slice %arg13[%dma_wait3A_94, %dma_wait3A_95] : memref<10240x64xf32, #tpu.memory_space<vmem_shared>> -> memref<10240x64xf32, #tpu.memory_space<vmem_shared>>
      tpu.wait_indirect_dma semaphore(%arg20 : memref<!tpu.dma_semaphore, #tpu.memory_space<semaphore_mem>>) src(%arg10 : memref<128x64xf32, #tpu.memory_space<vmem>>) dst(%dma_wait3A_96 : memref<10240x64xf32, #tpu.memory_space<vmem_shared>>)
      %add3A_97 = arith.constant 136 : i32
      %add3A_98 = arith.addi %select_n3A_25, %add3A_97 : i32
      %sub3A_99 = arith.constant 4 : i32
      %sub3A_100 = arith.subi %add3A_98, %sub3A_99 : i32
      %add3A_101 = arith.constant 3 : i32
      %add3A_102 = arith.addi %sub3A_100, %add3A_101 : i32
      %dma_wait3A_103 = arith.constant 0 : i32
      %dma_wait3A_104 = tpu.memref_slice %arg7[%add3A_102, %dma_wait3A_103] : memref<136x128xi32, #tpu.memory_space<vmem>> -> memref<1x128xi32, #tpu.memory_space<vmem>>
      %dma_wait3A_105 = tpu.memref_squeeze %dma_wait3A_104 : memref<1x128xi32, #tpu.memory_space<vmem>> -> memref<128xi32, #tpu.memory_space<vmem>>
      %dma_wait3A_106 = arith.constant 0 : i32
      %dma_wait3A_107 = arith.constant 0 : i32
      %dma_wait3A_108 = tpu.memref_slice %arg13[%dma_wait3A_106, %dma_wait3A_107] : memref<10240x64xf32, #tpu.memory_space<vmem_shared>> -> memref<10240x64xf32, #tpu.memory_space<vmem_shared>>
      tpu.wait_indirect_dma semaphore(%arg21 : memref<!tpu.dma_semaphore, #tpu.memory_space<semaphore_mem>>) src(%arg11 : memref<128x64xf32, #tpu.memory_space<vmem>>) dst(%dma_wait3A_108 : memref<10240x64xf32, #tpu.memory_space<vmem_shared>>)
    } else {
    }
    %eq3A_29 = arith.constant 1 : i32
    %eq3A_30 = arith.cmpi eq, %arg0, %eq3A_29 : i32
    %convert_element_type3A_31 = arith.extui %eq3A_30 : i1 to i32
    %cond3A_32 = arith.constant 0 : i32
    %cond3A_33 = arith.cmpi ne, %convert_element_type3A_31, %cond3A_32 : i32
    scf.if %cond3A_33 {
      %dma_start3A = arith.constant 0 : i32
      %dma_start3A_42 = tpu.memref_slice %arg6[%select_n3A_25, %dma_start3A] : memref<136x128xi32, #tpu.memory_space<vmem>> -> memref<1x128xi32, #tpu.memory_space<vmem>>
      %dma_start3A_43 = tpu.memref_squeeze %dma_start3A_42 : memref<1x128xi32, #tpu.memory_space<vmem>> -> memref<128xi32, #tpu.memory_space<vmem>>
      %dma_start3A_44 = arith.constant 0 : i32
      %dma_start3A_45 = arith.constant 0 : i32
      %dma_start3A_46 = tpu.memref_slice %arg2[%dma_start3A_44, %dma_start3A_45] : memref<10240x64xf32, #tpu.memory_space<hbm>> -> memref<10240x64xf32, #tpu.memory_space<hbm>>
      tpu.enqueue_indirect_dma source(%dma_start3A_46 : memref<10240x64xf32, #tpu.memory_space<hbm>>) target(%arg8 : memref<128x64xf32, #tpu.memory_space<vmem>>) offsets(%dma_start3A_43 : memref<128xi32, #tpu.memory_space<vmem>>) semaphore(%arg14 : memref<!tpu.dma_semaphore, #tpu.memory_space<semaphore_mem>>)
      %add3A_47 = arith.constant 1 : i32
      %add3A_48 = arith.addi %select_n3A_25, %add3A_47 : i32
      %dma_start3A_49 = arith.constant 0 : i32
      %dma_start3A_50 = tpu.memref_slice %arg6[%add3A_48, %dma_start3A_49] : memref<136x128xi32, #tpu.memory_space<vmem>> -> memref<1x128xi32, #tpu.memory_space<vmem>>
      %dma_start3A_51 = tpu.memref_squeeze %dma_start3A_50 : memref<1x128xi32, #tpu.memory_space<vmem>> -> memref<128xi32, #tpu.memory_space<vmem>>
      %dma_start3A_52 = arith.constant 0 : i32
      %dma_start3A_53 = arith.constant 0 : i32
      %dma_start3A_54 = tpu.memref_slice %arg2[%dma_start3A_52, %dma_start3A_53] : memref<10240x64xf32, #tpu.memory_space<hbm>> -> memref<10240x64xf32, #tpu.memory_space<hbm>>
      tpu.enqueue_indirect_dma source(%dma_start3A_54 : memref<10240x64xf32, #tpu.memory_space<hbm>>) target(%arg9 : memref<128x64xf32, #tpu.memory_space<vmem>>) offsets(%dma_start3A_51 : memref<128xi32, #tpu.memory_space<vmem>>) semaphore(%arg15 : memref<!tpu.dma_semaphore, #tpu.memory_space<semaphore_mem>>)
      %scan3A_55 = arith.constant 0 : i32
      %scan3A_56 = arith.constant 0 : i32
      %scan3A_57 = arith.constant 24 : i32
      %scan3A_58 = arith.addi %scan3A_56, %scan3A_57 : i32
      %scan3A_59 = arith.constant 1 : i32
      %scan3A_60 = scf.for %scan3A_109 = %scan3A_56 to %scan3A_58 step %scan3A_59 iter_args(%scan3A_110 = %scan3A_55) -> (i32)  : i32 {
        %jit3A_111 = arith.constant 4 : i32
        %eq3A_112 = arith.constant 0 : i32
        %eq3A_113 = arith.cmpi eq, %jit3A_111, %eq3A_112 : i32
        %jit3A_114 = arith.constant 1 : i32
        %select_n3A_115 = arith.select %eq3A_113, %jit3A_114, %jit3A_111 : i32
        %rem3A = arith.remsi %scan3A_109, %select_n3A_115 : i32
        %ne3A = arith.constant 0 : i32
        %ne3A_116 = arith.cmpi ne, %rem3A, %ne3A : i32
        %lt3A = arith.constant 0 : i32
        %lt3A_117 = arith.cmpi slt, %rem3A, %lt3A : i32
        %lt3A_118 = arith.constant 0 : i32
        %lt3A_119 = arith.cmpi slt, %select_n3A_115, %lt3A_118 : i32
        %ne3A_120 = arith.xori %lt3A_117, %lt3A_119 : i1
        %and3A = arith.andi %ne3A_120, %ne3A_116 : i1
        %add3A_121 = arith.addi %rem3A, %select_n3A_115 : i32
        %select_n3A_122 = arith.select %and3A, %add3A_121, %rem3A : i32
        %eq3A_123 = arith.constant 0 : i32
        %eq3A_124 = arith.cmpi eq, %select_n3A_122, %eq3A_123 : i32
        %convert_element_type3A_125 = arith.extui %eq3A_124 : i1 to i32
        %cond3A_126 = arith.constant 0 : i32
        %cond3A_127 = arith.cmpi ne, %convert_element_type3A_125, %cond3A_126 : i32
        scf.if %cond3A_127 {
          %add3A_192 = arith.addi %select_n3A_25, %scan3A_109 : i32
          %dma_wait3A_193 = arith.constant 0 : i32
          %dma_wait3A_194 = tpu.memref_slice %arg6[%add3A_192, %dma_wait3A_193] : memref<136x128xi32, #tpu.memory_space<vmem>> -> memref<1x128xi32, #tpu.memory_space<vmem>>
          %dma_wait3A_195 = tpu.memref_squeeze %dma_wait3A_194 : memref<1x128xi32, #tpu.memory_space<vmem>> -> memref<128xi32, #tpu.memory_space<vmem>>
          %dma_wait3A_196 = arith.constant 0 : i32
          %dma_wait3A_197 = arith.constant 0 : i32
          %dma_wait3A_198 = tpu.memref_slice %arg2[%dma_wait3A_196, %dma_wait3A_197] : memref<10240x64xf32, #tpu.memory_space<hbm>> -> memref<10240x64xf32, #tpu.memory_space<hbm>>
          tpu.wait_indirect_dma semaphore(%arg14 : memref<!tpu.dma_semaphore, #tpu.memory_space<semaphore_mem>>) src(%dma_wait3A_198 : memref<10240x64xf32, #tpu.memory_space<hbm>>) dst(%arg8 : memref<128x64xf32, #tpu.memory_space<vmem>>)
          %add3A_199 = arith.addi %select_n3A_25, %scan3A_109 : i32
          %dma_start3A_200 = arith.constant 0 : i32
          %dma_start3A_201 = tpu.memref_slice %arg7[%add3A_199, %dma_start3A_200] : memref<136x128xi32, #tpu.memory_space<vmem>> -> memref<1x128xi32, #tpu.memory_space<vmem>>
          %dma_start3A_202 = tpu.memref_squeeze %dma_start3A_201 : memref<1x128xi32, #tpu.memory_space<vmem>> -> memref<128xi32, #tpu.memory_space<vmem>>
          %dma_start3A_203 = arith.constant 0 : i32
          %dma_start3A_204 = arith.constant 0 : i32
          %dma_start3A_205 = tpu.memref_slice %arg13[%dma_start3A_203, %dma_start3A_204] : memref<10240x64xf32, #tpu.memory_space<vmem_shared>> -> memref<10240x64xf32, #tpu.memory_space<vmem_shared>>
          tpu.enqueue_indirect_dma source(%arg8 : memref<128x64xf32, #tpu.memory_space<vmem>>) target(%dma_start3A_205 : memref<10240x64xf32, #tpu.memory_space<vmem_shared>>) offsets(%dma_start3A_202 : memref<128xi32, #tpu.memory_space<vmem>>) semaphore(%arg18 : memref<!tpu.dma_semaphore, #tpu.memory_space<semaphore_mem>>) {add = true}
          %add3A_206 = arith.constant 2 : i32
          %add3A_207 = arith.addi %scan3A_109, %add3A_206 : i32
          %lt3A_208 = arith.constant 24 : i32
          %lt3A_209 = arith.cmpi slt, %add3A_207, %lt3A_208 : i32
          %convert_element_type3A_210 = arith.extui %lt3A_209 : i1 to i32
          %cond3A_211 = arith.constant 0 : i32
          %cond3A_212 = arith.cmpi ne, %convert_element_type3A_210, %cond3A_211 : i32
          scf.if %cond3A_212 {
            %ge3A = arith.constant 2 : i32
            %ge3A_213 = arith.cmpi sge, %scan3A_109, %ge3A : i32
            %convert_element_type3A_214 = arith.extui %ge3A_213 : i1 to i32
            %cond3A_215 = arith.constant 0 : i32
            %cond3A_216 = arith.cmpi ne, %convert_element_type3A_214, %cond3A_215 : i32
            scf.if %cond3A_216 {
              %add3A_226 = arith.addi %select_n3A_25, %scan3A_109 : i32
              %sub3A_227 = arith.constant 2 : i32
              %sub3A_228 = arith.subi %add3A_226, %sub3A_227 : i32
              %dma_wait3A_229 = arith.constant 0 : i32
              %dma_wait3A_230 = tpu.memref_slice %arg7[%sub3A_228, %dma_wait3A_229] : memref<136x128xi32, #tpu.memory_space<vmem>> -> memref<1x128xi32, #tpu.memory_space<vmem>>
              %dma_wait3A_231 = tpu.memref_squeeze %dma_wait3A_230 : memref<1x128xi32, #tpu.memory_space<vmem>> -> memref<128xi32, #tpu.memory_space<vmem>>
              %dma_wait3A_232 = arith.constant 0 : i32
              %dma_wait3A_233 = arith.constant 0 : i32
              %dma_wait3A_234 = tpu.memref_slice %arg13[%dma_wait3A_232, %dma_wait3A_233] : memref<10240x64xf32, #tpu.memory_space<vmem_shared>> -> memref<10240x64xf32, #tpu.memory_space<vmem_shared>>
              tpu.wait_indirect_dma semaphore(%arg20 : memref<!tpu.dma_semaphore, #tpu.memory_space<semaphore_mem>>) src(%arg10 : memref<128x64xf32, #tpu.memory_space<vmem>>) dst(%dma_wait3A_234 : memref<10240x64xf32, #tpu.memory_space<vmem_shared>>)
            } else {
            }
            %add3A_217 = arith.addi %select_n3A_25, %scan3A_109 : i32
            %add3A_218 = arith.constant 2 : i32
            %add3A_219 = arith.addi %add3A_217, %add3A_218 : i32
            %dma_start3A_220 = arith.constant 0 : i32
            %dma_start3A_221 = tpu.memref_slice %arg6[%add3A_219, %dma_start3A_220] : memref<136x128xi32, #tpu.memory_space<vmem>> -> memref<1x128xi32, #tpu.memory_space<vmem>>
            %dma_start3A_222 = tpu.memref_squeeze %dma_start3A_221 : memref<1x128xi32, #tpu.memory_space<vmem>> -> memref<128xi32, #tpu.memory_space<vmem>>
            %dma_start3A_223 = arith.constant 0 : i32
            %dma_start3A_224 = arith.constant 0 : i32
            %dma_start3A_225 = tpu.memref_slice %arg2[%dma_start3A_223, %dma_start3A_224] : memref<10240x64xf32, #tpu.memory_space<hbm>> -> memref<10240x64xf32, #tpu.memory_space<hbm>>
            tpu.enqueue_indirect_dma source(%dma_start3A_225 : memref<10240x64xf32, #tpu.memory_space<hbm>>) target(%arg10 : memref<128x64xf32, #tpu.memory_space<vmem>>) offsets(%dma_start3A_222 : memref<128xi32, #tpu.memory_space<vmem>>) semaphore(%arg16 : memref<!tpu.dma_semaphore, #tpu.memory_space<semaphore_mem>>)
          } else {
          }
        } else {
        }
        %jit3A_128 = arith.constant 4 : i32
        %eq3A_129 = arith.constant 0 : i32
        %eq3A_130 = arith.cmpi eq, %jit3A_128, %eq3A_129 : i32
        %jit3A_131 = arith.constant 1 : i32
        %select_n3A_132 = arith.select %eq3A_130, %jit3A_131, %jit3A_128 : i32
        %rem3A_133 = arith.remsi %scan3A_109, %select_n3A_132 : i32
        %ne3A_134 = arith.constant 0 : i32
        %ne3A_135 = arith.cmpi ne, %rem3A_133, %ne3A_134 : i32
        %lt3A_136 = arith.constant 0 : i32
        %lt3A_137 = arith.cmpi slt, %rem3A_133, %lt3A_136 : i32
        %lt3A_138 = arith.constant 0 : i32
        %lt3A_139 = arith.cmpi slt, %select_n3A_132, %lt3A_138 : i32
        %ne3A_140 = arith.xori %lt3A_137, %lt3A_139 : i1
        %and3A_141 = arith.andi %ne3A_140, %ne3A_135 : i1
        %add3A_142 = arith.addi %rem3A_133, %select_n3A_132 : i32
        %select_n3A_143 = arith.select %and3A_141, %add3A_142, %rem3A_133 : i32
        %eq3A_144 = arith.constant 1 : i32
        %eq3A_145 = arith.cmpi eq, %select_n3A_143, %eq3A_144 : i32
        %convert_element_type3A_146 = arith.extui %eq3A_145 : i1 to i32
        %cond3A_147 = arith.constant 0 : i32
        %cond3A_148 = arith.cmpi ne, %convert_element_type3A_146, %cond3A_147 : i32
        scf.if %cond3A_148 {
          %add3A_192 = arith.addi %select_n3A_25, %scan3A_109 : i32
          %dma_wait3A_193 = arith.constant 0 : i32
          %dma_wait3A_194 = tpu.memref_slice %arg6[%add3A_192, %dma_wait3A_193] : memref<136x128xi32, #tpu.memory_space<vmem>> -> memref<1x128xi32, #tpu.memory_space<vmem>>
          %dma_wait3A_195 = tpu.memref_squeeze %dma_wait3A_194 : memref<1x128xi32, #tpu.memory_space<vmem>> -> memref<128xi32, #tpu.memory_space<vmem>>
          %dma_wait3A_196 = arith.constant 0 : i32
          %dma_wait3A_197 = arith.constant 0 : i32
          %dma_wait3A_198 = tpu.memref_slice %arg2[%dma_wait3A_196, %dma_wait3A_197] : memref<10240x64xf32, #tpu.memory_space<hbm>> -> memref<10240x64xf32, #tpu.memory_space<hbm>>
          tpu.wait_indirect_dma semaphore(%arg15 : memref<!tpu.dma_semaphore, #tpu.memory_space<semaphore_mem>>) src(%dma_wait3A_198 : memref<10240x64xf32, #tpu.memory_space<hbm>>) dst(%arg9 : memref<128x64xf32, #tpu.memory_space<vmem>>)
          %add3A_199 = arith.addi %select_n3A_25, %scan3A_109 : i32
          %dma_start3A_200 = arith.constant 0 : i32
          %dma_start3A_201 = tpu.memref_slice %arg7[%add3A_199, %dma_start3A_200] : memref<136x128xi32, #tpu.memory_space<vmem>> -> memref<1x128xi32, #tpu.memory_space<vmem>>
          %dma_start3A_202 = tpu.memref_squeeze %dma_start3A_201 : memref<1x128xi32, #tpu.memory_space<vmem>> -> memref<128xi32, #tpu.memory_space<vmem>>
          %dma_start3A_203 = arith.constant 0 : i32
          %dma_start3A_204 = arith.constant 0 : i32
          %dma_start3A_205 = tpu.memref_slice %arg13[%dma_start3A_203, %dma_start3A_204] : memref<10240x64xf32, #tpu.memory_space<vmem_shared>> -> memref<10240x64xf32, #tpu.memory_space<vmem_shared>>
          tpu.enqueue_indirect_dma source(%arg9 : memref<128x64xf32, #tpu.memory_space<vmem>>) target(%dma_start3A_205 : memref<10240x64xf32, #tpu.memory_space<vmem_shared>>) offsets(%dma_start3A_202 : memref<128xi32, #tpu.memory_space<vmem>>) semaphore(%arg19 : memref<!tpu.dma_semaphore, #tpu.memory_space<semaphore_mem>>) {add = true}
          %add3A_206 = arith.constant 2 : i32
          %add3A_207 = arith.addi %scan3A_109, %add3A_206 : i32
          %lt3A_208 = arith.constant 24 : i32
          %lt3A_209 = arith.cmpi slt, %add3A_207, %lt3A_208 : i32
          %convert_element_type3A_210 = arith.extui %lt3A_209 : i1 to i32
          %cond3A_211 = arith.constant 0 : i32
          %cond3A_212 = arith.cmpi ne, %convert_element_type3A_210, %cond3A_211 : i32
          scf.if %cond3A_212 {
            %ge3A = arith.constant 2 : i32
            %ge3A_213 = arith.cmpi sge, %scan3A_109, %ge3A : i32
            %convert_element_type3A_214 = arith.extui %ge3A_213 : i1 to i32
            %cond3A_215 = arith.constant 0 : i32
            %cond3A_216 = arith.cmpi ne, %convert_element_type3A_214, %cond3A_215 : i32
            scf.if %cond3A_216 {
              %add3A_226 = arith.addi %select_n3A_25, %scan3A_109 : i32
              %sub3A_227 = arith.constant 2 : i32
              %sub3A_228 = arith.subi %add3A_226, %sub3A_227 : i32
              %dma_wait3A_229 = arith.constant 0 : i32
              %dma_wait3A_230 = tpu.memref_slice %arg7[%sub3A_228, %dma_wait3A_229] : memref<136x128xi32, #tpu.memory_space<vmem>> -> memref<1x128xi32, #tpu.memory_space<vmem>>
              %dma_wait3A_231 = tpu.memref_squeeze %dma_wait3A_230 : memref<1x128xi32, #tpu.memory_space<vmem>> -> memref<128xi32, #tpu.memory_space<vmem>>
              %dma_wait3A_232 = arith.constant 0 : i32
              %dma_wait3A_233 = arith.constant 0 : i32
              %dma_wait3A_234 = tpu.memref_slice %arg13[%dma_wait3A_232, %dma_wait3A_233] : memref<10240x64xf32, #tpu.memory_space<vmem_shared>> -> memref<10240x64xf32, #tpu.memory_space<vmem_shared>>
              tpu.wait_indirect_dma semaphore(%arg21 : memref<!tpu.dma_semaphore, #tpu.memory_space<semaphore_mem>>) src(%arg11 : memref<128x64xf32, #tpu.memory_space<vmem>>) dst(%dma_wait3A_234 : memref<10240x64xf32, #tpu.memory_space<vmem_shared>>)
            } else {
            }
            %add3A_217 = arith.addi %select_n3A_25, %scan3A_109 : i32
            %add3A_218 = arith.constant 2 : i32
            %add3A_219 = arith.addi %add3A_217, %add3A_218 : i32
            %dma_start3A_220 = arith.constant 0 : i32
            %dma_start3A_221 = tpu.memref_slice %arg6[%add3A_219, %dma_start3A_220] : memref<136x128xi32, #tpu.memory_space<vmem>> -> memref<1x128xi32, #tpu.memory_space<vmem>>
            %dma_start3A_222 = tpu.memref_squeeze %dma_start3A_221 : memref<1x128xi32, #tpu.memory_space<vmem>> -> memref<128xi32, #tpu.memory_space<vmem>>
            %dma_start3A_223 = arith.constant 0 : i32
            %dma_start3A_224 = arith.constant 0 : i32
            %dma_start3A_225 = tpu.memref_slice %arg2[%dma_start3A_223, %dma_start3A_224] : memref<10240x64xf32, #tpu.memory_space<hbm>> -> memref<10240x64xf32, #tpu.memory_space<hbm>>
            tpu.enqueue_indirect_dma source(%dma_start3A_225 : memref<10240x64xf32, #tpu.memory_space<hbm>>) target(%arg11 : memref<128x64xf32, #tpu.memory_space<vmem>>) offsets(%dma_start3A_222 : memref<128xi32, #tpu.memory_space<vmem>>) semaphore(%arg17 : memref<!tpu.dma_semaphore, #tpu.memory_space<semaphore_mem>>)
          } else {
          }
        } else {
        }
        %jit3A_149 = arith.constant 4 : i32
        %eq3A_150 = arith.constant 0 : i32
        %eq3A_151 = arith.cmpi eq, %jit3A_149, %eq3A_150 : i32
        %jit3A_152 = arith.constant 1 : i32
        %select_n3A_153 = arith.select %eq3A_151, %jit3A_152, %jit3A_149 : i32
        %rem3A_154 = arith.remsi %scan3A_109, %select_n3A_153 : i32
        %ne3A_155 = arith.constant 0 : i32
        %ne3A_156 = arith.cmpi ne, %rem3A_154, %ne3A_155 : i32
        %lt3A_157 = arith.constant 0 : i32
        %lt3A_158 = arith.cmpi slt, %rem3A_154, %lt3A_157 : i32
        %lt3A_159 = arith.constant 0 : i32
        %lt3A_160 = arith.cmpi slt, %select_n3A_153, %lt3A_159 : i32
        %ne3A_161 = arith.xori %lt3A_158, %lt3A_160 : i1
        %and3A_162 = arith.andi %ne3A_161, %ne3A_156 : i1
        %add3A_163 = arith.addi %rem3A_154, %select_n3A_153 : i32
        %select_n3A_164 = arith.select %and3A_162, %add3A_163, %rem3A_154 : i32
        %eq3A_165 = arith.constant 2 : i32
        %eq3A_166 = arith.cmpi eq, %select_n3A_164, %eq3A_165 : i32
        %convert_element_type3A_167 = arith.extui %eq3A_166 : i1 to i32
        %cond3A_168 = arith.constant 0 : i32
        %cond3A_169 = arith.cmpi ne, %convert_element_type3A_167, %cond3A_168 : i32
        scf.if %cond3A_169 {
          %add3A_192 = arith.addi %select_n3A_25, %scan3A_109 : i32
          %dma_wait3A_193 = arith.constant 0 : i32
          %dma_wait3A_194 = tpu.memref_slice %arg6[%add3A_192, %dma_wait3A_193] : memref<136x128xi32, #tpu.memory_space<vmem>> -> memref<1x128xi32, #tpu.memory_space<vmem>>
          %dma_wait3A_195 = tpu.memref_squeeze %dma_wait3A_194 : memref<1x128xi32, #tpu.memory_space<vmem>> -> memref<128xi32, #tpu.memory_space<vmem>>
          %dma_wait3A_196 = arith.constant 0 : i32
          %dma_wait3A_197 = arith.constant 0 : i32
          %dma_wait3A_198 = tpu.memref_slice %arg2[%dma_wait3A_196, %dma_wait3A_197] : memref<10240x64xf32, #tpu.memory_space<hbm>> -> memref<10240x64xf32, #tpu.memory_space<hbm>>
          tpu.wait_indirect_dma semaphore(%arg16 : memref<!tpu.dma_semaphore, #tpu.memory_space<semaphore_mem>>) src(%dma_wait3A_198 : memref<10240x64xf32, #tpu.memory_space<hbm>>) dst(%arg10 : memref<128x64xf32, #tpu.memory_space<vmem>>)
          %add3A_199 = arith.addi %select_n3A_25, %scan3A_109 : i32
          %dma_start3A_200 = arith.constant 0 : i32
          %dma_start3A_201 = tpu.memref_slice %arg7[%add3A_199, %dma_start3A_200] : memref<136x128xi32, #tpu.memory_space<vmem>> -> memref<1x128xi32, #tpu.memory_space<vmem>>
          %dma_start3A_202 = tpu.memref_squeeze %dma_start3A_201 : memref<1x128xi32, #tpu.memory_space<vmem>> -> memref<128xi32, #tpu.memory_space<vmem>>
          %dma_start3A_203 = arith.constant 0 : i32
          %dma_start3A_204 = arith.constant 0 : i32
          %dma_start3A_205 = tpu.memref_slice %arg13[%dma_start3A_203, %dma_start3A_204] : memref<10240x64xf32, #tpu.memory_space<vmem_shared>> -> memref<10240x64xf32, #tpu.memory_space<vmem_shared>>
          tpu.enqueue_indirect_dma source(%arg10 : memref<128x64xf32, #tpu.memory_space<vmem>>) target(%dma_start3A_205 : memref<10240x64xf32, #tpu.memory_space<vmem_shared>>) offsets(%dma_start3A_202 : memref<128xi32, #tpu.memory_space<vmem>>) semaphore(%arg20 : memref<!tpu.dma_semaphore, #tpu.memory_space<semaphore_mem>>) {add = true}
          %add3A_206 = arith.constant 2 : i32
          %add3A_207 = arith.addi %scan3A_109, %add3A_206 : i32
          %lt3A_208 = arith.constant 24 : i32
          %lt3A_209 = arith.cmpi slt, %add3A_207, %lt3A_208 : i32
          %convert_element_type3A_210 = arith.extui %lt3A_209 : i1 to i32
          %cond3A_211 = arith.constant 0 : i32
          %cond3A_212 = arith.cmpi ne, %convert_element_type3A_210, %cond3A_211 : i32
          scf.if %cond3A_212 {
            %ge3A = arith.constant 2 : i32
            %ge3A_213 = arith.cmpi sge, %scan3A_109, %ge3A : i32
            %convert_element_type3A_214 = arith.extui %ge3A_213 : i1 to i32
            %cond3A_215 = arith.constant 0 : i32
            %cond3A_216 = arith.cmpi ne, %convert_element_type3A_214, %cond3A_215 : i32
            scf.if %cond3A_216 {
              %add3A_226 = arith.addi %select_n3A_25, %scan3A_109 : i32
              %sub3A_227 = arith.constant 2 : i32
              %sub3A_228 = arith.subi %add3A_226, %sub3A_227 : i32
              %dma_wait3A_229 = arith.constant 0 : i32
              %dma_wait3A_230 = tpu.memref_slice %arg7[%sub3A_228, %dma_wait3A_229] : memref<136x128xi32, #tpu.memory_space<vmem>> -> memref<1x128xi32, #tpu.memory_space<vmem>>
              %dma_wait3A_231 = tpu.memref_squeeze %dma_wait3A_230 : memref<1x128xi32, #tpu.memory_space<vmem>> -> memref<128xi32, #tpu.memory_space<vmem>>
              %dma_wait3A_232 = arith.constant 0 : i32
              %dma_wait3A_233 = arith.constant 0 : i32
              %dma_wait3A_234 = tpu.memref_slice %arg13[%dma_wait3A_232, %dma_wait3A_233] : memref<10240x64xf32, #tpu.memory_space<vmem_shared>> -> memref<10240x64xf32, #tpu.memory_space<vmem_shared>>
              tpu.wait_indirect_dma semaphore(%arg18 : memref<!tpu.dma_semaphore, #tpu.memory_space<semaphore_mem>>) src(%arg8 : memref<128x64xf32, #tpu.memory_space<vmem>>) dst(%dma_wait3A_234 : memref<10240x64xf32, #tpu.memory_space<vmem_shared>>)
            } else {
            }
            %add3A_217 = arith.addi %select_n3A_25, %scan3A_109 : i32
            %add3A_218 = arith.constant 2 : i32
            %add3A_219 = arith.addi %add3A_217, %add3A_218 : i32
            %dma_start3A_220 = arith.constant 0 : i32
            %dma_start3A_221 = tpu.memref_slice %arg6[%add3A_219, %dma_start3A_220] : memref<136x128xi32, #tpu.memory_space<vmem>> -> memref<1x128xi32, #tpu.memory_space<vmem>>
            %dma_start3A_222 = tpu.memref_squeeze %dma_start3A_221 : memref<1x128xi32, #tpu.memory_space<vmem>> -> memref<128xi32, #tpu.memory_space<vmem>>
            %dma_start3A_223 = arith.constant 0 : i32
            %dma_start3A_224 = arith.constant 0 : i32
            %dma_start3A_225 = tpu.memref_slice %arg2[%dma_start3A_223, %dma_start3A_224] : memref<10240x64xf32, #tpu.memory_space<hbm>> -> memref<10240x64xf32, #tpu.memory_space<hbm>>
            tpu.enqueue_indirect_dma source(%dma_start3A_225 : memref<10240x64xf32, #tpu.memory_space<hbm>>) target(%arg8 : memref<128x64xf32, #tpu.memory_space<vmem>>) offsets(%dma_start3A_222 : memref<128xi32, #tpu.memory_space<vmem>>) semaphore(%arg14 : memref<!tpu.dma_semaphore, #tpu.memory_space<semaphore_mem>>)
          } else {
          }
        } else {
        }
        %jit3A_170 = arith.constant 4 : i32
        %eq3A_171 = arith.constant 0 : i32
        %eq3A_172 = arith.cmpi eq, %jit3A_170, %eq3A_171 : i32
        %jit3A_173 = arith.constant 1 : i32
        %select_n3A_174 = arith.select %eq3A_172, %jit3A_173, %jit3A_170 : i32
        %rem3A_175 = arith.remsi %scan3A_109, %select_n3A_174 : i32
        %ne3A_176 = arith.constant 0 : i32
        %ne3A_177 = arith.cmpi ne, %rem3A_175, %ne3A_176 : i32
        %lt3A_178 = arith.constant 0 : i32
        %lt3A_179 = arith.cmpi slt, %rem3A_175, %lt3A_178 : i32
        %lt3A_180 = arith.constant 0 : i32
        %lt3A_181 = arith.cmpi slt, %select_n3A_174, %lt3A_180 : i32
        %ne3A_182 = arith.xori %lt3A_179, %lt3A_181 : i1
        %and3A_183 = arith.andi %ne3A_182, %ne3A_177 : i1
        %add3A_184 = arith.addi %rem3A_175, %select_n3A_174 : i32
        %select_n3A_185 = arith.select %and3A_183, %add3A_184, %rem3A_175 : i32
        %eq3A_186 = arith.constant 3 : i32
        %eq3A_187 = arith.cmpi eq, %select_n3A_185, %eq3A_186 : i32
        %convert_element_type3A_188 = arith.extui %eq3A_187 : i1 to i32
        %cond3A_189 = arith.constant 0 : i32
        %cond3A_190 = arith.cmpi ne, %convert_element_type3A_188, %cond3A_189 : i32
        scf.if %cond3A_190 {
          %add3A_192 = arith.addi %select_n3A_25, %scan3A_109 : i32
          %dma_wait3A_193 = arith.constant 0 : i32
          %dma_wait3A_194 = tpu.memref_slice %arg6[%add3A_192, %dma_wait3A_193] : memref<136x128xi32, #tpu.memory_space<vmem>> -> memref<1x128xi32, #tpu.memory_space<vmem>>
          %dma_wait3A_195 = tpu.memref_squeeze %dma_wait3A_194 : memref<1x128xi32, #tpu.memory_space<vmem>> -> memref<128xi32, #tpu.memory_space<vmem>>
          %dma_wait3A_196 = arith.constant 0 : i32
          %dma_wait3A_197 = arith.constant 0 : i32
          %dma_wait3A_198 = tpu.memref_slice %arg2[%dma_wait3A_196, %dma_wait3A_197] : memref<10240x64xf32, #tpu.memory_space<hbm>> -> memref<10240x64xf32, #tpu.memory_space<hbm>>
          tpu.wait_indirect_dma semaphore(%arg17 : memref<!tpu.dma_semaphore, #tpu.memory_space<semaphore_mem>>) src(%dma_wait3A_198 : memref<10240x64xf32, #tpu.memory_space<hbm>>) dst(%arg11 : memref<128x64xf32, #tpu.memory_space<vmem>>)
          %add3A_199 = arith.addi %select_n3A_25, %scan3A_109 : i32
          %dma_start3A_200 = arith.constant 0 : i32
          %dma_start3A_201 = tpu.memref_slice %arg7[%add3A_199, %dma_start3A_200] : memref<136x128xi32, #tpu.memory_space<vmem>> -> memref<1x128xi32, #tpu.memory_space<vmem>>
          %dma_start3A_202 = tpu.memref_squeeze %dma_start3A_201 : memref<1x128xi32, #tpu.memory_space<vmem>> -> memref<128xi32, #tpu.memory_space<vmem>>
          %dma_start3A_203 = arith.constant 0 : i32
          %dma_start3A_204 = arith.constant 0 : i32
          %dma_start3A_205 = tpu.memref_slice %arg13[%dma_start3A_203, %dma_start3A_204] : memref<10240x64xf32, #tpu.memory_space<vmem_shared>> -> memref<10240x64xf32, #tpu.memory_space<vmem_shared>>
          tpu.enqueue_indirect_dma source(%arg11 : memref<128x64xf32, #tpu.memory_space<vmem>>) target(%dma_start3A_205 : memref<10240x64xf32, #tpu.memory_space<vmem_shared>>) offsets(%dma_start3A_202 : memref<128xi32, #tpu.memory_space<vmem>>) semaphore(%arg21 : memref<!tpu.dma_semaphore, #tpu.memory_space<semaphore_mem>>) {add = true}
          %add3A_206 = arith.constant 2 : i32
          %add3A_207 = arith.addi %scan3A_109, %add3A_206 : i32
          %lt3A_208 = arith.constant 24 : i32
          %lt3A_209 = arith.cmpi slt, %add3A_207, %lt3A_208 : i32
          %convert_element_type3A_210 = arith.extui %lt3A_209 : i1 to i32
          %cond3A_211 = arith.constant 0 : i32
          %cond3A_212 = arith.cmpi ne, %convert_element_type3A_210, %cond3A_211 : i32
          scf.if %cond3A_212 {
            %ge3A = arith.constant 2 : i32
            %ge3A_213 = arith.cmpi sge, %scan3A_109, %ge3A : i32
            %convert_element_type3A_214 = arith.extui %ge3A_213 : i1 to i32
            %cond3A_215 = arith.constant 0 : i32
            %cond3A_216 = arith.cmpi ne, %convert_element_type3A_214, %cond3A_215 : i32
            scf.if %cond3A_216 {
              %add3A_226 = arith.addi %select_n3A_25, %scan3A_109 : i32
              %sub3A_227 = arith.constant 2 : i32
              %sub3A_228 = arith.subi %add3A_226, %sub3A_227 : i32
              %dma_wait3A_229 = arith.constant 0 : i32
              %dma_wait3A_230 = tpu.memref_slice %arg7[%sub3A_228, %dma_wait3A_229] : memref<136x128xi32, #tpu.memory_space<vmem>> -> memref<1x128xi32, #tpu.memory_space<vmem>>
              %dma_wait3A_231 = tpu.memref_squeeze %dma_wait3A_230 : memref<1x128xi32, #tpu.memory_space<vmem>> -> memref<128xi32, #tpu.memory_space<vmem>>
              %dma_wait3A_232 = arith.constant 0 : i32
              %dma_wait3A_233 = arith.constant 0 : i32
              %dma_wait3A_234 = tpu.memref_slice %arg13[%dma_wait3A_232, %dma_wait3A_233] : memref<10240x64xf32, #tpu.memory_space<vmem_shared>> -> memref<10240x64xf32, #tpu.memory_space<vmem_shared>>
              tpu.wait_indirect_dma semaphore(%arg19 : memref<!tpu.dma_semaphore, #tpu.memory_space<semaphore_mem>>) src(%arg9 : memref<128x64xf32, #tpu.memory_space<vmem>>) dst(%dma_wait3A_234 : memref<10240x64xf32, #tpu.memory_space<vmem_shared>>)
            } else {
            }
            %add3A_217 = arith.addi %select_n3A_25, %scan3A_109 : i32
            %add3A_218 = arith.constant 2 : i32
            %add3A_219 = arith.addi %add3A_217, %add3A_218 : i32
            %dma_start3A_220 = arith.constant 0 : i32
            %dma_start3A_221 = tpu.memref_slice %arg6[%add3A_219, %dma_start3A_220] : memref<136x128xi32, #tpu.memory_space<vmem>> -> memref<1x128xi32, #tpu.memory_space<vmem>>
            %dma_start3A_222 = tpu.memref_squeeze %dma_start3A_221 : memref<1x128xi32, #tpu.memory_space<vmem>> -> memref<128xi32, #tpu.memory_space<vmem>>
            %dma_start3A_223 = arith.constant 0 : i32
            %dma_start3A_224 = arith.constant 0 : i32
            %dma_start3A_225 = tpu.memref_slice %arg2[%dma_start3A_223, %dma_start3A_224] : memref<10240x64xf32, #tpu.memory_space<hbm>> -> memref<10240x64xf32, #tpu.memory_space<hbm>>
            tpu.enqueue_indirect_dma source(%dma_start3A_225 : memref<10240x64xf32, #tpu.memory_space<hbm>>) target(%arg9 : memref<128x64xf32, #tpu.memory_space<vmem>>) offsets(%dma_start3A_222 : memref<128xi32, #tpu.memory_space<vmem>>) semaphore(%arg15 : memref<!tpu.dma_semaphore, #tpu.memory_space<semaphore_mem>>)
          } else {
          }
        } else {
        }
        %scan3A_191 = arith.constant 0 : i32
        scf.yield %scan3A_191 : i32
      }
      %scan3A_61 = arith.constant 24 : i32
      %add3A_62 = arith.constant 24 : i32
      %add3A_63 = arith.addi %select_n3A_25, %add3A_62 : i32
      %sub3A_64 = arith.constant 4 : i32
      %sub3A_65 = arith.subi %add3A_63, %sub3A_64 : i32
      %add3A_66 = arith.constant 0 : i32
      %add3A_67 = arith.addi %sub3A_65, %add3A_66 : i32
      %dma_wait3A = arith.constant 0 : i32
      %dma_wait3A_68 = tpu.memref_slice %arg7[%add3A_67, %dma_wait3A] : memref<136x128xi32, #tpu.memory_space<vmem>> -> memref<1x128xi32, #tpu.memory_space<vmem>>
      %dma_wait3A_69 = tpu.memref_squeeze %dma_wait3A_68 : memref<1x128xi32, #tpu.memory_space<vmem>> -> memref<128xi32, #tpu.memory_space<vmem>>
      %dma_wait3A_70 = arith.constant 0 : i32
      %dma_wait3A_71 = arith.constant 0 : i32
      %dma_wait3A_72 = tpu.memref_slice %arg13[%dma_wait3A_70, %dma_wait3A_71] : memref<10240x64xf32, #tpu.memory_space<vmem_shared>> -> memref<10240x64xf32, #tpu.memory_space<vmem_shared>>
      tpu.wait_indirect_dma semaphore(%arg18 : memref<!tpu.dma_semaphore, #tpu.memory_space<semaphore_mem>>) src(%arg8 : memref<128x64xf32, #tpu.memory_space<vmem>>) dst(%dma_wait3A_72 : memref<10240x64xf32, #tpu.memory_space<vmem_shared>>)
      %add3A_73 = arith.constant 24 : i32
      %add3A_74 = arith.addi %select_n3A_25, %add3A_73 : i32
      %sub3A_75 = arith.constant 4 : i32
      %sub3A_76 = arith.subi %add3A_74, %sub3A_75 : i32
      %add3A_77 = arith.constant 1 : i32
      %add3A_78 = arith.addi %sub3A_76, %add3A_77 : i32
      %dma_wait3A_79 = arith.constant 0 : i32
      %dma_wait3A_80 = tpu.memref_slice %arg7[%add3A_78, %dma_wait3A_79] : memref<136x128xi32, #tpu.memory_space<vmem>> -> memref<1x128xi32, #tpu.memory_space<vmem>>
      %dma_wait3A_81 = tpu.memref_squeeze %dma_wait3A_80 : memref<1x128xi32, #tpu.memory_space<vmem>> -> memref<128xi32, #tpu.memory_space<vmem>>
      %dma_wait3A_82 = arith.constant 0 : i32
      %dma_wait3A_83 = arith.constant 0 : i32
      %dma_wait3A_84 = tpu.memref_slice %arg13[%dma_wait3A_82, %dma_wait3A_83] : memref<10240x64xf32, #tpu.memory_space<vmem_shared>> -> memref<10240x64xf32, #tpu.memory_space<vmem_shared>>
      tpu.wait_indirect_dma semaphore(%arg19 : memref<!tpu.dma_semaphore, #tpu.memory_space<semaphore_mem>>) src(%arg9 : memref<128x64xf32, #tpu.memory_space<vmem>>) dst(%dma_wait3A_84 : memref<10240x64xf32, #tpu.memory_space<vmem_shared>>)
      %add3A_85 = arith.constant 24 : i32
      %add3A_86 = arith.addi %select_n3A_25, %add3A_85 : i32
      %sub3A_87 = arith.constant 4 : i32
      %sub3A_88 = arith.subi %add3A_86, %sub3A_87 : i32
      %add3A_89 = arith.constant 2 : i32
      %add3A_90 = arith.addi %sub3A_88, %add3A_89 : i32
      %dma_wait3A_91 = arith.constant 0 : i32
      %dma_wait3A_92 = tpu.memref_slice %arg7[%add3A_90, %dma_wait3A_91] : memref<136x128xi32, #tpu.memory_space<vmem>> -> memref<1x128xi32, #tpu.memory_space<vmem>>
      %dma_wait3A_93 = tpu.memref_squeeze %dma_wait3A_92 : memref<1x128xi32, #tpu.memory_space<vmem>> -> memref<128xi32, #tpu.memory_space<vmem>>
      %dma_wait3A_94 = arith.constant 0 : i32
      %dma_wait3A_95 = arith.constant 0 : i32
      %dma_wait3A_96 = tpu.memref_slice %arg13[%dma_wait3A_94, %dma_wait3A_95] : memref<10240x64xf32, #tpu.memory_space<vmem_shared>> -> memref<10240x64xf32, #tpu.memory_space<vmem_shared>>
      tpu.wait_indirect_dma semaphore(%arg20 : memref<!tpu.dma_semaphore, #tpu.memory_space<semaphore_mem>>) src(%arg10 : memref<128x64xf32, #tpu.memory_space<vmem>>) dst(%dma_wait3A_96 : memref<10240x64xf32, #tpu.memory_space<vmem_shared>>)
      %add3A_97 = arith.constant 24 : i32
      %add3A_98 = arith.addi %select_n3A_25, %add3A_97 : i32
      %sub3A_99 = arith.constant 4 : i32
      %sub3A_100 = arith.subi %add3A_98, %sub3A_99 : i32
      %add3A_101 = arith.constant 3 : i32
      %add3A_102 = arith.addi %sub3A_100, %add3A_101 : i32
      %dma_wait3A_103 = arith.constant 0 : i32
      %dma_wait3A_104 = tpu.memref_slice %arg7[%add3A_102, %dma_wait3A_103] : memref<136x128xi32, #tpu.memory_space<vmem>> -> memref<1x128xi32, #tpu.memory_space<vmem>>
      %dma_wait3A_105 = tpu.memref_squeeze %dma_wait3A_104 : memref<1x128xi32, #tpu.memory_space<vmem>> -> memref<128xi32, #tpu.memory_space<vmem>>
      %dma_wait3A_106 = arith.constant 0 : i32
      %dma_wait3A_107 = arith.constant 0 : i32
      %dma_wait3A_108 = tpu.memref_slice %arg13[%dma_wait3A_106, %dma_wait3A_107] : memref<10240x64xf32, #tpu.memory_space<vmem_shared>> -> memref<10240x64xf32, #tpu.memory_space<vmem_shared>>
      tpu.wait_indirect_dma semaphore(%arg21 : memref<!tpu.dma_semaphore, #tpu.memory_space<semaphore_mem>>) src(%arg11 : memref<128x64xf32, #tpu.memory_space<vmem>>) dst(%dma_wait3A_108 : memref<10240x64xf32, #tpu.memory_space<vmem_shared>>)
    } else {
    }
    %barrier3A_34 = arith.constant 0 : index
    tpu.barrier barrier_id(%barrier3A_34)
    %scan3A_35 = arith.constant 0 : i32
    %scan3A_36 = arith.constant 0 : i32
    %scan3A_37 = arith.constant 5 : i32
    %scan3A_38 = arith.addi %scan3A_36, %scan3A_37 : i32
    %scan3A_39 = arith.constant 1 : i32
    %scan3A_40 = scf.for %scan3A_42 = %scan3A_36 to %scan3A_38 step %scan3A_39 iter_args(%scan3A_43 = %scan3A_35) -> (i32)  : i32 {
      %mul3A_44 = arith.constant 640 : i32
      %mul3A_45 = arith.muli %arg1, %mul3A_44 : i32
      %mul3A_46 = arith.constant 128 : i32
      %mul3A_47 = arith.muli %scan3A_42, %mul3A_46 : i32
      %add3A_48 = arith.addi %mul3A_45, %mul3A_47 : i32
      "tpu.region"() ({
        %run_scoped3A = tpu.sem_alloc : memref<!tpu.dma_semaphore, #tpu.memory_space<semaphore_mem>>
        %dma_start3A = arith.constant 0 : i32
        %dma_start3A_50 = tpu.memref_slice %arg5[%arg0, %add3A_48, %dma_start3A] : memref<2x10240x64xf32, #tpu.memory_space<hbm>> -> memref<1x128x64xf32, #tpu.memory_space<hbm>>
        %dma_start3A_51 = tpu.memref_squeeze %dma_start3A_50 : memref<1x128x64xf32, #tpu.memory_space<hbm>> -> memref<128x64xf32, #tpu.memory_space<hbm>>
        %dma_start3A_52 = arith.constant 0 : i32
        %dma_start3A_53 = tpu.memref_slice %arg13[%add3A_48, %dma_start3A_52] : memref<10240x64xf32, #tpu.memory_space<vmem_shared>> -> memref<128x64xf32, #tpu.memory_space<vmem_shared>>
        tpu.enqueue_dma source(%dma_start3A_53 : memref<128x64xf32, #tpu.memory_space<vmem_shared>>) target(%dma_start3A_51 : memref<128x64xf32, #tpu.memory_space<hbm>>) target_semaphore(%run_scoped3A : memref<!tpu.dma_semaphore, #tpu.memory_space<semaphore_mem>>)
        %dma_wait3A = arith.constant 0 : i32
        %dma_wait3A_54 = tpu.memref_slice %arg5[%arg0, %add3A_48, %dma_wait3A] : memref<2x10240x64xf32, #tpu.memory_space<hbm>> -> memref<1x128x64xf32, #tpu.memory_space<hbm>>
        %dma_wait3A_55 = tpu.memref_squeeze %dma_wait3A_54 : memref<1x128x64xf32, #tpu.memory_space<hbm>> -> memref<128x64xf32, #tpu.memory_space<hbm>>
        %dma_wait3A_56 = arith.constant 0 : i32
        %dma_wait3A_57 = tpu.memref_slice %arg13[%add3A_48, %dma_wait3A_56] : memref<10240x64xf32, #tpu.memory_space<vmem_shared>> -> memref<128x64xf32, #tpu.memory_space<vmem_shared>>
        tpu.wait_dma2 semaphore(%run_scoped3A : memref<!tpu.dma_semaphore, #tpu.memory_space<semaphore_mem>>) src(%dma_wait3A_57 : memref<128x64xf32, #tpu.memory_space<vmem_shared>>) dst(%dma_wait3A_55 : memref<128x64xf32, #tpu.memory_space<hbm>>)
        tpu.yield
      }) : () -> ()
      %scan3A_49 = arith.constant 0 : i32
      scf.yield %scan3A_49 : i32
    }
    %scan3A_41 = arith.constant 5 : i32
    return
  }
}

#map = affine_map<(d0, d1) -> (0, 0)>
#map1 = affine_map<(d0, d1) -> (0, 0, 0)>
module attributes {stable_mosaic.version = 14 : i64} {
  func.func @prop(%arg0: i32, %arg1: i32, %arg2: memref<10240x16xf32, #tpu.memory_space<hbm>>, %arg3: memref<2560x128xi32, #tpu.memory_space<hbm>>, %arg4: memref<2560x128xi32, #tpu.memory_space<hbm>>, %arg5: memref<2x10240x16xf32, #tpu.memory_space<hbm>>, %arg6: memref<136x128xi32, #tpu.memory_space<vmem>>, %arg7: memref<136x128xi32, #tpu.memory_space<vmem>>, %arg8: memref<128x16xf32, #tpu.memory_space<vmem>>, %arg9: memref<128x16xf32, #tpu.memory_space<vmem>>, %arg10: memref<128x16xf32, #tpu.memory_space<vmem>>, %arg11: memref<128x16xf32, #tpu.memory_space<vmem>>, %arg12: memref<128x16xf32, #tpu.memory_space<vmem>>, %arg13: memref<10240x16xf32, #tpu.memory_space<vmem_shared>>, %arg14: memref<!tpu.dma_semaphore, #tpu.memory_space<semaphore_mem>>, %arg15: memref<!tpu.dma_semaphore, #tpu.memory_space<semaphore_mem>>, %arg16: memref<!tpu.dma_semaphore, #tpu.memory_space<semaphore_mem>>, %arg17: memref<!tpu.dma_semaphore, #tpu.memory_space<semaphore_mem>>, %arg18: memref<!tpu.dma_semaphore, #tpu.memory_space<semaphore_mem>>, %arg19: memref<!tpu.dma_semaphore, #tpu.memory_space<semaphore_mem>>, %arg20: memref<!tpu.dma_semaphore, #tpu.memory_space<semaphore_mem>>, %arg21: memref<!tpu.dma_semaphore, #tpu.memory_space<semaphore_mem>>) attributes {dimension_semantics = [#tpu.dimension_semantics<core_parallel>, #tpu.dimension_semantics<subcore_parallel>], iteration_bounds = array<i64: 2, 16>, scalar_prefetch = 0 : i64, scratch_operands = 16 : i64, tpu.core_type = #tpu.core_type<sc_vector_subcore>, window_params = [{transform_indices = #map}, {transform_indices = #map}, {transform_indices = #map}, {transform_indices = #map1}]} {
    %scan3A = arith.constant 0 : i32
    %scan3A_0 = arith.constant 0 : i32
    %scan3A_1 = arith.constant 128 : i32
    %scan3A_2 = arith.addi %scan3A_0, %scan3A_1 : i32
    %scan3A_3 = arith.constant 1 : i32
    %scan3A_4 = scf.for %scan3A_42 = %scan3A_0 to %scan3A_2 step %scan3A_3 iter_args(%scan3A_43 = %scan3A) -> (i32)  : i32 {
      %scan3A_44 = arith.constant 0 : i32
      %scan3A_45 = arith.constant 0 : i32
      %broadcast_in_dim3A = arith.constant 0.000000e+00 : f32
      %broadcast_in_dim3A_46 = vector.broadcast %broadcast_in_dim3A : f32 to vector<16xf32>
      %mul3A_47 = arith.constant 16 : i32
      %mul3A_48 = arith.muli %scan3A_45, %mul3A_47 : i32
      %swap3A = arith.index_cast %scan3A_42 : i32 to index
      %swap3A_49 = arith.index_cast %mul3A_48 : i32 to index
      %swap3A_50 = tpu.vector_load %arg12[%swap3A, %swap3A_49] {strides = array<i32>} : memref<128x16xf32, #tpu.memory_space<vmem>>, vector<1x16xf32>,
      %swap3A_51 = vector.shape_cast %swap3A_50 : vector<1x16xf32> to vector<16xf32>
      %swap3A_52 = vector.shape_cast %broadcast_in_dim3A_46 : vector<16xf32> to vector<1x16xf32>
      tpu.vector_store %arg12[%swap3A, %swap3A_49], %swap3A_52 {strides = array<i32>} : memref<128x16xf32, #tpu.memory_space<vmem>>, vector<1x16xf32>,
      %scan3A_53 = arith.constant 0 : i32
      %scan3A_54 = arith.constant 1 : i32
      %scan3A_55 = arith.constant 0 : i32
      scf.yield %scan3A_55 : i32
    }
    %scan3A_5 = arith.constant 128 : i32
    %scan3A_6 = arith.constant 0 : i32
    %scan3A_7 = arith.constant 0 : i32
    %scan3A_8 = arith.constant 5 : i32
    %scan3A_9 = arith.addi %scan3A_7, %scan3A_8 : i32
    %scan3A_10 = arith.constant 1 : i32
    %scan3A_11 = scf.for %scan3A_42 = %scan3A_7 to %scan3A_9 step %scan3A_10 iter_args(%scan3A_43 = %scan3A_6) -> (i32)  : i32 {
      %mul3A_44 = arith.constant 640 : i32
      %mul3A_45 = arith.muli %arg1, %mul3A_44 : i32
      %mul3A_46 = arith.constant 128 : i32
      %mul3A_47 = arith.muli %scan3A_42, %mul3A_46 : i32
      %add3A_48 = arith.addi %mul3A_45, %mul3A_47 : i32
      "tpu.region"() ({
        %run_scoped3A = tpu.sem_alloc : memref<!tpu.dma_semaphore, #tpu.memory_space<semaphore_mem>>
        %dma_start3A = arith.constant 0 : i32
        %dma_start3A_50 = tpu.memref_slice %arg13[%add3A_48, %dma_start3A] : memref<10240x16xf32, #tpu.memory_space<vmem_shared>> -> memref<128x16xf32, #tpu.memory_space<vmem_shared>>
        %dma_start3A_51 = arith.constant 0 : i32
        %dma_start3A_52 = tpu.memref_slice %arg13[%add3A_48, %dma_start3A_51] : memref<10240x16xf32, #tpu.memory_space<vmem_shared>> -> memref<128x16xf32, #tpu.memory_space<vmem_shared>>
        tpu.enqueue_dma source(%arg12 : memref<128x16xf32, #tpu.memory_space<vmem>>) target(%dma_start3A_52 : memref<128x16xf32, #tpu.memory_space<vmem_shared>>) target_semaphore(%run_scoped3A : memref<!tpu.dma_semaphore, #tpu.memory_space<semaphore_mem>>)
        %dma_wait3A = arith.constant 0 : i32
        %dma_wait3A_53 = tpu.memref_slice %arg13[%add3A_48, %dma_wait3A] : memref<10240x16xf32, #tpu.memory_space<vmem_shared>> -> memref<128x16xf32, #tpu.memory_space<vmem_shared>>
        %dma_wait3A_54 = arith.constant 0 : i32
        %dma_wait3A_55 = tpu.memref_slice %arg13[%add3A_48, %dma_wait3A_54] : memref<10240x16xf32, #tpu.memory_space<vmem_shared>> -> memref<128x16xf32, #tpu.memory_space<vmem_shared>>
        tpu.wait_dma2 semaphore(%run_scoped3A : memref<!tpu.dma_semaphore, #tpu.memory_space<semaphore_mem>>) src(%arg12 : memref<128x16xf32, #tpu.memory_space<vmem>>) dst(%dma_wait3A_55 : memref<128x16xf32, #tpu.memory_space<vmem_shared>>)
        tpu.yield
      }) : () -> ()
      %scan3A_49 = arith.constant 0 : i32
      scf.yield %scan3A_49 : i32
    }
    %scan3A_12 = arith.constant 5 : i32
    %eq3A = arith.constant 0 : i32
    %eq3A_13 = arith.cmpi eq, %arg0, %eq3A : i32
    %mul3A = arith.constant 136 : i32
    %mul3A_14 = arith.muli %arg1, %mul3A : i32
    %mul3A_15 = arith.constant 24 : i32
    %mul3A_16 = arith.muli %arg1, %mul3A_15 : i32
    %add3A = arith.constant 2176 : i32
    %add3A_17 = arith.addi %add3A, %mul3A_16 : i32
    %min3A = arith.constant 2424 : i32
    %min3A_18 = arith.minsi %add3A_17, %min3A : i32
    %select_n3A = arith.select %eq3A_13, %mul3A_14, %min3A_18 : i32
    %eq3A_19 = arith.constant 0 : i32
    %eq3A_20 = arith.cmpi eq, %arg0, %eq3A_19 : i32
    %mul3A_21 = arith.constant 24 : i32
    %mul3A_22 = arith.muli %arg1, %mul3A_21 : i32
    %add3A_23 = arith.constant 2176 : i32
    %add3A_24 = arith.addi %add3A_23, %mul3A_22 : i32
    %sub3A = arith.subi %add3A_24, %select_n3A : i32
    %jit3A = arith.constant 0 : i32
    %select_n3A_25 = arith.select %eq3A_20, %jit3A, %sub3A : i32
    "tpu.region"() ({
      %run_scoped3A = tpu.sem_alloc : memref<!tpu.dma_semaphore, #tpu.memory_space<semaphore_mem>>
      %dma_start3A = arith.constant 0 : i32
      %dma_start3A_42 = tpu.memref_slice %arg3[%select_n3A, %dma_start3A] : memref<2560x128xi32, #tpu.memory_space<hbm>> -> memref<136x128xi32, #tpu.memory_space<hbm>>
      %dma_start3A_43 = arith.constant 0 : i32
      %dma_start3A_44 = tpu.memref_slice %arg3[%select_n3A, %dma_start3A_43] : memref<2560x128xi32, #tpu.memory_space<hbm>> -> memref<136x128xi32, #tpu.memory_space<hbm>>
      tpu.enqueue_dma source(%dma_start3A_44 : memref<136x128xi32, #tpu.memory_space<hbm>>) target(%arg6 : memref<136x128xi32, #tpu.memory_space<vmem>>) target_semaphore(%run_scoped3A : memref<!tpu.dma_semaphore, #tpu.memory_space<semaphore_mem>>)
      %dma_wait3A = arith.constant 0 : i32
      %dma_wait3A_45 = tpu.memref_slice %arg3[%select_n3A, %dma_wait3A] : memref<2560x128xi32, #tpu.memory_space<hbm>> -> memref<136x128xi32, #tpu.memory_space<hbm>>
      %dma_wait3A_46 = arith.constant 0 : i32
      %dma_wait3A_47 = tpu.memref_slice %arg3[%select_n3A, %dma_wait3A_46] : memref<2560x128xi32, #tpu.memory_space<hbm>> -> memref<136x128xi32, #tpu.memory_space<hbm>>
      tpu.wait_dma2 semaphore(%run_scoped3A : memref<!tpu.dma_semaphore, #tpu.memory_space<semaphore_mem>>) src(%dma_wait3A_47 : memref<136x128xi32, #tpu.memory_space<hbm>>) dst(%arg6 : memref<136x128xi32, #tpu.memory_space<vmem>>)
      tpu.yield
    }) : () -> ()
    "tpu.region"() ({
      %run_scoped3A = tpu.sem_alloc : memref<!tpu.dma_semaphore, #tpu.memory_space<semaphore_mem>>
      %dma_start3A = arith.constant 0 : i32
      %dma_start3A_42 = tpu.memref_slice %arg4[%select_n3A, %dma_start3A] : memref<2560x128xi32, #tpu.memory_space<hbm>> -> memref<136x128xi32, #tpu.memory_space<hbm>>
      %dma_start3A_43 = arith.constant 0 : i32
      %dma_start3A_44 = tpu.memref_slice %arg4[%select_n3A, %dma_start3A_43] : memref<2560x128xi32, #tpu.memory_space<hbm>> -> memref<136x128xi32, #tpu.memory_space<hbm>>
      tpu.enqueue_dma source(%dma_start3A_44 : memref<136x128xi32, #tpu.memory_space<hbm>>) target(%arg7 : memref<136x128xi32, #tpu.memory_space<vmem>>) target_semaphore(%run_scoped3A : memref<!tpu.dma_semaphore, #tpu.memory_space<semaphore_mem>>)
      %dma_wait3A = arith.constant 0 : i32
      %dma_wait3A_45 = tpu.memref_slice %arg4[%select_n3A, %dma_wait3A] : memref<2560x128xi32, #tpu.memory_space<hbm>> -> memref<136x128xi32, #tpu.memory_space<hbm>>
      %dma_wait3A_46 = arith.constant 0 : i32
      %dma_wait3A_47 = tpu.memref_slice %arg4[%select_n3A, %dma_wait3A_46] : memref<2560x128xi32, #tpu.memory_space<hbm>> -> memref<136x128xi32, #tpu.memory_space<hbm>>
      tpu.wait_dma2 semaphore(%run_scoped3A : memref<!tpu.dma_semaphore, #tpu.memory_space<semaphore_mem>>) src(%dma_wait3A_47 : memref<136x128xi32, #tpu.memory_space<hbm>>) dst(%arg7 : memref<136x128xi32, #tpu.memory_space<vmem>>)
      tpu.yield
    }) : () -> ()
    %barrier3A = arith.constant 0 : index
    tpu.barrier barrier_id(%barrier3A)
    %eq3A_26 = arith.constant 0 : i32
    %eq3A_27 = arith.cmpi eq, %arg0, %eq3A_26 : i32
    %convert_element_type3A = arith.extui %eq3A_27 : i1 to i32
    %cond3A = arith.constant 0 : i32
    %cond3A_28 = arith.cmpi ne, %convert_element_type3A, %cond3A : i32
    scf.if %cond3A_28 {
      %dma_start3A = arith.constant 0 : i32
      %dma_start3A_42 = tpu.memref_slice %arg6[%select_n3A_25, %dma_start3A] : memref<136x128xi32, #tpu.memory_space<vmem>> -> memref<1x128xi32, #tpu.memory_space<vmem>>
      %dma_start3A_43 = tpu.memref_squeeze %dma_start3A_42 : memref<1x128xi32, #tpu.memory_space<vmem>> -> memref<128xi32, #tpu.memory_space<vmem>>
      %dma_start3A_44 = arith.constant 0 : i32
      %dma_start3A_45 = arith.constant 0 : i32
      %dma_start3A_46 = tpu.memref_slice %arg2[%dma_start3A_44, %dma_start3A_45] : memref<10240x16xf32, #tpu.memory_space<hbm>> -> memref<10240x16xf32, #tpu.memory_space<hbm>>
      tpu.enqueue_indirect_dma source(%dma_start3A_46 : memref<10240x16xf32, #tpu.memory_space<hbm>>) target(%arg8 : memref<128x16xf32, #tpu.memory_space<vmem>>) offsets(%dma_start3A_43 : memref<128xi32, #tpu.memory_space<vmem>>) semaphore(%arg14 : memref<!tpu.dma_semaphore, #tpu.memory_space<semaphore_mem>>)
      %add3A_47 = arith.constant 1 : i32
      %add3A_48 = arith.addi %select_n3A_25, %add3A_47 : i32
      %dma_start3A_49 = arith.constant 0 : i32
      %dma_start3A_50 = tpu.memref_slice %arg6[%add3A_48, %dma_start3A_49] : memref<136x128xi32, #tpu.memory_space<vmem>> -> memref<1x128xi32, #tpu.memory_space<vmem>>
      %dma_start3A_51 = tpu.memref_squeeze %dma_start3A_50 : memref<1x128xi32, #tpu.memory_space<vmem>> -> memref<128xi32, #tpu.memory_space<vmem>>
      %dma_start3A_52 = arith.constant 0 : i32
      %dma_start3A_53 = arith.constant 0 : i32
      %dma_start3A_54 = tpu.memref_slice %arg2[%dma_start3A_52, %dma_start3A_53] : memref<10240x16xf32, #tpu.memory_space<hbm>> -> memref<10240x16xf32, #tpu.memory_space<hbm>>
      tpu.enqueue_indirect_dma source(%dma_start3A_54 : memref<10240x16xf32, #tpu.memory_space<hbm>>) target(%arg9 : memref<128x16xf32, #tpu.memory_space<vmem>>) offsets(%dma_start3A_51 : memref<128xi32, #tpu.memory_space<vmem>>) semaphore(%arg15 : memref<!tpu.dma_semaphore, #tpu.memory_space<semaphore_mem>>)
      %scan3A_55 = arith.constant 0 : i32
      %scan3A_56 = arith.constant 0 : i32
      %scan3A_57 = arith.constant 136 : i32
      %scan3A_58 = arith.addi %scan3A_56, %scan3A_57 : i32
      %scan3A_59 = arith.constant 1 : i32
      %scan3A_60 = scf.for %scan3A_109 = %scan3A_56 to %scan3A_58 step %scan3A_59 iter_args(%scan3A_110 = %scan3A_55) -> (i32)  : i32 {
        %jit3A_111 = arith.constant 4 : i32
        %eq3A_112 = arith.constant 0 : i32
        %eq3A_113 = arith.cmpi eq, %jit3A_111, %eq3A_112 : i32
        %jit3A_114 = arith.constant 1 : i32
        %select_n3A_115 = arith.select %eq3A_113, %jit3A_114, %jit3A_111 : i32
        %rem3A = arith.remsi %scan3A_109, %select_n3A_115 : i32
        %ne3A = arith.constant 0 : i32
        %ne3A_116 = arith.cmpi ne, %rem3A, %ne3A : i32
        %lt3A = arith.constant 0 : i32
        %lt3A_117 = arith.cmpi slt, %rem3A, %lt3A : i32
        %lt3A_118 = arith.constant 0 : i32
        %lt3A_119 = arith.cmpi slt, %select_n3A_115, %lt3A_118 : i32
        %ne3A_120 = arith.xori %lt3A_117, %lt3A_119 : i1
        %and3A = arith.andi %ne3A_120, %ne3A_116 : i1
        %add3A_121 = arith.addi %rem3A, %select_n3A_115 : i32
        %select_n3A_122 = arith.select %and3A, %add3A_121, %rem3A : i32
        %eq3A_123 = arith.constant 0 : i32
        %eq3A_124 = arith.cmpi eq, %select_n3A_122, %eq3A_123 : i32
        %convert_element_type3A_125 = arith.extui %eq3A_124 : i1 to i32
        %cond3A_126 = arith.constant 0 : i32
        %cond3A_127 = arith.cmpi ne, %convert_element_type3A_125, %cond3A_126 : i32
        scf.if %cond3A_127 {
          %add3A_192 = arith.addi %select_n3A_25, %scan3A_109 : i32
          %dma_wait3A_193 = arith.constant 0 : i32
          %dma_wait3A_194 = tpu.memref_slice %arg6[%add3A_192, %dma_wait3A_193] : memref<136x128xi32, #tpu.memory_space<vmem>> -> memref<1x128xi32, #tpu.memory_space<vmem>>
          %dma_wait3A_195 = tpu.memref_squeeze %dma_wait3A_194 : memref<1x128xi32, #tpu.memory_space<vmem>> -> memref<128xi32, #tpu.memory_space<vmem>>
          %dma_wait3A_196 = arith.constant 0 : i32
          %dma_wait3A_197 = arith.constant 0 : i32
          %dma_wait3A_198 = tpu.memref_slice %arg2[%dma_wait3A_196, %dma_wait3A_197] : memref<10240x16xf32, #tpu.memory_space<hbm>> -> memref<10240x16xf32, #tpu.memory_space<hbm>>
          tpu.wait_indirect_dma semaphore(%arg14 : memref<!tpu.dma_semaphore, #tpu.memory_space<semaphore_mem>>) src(%dma_wait3A_198 : memref<10240x16xf32, #tpu.memory_space<hbm>>) dst(%arg8 : memref<128x16xf32, #tpu.memory_space<vmem>>)
          %add3A_199 = arith.addi %select_n3A_25, %scan3A_109 : i32
          %dma_start3A_200 = arith.constant 0 : i32
          %dma_start3A_201 = tpu.memref_slice %arg7[%add3A_199, %dma_start3A_200] : memref<136x128xi32, #tpu.memory_space<vmem>> -> memref<1x128xi32, #tpu.memory_space<vmem>>
          %dma_start3A_202 = tpu.memref_squeeze %dma_start3A_201 : memref<1x128xi32, #tpu.memory_space<vmem>> -> memref<128xi32, #tpu.memory_space<vmem>>
          %dma_start3A_203 = arith.constant 0 : i32
          %dma_start3A_204 = arith.constant 0 : i32
          %dma_start3A_205 = tpu.memref_slice %arg13[%dma_start3A_203, %dma_start3A_204] : memref<10240x16xf32, #tpu.memory_space<vmem_shared>> -> memref<10240x16xf32, #tpu.memory_space<vmem_shared>>
          tpu.enqueue_indirect_dma source(%arg8 : memref<128x16xf32, #tpu.memory_space<vmem>>) target(%dma_start3A_205 : memref<10240x16xf32, #tpu.memory_space<vmem_shared>>) offsets(%dma_start3A_202 : memref<128xi32, #tpu.memory_space<vmem>>) semaphore(%arg18 : memref<!tpu.dma_semaphore, #tpu.memory_space<semaphore_mem>>) {add = true}
          %add3A_206 = arith.constant 2 : i32
          %add3A_207 = arith.addi %scan3A_109, %add3A_206 : i32
          %lt3A_208 = arith.constant 136 : i32
          %lt3A_209 = arith.cmpi slt, %add3A_207, %lt3A_208 : i32
          %convert_element_type3A_210 = arith.extui %lt3A_209 : i1 to i32
          %cond3A_211 = arith.constant 0 : i32
          %cond3A_212 = arith.cmpi ne, %convert_element_type3A_210, %cond3A_211 : i32
          scf.if %cond3A_212 {
            %ge3A = arith.constant 2 : i32
            %ge3A_213 = arith.cmpi sge, %scan3A_109, %ge3A : i32
            %convert_element_type3A_214 = arith.extui %ge3A_213 : i1 to i32
            %cond3A_215 = arith.constant 0 : i32
            %cond3A_216 = arith.cmpi ne, %convert_element_type3A_214, %cond3A_215 : i32
            scf.if %cond3A_216 {
              %add3A_226 = arith.addi %select_n3A_25, %scan3A_109 : i32
              %sub3A_227 = arith.constant 2 : i32
              %sub3A_228 = arith.subi %add3A_226, %sub3A_227 : i32
              %dma_wait3A_229 = arith.constant 0 : i32
              %dma_wait3A_230 = tpu.memref_slice %arg7[%sub3A_228, %dma_wait3A_229] : memref<136x128xi32, #tpu.memory_space<vmem>> -> memref<1x128xi32, #tpu.memory_space<vmem>>
              %dma_wait3A_231 = tpu.memref_squeeze %dma_wait3A_230 : memref<1x128xi32, #tpu.memory_space<vmem>> -> memref<128xi32, #tpu.memory_space<vmem>>
              %dma_wait3A_232 = arith.constant 0 : i32
              %dma_wait3A_233 = arith.constant 0 : i32
              %dma_wait3A_234 = tpu.memref_slice %arg13[%dma_wait3A_232, %dma_wait3A_233] : memref<10240x16xf32, #tpu.memory_space<vmem_shared>> -> memref<10240x16xf32, #tpu.memory_space<vmem_shared>>
              tpu.wait_indirect_dma semaphore(%arg20 : memref<!tpu.dma_semaphore, #tpu.memory_space<semaphore_mem>>) src(%arg10 : memref<128x16xf32, #tpu.memory_space<vmem>>) dst(%dma_wait3A_234 : memref<10240x16xf32, #tpu.memory_space<vmem_shared>>)
            } else {
            }
            %add3A_217 = arith.addi %select_n3A_25, %scan3A_109 : i32
            %add3A_218 = arith.constant 2 : i32
            %add3A_219 = arith.addi %add3A_217, %add3A_218 : i32
            %dma_start3A_220 = arith.constant 0 : i32
            %dma_start3A_221 = tpu.memref_slice %arg6[%add3A_219, %dma_start3A_220] : memref<136x128xi32, #tpu.memory_space<vmem>> -> memref<1x128xi32, #tpu.memory_space<vmem>>
            %dma_start3A_222 = tpu.memref_squeeze %dma_start3A_221 : memref<1x128xi32, #tpu.memory_space<vmem>> -> memref<128xi32, #tpu.memory_space<vmem>>
            %dma_start3A_223 = arith.constant 0 : i32
            %dma_start3A_224 = arith.constant 0 : i32
            %dma_start3A_225 = tpu.memref_slice %arg2[%dma_start3A_223, %dma_start3A_224] : memref<10240x16xf32, #tpu.memory_space<hbm>> -> memref<10240x16xf32, #tpu.memory_space<hbm>>
            tpu.enqueue_indirect_dma source(%dma_start3A_225 : memref<10240x16xf32, #tpu.memory_space<hbm>>) target(%arg10 : memref<128x16xf32, #tpu.memory_space<vmem>>) offsets(%dma_start3A_222 : memref<128xi32, #tpu.memory_space<vmem>>) semaphore(%arg16 : memref<!tpu.dma_semaphore, #tpu.memory_space<semaphore_mem>>)
          } else {
          }
        } else {
        }
        %jit3A_128 = arith.constant 4 : i32
        %eq3A_129 = arith.constant 0 : i32
        %eq3A_130 = arith.cmpi eq, %jit3A_128, %eq3A_129 : i32
        %jit3A_131 = arith.constant 1 : i32
        %select_n3A_132 = arith.select %eq3A_130, %jit3A_131, %jit3A_128 : i32
        %rem3A_133 = arith.remsi %scan3A_109, %select_n3A_132 : i32
        %ne3A_134 = arith.constant 0 : i32
        %ne3A_135 = arith.cmpi ne, %rem3A_133, %ne3A_134 : i32
        %lt3A_136 = arith.constant 0 : i32
        %lt3A_137 = arith.cmpi slt, %rem3A_133, %lt3A_136 : i32
        %lt3A_138 = arith.constant 0 : i32
        %lt3A_139 = arith.cmpi slt, %select_n3A_132, %lt3A_138 : i32
        %ne3A_140 = arith.xori %lt3A_137, %lt3A_139 : i1
        %and3A_141 = arith.andi %ne3A_140, %ne3A_135 : i1
        %add3A_142 = arith.addi %rem3A_133, %select_n3A_132 : i32
        %select_n3A_143 = arith.select %and3A_141, %add3A_142, %rem3A_133 : i32
        %eq3A_144 = arith.constant 1 : i32
        %eq3A_145 = arith.cmpi eq, %select_n3A_143, %eq3A_144 : i32
        %convert_element_type3A_146 = arith.extui %eq3A_145 : i1 to i32
        %cond3A_147 = arith.constant 0 : i32
        %cond3A_148 = arith.cmpi ne, %convert_element_type3A_146, %cond3A_147 : i32
        scf.if %cond3A_148 {
          %add3A_192 = arith.addi %select_n3A_25, %scan3A_109 : i32
          %dma_wait3A_193 = arith.constant 0 : i32
          %dma_wait3A_194 = tpu.memref_slice %arg6[%add3A_192, %dma_wait3A_193] : memref<136x128xi32, #tpu.memory_space<vmem>> -> memref<1x128xi32, #tpu.memory_space<vmem>>
          %dma_wait3A_195 = tpu.memref_squeeze %dma_wait3A_194 : memref<1x128xi32, #tpu.memory_space<vmem>> -> memref<128xi32, #tpu.memory_space<vmem>>
          %dma_wait3A_196 = arith.constant 0 : i32
          %dma_wait3A_197 = arith.constant 0 : i32
          %dma_wait3A_198 = tpu.memref_slice %arg2[%dma_wait3A_196, %dma_wait3A_197] : memref<10240x16xf32, #tpu.memory_space<hbm>> -> memref<10240x16xf32, #tpu.memory_space<hbm>>
          tpu.wait_indirect_dma semaphore(%arg15 : memref<!tpu.dma_semaphore, #tpu.memory_space<semaphore_mem>>) src(%dma_wait3A_198 : memref<10240x16xf32, #tpu.memory_space<hbm>>) dst(%arg9 : memref<128x16xf32, #tpu.memory_space<vmem>>)
          %add3A_199 = arith.addi %select_n3A_25, %scan3A_109 : i32
          %dma_start3A_200 = arith.constant 0 : i32
          %dma_start3A_201 = tpu.memref_slice %arg7[%add3A_199, %dma_start3A_200] : memref<136x128xi32, #tpu.memory_space<vmem>> -> memref<1x128xi32, #tpu.memory_space<vmem>>
          %dma_start3A_202 = tpu.memref_squeeze %dma_start3A_201 : memref<1x128xi32, #tpu.memory_space<vmem>> -> memref<128xi32, #tpu.memory_space<vmem>>
          %dma_start3A_203 = arith.constant 0 : i32
          %dma_start3A_204 = arith.constant 0 : i32
          %dma_start3A_205 = tpu.memref_slice %arg13[%dma_start3A_203, %dma_start3A_204] : memref<10240x16xf32, #tpu.memory_space<vmem_shared>> -> memref<10240x16xf32, #tpu.memory_space<vmem_shared>>
          tpu.enqueue_indirect_dma source(%arg9 : memref<128x16xf32, #tpu.memory_space<vmem>>) target(%dma_start3A_205 : memref<10240x16xf32, #tpu.memory_space<vmem_shared>>) offsets(%dma_start3A_202 : memref<128xi32, #tpu.memory_space<vmem>>) semaphore(%arg19 : memref<!tpu.dma_semaphore, #tpu.memory_space<semaphore_mem>>) {add = true}
          %add3A_206 = arith.constant 2 : i32
          %add3A_207 = arith.addi %scan3A_109, %add3A_206 : i32
          %lt3A_208 = arith.constant 136 : i32
          %lt3A_209 = arith.cmpi slt, %add3A_207, %lt3A_208 : i32
          %convert_element_type3A_210 = arith.extui %lt3A_209 : i1 to i32
          %cond3A_211 = arith.constant 0 : i32
          %cond3A_212 = arith.cmpi ne, %convert_element_type3A_210, %cond3A_211 : i32
          scf.if %cond3A_212 {
            %ge3A = arith.constant 2 : i32
            %ge3A_213 = arith.cmpi sge, %scan3A_109, %ge3A : i32
            %convert_element_type3A_214 = arith.extui %ge3A_213 : i1 to i32
            %cond3A_215 = arith.constant 0 : i32
            %cond3A_216 = arith.cmpi ne, %convert_element_type3A_214, %cond3A_215 : i32
            scf.if %cond3A_216 {
              %add3A_226 = arith.addi %select_n3A_25, %scan3A_109 : i32
              %sub3A_227 = arith.constant 2 : i32
              %sub3A_228 = arith.subi %add3A_226, %sub3A_227 : i32
              %dma_wait3A_229 = arith.constant 0 : i32
              %dma_wait3A_230 = tpu.memref_slice %arg7[%sub3A_228, %dma_wait3A_229] : memref<136x128xi32, #tpu.memory_space<vmem>> -> memref<1x128xi32, #tpu.memory_space<vmem>>
              %dma_wait3A_231 = tpu.memref_squeeze %dma_wait3A_230 : memref<1x128xi32, #tpu.memory_space<vmem>> -> memref<128xi32, #tpu.memory_space<vmem>>
              %dma_wait3A_232 = arith.constant 0 : i32
              %dma_wait3A_233 = arith.constant 0 : i32
              %dma_wait3A_234 = tpu.memref_slice %arg13[%dma_wait3A_232, %dma_wait3A_233] : memref<10240x16xf32, #tpu.memory_space<vmem_shared>> -> memref<10240x16xf32, #tpu.memory_space<vmem_shared>>
              tpu.wait_indirect_dma semaphore(%arg21 : memref<!tpu.dma_semaphore, #tpu.memory_space<semaphore_mem>>) src(%arg11 : memref<128x16xf32, #tpu.memory_space<vmem>>) dst(%dma_wait3A_234 : memref<10240x16xf32, #tpu.memory_space<vmem_shared>>)
            } else {
            }
            %add3A_217 = arith.addi %select_n3A_25, %scan3A_109 : i32
            %add3A_218 = arith.constant 2 : i32
            %add3A_219 = arith.addi %add3A_217, %add3A_218 : i32
            %dma_start3A_220 = arith.constant 0 : i32
            %dma_start3A_221 = tpu.memref_slice %arg6[%add3A_219, %dma_start3A_220] : memref<136x128xi32, #tpu.memory_space<vmem>> -> memref<1x128xi32, #tpu.memory_space<vmem>>
            %dma_start3A_222 = tpu.memref_squeeze %dma_start3A_221 : memref<1x128xi32, #tpu.memory_space<vmem>> -> memref<128xi32, #tpu.memory_space<vmem>>
            %dma_start3A_223 = arith.constant 0 : i32
            %dma_start3A_224 = arith.constant 0 : i32
            %dma_start3A_225 = tpu.memref_slice %arg2[%dma_start3A_223, %dma_start3A_224] : memref<10240x16xf32, #tpu.memory_space<hbm>> -> memref<10240x16xf32, #tpu.memory_space<hbm>>
            tpu.enqueue_indirect_dma source(%dma_start3A_225 : memref<10240x16xf32, #tpu.memory_space<hbm>>) target(%arg11 : memref<128x16xf32, #tpu.memory_space<vmem>>) offsets(%dma_start3A_222 : memref<128xi32, #tpu.memory_space<vmem>>) semaphore(%arg17 : memref<!tpu.dma_semaphore, #tpu.memory_space<semaphore_mem>>)
          } else {
          }
        } else {
        }
        %jit3A_149 = arith.constant 4 : i32
        %eq3A_150 = arith.constant 0 : i32
        %eq3A_151 = arith.cmpi eq, %jit3A_149, %eq3A_150 : i32
        %jit3A_152 = arith.constant 1 : i32
        %select_n3A_153 = arith.select %eq3A_151, %jit3A_152, %jit3A_149 : i32
        %rem3A_154 = arith.remsi %scan3A_109, %select_n3A_153 : i32
        %ne3A_155 = arith.constant 0 : i32
        %ne3A_156 = arith.cmpi ne, %rem3A_154, %ne3A_155 : i32
        %lt3A_157 = arith.constant 0 : i32
        %lt3A_158 = arith.cmpi slt, %rem3A_154, %lt3A_157 : i32
        %lt3A_159 = arith.constant 0 : i32
        %lt3A_160 = arith.cmpi slt, %select_n3A_153, %lt3A_159 : i32
        %ne3A_161 = arith.xori %lt3A_158, %lt3A_160 : i1
        %and3A_162 = arith.andi %ne3A_161, %ne3A_156 : i1
        %add3A_163 = arith.addi %rem3A_154, %select_n3A_153 : i32
        %select_n3A_164 = arith.select %and3A_162, %add3A_163, %rem3A_154 : i32
        %eq3A_165 = arith.constant 2 : i32
        %eq3A_166 = arith.cmpi eq, %select_n3A_164, %eq3A_165 : i32
        %convert_element_type3A_167 = arith.extui %eq3A_166 : i1 to i32
        %cond3A_168 = arith.constant 0 : i32
        %cond3A_169 = arith.cmpi ne, %convert_element_type3A_167, %cond3A_168 : i32
        scf.if %cond3A_169 {
          %add3A_192 = arith.addi %select_n3A_25, %scan3A_109 : i32
          %dma_wait3A_193 = arith.constant 0 : i32
          %dma_wait3A_194 = tpu.memref_slice %arg6[%add3A_192, %dma_wait3A_193] : memref<136x128xi32, #tpu.memory_space<vmem>> -> memref<1x128xi32, #tpu.memory_space<vmem>>
          %dma_wait3A_195 = tpu.memref_squeeze %dma_wait3A_194 : memref<1x128xi32, #tpu.memory_space<vmem>> -> memref<128xi32, #tpu.memory_space<vmem>>
          %dma_wait3A_196 = arith.constant 0 : i32
          %dma_wait3A_197 = arith.constant 0 : i32
          %dma_wait3A_198 = tpu.memref_slice %arg2[%dma_wait3A_196, %dma_wait3A_197] : memref<10240x16xf32, #tpu.memory_space<hbm>> -> memref<10240x16xf32, #tpu.memory_space<hbm>>
          tpu.wait_indirect_dma semaphore(%arg16 : memref<!tpu.dma_semaphore, #tpu.memory_space<semaphore_mem>>) src(%dma_wait3A_198 : memref<10240x16xf32, #tpu.memory_space<hbm>>) dst(%arg10 : memref<128x16xf32, #tpu.memory_space<vmem>>)
          %add3A_199 = arith.addi %select_n3A_25, %scan3A_109 : i32
          %dma_start3A_200 = arith.constant 0 : i32
          %dma_start3A_201 = tpu.memref_slice %arg7[%add3A_199, %dma_start3A_200] : memref<136x128xi32, #tpu.memory_space<vmem>> -> memref<1x128xi32, #tpu.memory_space<vmem>>
          %dma_start3A_202 = tpu.memref_squeeze %dma_start3A_201 : memref<1x128xi32, #tpu.memory_space<vmem>> -> memref<128xi32, #tpu.memory_space<vmem>>
          %dma_start3A_203 = arith.constant 0 : i32
          %dma_start3A_204 = arith.constant 0 : i32
          %dma_start3A_205 = tpu.memref_slice %arg13[%dma_start3A_203, %dma_start3A_204] : memref<10240x16xf32, #tpu.memory_space<vmem_shared>> -> memref<10240x16xf32, #tpu.memory_space<vmem_shared>>
          tpu.enqueue_indirect_dma source(%arg10 : memref<128x16xf32, #tpu.memory_space<vmem>>) target(%dma_start3A_205 : memref<10240x16xf32, #tpu.memory_space<vmem_shared>>) offsets(%dma_start3A_202 : memref<128xi32, #tpu.memory_space<vmem>>) semaphore(%arg20 : memref<!tpu.dma_semaphore, #tpu.memory_space<semaphore_mem>>) {add = true}
          %add3A_206 = arith.constant 2 : i32
          %add3A_207 = arith.addi %scan3A_109, %add3A_206 : i32
          %lt3A_208 = arith.constant 136 : i32
          %lt3A_209 = arith.cmpi slt, %add3A_207, %lt3A_208 : i32
          %convert_element_type3A_210 = arith.extui %lt3A_209 : i1 to i32
          %cond3A_211 = arith.constant 0 : i32
          %cond3A_212 = arith.cmpi ne, %convert_element_type3A_210, %cond3A_211 : i32
          scf.if %cond3A_212 {
            %ge3A = arith.constant 2 : i32
            %ge3A_213 = arith.cmpi sge, %scan3A_109, %ge3A : i32
            %convert_element_type3A_214 = arith.extui %ge3A_213 : i1 to i32
            %cond3A_215 = arith.constant 0 : i32
            %cond3A_216 = arith.cmpi ne, %convert_element_type3A_214, %cond3A_215 : i32
            scf.if %cond3A_216 {
              %add3A_226 = arith.addi %select_n3A_25, %scan3A_109 : i32
              %sub3A_227 = arith.constant 2 : i32
              %sub3A_228 = arith.subi %add3A_226, %sub3A_227 : i32
              %dma_wait3A_229 = arith.constant 0 : i32
              %dma_wait3A_230 = tpu.memref_slice %arg7[%sub3A_228, %dma_wait3A_229] : memref<136x128xi32, #tpu.memory_space<vmem>> -> memref<1x128xi32, #tpu.memory_space<vmem>>
              %dma_wait3A_231 = tpu.memref_squeeze %dma_wait3A_230 : memref<1x128xi32, #tpu.memory_space<vmem>> -> memref<128xi32, #tpu.memory_space<vmem>>
              %dma_wait3A_232 = arith.constant 0 : i32
              %dma_wait3A_233 = arith.constant 0 : i32
              %dma_wait3A_234 = tpu.memref_slice %arg13[%dma_wait3A_232, %dma_wait3A_233] : memref<10240x16xf32, #tpu.memory_space<vmem_shared>> -> memref<10240x16xf32, #tpu.memory_space<vmem_shared>>
              tpu.wait_indirect_dma semaphore(%arg18 : memref<!tpu.dma_semaphore, #tpu.memory_space<semaphore_mem>>) src(%arg8 : memref<128x16xf32, #tpu.memory_space<vmem>>) dst(%dma_wait3A_234 : memref<10240x16xf32, #tpu.memory_space<vmem_shared>>)
            } else {
            }
            %add3A_217 = arith.addi %select_n3A_25, %scan3A_109 : i32
            %add3A_218 = arith.constant 2 : i32
            %add3A_219 = arith.addi %add3A_217, %add3A_218 : i32
            %dma_start3A_220 = arith.constant 0 : i32
            %dma_start3A_221 = tpu.memref_slice %arg6[%add3A_219, %dma_start3A_220] : memref<136x128xi32, #tpu.memory_space<vmem>> -> memref<1x128xi32, #tpu.memory_space<vmem>>
            %dma_start3A_222 = tpu.memref_squeeze %dma_start3A_221 : memref<1x128xi32, #tpu.memory_space<vmem>> -> memref<128xi32, #tpu.memory_space<vmem>>
            %dma_start3A_223 = arith.constant 0 : i32
            %dma_start3A_224 = arith.constant 0 : i32
            %dma_start3A_225 = tpu.memref_slice %arg2[%dma_start3A_223, %dma_start3A_224] : memref<10240x16xf32, #tpu.memory_space<hbm>> -> memref<10240x16xf32, #tpu.memory_space<hbm>>
            tpu.enqueue_indirect_dma source(%dma_start3A_225 : memref<10240x16xf32, #tpu.memory_space<hbm>>) target(%arg8 : memref<128x16xf32, #tpu.memory_space<vmem>>) offsets(%dma_start3A_222 : memref<128xi32, #tpu.memory_space<vmem>>) semaphore(%arg14 : memref<!tpu.dma_semaphore, #tpu.memory_space<semaphore_mem>>)
          } else {
          }
        } else {
        }
        %jit3A_170 = arith.constant 4 : i32
        %eq3A_171 = arith.constant 0 : i32
        %eq3A_172 = arith.cmpi eq, %jit3A_170, %eq3A_171 : i32
        %jit3A_173 = arith.constant 1 : i32
        %select_n3A_174 = arith.select %eq3A_172, %jit3A_173, %jit3A_170 : i32
        %rem3A_175 = arith.remsi %scan3A_109, %select_n3A_174 : i32
        %ne3A_176 = arith.constant 0 : i32
        %ne3A_177 = arith.cmpi ne, %rem3A_175, %ne3A_176 : i32
        %lt3A_178 = arith.constant 0 : i32
        %lt3A_179 = arith.cmpi slt, %rem3A_175, %lt3A_178 : i32
        %lt3A_180 = arith.constant 0 : i32
        %lt3A_181 = arith.cmpi slt, %select_n3A_174, %lt3A_180 : i32
        %ne3A_182 = arith.xori %lt3A_179, %lt3A_181 : i1
        %and3A_183 = arith.andi %ne3A_182, %ne3A_177 : i1
        %add3A_184 = arith.addi %rem3A_175, %select_n3A_174 : i32
        %select_n3A_185 = arith.select %and3A_183, %add3A_184, %rem3A_175 : i32
        %eq3A_186 = arith.constant 3 : i32
        %eq3A_187 = arith.cmpi eq, %select_n3A_185, %eq3A_186 : i32
        %convert_element_type3A_188 = arith.extui %eq3A_187 : i1 to i32
        %cond3A_189 = arith.constant 0 : i32
        %cond3A_190 = arith.cmpi ne, %convert_element_type3A_188, %cond3A_189 : i32
        scf.if %cond3A_190 {
          %add3A_192 = arith.addi %select_n3A_25, %scan3A_109 : i32
          %dma_wait3A_193 = arith.constant 0 : i32
          %dma_wait3A_194 = tpu.memref_slice %arg6[%add3A_192, %dma_wait3A_193] : memref<136x128xi32, #tpu.memory_space<vmem>> -> memref<1x128xi32, #tpu.memory_space<vmem>>
          %dma_wait3A_195 = tpu.memref_squeeze %dma_wait3A_194 : memref<1x128xi32, #tpu.memory_space<vmem>> -> memref<128xi32, #tpu.memory_space<vmem>>
          %dma_wait3A_196 = arith.constant 0 : i32
          %dma_wait3A_197 = arith.constant 0 : i32
          %dma_wait3A_198 = tpu.memref_slice %arg2[%dma_wait3A_196, %dma_wait3A_197] : memref<10240x16xf32, #tpu.memory_space<hbm>> -> memref<10240x16xf32, #tpu.memory_space<hbm>>
          tpu.wait_indirect_dma semaphore(%arg17 : memref<!tpu.dma_semaphore, #tpu.memory_space<semaphore_mem>>) src(%dma_wait3A_198 : memref<10240x16xf32, #tpu.memory_space<hbm>>) dst(%arg11 : memref<128x16xf32, #tpu.memory_space<vmem>>)
          %add3A_199 = arith.addi %select_n3A_25, %scan3A_109 : i32
          %dma_start3A_200 = arith.constant 0 : i32
          %dma_start3A_201 = tpu.memref_slice %arg7[%add3A_199, %dma_start3A_200] : memref<136x128xi32, #tpu.memory_space<vmem>> -> memref<1x128xi32, #tpu.memory_space<vmem>>
          %dma_start3A_202 = tpu.memref_squeeze %dma_start3A_201 : memref<1x128xi32, #tpu.memory_space<vmem>> -> memref<128xi32, #tpu.memory_space<vmem>>
          %dma_start3A_203 = arith.constant 0 : i32
          %dma_start3A_204 = arith.constant 0 : i32
          %dma_start3A_205 = tpu.memref_slice %arg13[%dma_start3A_203, %dma_start3A_204] : memref<10240x16xf32, #tpu.memory_space<vmem_shared>> -> memref<10240x16xf32, #tpu.memory_space<vmem_shared>>
          tpu.enqueue_indirect_dma source(%arg11 : memref<128x16xf32, #tpu.memory_space<vmem>>) target(%dma_start3A_205 : memref<10240x16xf32, #tpu.memory_space<vmem_shared>>) offsets(%dma_start3A_202 : memref<128xi32, #tpu.memory_space<vmem>>) semaphore(%arg21 : memref<!tpu.dma_semaphore, #tpu.memory_space<semaphore_mem>>) {add = true}
          %add3A_206 = arith.constant 2 : i32
          %add3A_207 = arith.addi %scan3A_109, %add3A_206 : i32
          %lt3A_208 = arith.constant 136 : i32
          %lt3A_209 = arith.cmpi slt, %add3A_207, %lt3A_208 : i32
          %convert_element_type3A_210 = arith.extui %lt3A_209 : i1 to i32
          %cond3A_211 = arith.constant 0 : i32
          %cond3A_212 = arith.cmpi ne, %convert_element_type3A_210, %cond3A_211 : i32
          scf.if %cond3A_212 {
            %ge3A = arith.constant 2 : i32
            %ge3A_213 = arith.cmpi sge, %scan3A_109, %ge3A : i32
            %convert_element_type3A_214 = arith.extui %ge3A_213 : i1 to i32
            %cond3A_215 = arith.constant 0 : i32
            %cond3A_216 = arith.cmpi ne, %convert_element_type3A_214, %cond3A_215 : i32
            scf.if %cond3A_216 {
              %add3A_226 = arith.addi %select_n3A_25, %scan3A_109 : i32
              %sub3A_227 = arith.constant 2 : i32
              %sub3A_228 = arith.subi %add3A_226, %sub3A_227 : i32
              %dma_wait3A_229 = arith.constant 0 : i32
              %dma_wait3A_230 = tpu.memref_slice %arg7[%sub3A_228, %dma_wait3A_229] : memref<136x128xi32, #tpu.memory_space<vmem>> -> memref<1x128xi32, #tpu.memory_space<vmem>>
              %dma_wait3A_231 = tpu.memref_squeeze %dma_wait3A_230 : memref<1x128xi32, #tpu.memory_space<vmem>> -> memref<128xi32, #tpu.memory_space<vmem>>
              %dma_wait3A_232 = arith.constant 0 : i32
              %dma_wait3A_233 = arith.constant 0 : i32
              %dma_wait3A_234 = tpu.memref_slice %arg13[%dma_wait3A_232, %dma_wait3A_233] : memref<10240x16xf32, #tpu.memory_space<vmem_shared>> -> memref<10240x16xf32, #tpu.memory_space<vmem_shared>>
              tpu.wait_indirect_dma semaphore(%arg19 : memref<!tpu.dma_semaphore, #tpu.memory_space<semaphore_mem>>) src(%arg9 : memref<128x16xf32, #tpu.memory_space<vmem>>) dst(%dma_wait3A_234 : memref<10240x16xf32, #tpu.memory_space<vmem_shared>>)
            } else {
            }
            %add3A_217 = arith.addi %select_n3A_25, %scan3A_109 : i32
            %add3A_218 = arith.constant 2 : i32
            %add3A_219 = arith.addi %add3A_217, %add3A_218 : i32
            %dma_start3A_220 = arith.constant 0 : i32
            %dma_start3A_221 = tpu.memref_slice %arg6[%add3A_219, %dma_start3A_220] : memref<136x128xi32, #tpu.memory_space<vmem>> -> memref<1x128xi32, #tpu.memory_space<vmem>>
            %dma_start3A_222 = tpu.memref_squeeze %dma_start3A_221 : memref<1x128xi32, #tpu.memory_space<vmem>> -> memref<128xi32, #tpu.memory_space<vmem>>
            %dma_start3A_223 = arith.constant 0 : i32
            %dma_start3A_224 = arith.constant 0 : i32
            %dma_start3A_225 = tpu.memref_slice %arg2[%dma_start3A_223, %dma_start3A_224] : memref<10240x16xf32, #tpu.memory_space<hbm>> -> memref<10240x16xf32, #tpu.memory_space<hbm>>
            tpu.enqueue_indirect_dma source(%dma_start3A_225 : memref<10240x16xf32, #tpu.memory_space<hbm>>) target(%arg9 : memref<128x16xf32, #tpu.memory_space<vmem>>) offsets(%dma_start3A_222 : memref<128xi32, #tpu.memory_space<vmem>>) semaphore(%arg15 : memref<!tpu.dma_semaphore, #tpu.memory_space<semaphore_mem>>)
          } else {
          }
        } else {
        }
        %scan3A_191 = arith.constant 0 : i32
        scf.yield %scan3A_191 : i32
      }
      %scan3A_61 = arith.constant 136 : i32
      %add3A_62 = arith.constant 136 : i32
      %add3A_63 = arith.addi %select_n3A_25, %add3A_62 : i32
      %sub3A_64 = arith.constant 4 : i32
      %sub3A_65 = arith.subi %add3A_63, %sub3A_64 : i32
      %add3A_66 = arith.constant 0 : i32
      %add3A_67 = arith.addi %sub3A_65, %add3A_66 : i32
      %dma_wait3A = arith.constant 0 : i32
      %dma_wait3A_68 = tpu.memref_slice %arg7[%add3A_67, %dma_wait3A] : memref<136x128xi32, #tpu.memory_space<vmem>> -> memref<1x128xi32, #tpu.memory_space<vmem>>
      %dma_wait3A_69 = tpu.memref_squeeze %dma_wait3A_68 : memref<1x128xi32, #tpu.memory_space<vmem>> -> memref<128xi32, #tpu.memory_space<vmem>>
      %dma_wait3A_70 = arith.constant 0 : i32
      %dma_wait3A_71 = arith.constant 0 : i32
      %dma_wait3A_72 = tpu.memref_slice %arg13[%dma_wait3A_70, %dma_wait3A_71] : memref<10240x16xf32, #tpu.memory_space<vmem_shared>> -> memref<10240x16xf32, #tpu.memory_space<vmem_shared>>
      tpu.wait_indirect_dma semaphore(%arg18 : memref<!tpu.dma_semaphore, #tpu.memory_space<semaphore_mem>>) src(%arg8 : memref<128x16xf32, #tpu.memory_space<vmem>>) dst(%dma_wait3A_72 : memref<10240x16xf32, #tpu.memory_space<vmem_shared>>)
      %add3A_73 = arith.constant 136 : i32
      %add3A_74 = arith.addi %select_n3A_25, %add3A_73 : i32
      %sub3A_75 = arith.constant 4 : i32
      %sub3A_76 = arith.subi %add3A_74, %sub3A_75 : i32
      %add3A_77 = arith.constant 1 : i32
      %add3A_78 = arith.addi %sub3A_76, %add3A_77 : i32
      %dma_wait3A_79 = arith.constant 0 : i32
      %dma_wait3A_80 = tpu.memref_slice %arg7[%add3A_78, %dma_wait3A_79] : memref<136x128xi32, #tpu.memory_space<vmem>> -> memref<1x128xi32, #tpu.memory_space<vmem>>
      %dma_wait3A_81 = tpu.memref_squeeze %dma_wait3A_80 : memref<1x128xi32, #tpu.memory_space<vmem>> -> memref<128xi32, #tpu.memory_space<vmem>>
      %dma_wait3A_82 = arith.constant 0 : i32
      %dma_wait3A_83 = arith.constant 0 : i32
      %dma_wait3A_84 = tpu.memref_slice %arg13[%dma_wait3A_82, %dma_wait3A_83] : memref<10240x16xf32, #tpu.memory_space<vmem_shared>> -> memref<10240x16xf32, #tpu.memory_space<vmem_shared>>
      tpu.wait_indirect_dma semaphore(%arg19 : memref<!tpu.dma_semaphore, #tpu.memory_space<semaphore_mem>>) src(%arg9 : memref<128x16xf32, #tpu.memory_space<vmem>>) dst(%dma_wait3A_84 : memref<10240x16xf32, #tpu.memory_space<vmem_shared>>)
      %add3A_85 = arith.constant 136 : i32
      %add3A_86 = arith.addi %select_n3A_25, %add3A_85 : i32
      %sub3A_87 = arith.constant 4 : i32
      %sub3A_88 = arith.subi %add3A_86, %sub3A_87 : i32
      %add3A_89 = arith.constant 2 : i32
      %add3A_90 = arith.addi %sub3A_88, %add3A_89 : i32
      %dma_wait3A_91 = arith.constant 0 : i32
      %dma_wait3A_92 = tpu.memref_slice %arg7[%add3A_90, %dma_wait3A_91] : memref<136x128xi32, #tpu.memory_space<vmem>> -> memref<1x128xi32, #tpu.memory_space<vmem>>
      %dma_wait3A_93 = tpu.memref_squeeze %dma_wait3A_92 : memref<1x128xi32, #tpu.memory_space<vmem>> -> memref<128xi32, #tpu.memory_space<vmem>>
      %dma_wait3A_94 = arith.constant 0 : i32
      %dma_wait3A_95 = arith.constant 0 : i32
      %dma_wait3A_96 = tpu.memref_slice %arg13[%dma_wait3A_94, %dma_wait3A_95] : memref<10240x16xf32, #tpu.memory_space<vmem_shared>> -> memref<10240x16xf32, #tpu.memory_space<vmem_shared>>
      tpu.wait_indirect_dma semaphore(%arg20 : memref<!tpu.dma_semaphore, #tpu.memory_space<semaphore_mem>>) src(%arg10 : memref<128x16xf32, #tpu.memory_space<vmem>>) dst(%dma_wait3A_96 : memref<10240x16xf32, #tpu.memory_space<vmem_shared>>)
      %add3A_97 = arith.constant 136 : i32
      %add3A_98 = arith.addi %select_n3A_25, %add3A_97 : i32
      %sub3A_99 = arith.constant 4 : i32
      %sub3A_100 = arith.subi %add3A_98, %sub3A_99 : i32
      %add3A_101 = arith.constant 3 : i32
      %add3A_102 = arith.addi %sub3A_100, %add3A_101 : i32
      %dma_wait3A_103 = arith.constant 0 : i32
      %dma_wait3A_104 = tpu.memref_slice %arg7[%add3A_102, %dma_wait3A_103] : memref<136x128xi32, #tpu.memory_space<vmem>> -> memref<1x128xi32, #tpu.memory_space<vmem>>
      %dma_wait3A_105 = tpu.memref_squeeze %dma_wait3A_104 : memref<1x128xi32, #tpu.memory_space<vmem>> -> memref<128xi32, #tpu.memory_space<vmem>>
      %dma_wait3A_106 = arith.constant 0 : i32
      %dma_wait3A_107 = arith.constant 0 : i32
      %dma_wait3A_108 = tpu.memref_slice %arg13[%dma_wait3A_106, %dma_wait3A_107] : memref<10240x16xf32, #tpu.memory_space<vmem_shared>> -> memref<10240x16xf32, #tpu.memory_space<vmem_shared>>
      tpu.wait_indirect_dma semaphore(%arg21 : memref<!tpu.dma_semaphore, #tpu.memory_space<semaphore_mem>>) src(%arg11 : memref<128x16xf32, #tpu.memory_space<vmem>>) dst(%dma_wait3A_108 : memref<10240x16xf32, #tpu.memory_space<vmem_shared>>)
    } else {
    }
    %eq3A_29 = arith.constant 1 : i32
    %eq3A_30 = arith.cmpi eq, %arg0, %eq3A_29 : i32
    %convert_element_type3A_31 = arith.extui %eq3A_30 : i1 to i32
    %cond3A_32 = arith.constant 0 : i32
    %cond3A_33 = arith.cmpi ne, %convert_element_type3A_31, %cond3A_32 : i32
    scf.if %cond3A_33 {
      %dma_start3A = arith.constant 0 : i32
      %dma_start3A_42 = tpu.memref_slice %arg6[%select_n3A_25, %dma_start3A] : memref<136x128xi32, #tpu.memory_space<vmem>> -> memref<1x128xi32, #tpu.memory_space<vmem>>
      %dma_start3A_43 = tpu.memref_squeeze %dma_start3A_42 : memref<1x128xi32, #tpu.memory_space<vmem>> -> memref<128xi32, #tpu.memory_space<vmem>>
      %dma_start3A_44 = arith.constant 0 : i32
      %dma_start3A_45 = arith.constant 0 : i32
      %dma_start3A_46 = tpu.memref_slice %arg2[%dma_start3A_44, %dma_start3A_45] : memref<10240x16xf32, #tpu.memory_space<hbm>> -> memref<10240x16xf32, #tpu.memory_space<hbm>>
      tpu.enqueue_indirect_dma source(%dma_start3A_46 : memref<10240x16xf32, #tpu.memory_space<hbm>>) target(%arg8 : memref<128x16xf32, #tpu.memory_space<vmem>>) offsets(%dma_start3A_43 : memref<128xi32, #tpu.memory_space<vmem>>) semaphore(%arg14 : memref<!tpu.dma_semaphore, #tpu.memory_space<semaphore_mem>>)
      %add3A_47 = arith.constant 1 : i32
      %add3A_48 = arith.addi %select_n3A_25, %add3A_47 : i32
      %dma_start3A_49 = arith.constant 0 : i32
      %dma_start3A_50 = tpu.memref_slice %arg6[%add3A_48, %dma_start3A_49] : memref<136x128xi32, #tpu.memory_space<vmem>> -> memref<1x128xi32, #tpu.memory_space<vmem>>
      %dma_start3A_51 = tpu.memref_squeeze %dma_start3A_50 : memref<1x128xi32, #tpu.memory_space<vmem>> -> memref<128xi32, #tpu.memory_space<vmem>>
      %dma_start3A_52 = arith.constant 0 : i32
      %dma_start3A_53 = arith.constant 0 : i32
      %dma_start3A_54 = tpu.memref_slice %arg2[%dma_start3A_52, %dma_start3A_53] : memref<10240x16xf32, #tpu.memory_space<hbm>> -> memref<10240x16xf32, #tpu.memory_space<hbm>>
      tpu.enqueue_indirect_dma source(%dma_start3A_54 : memref<10240x16xf32, #tpu.memory_space<hbm>>) target(%arg9 : memref<128x16xf32, #tpu.memory_space<vmem>>) offsets(%dma_start3A_51 : memref<128xi32, #tpu.memory_space<vmem>>) semaphore(%arg15 : memref<!tpu.dma_semaphore, #tpu.memory_space<semaphore_mem>>)
      %scan3A_55 = arith.constant 0 : i32
      %scan3A_56 = arith.constant 0 : i32
      %scan3A_57 = arith.constant 24 : i32
      %scan3A_58 = arith.addi %scan3A_56, %scan3A_57 : i32
      %scan3A_59 = arith.constant 1 : i32
      %scan3A_60 = scf.for %scan3A_109 = %scan3A_56 to %scan3A_58 step %scan3A_59 iter_args(%scan3A_110 = %scan3A_55) -> (i32)  : i32 {
        %jit3A_111 = arith.constant 4 : i32
        %eq3A_112 = arith.constant 0 : i32
        %eq3A_113 = arith.cmpi eq, %jit3A_111, %eq3A_112 : i32
        %jit3A_114 = arith.constant 1 : i32
        %select_n3A_115 = arith.select %eq3A_113, %jit3A_114, %jit3A_111 : i32
        %rem3A = arith.remsi %scan3A_109, %select_n3A_115 : i32
        %ne3A = arith.constant 0 : i32
        %ne3A_116 = arith.cmpi ne, %rem3A, %ne3A : i32
        %lt3A = arith.constant 0 : i32
        %lt3A_117 = arith.cmpi slt, %rem3A, %lt3A : i32
        %lt3A_118 = arith.constant 0 : i32
        %lt3A_119 = arith.cmpi slt, %select_n3A_115, %lt3A_118 : i32
        %ne3A_120 = arith.xori %lt3A_117, %lt3A_119 : i1
        %and3A = arith.andi %ne3A_120, %ne3A_116 : i1
        %add3A_121 = arith.addi %rem3A, %select_n3A_115 : i32
        %select_n3A_122 = arith.select %and3A, %add3A_121, %rem3A : i32
        %eq3A_123 = arith.constant 0 : i32
        %eq3A_124 = arith.cmpi eq, %select_n3A_122, %eq3A_123 : i32
        %convert_element_type3A_125 = arith.extui %eq3A_124 : i1 to i32
        %cond3A_126 = arith.constant 0 : i32
        %cond3A_127 = arith.cmpi ne, %convert_element_type3A_125, %cond3A_126 : i32
        scf.if %cond3A_127 {
          %add3A_192 = arith.addi %select_n3A_25, %scan3A_109 : i32
          %dma_wait3A_193 = arith.constant 0 : i32
          %dma_wait3A_194 = tpu.memref_slice %arg6[%add3A_192, %dma_wait3A_193] : memref<136x128xi32, #tpu.memory_space<vmem>> -> memref<1x128xi32, #tpu.memory_space<vmem>>
          %dma_wait3A_195 = tpu.memref_squeeze %dma_wait3A_194 : memref<1x128xi32, #tpu.memory_space<vmem>> -> memref<128xi32, #tpu.memory_space<vmem>>
          %dma_wait3A_196 = arith.constant 0 : i32
          %dma_wait3A_197 = arith.constant 0 : i32
          %dma_wait3A_198 = tpu.memref_slice %arg2[%dma_wait3A_196, %dma_wait3A_197] : memref<10240x16xf32, #tpu.memory_space<hbm>> -> memref<10240x16xf32, #tpu.memory_space<hbm>>
          tpu.wait_indirect_dma semaphore(%arg14 : memref<!tpu.dma_semaphore, #tpu.memory_space<semaphore_mem>>) src(%dma_wait3A_198 : memref<10240x16xf32, #tpu.memory_space<hbm>>) dst(%arg8 : memref<128x16xf32, #tpu.memory_space<vmem>>)
          %add3A_199 = arith.addi %select_n3A_25, %scan3A_109 : i32
          %dma_start3A_200 = arith.constant 0 : i32
          %dma_start3A_201 = tpu.memref_slice %arg7[%add3A_199, %dma_start3A_200] : memref<136x128xi32, #tpu.memory_space<vmem>> -> memref<1x128xi32, #tpu.memory_space<vmem>>
          %dma_start3A_202 = tpu.memref_squeeze %dma_start3A_201 : memref<1x128xi32, #tpu.memory_space<vmem>> -> memref<128xi32, #tpu.memory_space<vmem>>
          %dma_start3A_203 = arith.constant 0 : i32
          %dma_start3A_204 = arith.constant 0 : i32
          %dma_start3A_205 = tpu.memref_slice %arg13[%dma_start3A_203, %dma_start3A_204] : memref<10240x16xf32, #tpu.memory_space<vmem_shared>> -> memref<10240x16xf32, #tpu.memory_space<vmem_shared>>
          tpu.enqueue_indirect_dma source(%arg8 : memref<128x16xf32, #tpu.memory_space<vmem>>) target(%dma_start3A_205 : memref<10240x16xf32, #tpu.memory_space<vmem_shared>>) offsets(%dma_start3A_202 : memref<128xi32, #tpu.memory_space<vmem>>) semaphore(%arg18 : memref<!tpu.dma_semaphore, #tpu.memory_space<semaphore_mem>>) {add = true}
          %add3A_206 = arith.constant 2 : i32
          %add3A_207 = arith.addi %scan3A_109, %add3A_206 : i32
          %lt3A_208 = arith.constant 24 : i32
          %lt3A_209 = arith.cmpi slt, %add3A_207, %lt3A_208 : i32
          %convert_element_type3A_210 = arith.extui %lt3A_209 : i1 to i32
          %cond3A_211 = arith.constant 0 : i32
          %cond3A_212 = arith.cmpi ne, %convert_element_type3A_210, %cond3A_211 : i32
          scf.if %cond3A_212 {
            %ge3A = arith.constant 2 : i32
            %ge3A_213 = arith.cmpi sge, %scan3A_109, %ge3A : i32
            %convert_element_type3A_214 = arith.extui %ge3A_213 : i1 to i32
            %cond3A_215 = arith.constant 0 : i32
            %cond3A_216 = arith.cmpi ne, %convert_element_type3A_214, %cond3A_215 : i32
            scf.if %cond3A_216 {
              %add3A_226 = arith.addi %select_n3A_25, %scan3A_109 : i32
              %sub3A_227 = arith.constant 2 : i32
              %sub3A_228 = arith.subi %add3A_226, %sub3A_227 : i32
              %dma_wait3A_229 = arith.constant 0 : i32
              %dma_wait3A_230 = tpu.memref_slice %arg7[%sub3A_228, %dma_wait3A_229] : memref<136x128xi32, #tpu.memory_space<vmem>> -> memref<1x128xi32, #tpu.memory_space<vmem>>
              %dma_wait3A_231 = tpu.memref_squeeze %dma_wait3A_230 : memref<1x128xi32, #tpu.memory_space<vmem>> -> memref<128xi32, #tpu.memory_space<vmem>>
              %dma_wait3A_232 = arith.constant 0 : i32
              %dma_wait3A_233 = arith.constant 0 : i32
              %dma_wait3A_234 = tpu.memref_slice %arg13[%dma_wait3A_232, %dma_wait3A_233] : memref<10240x16xf32, #tpu.memory_space<vmem_shared>> -> memref<10240x16xf32, #tpu.memory_space<vmem_shared>>
              tpu.wait_indirect_dma semaphore(%arg20 : memref<!tpu.dma_semaphore, #tpu.memory_space<semaphore_mem>>) src(%arg10 : memref<128x16xf32, #tpu.memory_space<vmem>>) dst(%dma_wait3A_234 : memref<10240x16xf32, #tpu.memory_space<vmem_shared>>)
            } else {
            }
            %add3A_217 = arith.addi %select_n3A_25, %scan3A_109 : i32
            %add3A_218 = arith.constant 2 : i32
            %add3A_219 = arith.addi %add3A_217, %add3A_218 : i32
            %dma_start3A_220 = arith.constant 0 : i32
            %dma_start3A_221 = tpu.memref_slice %arg6[%add3A_219, %dma_start3A_220] : memref<136x128xi32, #tpu.memory_space<vmem>> -> memref<1x128xi32, #tpu.memory_space<vmem>>
            %dma_start3A_222 = tpu.memref_squeeze %dma_start3A_221 : memref<1x128xi32, #tpu.memory_space<vmem>> -> memref<128xi32, #tpu.memory_space<vmem>>
            %dma_start3A_223 = arith.constant 0 : i32
            %dma_start3A_224 = arith.constant 0 : i32
            %dma_start3A_225 = tpu.memref_slice %arg2[%dma_start3A_223, %dma_start3A_224] : memref<10240x16xf32, #tpu.memory_space<hbm>> -> memref<10240x16xf32, #tpu.memory_space<hbm>>
            tpu.enqueue_indirect_dma source(%dma_start3A_225 : memref<10240x16xf32, #tpu.memory_space<hbm>>) target(%arg10 : memref<128x16xf32, #tpu.memory_space<vmem>>) offsets(%dma_start3A_222 : memref<128xi32, #tpu.memory_space<vmem>>) semaphore(%arg16 : memref<!tpu.dma_semaphore, #tpu.memory_space<semaphore_mem>>)
          } else {
          }
        } else {
        }
        %jit3A_128 = arith.constant 4 : i32
        %eq3A_129 = arith.constant 0 : i32
        %eq3A_130 = arith.cmpi eq, %jit3A_128, %eq3A_129 : i32
        %jit3A_131 = arith.constant 1 : i32
        %select_n3A_132 = arith.select %eq3A_130, %jit3A_131, %jit3A_128 : i32
        %rem3A_133 = arith.remsi %scan3A_109, %select_n3A_132 : i32
        %ne3A_134 = arith.constant 0 : i32
        %ne3A_135 = arith.cmpi ne, %rem3A_133, %ne3A_134 : i32
        %lt3A_136 = arith.constant 0 : i32
        %lt3A_137 = arith.cmpi slt, %rem3A_133, %lt3A_136 : i32
        %lt3A_138 = arith.constant 0 : i32
        %lt3A_139 = arith.cmpi slt, %select_n3A_132, %lt3A_138 : i32
        %ne3A_140 = arith.xori %lt3A_137, %lt3A_139 : i1
        %and3A_141 = arith.andi %ne3A_140, %ne3A_135 : i1
        %add3A_142 = arith.addi %rem3A_133, %select_n3A_132 : i32
        %select_n3A_143 = arith.select %and3A_141, %add3A_142, %rem3A_133 : i32
        %eq3A_144 = arith.constant 1 : i32
        %eq3A_145 = arith.cmpi eq, %select_n3A_143, %eq3A_144 : i32
        %convert_element_type3A_146 = arith.extui %eq3A_145 : i1 to i32
        %cond3A_147 = arith.constant 0 : i32
        %cond3A_148 = arith.cmpi ne, %convert_element_type3A_146, %cond3A_147 : i32
        scf.if %cond3A_148 {
          %add3A_192 = arith.addi %select_n3A_25, %scan3A_109 : i32
          %dma_wait3A_193 = arith.constant 0 : i32
          %dma_wait3A_194 = tpu.memref_slice %arg6[%add3A_192, %dma_wait3A_193] : memref<136x128xi32, #tpu.memory_space<vmem>> -> memref<1x128xi32, #tpu.memory_space<vmem>>
          %dma_wait3A_195 = tpu.memref_squeeze %dma_wait3A_194 : memref<1x128xi32, #tpu.memory_space<vmem>> -> memref<128xi32, #tpu.memory_space<vmem>>
          %dma_wait3A_196 = arith.constant 0 : i32
          %dma_wait3A_197 = arith.constant 0 : i32
          %dma_wait3A_198 = tpu.memref_slice %arg2[%dma_wait3A_196, %dma_wait3A_197] : memref<10240x16xf32, #tpu.memory_space<hbm>> -> memref<10240x16xf32, #tpu.memory_space<hbm>>
          tpu.wait_indirect_dma semaphore(%arg15 : memref<!tpu.dma_semaphore, #tpu.memory_space<semaphore_mem>>) src(%dma_wait3A_198 : memref<10240x16xf32, #tpu.memory_space<hbm>>) dst(%arg9 : memref<128x16xf32, #tpu.memory_space<vmem>>)
          %add3A_199 = arith.addi %select_n3A_25, %scan3A_109 : i32
          %dma_start3A_200 = arith.constant 0 : i32
          %dma_start3A_201 = tpu.memref_slice %arg7[%add3A_199, %dma_start3A_200] : memref<136x128xi32, #tpu.memory_space<vmem>> -> memref<1x128xi32, #tpu.memory_space<vmem>>
          %dma_start3A_202 = tpu.memref_squeeze %dma_start3A_201 : memref<1x128xi32, #tpu.memory_space<vmem>> -> memref<128xi32, #tpu.memory_space<vmem>>
          %dma_start3A_203 = arith.constant 0 : i32
          %dma_start3A_204 = arith.constant 0 : i32
          %dma_start3A_205 = tpu.memref_slice %arg13[%dma_start3A_203, %dma_start3A_204] : memref<10240x16xf32, #tpu.memory_space<vmem_shared>> -> memref<10240x16xf32, #tpu.memory_space<vmem_shared>>
          tpu.enqueue_indirect_dma source(%arg9 : memref<128x16xf32, #tpu.memory_space<vmem>>) target(%dma_start3A_205 : memref<10240x16xf32, #tpu.memory_space<vmem_shared>>) offsets(%dma_start3A_202 : memref<128xi32, #tpu.memory_space<vmem>>) semaphore(%arg19 : memref<!tpu.dma_semaphore, #tpu.memory_space<semaphore_mem>>) {add = true}
          %add3A_206 = arith.constant 2 : i32
          %add3A_207 = arith.addi %scan3A_109, %add3A_206 : i32
          %lt3A_208 = arith.constant 24 : i32
          %lt3A_209 = arith.cmpi slt, %add3A_207, %lt3A_208 : i32
          %convert_element_type3A_210 = arith.extui %lt3A_209 : i1 to i32
          %cond3A_211 = arith.constant 0 : i32
          %cond3A_212 = arith.cmpi ne, %convert_element_type3A_210, %cond3A_211 : i32
          scf.if %cond3A_212 {
            %ge3A = arith.constant 2 : i32
            %ge3A_213 = arith.cmpi sge, %scan3A_109, %ge3A : i32
            %convert_element_type3A_214 = arith.extui %ge3A_213 : i1 to i32
            %cond3A_215 = arith.constant 0 : i32
            %cond3A_216 = arith.cmpi ne, %convert_element_type3A_214, %cond3A_215 : i32
            scf.if %cond3A_216 {
              %add3A_226 = arith.addi %select_n3A_25, %scan3A_109 : i32
              %sub3A_227 = arith.constant 2 : i32
              %sub3A_228 = arith.subi %add3A_226, %sub3A_227 : i32
              %dma_wait3A_229 = arith.constant 0 : i32
              %dma_wait3A_230 = tpu.memref_slice %arg7[%sub3A_228, %dma_wait3A_229] : memref<136x128xi32, #tpu.memory_space<vmem>> -> memref<1x128xi32, #tpu.memory_space<vmem>>
              %dma_wait3A_231 = tpu.memref_squeeze %dma_wait3A_230 : memref<1x128xi32, #tpu.memory_space<vmem>> -> memref<128xi32, #tpu.memory_space<vmem>>
              %dma_wait3A_232 = arith.constant 0 : i32
              %dma_wait3A_233 = arith.constant 0 : i32
              %dma_wait3A_234 = tpu.memref_slice %arg13[%dma_wait3A_232, %dma_wait3A_233] : memref<10240x16xf32, #tpu.memory_space<vmem_shared>> -> memref<10240x16xf32, #tpu.memory_space<vmem_shared>>
              tpu.wait_indirect_dma semaphore(%arg21 : memref<!tpu.dma_semaphore, #tpu.memory_space<semaphore_mem>>) src(%arg11 : memref<128x16xf32, #tpu.memory_space<vmem>>) dst(%dma_wait3A_234 : memref<10240x16xf32, #tpu.memory_space<vmem_shared>>)
            } else {
            }
            %add3A_217 = arith.addi %select_n3A_25, %scan3A_109 : i32
            %add3A_218 = arith.constant 2 : i32
            %add3A_219 = arith.addi %add3A_217, %add3A_218 : i32
            %dma_start3A_220 = arith.constant 0 : i32
            %dma_start3A_221 = tpu.memref_slice %arg6[%add3A_219, %dma_start3A_220] : memref<136x128xi32, #tpu.memory_space<vmem>> -> memref<1x128xi32, #tpu.memory_space<vmem>>
            %dma_start3A_222 = tpu.memref_squeeze %dma_start3A_221 : memref<1x128xi32, #tpu.memory_space<vmem>> -> memref<128xi32, #tpu.memory_space<vmem>>
            %dma_start3A_223 = arith.constant 0 : i32
            %dma_start3A_224 = arith.constant 0 : i32
            %dma_start3A_225 = tpu.memref_slice %arg2[%dma_start3A_223, %dma_start3A_224] : memref<10240x16xf32, #tpu.memory_space<hbm>> -> memref<10240x16xf32, #tpu.memory_space<hbm>>
            tpu.enqueue_indirect_dma source(%dma_start3A_225 : memref<10240x16xf32, #tpu.memory_space<hbm>>) target(%arg11 : memref<128x16xf32, #tpu.memory_space<vmem>>) offsets(%dma_start3A_222 : memref<128xi32, #tpu.memory_space<vmem>>) semaphore(%arg17 : memref<!tpu.dma_semaphore, #tpu.memory_space<semaphore_mem>>)
          } else {
          }
        } else {
        }
        %jit3A_149 = arith.constant 4 : i32
        %eq3A_150 = arith.constant 0 : i32
        %eq3A_151 = arith.cmpi eq, %jit3A_149, %eq3A_150 : i32
        %jit3A_152 = arith.constant 1 : i32
        %select_n3A_153 = arith.select %eq3A_151, %jit3A_152, %jit3A_149 : i32
        %rem3A_154 = arith.remsi %scan3A_109, %select_n3A_153 : i32
        %ne3A_155 = arith.constant 0 : i32
        %ne3A_156 = arith.cmpi ne, %rem3A_154, %ne3A_155 : i32
        %lt3A_157 = arith.constant 0 : i32
        %lt3A_158 = arith.cmpi slt, %rem3A_154, %lt3A_157 : i32
        %lt3A_159 = arith.constant 0 : i32
        %lt3A_160 = arith.cmpi slt, %select_n3A_153, %lt3A_159 : i32
        %ne3A_161 = arith.xori %lt3A_158, %lt3A_160 : i1
        %and3A_162 = arith.andi %ne3A_161, %ne3A_156 : i1
        %add3A_163 = arith.addi %rem3A_154, %select_n3A_153 : i32
        %select_n3A_164 = arith.select %and3A_162, %add3A_163, %rem3A_154 : i32
        %eq3A_165 = arith.constant 2 : i32
        %eq3A_166 = arith.cmpi eq, %select_n3A_164, %eq3A_165 : i32
        %convert_element_type3A_167 = arith.extui %eq3A_166 : i1 to i32
        %cond3A_168 = arith.constant 0 : i32
        %cond3A_169 = arith.cmpi ne, %convert_element_type3A_167, %cond3A_168 : i32
        scf.if %cond3A_169 {
          %add3A_192 = arith.addi %select_n3A_25, %scan3A_109 : i32
          %dma_wait3A_193 = arith.constant 0 : i32
          %dma_wait3A_194 = tpu.memref_slice %arg6[%add3A_192, %dma_wait3A_193] : memref<136x128xi32, #tpu.memory_space<vmem>> -> memref<1x128xi32, #tpu.memory_space<vmem>>
          %dma_wait3A_195 = tpu.memref_squeeze %dma_wait3A_194 : memref<1x128xi32, #tpu.memory_space<vmem>> -> memref<128xi32, #tpu.memory_space<vmem>>
          %dma_wait3A_196 = arith.constant 0 : i32
          %dma_wait3A_197 = arith.constant 0 : i32
          %dma_wait3A_198 = tpu.memref_slice %arg2[%dma_wait3A_196, %dma_wait3A_197] : memref<10240x16xf32, #tpu.memory_space<hbm>> -> memref<10240x16xf32, #tpu.memory_space<hbm>>
          tpu.wait_indirect_dma semaphore(%arg16 : memref<!tpu.dma_semaphore, #tpu.memory_space<semaphore_mem>>) src(%dma_wait3A_198 : memref<10240x16xf32, #tpu.memory_space<hbm>>) dst(%arg10 : memref<128x16xf32, #tpu.memory_space<vmem>>)
          %add3A_199 = arith.addi %select_n3A_25, %scan3A_109 : i32
          %dma_start3A_200 = arith.constant 0 : i32
          %dma_start3A_201 = tpu.memref_slice %arg7[%add3A_199, %dma_start3A_200] : memref<136x128xi32, #tpu.memory_space<vmem>> -> memref<1x128xi32, #tpu.memory_space<vmem>>
          %dma_start3A_202 = tpu.memref_squeeze %dma_start3A_201 : memref<1x128xi32, #tpu.memory_space<vmem>> -> memref<128xi32, #tpu.memory_space<vmem>>
          %dma_start3A_203 = arith.constant 0 : i32
          %dma_start3A_204 = arith.constant 0 : i32
          %dma_start3A_205 = tpu.memref_slice %arg13[%dma_start3A_203, %dma_start3A_204] : memref<10240x16xf32, #tpu.memory_space<vmem_shared>> -> memref<10240x16xf32, #tpu.memory_space<vmem_shared>>
          tpu.enqueue_indirect_dma source(%arg10 : memref<128x16xf32, #tpu.memory_space<vmem>>) target(%dma_start3A_205 : memref<10240x16xf32, #tpu.memory_space<vmem_shared>>) offsets(%dma_start3A_202 : memref<128xi32, #tpu.memory_space<vmem>>) semaphore(%arg20 : memref<!tpu.dma_semaphore, #tpu.memory_space<semaphore_mem>>) {add = true}
          %add3A_206 = arith.constant 2 : i32
          %add3A_207 = arith.addi %scan3A_109, %add3A_206 : i32
          %lt3A_208 = arith.constant 24 : i32
          %lt3A_209 = arith.cmpi slt, %add3A_207, %lt3A_208 : i32
          %convert_element_type3A_210 = arith.extui %lt3A_209 : i1 to i32
          %cond3A_211 = arith.constant 0 : i32
          %cond3A_212 = arith.cmpi ne, %convert_element_type3A_210, %cond3A_211 : i32
          scf.if %cond3A_212 {
            %ge3A = arith.constant 2 : i32
            %ge3A_213 = arith.cmpi sge, %scan3A_109, %ge3A : i32
            %convert_element_type3A_214 = arith.extui %ge3A_213 : i1 to i32
            %cond3A_215 = arith.constant 0 : i32
            %cond3A_216 = arith.cmpi ne, %convert_element_type3A_214, %cond3A_215 : i32
            scf.if %cond3A_216 {
              %add3A_226 = arith.addi %select_n3A_25, %scan3A_109 : i32
              %sub3A_227 = arith.constant 2 : i32
              %sub3A_228 = arith.subi %add3A_226, %sub3A_227 : i32
              %dma_wait3A_229 = arith.constant 0 : i32
              %dma_wait3A_230 = tpu.memref_slice %arg7[%sub3A_228, %dma_wait3A_229] : memref<136x128xi32, #tpu.memory_space<vmem>> -> memref<1x128xi32, #tpu.memory_space<vmem>>
              %dma_wait3A_231 = tpu.memref_squeeze %dma_wait3A_230 : memref<1x128xi32, #tpu.memory_space<vmem>> -> memref<128xi32, #tpu.memory_space<vmem>>
              %dma_wait3A_232 = arith.constant 0 : i32
              %dma_wait3A_233 = arith.constant 0 : i32
              %dma_wait3A_234 = tpu.memref_slice %arg13[%dma_wait3A_232, %dma_wait3A_233] : memref<10240x16xf32, #tpu.memory_space<vmem_shared>> -> memref<10240x16xf32, #tpu.memory_space<vmem_shared>>
              tpu.wait_indirect_dma semaphore(%arg18 : memref<!tpu.dma_semaphore, #tpu.memory_space<semaphore_mem>>) src(%arg8 : memref<128x16xf32, #tpu.memory_space<vmem>>) dst(%dma_wait3A_234 : memref<10240x16xf32, #tpu.memory_space<vmem_shared>>)
            } else {
            }
            %add3A_217 = arith.addi %select_n3A_25, %scan3A_109 : i32
            %add3A_218 = arith.constant 2 : i32
            %add3A_219 = arith.addi %add3A_217, %add3A_218 : i32
            %dma_start3A_220 = arith.constant 0 : i32
            %dma_start3A_221 = tpu.memref_slice %arg6[%add3A_219, %dma_start3A_220] : memref<136x128xi32, #tpu.memory_space<vmem>> -> memref<1x128xi32, #tpu.memory_space<vmem>>
            %dma_start3A_222 = tpu.memref_squeeze %dma_start3A_221 : memref<1x128xi32, #tpu.memory_space<vmem>> -> memref<128xi32, #tpu.memory_space<vmem>>
            %dma_start3A_223 = arith.constant 0 : i32
            %dma_start3A_224 = arith.constant 0 : i32
            %dma_start3A_225 = tpu.memref_slice %arg2[%dma_start3A_223, %dma_start3A_224] : memref<10240x16xf32, #tpu.memory_space<hbm>> -> memref<10240x16xf32, #tpu.memory_space<hbm>>
            tpu.enqueue_indirect_dma source(%dma_start3A_225 : memref<10240x16xf32, #tpu.memory_space<hbm>>) target(%arg8 : memref<128x16xf32, #tpu.memory_space<vmem>>) offsets(%dma_start3A_222 : memref<128xi32, #tpu.memory_space<vmem>>) semaphore(%arg14 : memref<!tpu.dma_semaphore, #tpu.memory_space<semaphore_mem>>)
          } else {
          }
        } else {
        }
        %jit3A_170 = arith.constant 4 : i32
        %eq3A_171 = arith.constant 0 : i32
        %eq3A_172 = arith.cmpi eq, %jit3A_170, %eq3A_171 : i32
        %jit3A_173 = arith.constant 1 : i32
        %select_n3A_174 = arith.select %eq3A_172, %jit3A_173, %jit3A_170 : i32
        %rem3A_175 = arith.remsi %scan3A_109, %select_n3A_174 : i32
        %ne3A_176 = arith.constant 0 : i32
        %ne3A_177 = arith.cmpi ne, %rem3A_175, %ne3A_176 : i32
        %lt3A_178 = arith.constant 0 : i32
        %lt3A_179 = arith.cmpi slt, %rem3A_175, %lt3A_178 : i32
        %lt3A_180 = arith.constant 0 : i32
        %lt3A_181 = arith.cmpi slt, %select_n3A_174, %lt3A_180 : i32
        %ne3A_182 = arith.xori %lt3A_179, %lt3A_181 : i1
        %and3A_183 = arith.andi %ne3A_182, %ne3A_177 : i1
        %add3A_184 = arith.addi %rem3A_175, %select_n3A_174 : i32
        %select_n3A_185 = arith.select %and3A_183, %add3A_184, %rem3A_175 : i32
        %eq3A_186 = arith.constant 3 : i32
        %eq3A_187 = arith.cmpi eq, %select_n3A_185, %eq3A_186 : i32
        %convert_element_type3A_188 = arith.extui %eq3A_187 : i1 to i32
        %cond3A_189 = arith.constant 0 : i32
        %cond3A_190 = arith.cmpi ne, %convert_element_type3A_188, %cond3A_189 : i32
        scf.if %cond3A_190 {
          %add3A_192 = arith.addi %select_n3A_25, %scan3A_109 : i32
          %dma_wait3A_193 = arith.constant 0 : i32
          %dma_wait3A_194 = tpu.memref_slice %arg6[%add3A_192, %dma_wait3A_193] : memref<136x128xi32, #tpu.memory_space<vmem>> -> memref<1x128xi32, #tpu.memory_space<vmem>>
          %dma_wait3A_195 = tpu.memref_squeeze %dma_wait3A_194 : memref<1x128xi32, #tpu.memory_space<vmem>> -> memref<128xi32, #tpu.memory_space<vmem>>
          %dma_wait3A_196 = arith.constant 0 : i32
          %dma_wait3A_197 = arith.constant 0 : i32
          %dma_wait3A_198 = tpu.memref_slice %arg2[%dma_wait3A_196, %dma_wait3A_197] : memref<10240x16xf32, #tpu.memory_space<hbm>> -> memref<10240x16xf32, #tpu.memory_space<hbm>>
          tpu.wait_indirect_dma semaphore(%arg17 : memref<!tpu.dma_semaphore, #tpu.memory_space<semaphore_mem>>) src(%dma_wait3A_198 : memref<10240x16xf32, #tpu.memory_space<hbm>>) dst(%arg11 : memref<128x16xf32, #tpu.memory_space<vmem>>)
          %add3A_199 = arith.addi %select_n3A_25, %scan3A_109 : i32
          %dma_start3A_200 = arith.constant 0 : i32
          %dma_start3A_201 = tpu.memref_slice %arg7[%add3A_199, %dma_start3A_200] : memref<136x128xi32, #tpu.memory_space<vmem>> -> memref<1x128xi32, #tpu.memory_space<vmem>>
          %dma_start3A_202 = tpu.memref_squeeze %dma_start3A_201 : memref<1x128xi32, #tpu.memory_space<vmem>> -> memref<128xi32, #tpu.memory_space<vmem>>
          %dma_start3A_203 = arith.constant 0 : i32
          %dma_start3A_204 = arith.constant 0 : i32
          %dma_start3A_205 = tpu.memref_slice %arg13[%dma_start3A_203, %dma_start3A_204] : memref<10240x16xf32, #tpu.memory_space<vmem_shared>> -> memref<10240x16xf32, #tpu.memory_space<vmem_shared>>
          tpu.enqueue_indirect_dma source(%arg11 : memref<128x16xf32, #tpu.memory_space<vmem>>) target(%dma_start3A_205 : memref<10240x16xf32, #tpu.memory_space<vmem_shared>>) offsets(%dma_start3A_202 : memref<128xi32, #tpu.memory_space<vmem>>) semaphore(%arg21 : memref<!tpu.dma_semaphore, #tpu.memory_space<semaphore_mem>>) {add = true}
          %add3A_206 = arith.constant 2 : i32
          %add3A_207 = arith.addi %scan3A_109, %add3A_206 : i32
          %lt3A_208 = arith.constant 24 : i32
          %lt3A_209 = arith.cmpi slt, %add3A_207, %lt3A_208 : i32
          %convert_element_type3A_210 = arith.extui %lt3A_209 : i1 to i32
          %cond3A_211 = arith.constant 0 : i32
          %cond3A_212 = arith.cmpi ne, %convert_element_type3A_210, %cond3A_211 : i32
          scf.if %cond3A_212 {
            %ge3A = arith.constant 2 : i32
            %ge3A_213 = arith.cmpi sge, %scan3A_109, %ge3A : i32
            %convert_element_type3A_214 = arith.extui %ge3A_213 : i1 to i32
            %cond3A_215 = arith.constant 0 : i32
            %cond3A_216 = arith.cmpi ne, %convert_element_type3A_214, %cond3A_215 : i32
            scf.if %cond3A_216 {
              %add3A_226 = arith.addi %select_n3A_25, %scan3A_109 : i32
              %sub3A_227 = arith.constant 2 : i32
              %sub3A_228 = arith.subi %add3A_226, %sub3A_227 : i32
              %dma_wait3A_229 = arith.constant 0 : i32
              %dma_wait3A_230 = tpu.memref_slice %arg7[%sub3A_228, %dma_wait3A_229] : memref<136x128xi32, #tpu.memory_space<vmem>> -> memref<1x128xi32, #tpu.memory_space<vmem>>
              %dma_wait3A_231 = tpu.memref_squeeze %dma_wait3A_230 : memref<1x128xi32, #tpu.memory_space<vmem>> -> memref<128xi32, #tpu.memory_space<vmem>>
              %dma_wait3A_232 = arith.constant 0 : i32
              %dma_wait3A_233 = arith.constant 0 : i32
              %dma_wait3A_234 = tpu.memref_slice %arg13[%dma_wait3A_232, %dma_wait3A_233] : memref<10240x16xf32, #tpu.memory_space<vmem_shared>> -> memref<10240x16xf32, #tpu.memory_space<vmem_shared>>
              tpu.wait_indirect_dma semaphore(%arg19 : memref<!tpu.dma_semaphore, #tpu.memory_space<semaphore_mem>>) src(%arg9 : memref<128x16xf32, #tpu.memory_space<vmem>>) dst(%dma_wait3A_234 : memref<10240x16xf32, #tpu.memory_space<vmem_shared>>)
            } else {
            }
            %add3A_217 = arith.addi %select_n3A_25, %scan3A_109 : i32
            %add3A_218 = arith.constant 2 : i32
            %add3A_219 = arith.addi %add3A_217, %add3A_218 : i32
            %dma_start3A_220 = arith.constant 0 : i32
            %dma_start3A_221 = tpu.memref_slice %arg6[%add3A_219, %dma_start3A_220] : memref<136x128xi32, #tpu.memory_space<vmem>> -> memref<1x128xi32, #tpu.memory_space<vmem>>
            %dma_start3A_222 = tpu.memref_squeeze %dma_start3A_221 : memref<1x128xi32, #tpu.memory_space<vmem>> -> memref<128xi32, #tpu.memory_space<vmem>>
            %dma_start3A_223 = arith.constant 0 : i32
            %dma_start3A_224 = arith.constant 0 : i32
            %dma_start3A_225 = tpu.memref_slice %arg2[%dma_start3A_223, %dma_start3A_224] : memref<10240x16xf32, #tpu.memory_space<hbm>> -> memref<10240x16xf32, #tpu.memory_space<hbm>>
            tpu.enqueue_indirect_dma source(%dma_start3A_225 : memref<10240x16xf32, #tpu.memory_space<hbm>>) target(%arg9 : memref<128x16xf32, #tpu.memory_space<vmem>>) offsets(%dma_start3A_222 : memref<128xi32, #tpu.memory_space<vmem>>) semaphore(%arg15 : memref<!tpu.dma_semaphore, #tpu.memory_space<semaphore_mem>>)
          } else {
          }
        } else {
        }
        %scan3A_191 = arith.constant 0 : i32
        scf.yield %scan3A_191 : i32
      }
      %scan3A_61 = arith.constant 24 : i32
      %add3A_62 = arith.constant 24 : i32
      %add3A_63 = arith.addi %select_n3A_25, %add3A_62 : i32
      %sub3A_64 = arith.constant 4 : i32
      %sub3A_65 = arith.subi %add3A_63, %sub3A_64 : i32
      %add3A_66 = arith.constant 0 : i32
      %add3A_67 = arith.addi %sub3A_65, %add3A_66 : i32
      %dma_wait3A = arith.constant 0 : i32
      %dma_wait3A_68 = tpu.memref_slice %arg7[%add3A_67, %dma_wait3A] : memref<136x128xi32, #tpu.memory_space<vmem>> -> memref<1x128xi32, #tpu.memory_space<vmem>>
      %dma_wait3A_69 = tpu.memref_squeeze %dma_wait3A_68 : memref<1x128xi32, #tpu.memory_space<vmem>> -> memref<128xi32, #tpu.memory_space<vmem>>
      %dma_wait3A_70 = arith.constant 0 : i32
      %dma_wait3A_71 = arith.constant 0 : i32
      %dma_wait3A_72 = tpu.memref_slice %arg13[%dma_wait3A_70, %dma_wait3A_71] : memref<10240x16xf32, #tpu.memory_space<vmem_shared>> -> memref<10240x16xf32, #tpu.memory_space<vmem_shared>>
      tpu.wait_indirect_dma semaphore(%arg18 : memref<!tpu.dma_semaphore, #tpu.memory_space<semaphore_mem>>) src(%arg8 : memref<128x16xf32, #tpu.memory_space<vmem>>) dst(%dma_wait3A_72 : memref<10240x16xf32, #tpu.memory_space<vmem_shared>>)
      %add3A_73 = arith.constant 24 : i32
      %add3A_74 = arith.addi %select_n3A_25, %add3A_73 : i32
      %sub3A_75 = arith.constant 4 : i32
      %sub3A_76 = arith.subi %add3A_74, %sub3A_75 : i32
      %add3A_77 = arith.constant 1 : i32
      %add3A_78 = arith.addi %sub3A_76, %add3A_77 : i32
      %dma_wait3A_79 = arith.constant 0 : i32
      %dma_wait3A_80 = tpu.memref_slice %arg7[%add3A_78, %dma_wait3A_79] : memref<136x128xi32, #tpu.memory_space<vmem>> -> memref<1x128xi32, #tpu.memory_space<vmem>>
      %dma_wait3A_81 = tpu.memref_squeeze %dma_wait3A_80 : memref<1x128xi32, #tpu.memory_space<vmem>> -> memref<128xi32, #tpu.memory_space<vmem>>
      %dma_wait3A_82 = arith.constant 0 : i32
      %dma_wait3A_83 = arith.constant 0 : i32
      %dma_wait3A_84 = tpu.memref_slice %arg13[%dma_wait3A_82, %dma_wait3A_83] : memref<10240x16xf32, #tpu.memory_space<vmem_shared>> -> memref<10240x16xf32, #tpu.memory_space<vmem_shared>>
      tpu.wait_indirect_dma semaphore(%arg19 : memref<!tpu.dma_semaphore, #tpu.memory_space<semaphore_mem>>) src(%arg9 : memref<128x16xf32, #tpu.memory_space<vmem>>) dst(%dma_wait3A_84 : memref<10240x16xf32, #tpu.memory_space<vmem_shared>>)
      %add3A_85 = arith.constant 24 : i32
      %add3A_86 = arith.addi %select_n3A_25, %add3A_85 : i32
      %sub3A_87 = arith.constant 4 : i32
      %sub3A_88 = arith.subi %add3A_86, %sub3A_87 : i32
      %add3A_89 = arith.constant 2 : i32
      %add3A_90 = arith.addi %sub3A_88, %add3A_89 : i32
      %dma_wait3A_91 = arith.constant 0 : i32
      %dma_wait3A_92 = tpu.memref_slice %arg7[%add3A_90, %dma_wait3A_91] : memref<136x128xi32, #tpu.memory_space<vmem>> -> memref<1x128xi32, #tpu.memory_space<vmem>>
      %dma_wait3A_93 = tpu.memref_squeeze %dma_wait3A_92 : memref<1x128xi32, #tpu.memory_space<vmem>> -> memref<128xi32, #tpu.memory_space<vmem>>
      %dma_wait3A_94 = arith.constant 0 : i32
      %dma_wait3A_95 = arith.constant 0 : i32
      %dma_wait3A_96 = tpu.memref_slice %arg13[%dma_wait3A_94, %dma_wait3A_95] : memref<10240x16xf32, #tpu.memory_space<vmem_shared>> -> memref<10240x16xf32, #tpu.memory_space<vmem_shared>>
      tpu.wait_indirect_dma semaphore(%arg20 : memref<!tpu.dma_semaphore, #tpu.memory_space<semaphore_mem>>) src(%arg10 : memref<128x16xf32, #tpu.memory_space<vmem>>) dst(%dma_wait3A_96 : memref<10240x16xf32, #tpu.memory_space<vmem_shared>>)
      %add3A_97 = arith.constant 24 : i32
      %add3A_98 = arith.addi %select_n3A_25, %add3A_97 : i32
      %sub3A_99 = arith.constant 4 : i32
      %sub3A_100 = arith.subi %add3A_98, %sub3A_99 : i32
      %add3A_101 = arith.constant 3 : i32
      %add3A_102 = arith.addi %sub3A_100, %add3A_101 : i32
      %dma_wait3A_103 = arith.constant 0 : i32
      %dma_wait3A_104 = tpu.memref_slice %arg7[%add3A_102, %dma_wait3A_103] : memref<136x128xi32, #tpu.memory_space<vmem>> -> memref<1x128xi32, #tpu.memory_space<vmem>>
      %dma_wait3A_105 = tpu.memref_squeeze %dma_wait3A_104 : memref<1x128xi32, #tpu.memory_space<vmem>> -> memref<128xi32, #tpu.memory_space<vmem>>
      %dma_wait3A_106 = arith.constant 0 : i32
      %dma_wait3A_107 = arith.constant 0 : i32
      %dma_wait3A_108 = tpu.memref_slice %arg13[%dma_wait3A_106, %dma_wait3A_107] : memref<10240x16xf32, #tpu.memory_space<vmem_shared>> -> memref<10240x16xf32, #tpu.memory_space<vmem_shared>>
      tpu.wait_indirect_dma semaphore(%arg21 : memref<!tpu.dma_semaphore, #tpu.memory_space<semaphore_mem>>) src(%arg11 : memref<128x16xf32, #tpu.memory_space<vmem>>) dst(%dma_wait3A_108 : memref<10240x16xf32, #tpu.memory_space<vmem_shared>>)
    } else {
    }
    %barrier3A_34 = arith.constant 0 : index
    tpu.barrier barrier_id(%barrier3A_34)
    %scan3A_35 = arith.constant 0 : i32
    %scan3A_36 = arith.constant 0 : i32
    %scan3A_37 = arith.constant 5 : i32
    %scan3A_38 = arith.addi %scan3A_36, %scan3A_37 : i32
    %scan3A_39 = arith.constant 1 : i32
    %scan3A_40 = scf.for %scan3A_42 = %scan3A_36 to %scan3A_38 step %scan3A_39 iter_args(%scan3A_43 = %scan3A_35) -> (i32)  : i32 {
      %mul3A_44 = arith.constant 640 : i32
      %mul3A_45 = arith.muli %arg1, %mul3A_44 : i32
      %mul3A_46 = arith.constant 128 : i32
      %mul3A_47 = arith.muli %scan3A_42, %mul3A_46 : i32
      %add3A_48 = arith.addi %mul3A_45, %mul3A_47 : i32
      "tpu.region"() ({
        %run_scoped3A = tpu.sem_alloc : memref<!tpu.dma_semaphore, #tpu.memory_space<semaphore_mem>>
        %dma_start3A = arith.constant 0 : i32
        %dma_start3A_50 = tpu.memref_slice %arg5[%arg0, %add3A_48, %dma_start3A] : memref<2x10240x16xf32, #tpu.memory_space<hbm>> -> memref<1x128x16xf32, #tpu.memory_space<hbm>>
        %dma_start3A_51 = tpu.memref_squeeze %dma_start3A_50 : memref<1x128x16xf32, #tpu.memory_space<hbm>> -> memref<128x16xf32, #tpu.memory_space<hbm>>
        %dma_start3A_52 = arith.constant 0 : i32
        %dma_start3A_53 = tpu.memref_slice %arg13[%add3A_48, %dma_start3A_52] : memref<10240x16xf32, #tpu.memory_space<vmem_shared>> -> memref<128x16xf32, #tpu.memory_space<vmem_shared>>
        tpu.enqueue_dma source(%dma_start3A_53 : memref<128x16xf32, #tpu.memory_space<vmem_shared>>) target(%dma_start3A_51 : memref<128x16xf32, #tpu.memory_space<hbm>>) target_semaphore(%run_scoped3A : memref<!tpu.dma_semaphore, #tpu.memory_space<semaphore_mem>>)
        %dma_wait3A = arith.constant 0 : i32
        %dma_wait3A_54 = tpu.memref_slice %arg5[%arg0, %add3A_48, %dma_wait3A] : memref<2x10240x16xf32, #tpu.memory_space<hbm>> -> memref<1x128x16xf32, #tpu.memory_space<hbm>>
        %dma_wait3A_55 = tpu.memref_squeeze %dma_wait3A_54 : memref<1x128x16xf32, #tpu.memory_space<hbm>> -> memref<128x16xf32, #tpu.memory_space<hbm>>
        %dma_wait3A_56 = arith.constant 0 : i32
        %dma_wait3A_57 = tpu.memref_slice %arg13[%add3A_48, %dma_wait3A_56] : memref<10240x16xf32, #tpu.memory_space<vmem_shared>> -> memref<128x16xf32, #tpu.memory_space<vmem_shared>>
        tpu.wait_dma2 semaphore(%run_scoped3A : memref<!tpu.dma_semaphore, #tpu.memory_space<semaphore_mem>>) src(%dma_wait3A_57 : memref<128x16xf32, #tpu.memory_space<vmem_shared>>) dst(%dma_wait3A_55 : memref<128x16xf32, #tpu.memory_space<hbm>>)
        tpu.yield
      }) : () -> ()
      %scan3A_49 = arith.constant 0 : i32
      scf.yield %scan3A_49 : i32
    }
    %scan3A_41 = arith.constant 5 : i32
    return
  }
}

#map = affine_map<(d0, d1) -> (0)>
#map1 = affine_map<(d0, d1) -> (0, 0)>
module attributes {stable_mosaic.version = 14 : i64} {
  func.func @mbuild(%arg0: i32, %arg1: i32, %arg2: memref<327680xi32, #tpu.memory_space<hbm>>, %arg3: memref<327680xi32, #tpu.memory_space<hbm>>, %arg4: memref<10240xf32, #tpu.memory_space<hbm>>, %arg5: memref<10240xf32, #tpu.memory_space<hbm>>, %arg6: memref<10240xi32, #tpu.memory_space<hbm>>, %arg7: memref<2x655360xf32, #tpu.memory_space<hbm>>, %arg8: memref<10240xf32, #tpu.memory_space<vmem>>, %arg9: memref<10240xf32, #tpu.memory_space<vmem>>, %arg10: memref<10240xi32, #tpu.memory_space<vmem>>, %arg11: memref<10240xi32, #tpu.memory_space<vmem>>, %arg12: memref<10240xi32, #tpu.memory_space<vmem>>, %arg13: memref<10240xf32, #tpu.memory_space<vmem>>, %arg14: memref<10240xi32, #tpu.memory_space<vmem>>, %arg15: memref<4096xf32, #tpu.memory_space<vmem>>, %arg16: memref<655360xf32, #tpu.memory_space<vmem_shared>>) attributes {dimension_semantics = [#tpu.dimension_semantics<core_parallel>, #tpu.dimension_semantics<subcore_parallel>], iteration_bounds = array<i64: 2, 16>, scalar_prefetch = 0 : i64, scratch_operands = 9 : i64, tpu.core_type = #tpu.core_type<sc_vector_subcore>, window_params = [{transform_indices = #map}, {transform_indices = #map}, {transform_indices = #map}, {transform_indices = #map}, {transform_indices = #map}, {transform_indices = #map1}]} {
    %mul3A = arith.constant 16 : i32
    %mul3A_0 = arith.muli %arg0, %mul3A : i32
    %add3A = arith.addi %mul3A_0, %arg1 : i32
    %scan3A = arith.constant 0 : i32
    %scan3A_1 = arith.constant 0 : i32
    %scan3A_2 = arith.constant 256 : i32
    %scan3A_3 = arith.addi %scan3A_1, %scan3A_2 : i32
    %scan3A_4 = arith.constant 1 : i32
    %scan3A_5 = scf.for %scan3A_37 = %scan3A_1 to %scan3A_3 step %scan3A_4 iter_args(%scan3A_38 = %scan3A) -> (i32)  : i32 {
      %broadcast_in_dim3A = arith.constant 0.000000e+00 : f32
      %broadcast_in_dim3A_39 = vector.broadcast %broadcast_in_dim3A : f32 to vector<16xf32>
      %mul3A_40 = arith.constant 16 : i32
      %mul3A_41 = arith.muli %scan3A_37, %mul3A_40 : i32
      %swap3A = arith.index_cast %mul3A_41 : i32 to index
      %swap3A_42 = tpu.vector_load %arg15[%swap3A] {strides = array<i32>} : memref<4096xf32, #tpu.memory_space<vmem>>, vector<16xf32>,
      tpu.vector_store %arg15[%swap3A], %broadcast_in_dim3A_39 {strides = array<i32>} : memref<4096xf32, #tpu.memory_space<vmem>>, vector<16xf32>,
      %scan3A_43 = arith.constant 0 : i32
      scf.yield %scan3A_43 : i32
    }
    %scan3A_6 = arith.constant 256 : i32
    "tpu.region"() ({
      %run_scoped3A = tpu.sem_alloc : memref<!tpu.dma_semaphore, #tpu.memory_space<semaphore_mem>>
      tpu.enqueue_dma source(%arg4 : memref<10240xf32, #tpu.memory_space<hbm>>) target(%arg8 : memref<10240xf32, #tpu.memory_space<vmem>>) target_semaphore(%run_scoped3A : memref<!tpu.dma_semaphore, #tpu.memory_space<semaphore_mem>>)
      tpu.wait_dma2 semaphore(%run_scoped3A : memref<!tpu.dma_semaphore, #tpu.memory_space<semaphore_mem>>) src(%arg4 : memref<10240xf32, #tpu.memory_space<hbm>>) dst(%arg8 : memref<10240xf32, #tpu.memory_space<vmem>>)
      tpu.yield
    }) : () -> ()
    "tpu.region"() ({
      %run_scoped3A = tpu.sem_alloc : memref<!tpu.dma_semaphore, #tpu.memory_space<semaphore_mem>>
      tpu.enqueue_dma source(%arg5 : memref<10240xf32, #tpu.memory_space<hbm>>) target(%arg9 : memref<10240xf32, #tpu.memory_space<vmem>>) target_semaphore(%run_scoped3A : memref<!tpu.dma_semaphore, #tpu.memory_space<semaphore_mem>>)
      tpu.wait_dma2 semaphore(%run_scoped3A : memref<!tpu.dma_semaphore, #tpu.memory_space<semaphore_mem>>) src(%arg5 : memref<10240xf32, #tpu.memory_space<hbm>>) dst(%arg9 : memref<10240xf32, #tpu.memory_space<vmem>>)
      tpu.yield
    }) : () -> ()
    "tpu.region"() ({
      %run_scoped3A = tpu.sem_alloc : memref<!tpu.dma_semaphore, #tpu.memory_space<semaphore_mem>>
      tpu.enqueue_dma source(%arg6 : memref<10240xi32, #tpu.memory_space<hbm>>) target(%arg10 : memref<10240xi32, #tpu.memory_space<vmem>>) target_semaphore(%run_scoped3A : memref<!tpu.dma_semaphore, #tpu.memory_space<semaphore_mem>>)
      tpu.wait_dma2 semaphore(%run_scoped3A : memref<!tpu.dma_semaphore, #tpu.memory_space<semaphore_mem>>) src(%arg6 : memref<10240xi32, #tpu.memory_space<hbm>>) dst(%arg10 : memref<10240xi32, #tpu.memory_space<vmem>>)
      tpu.yield
    }) : () -> ()
    %mul3A_7 = arith.constant 80 : i32
    %mul3A_8 = arith.muli %add3A, %mul3A_7 : i32
    %mul3A_9 = arith.constant 128 : i32
    %mul3A_10 = arith.muli %mul3A_8, %mul3A_9 : i32
    "tpu.region"() ({
      %run_scoped3A = tpu.sem_alloc : memref<!tpu.dma_semaphore, #tpu.memory_space<semaphore_mem>>
      %dma_start3A = tpu.memref_slice %arg2[%mul3A_10] : memref<327680xi32, #tpu.memory_space<hbm>> -> memref<10240xi32, #tpu.memory_space<hbm>>
      %dma_start3A_37 = tpu.memref_slice %arg2[%mul3A_10] : memref<327680xi32, #tpu.memory_space<hbm>> -> memref<10240xi32, #tpu.memory_space<hbm>>
      tpu.enqueue_dma source(%dma_start3A_37 : memref<10240xi32, #tpu.memory_space<hbm>>) target(%arg11 : memref<10240xi32, #tpu.memory_space<vmem>>) target_semaphore(%run_scoped3A : memref<!tpu.dma_semaphore, #tpu.memory_space<semaphore_mem>>)
      %dma_wait3A = tpu.memref_slice %arg2[%mul3A_10] : memref<327680xi32, #tpu.memory_space<hbm>> -> memref<10240xi32, #tpu.memory_space<hbm>>
      %dma_wait3A_38 = tpu.memref_slice %arg2[%mul3A_10] : memref<327680xi32, #tpu.memory_space<hbm>> -> memref<10240xi32, #tpu.memory_space<hbm>>
      tpu.wait_dma2 semaphore(%run_scoped3A : memref<!tpu.dma_semaphore, #tpu.memory_space<semaphore_mem>>) src(%dma_wait3A_38 : memref<10240xi32, #tpu.memory_space<hbm>>) dst(%arg11 : memref<10240xi32, #tpu.memory_space<vmem>>)
      tpu.yield
    }) : () -> ()
    %mul3A_11 = arith.constant 80 : i32
    %mul3A_12 = arith.muli %add3A, %mul3A_11 : i32
    %mul3A_13 = arith.constant 128 : i32
    %mul3A_14 = arith.muli %mul3A_12, %mul3A_13 : i32
    "tpu.region"() ({
      %run_scoped3A = tpu.sem_alloc : memref<!tpu.dma_semaphore, #tpu.memory_space<semaphore_mem>>
      %dma_start3A = tpu.memref_slice %arg3[%mul3A_14] : memref<327680xi32, #tpu.memory_space<hbm>> -> memref<10240xi32, #tpu.memory_space<hbm>>
      %dma_start3A_37 = tpu.memref_slice %arg3[%mul3A_14] : memref<327680xi32, #tpu.memory_space<hbm>> -> memref<10240xi32, #tpu.memory_space<hbm>>
      tpu.enqueue_dma source(%dma_start3A_37 : memref<10240xi32, #tpu.memory_space<hbm>>) target(%arg12 : memref<10240xi32, #tpu.memory_space<vmem>>) target_semaphore(%run_scoped3A : memref<!tpu.dma_semaphore, #tpu.memory_space<semaphore_mem>>)
      %dma_wait3A = tpu.memref_slice %arg3[%mul3A_14] : memref<327680xi32, #tpu.memory_space<hbm>> -> memref<10240xi32, #tpu.memory_space<hbm>>
      %dma_wait3A_38 = tpu.memref_slice %arg3[%mul3A_14] : memref<327680xi32, #tpu.memory_space<hbm>> -> memref<10240xi32, #tpu.memory_space<hbm>>
      tpu.wait_dma2 semaphore(%run_scoped3A : memref<!tpu.dma_semaphore, #tpu.memory_space<semaphore_mem>>) src(%dma_wait3A_38 : memref<10240xi32, #tpu.memory_space<hbm>>) dst(%arg12 : memref<10240xi32, #tpu.memory_space<vmem>>)
      tpu.yield
    }) : () -> ()
    %scan3A_15 = arith.constant 0 : i32
    %scan3A_16 = arith.constant 0 : i32
    %scan3A_17 = arith.constant 10 : i32
    %scan3A_18 = arith.addi %scan3A_16, %scan3A_17 : i32
    %scan3A_19 = arith.constant 1 : i32
    %scan3A_20 = scf.for %scan3A_37 = %scan3A_16 to %scan3A_18 step %scan3A_19 iter_args(%scan3A_38 = %scan3A_15) -> (i32)  : i32 {
      %mul3A_39 = arith.constant 40960 : i32
      %mul3A_40 = arith.muli %arg1, %mul3A_39 : i32
      %mul3A_41 = arith.constant 4096 : i32
      %mul3A_42 = arith.muli %scan3A_37, %mul3A_41 : i32
      %add3A_43 = arith.addi %mul3A_40, %mul3A_42 : i32
      "tpu.region"() ({
        %run_scoped3A = tpu.sem_alloc : memref<!tpu.dma_semaphore, #tpu.memory_space<semaphore_mem>>
        %dma_start3A = tpu.memref_slice %arg16[%add3A_43] : memref<655360xf32, #tpu.memory_space<vmem_shared>> -> memref<4096xf32, #tpu.memory_space<vmem_shared>>
        %dma_start3A_45 = tpu.memref_slice %arg16[%add3A_43] : memref<655360xf32, #tpu.memory_space<vmem_shared>> -> memref<4096xf32, #tpu.memory_space<vmem_shared>>
        tpu.enqueue_dma source(%arg15 : memref<4096xf32, #tpu.memory_space<vmem>>) target(%dma_start3A_45 : memref<4096xf32, #tpu.memory_space<vmem_shared>>) target_semaphore(%run_scoped3A : memref<!tpu.dma_semaphore, #tpu.memory_space<semaphore_mem>>)
        %dma_wait3A = tpu.memref_slice %arg16[%add3A_43] : memref<655360xf32, #tpu.memory_space<vmem_shared>> -> memref<4096xf32, #tpu.memory_space<vmem_shared>>
        %dma_wait3A_46 = tpu.memref_slice %arg16[%add3A_43] : memref<655360xf32, #tpu.memory_space<vmem_shared>> -> memref<4096xf32, #tpu.memory_space<vmem_shared>>
        tpu.wait_dma2 semaphore(%run_scoped3A : memref<!tpu.dma_semaphore, #tpu.memory_space<semaphore_mem>>) src(%arg15 : memref<4096xf32, #tpu.memory_space<vmem>>) dst(%dma_wait3A_46 : memref<4096xf32, #tpu.memory_space<vmem_shared>>)
        tpu.yield
      }) : () -> ()
      %scan3A_44 = arith.constant 0 : i32
      scf.yield %scan3A_44 : i32
    }
    %scan3A_21 = arith.constant 10 : i32
    %barrier3A = arith.constant 0 : index
    tpu.barrier barrier_id(%barrier3A)
    %scan3A_22 = arith.constant 0 : i32
    %scan3A_23 = arith.constant 0 : i32
    %scan3A_24 = arith.constant 640 : i32
    %scan3A_25 = arith.addi %scan3A_23, %scan3A_24 : i32
    %scan3A_26 = arith.constant 1 : i32
    %scan3A_27 = scf.for %scan3A_37 = %scan3A_23 to %scan3A_25 step %scan3A_26 iter_args(%scan3A_38 = %scan3A_22) -> (i32)  : i32 {
      %mul3A_39 = arith.constant 16 : i32
      %mul3A_40 = arith.muli %scan3A_37, %mul3A_39 : i32
      %get3A = arith.index_cast %mul3A_40 : i32 to index
      %get3A_41 = tpu.vector_load %arg11[%get3A] {strides = array<i32>} : memref<10240xi32, #tpu.memory_space<vmem>>, vector<16xi32>,
      %get3A_42 = arith.index_cast %mul3A_40 : i32 to index
      %get3A_43 = tpu.vector_load %arg12[%get3A_42] {strides = array<i32>} : memref<10240xi32, #tpu.memory_space<vmem>>, vector<16xi32>,
      %gather3A = tpu.vector_load_idx %arg8[%get3A_41] : memref<10240xf32, #tpu.memory_space<vmem>>[vector<16xi32>], vector<16xf32>,
      %gather3A_44 = tpu.vector_load_idx %arg9[%get3A_43] : memref<10240xf32, #tpu.memory_space<vmem>>[vector<16xi32>], vector<16xf32>,
      %gather3A_45 = tpu.vector_load_idx %arg10[%get3A_43] : memref<10240xi32, #tpu.memory_space<vmem>>[vector<16xi32>], vector<16xi32>,
      %mul3A_46 = arith.mulf %gather3A, %gather3A_44 : vector<16xf32>
      %swap3A = arith.index_cast %mul3A_40 : i32 to index
      %swap3A_47 = tpu.vector_load %arg13[%swap3A] {strides = array<i32>} : memref<10240xf32, #tpu.memory_space<vmem>>, vector<16xf32>,
      %swap3A_48 = vector.shape_cast %swap3A_47 : vector<16xf32> to vector<16xf32>
      %swap3A_49 = vector.shape_cast %mul3A_46 : vector<16xf32> to vector<16xf32>
      tpu.vector_store %arg13[%swap3A], %swap3A_49 {strides = array<i32>} : memref<10240xf32, #tpu.memory_space<vmem>>, vector<16xf32>,
      %add3A_50 = arith.addi %gather3A_45, %get3A_41 : vector<16xi32>
      %swap3A_51 = arith.index_cast %mul3A_40 : i32 to index
      %swap3A_52 = tpu.vector_load %arg14[%swap3A_51] {strides = array<i32>} : memref<10240xi32, #tpu.memory_space<vmem>>, vector<16xi32>,
      tpu.vector_store %arg14[%swap3A_51], %add3A_50 {strides = array<i32>} : memref<10240xi32, #tpu.memory_space<vmem>>, vector<16xi32>,
      %scan3A_53 = arith.constant 0 : i32
      scf.yield %scan3A_53 : i32
    }
    %scan3A_28 = arith.constant 640 : i32
    "tpu.region"() ({
      %run_scoped3A = tpu.sem_alloc : memref<!tpu.dma_semaphore, #tpu.memory_space<semaphore_mem>>
      %dma_start3A = arith.constant 0 : i32
      %dma_start3A_37 = tpu.memref_slice %arg16[%dma_start3A] : memref<655360xf32, #tpu.memory_space<vmem_shared>> -> memref<655360xf32, #tpu.memory_space<vmem_shared>>
      tpu.enqueue_indirect_dma source(%arg13 : memref<10240xf32, #tpu.memory_space<vmem>>) target(%dma_start3A_37 : memref<655360xf32, #tpu.memory_space<vmem_shared>>) offsets(%arg14 : memref<10240xi32, #tpu.memory_space<vmem>>) semaphore(%run_scoped3A : memref<!tpu.dma_semaphore, #tpu.memory_space<semaphore_mem>>) {add = true}
      %dma_wait3A = arith.constant 0 : i32
      %dma_wait3A_38 = tpu.memref_slice %arg16[%dma_wait3A] : memref<655360xf32, #tpu.memory_space<vmem_shared>> -> memref<655360xf32, #tpu.memory_space<vmem_shared>>
      tpu.wait_indirect_dma semaphore(%run_scoped3A : memref<!tpu.dma_semaphore, #tpu.memory_space<semaphore_mem>>) src(%arg13 : memref<10240xf32, #tpu.memory_space<vmem>>) dst(%dma_wait3A_38 : memref<655360xf32, #tpu.memory_space<vmem_shared>>)
      tpu.yield
    }) : () -> ()
    %barrier3A_29 = arith.constant 0 : index
    tpu.barrier barrier_id(%barrier3A_29)
    %scan3A_30 = arith.constant 0 : i32
    %scan3A_31 = arith.constant 0 : i32
    %scan3A_32 = arith.constant 10 : i32
    %scan3A_33 = arith.addi %scan3A_31, %scan3A_32 : i32
    %scan3A_34 = arith.constant 1 : i32
    %scan3A_35 = scf.for %scan3A_37 = %scan3A_31 to %scan3A_33 step %scan3A_34 iter_args(%scan3A_38 = %scan3A_30) -> (i32)  : i32 {
      %mul3A_39 = arith.constant 40960 : i32
      %mul3A_40 = arith.muli %arg1, %mul3A_39 : i32
      %mul3A_41 = arith.constant 4096 : i32
      %mul3A_42 = arith.muli %scan3A_37, %mul3A_41 : i32
      %add3A_43 = arith.addi %mul3A_40, %mul3A_42 : i32
      "tpu.region"() ({
        %run_scoped3A = tpu.sem_alloc : memref<!tpu.dma_semaphore, #tpu.memory_space<semaphore_mem>>
        %dma_start3A = tpu.memref_slice %arg7[%arg0, %add3A_43] : memref<2x655360xf32, #tpu.memory_space<hbm>> -> memref<1x4096xf32, #tpu.memory_space<hbm>>
        %dma_start3A_45 = tpu.memref_squeeze %dma_start3A : memref<1x4096xf32, #tpu.memory_space<hbm>> -> memref<4096xf32, #tpu.memory_space<hbm>>
        %dma_start3A_46 = tpu.memref_slice %arg16[%add3A_43] : memref<655360xf32, #tpu.memory_space<vmem_shared>> -> memref<4096xf32, #tpu.memory_space<vmem_shared>>
        tpu.enqueue_dma source(%dma_start3A_46 : memref<4096xf32, #tpu.memory_space<vmem_shared>>) target(%dma_start3A_45 : memref<4096xf32, #tpu.memory_space<hbm>>) target_semaphore(%run_scoped3A : memref<!tpu.dma_semaphore, #tpu.memory_space<semaphore_mem>>)
        %dma_wait3A = tpu.memref_slice %arg7[%arg0, %add3A_43] : memref<2x655360xf32, #tpu.memory_space<hbm>> -> memref<1x4096xf32, #tpu.memory_space<hbm>>
        %dma_wait3A_47 = tpu.memref_squeeze %dma_wait3A : memref<1x4096xf32, #tpu.memory_space<hbm>> -> memref<4096xf32, #tpu.memory_space<hbm>>
        %dma_wait3A_48 = tpu.memref_slice %arg16[%add3A_43] : memref<655360xf32, #tpu.memory_space<vmem_shared>> -> memref<4096xf32, #tpu.memory_space<vmem_shared>>
        tpu.wait_dma2 semaphore(%run_scoped3A : memref<!tpu.dma_semaphore, #tpu.memory_space<semaphore_mem>>) src(%dma_wait3A_48 : memref<4096xf32, #tpu.memory_space<vmem_shared>>) dst(%dma_wait3A_47 : memref<4096xf32, #tpu.memory_space<hbm>>)
        tpu.yield
      }) : () -> ()
      %scan3A_44 = arith.constant 0 : i32
      scf.yield %scan3A_44 : i32
    }
    %scan3A_36 = arith.constant 10 : i32
    return
  }
}

#map = affine_map<(d0, d1) -> (0, 0)>
#map1 = affine_map<(d0, d1) -> (0, 0, 0)>
module attributes {stable_mosaic.version = 14 : i64} {
  func.func @prop(%arg0: i32, %arg1: i32, %arg2: memref<10240x64xf32, #tpu.memory_space<hbm>>, %arg3: memref<2560x128xi32, #tpu.memory_space<hbm>>, %arg4: memref<2560x128xi32, #tpu.memory_space<hbm>>, %arg5: memref<2x10240x64xf32, #tpu.memory_space<hbm>>, %arg6: memref<136x128xi32, #tpu.memory_space<vmem>>, %arg7: memref<136x128xi32, #tpu.memory_space<vmem>>, %arg8: memref<128x64xf32, #tpu.memory_space<vmem>>, %arg9: memref<128x64xf32, #tpu.memory_space<vmem>>, %arg10: memref<128x64xf32, #tpu.memory_space<vmem>>, %arg11: memref<128x64xf32, #tpu.memory_space<vmem>>, %arg12: memref<128x64xf32, #tpu.memory_space<vmem>>, %arg13: memref<10240x64xf32, #tpu.memory_space<vmem_shared>>, %arg14: memref<!tpu.dma_semaphore, #tpu.memory_space<semaphore_mem>>, %arg15: memref<!tpu.dma_semaphore, #tpu.memory_space<semaphore_mem>>, %arg16: memref<!tpu.dma_semaphore, #tpu.memory_space<semaphore_mem>>, %arg17: memref<!tpu.dma_semaphore, #tpu.memory_space<semaphore_mem>>, %arg18: memref<!tpu.dma_semaphore, #tpu.memory_space<semaphore_mem>>, %arg19: memref<!tpu.dma_semaphore, #tpu.memory_space<semaphore_mem>>, %arg20: memref<!tpu.dma_semaphore, #tpu.memory_space<semaphore_mem>>, %arg21: memref<!tpu.dma_semaphore, #tpu.memory_space<semaphore_mem>>) attributes {dimension_semantics = [#tpu.dimension_semantics<core_parallel>, #tpu.dimension_semantics<subcore_parallel>], iteration_bounds = array<i64: 2, 16>, scalar_prefetch = 0 : i64, scratch_operands = 16 : i64, tpu.core_type = #tpu.core_type<sc_vector_subcore>, window_params = [{transform_indices = #map}, {transform_indices = #map}, {transform_indices = #map}, {transform_indices = #map1}]} {
    %scan3A = arith.constant 0 : i32
    %scan3A_0 = arith.constant 0 : i32
    %scan3A_1 = arith.constant 128 : i32
    %scan3A_2 = arith.addi %scan3A_0, %scan3A_1 : i32
    %scan3A_3 = arith.constant 1 : i32
    %scan3A_4 = scf.for %scan3A_42 = %scan3A_0 to %scan3A_2 step %scan3A_3 iter_args(%scan3A_43 = %scan3A) -> (i32)  : i32 {
      %scan3A_44 = arith.constant 0 : i32
      %scan3A_45 = arith.constant 0 : i32
      %scan3A_46 = arith.constant 4 : i32
      %scan3A_47 = arith.addi %scan3A_45, %scan3A_46 : i32
      %scan3A_48 = arith.constant 1 : i32
      %scan3A_49 = scf.for %scan3A_52 = %scan3A_45 to %scan3A_47 step %scan3A_48 iter_args(%scan3A_53 = %scan3A_44) -> (i32)  : i32 {
        %broadcast_in_dim3A = arith.constant 0.000000e+00 : f32
        %broadcast_in_dim3A_54 = vector.broadcast %broadcast_in_dim3A : f32 to vector<16xf32>
        %mul3A_55 = arith.constant 16 : i32
        %mul3A_56 = arith.muli %scan3A_52, %mul3A_55 : i32
        %swap3A = arith.index_cast %scan3A_42 : i32 to index
        %swap3A_57 = arith.index_cast %mul3A_56 : i32 to index
        %swap3A_58 = tpu.vector_load %arg12[%swap3A, %swap3A_57] {strides = array<i32>} : memref<128x64xf32, #tpu.memory_space<vmem>>, vector<1x16xf32>,
        %swap3A_59 = vector.shape_cast %swap3A_58 : vector<1x16xf32> to vector<16xf32>
        %swap3A_60 = vector.shape_cast %broadcast_in_dim3A_54 : vector<16xf32> to vector<1x16xf32>
        tpu.vector_store %arg12[%swap3A, %swap3A_57], %swap3A_60 {strides = array<i32>} : memref<128x64xf32, #tpu.memory_space<vmem>>, vector<1x16xf32>,
        %scan3A_61 = arith.constant 0 : i32
        scf.yield %scan3A_61 : i32
      }
      %scan3A_50 = arith.constant 4 : i32
      %scan3A_51 = arith.constant 0 : i32
      scf.yield %scan3A_51 : i32
    }
    %scan3A_5 = arith.constant 128 : i32
    %scan3A_6 = arith.constant 0 : i32
    %scan3A_7 = arith.constant 0 : i32
    %scan3A_8 = arith.constant 5 : i32
    %scan3A_9 = arith.addi %scan3A_7, %scan3A_8 : i32
    %scan3A_10 = arith.constant 1 : i32
    %scan3A_11 = scf.for %scan3A_42 = %scan3A_7 to %scan3A_9 step %scan3A_10 iter_args(%scan3A_43 = %scan3A_6) -> (i32)  : i32 {
      %mul3A_44 = arith.constant 640 : i32
      %mul3A_45 = arith.muli %arg1, %mul3A_44 : i32
      %mul3A_46 = arith.constant 128 : i32
      %mul3A_47 = arith.muli %scan3A_42, %mul3A_46 : i32
      %add3A_48 = arith.addi %mul3A_45, %mul3A_47 : i32
      "tpu.region"() ({
        %run_scoped3A = tpu.sem_alloc : memref<!tpu.dma_semaphore, #tpu.memory_space<semaphore_mem>>
        %dma_start3A = arith.constant 0 : i32
        %dma_start3A_50 = tpu.memref_slice %arg13[%add3A_48, %dma_start3A] : memref<10240x64xf32, #tpu.memory_space<vmem_shared>> -> memref<128x64xf32, #tpu.memory_space<vmem_shared>>
        %dma_start3A_51 = arith.constant 0 : i32
        %dma_start3A_52 = tpu.memref_slice %arg13[%add3A_48, %dma_start3A_51] : memref<10240x64xf32, #tpu.memory_space<vmem_shared>> -> memref<128x64xf32, #tpu.memory_space<vmem_shared>>
        tpu.enqueue_dma source(%arg12 : memref<128x64xf32, #tpu.memory_space<vmem>>) target(%dma_start3A_52 : memref<128x64xf32, #tpu.memory_space<vmem_shared>>) target_semaphore(%run_scoped3A : memref<!tpu.dma_semaphore, #tpu.memory_space<semaphore_mem>>)
        %dma_wait3A = arith.constant 0 : i32
        %dma_wait3A_53 = tpu.memref_slice %arg13[%add3A_48, %dma_wait3A] : memref<10240x64xf32, #tpu.memory_space<vmem_shared>> -> memref<128x64xf32, #tpu.memory_space<vmem_shared>>
        %dma_wait3A_54 = arith.constant 0 : i32
        %dma_wait3A_55 = tpu.memref_slice %arg13[%add3A_48, %dma_wait3A_54] : memref<10240x64xf32, #tpu.memory_space<vmem_shared>> -> memref<128x64xf32, #tpu.memory_space<vmem_shared>>
        tpu.wait_dma2 semaphore(%run_scoped3A : memref<!tpu.dma_semaphore, #tpu.memory_space<semaphore_mem>>) src(%arg12 : memref<128x64xf32, #tpu.memory_space<vmem>>) dst(%dma_wait3A_55 : memref<128x64xf32, #tpu.memory_space<vmem_shared>>)
        tpu.yield
      }) : () -> ()
      %scan3A_49 = arith.constant 0 : i32
      scf.yield %scan3A_49 : i32
    }
    %scan3A_12 = arith.constant 5 : i32
    %eq3A = arith.constant 0 : i32
    %eq3A_13 = arith.cmpi eq, %arg0, %eq3A : i32
    %mul3A = arith.constant 136 : i32
    %mul3A_14 = arith.muli %arg1, %mul3A : i32
    %mul3A_15 = arith.constant 24 : i32
    %mul3A_16 = arith.muli %arg1, %mul3A_15 : i32
    %add3A = arith.constant 2176 : i32
    %add3A_17 = arith.addi %add3A, %mul3A_16 : i32
    %min3A = arith.constant 2424 : i32
    %min3A_18 = arith.minsi %add3A_17, %min3A : i32
    %select_n3A = arith.select %eq3A_13, %mul3A_14, %min3A_18 : i32
    %eq3A_19 = arith.constant 0 : i32
    %eq3A_20 = arith.cmpi eq, %arg0, %eq3A_19 : i32
    %mul3A_21 = arith.constant 24 : i32
    %mul3A_22 = arith.muli %arg1, %mul3A_21 : i32
    %add3A_23 = arith.constant 2176 : i32
    %add3A_24 = arith.addi %add3A_23, %mul3A_22 : i32
    %sub3A = arith.subi %add3A_24, %select_n3A : i32
    %jit3A = arith.constant 0 : i32
    %select_n3A_25 = arith.select %eq3A_20, %jit3A, %sub3A : i32
    "tpu.region"() ({
      %run_scoped3A = tpu.sem_alloc : memref<!tpu.dma_semaphore, #tpu.memory_space<semaphore_mem>>
      %dma_start3A = arith.constant 0 : i32
      %dma_start3A_42 = tpu.memref_slice %arg3[%select_n3A, %dma_start3A] : memref<2560x128xi32, #tpu.memory_space<hbm>> -> memref<136x128xi32, #tpu.memory_space<hbm>>
      %dma_start3A_43 = arith.constant 0 : i32
      %dma_start3A_44 = tpu.memref_slice %arg3[%select_n3A, %dma_start3A_43] : memref<2560x128xi32, #tpu.memory_space<hbm>> -> memref<136x128xi32, #tpu.memory_space<hbm>>
      tpu.enqueue_dma source(%dma_start3A_44 : memref<136x128xi32, #tpu.memory_space<hbm>>) target(%arg6 : memref<136x128xi32, #tpu.memory_space<vmem>>) target_semaphore(%run_scoped3A : memref<!tpu.dma_semaphore, #tpu.memory_space<semaphore_mem>>)
      %dma_wait3A = arith.constant 0 : i32
      %dma_wait3A_45 = tpu.memref_slice %arg3[%select_n3A, %dma_wait3A] : memref<2560x128xi32, #tpu.memory_space<hbm>> -> memref<136x128xi32, #tpu.memory_space<hbm>>
      %dma_wait3A_46 = arith.constant 0 : i32
      %dma_wait3A_47 = tpu.memref_slice %arg3[%select_n3A, %dma_wait3A_46] : memref<2560x128xi32, #tpu.memory_space<hbm>> -> memref<136x128xi32, #tpu.memory_space<hbm>>
      tpu.wait_dma2 semaphore(%run_scoped3A : memref<!tpu.dma_semaphore, #tpu.memory_space<semaphore_mem>>) src(%dma_wait3A_47 : memref<136x128xi32, #tpu.memory_space<hbm>>) dst(%arg6 : memref<136x128xi32, #tpu.memory_space<vmem>>)
      tpu.yield
    }) : () -> ()
    "tpu.region"() ({
      %run_scoped3A = tpu.sem_alloc : memref<!tpu.dma_semaphore, #tpu.memory_space<semaphore_mem>>
      %dma_start3A = arith.constant 0 : i32
      %dma_start3A_42 = tpu.memref_slice %arg4[%select_n3A, %dma_start3A] : memref<2560x128xi32, #tpu.memory_space<hbm>> -> memref<136x128xi32, #tpu.memory_space<hbm>>
      %dma_start3A_43 = arith.constant 0 : i32
      %dma_start3A_44 = tpu.memref_slice %arg4[%select_n3A, %dma_start3A_43] : memref<2560x128xi32, #tpu.memory_space<hbm>> -> memref<136x128xi32, #tpu.memory_space<hbm>>
      tpu.enqueue_dma source(%dma_start3A_44 : memref<136x128xi32, #tpu.memory_space<hbm>>) target(%arg7 : memref<136x128xi32, #tpu.memory_space<vmem>>) target_semaphore(%run_scoped3A : memref<!tpu.dma_semaphore, #tpu.memory_space<semaphore_mem>>)
      %dma_wait3A = arith.constant 0 : i32
      %dma_wait3A_45 = tpu.memref_slice %arg4[%select_n3A, %dma_wait3A] : memref<2560x128xi32, #tpu.memory_space<hbm>> -> memref<136x128xi32, #tpu.memory_space<hbm>>
      %dma_wait3A_46 = arith.constant 0 : i32
      %dma_wait3A_47 = tpu.memref_slice %arg4[%select_n3A, %dma_wait3A_46] : memref<2560x128xi32, #tpu.memory_space<hbm>> -> memref<136x128xi32, #tpu.memory_space<hbm>>
      tpu.wait_dma2 semaphore(%run_scoped3A : memref<!tpu.dma_semaphore, #tpu.memory_space<semaphore_mem>>) src(%dma_wait3A_47 : memref<136x128xi32, #tpu.memory_space<hbm>>) dst(%arg7 : memref<136x128xi32, #tpu.memory_space<vmem>>)
      tpu.yield
    }) : () -> ()
    %barrier3A = arith.constant 0 : index
    tpu.barrier barrier_id(%barrier3A)
    %eq3A_26 = arith.constant 0 : i32
    %eq3A_27 = arith.cmpi eq, %arg0, %eq3A_26 : i32
    %convert_element_type3A = arith.extui %eq3A_27 : i1 to i32
    %cond3A = arith.constant 0 : i32
    %cond3A_28 = arith.cmpi ne, %convert_element_type3A, %cond3A : i32
    scf.if %cond3A_28 {
      %dma_start3A = arith.constant 0 : i32
      %dma_start3A_42 = tpu.memref_slice %arg6[%select_n3A_25, %dma_start3A] : memref<136x128xi32, #tpu.memory_space<vmem>> -> memref<1x128xi32, #tpu.memory_space<vmem>>
      %dma_start3A_43 = tpu.memref_squeeze %dma_start3A_42 : memref<1x128xi32, #tpu.memory_space<vmem>> -> memref<128xi32, #tpu.memory_space<vmem>>
      %dma_start3A_44 = arith.constant 0 : i32
      %dma_start3A_45 = arith.constant 0 : i32
      %dma_start3A_46 = tpu.memref_slice %arg2[%dma_start3A_44, %dma_start3A_45] : memref<10240x64xf32, #tpu.memory_space<hbm>> -> memref<10240x64xf32, #tpu.memory_space<hbm>>
      tpu.enqueue_indirect_dma source(%dma_start3A_46 : memref<10240x64xf32, #tpu.memory_space<hbm>>) target(%arg8 : memref<128x64xf32, #tpu.memory_space<vmem>>) offsets(%dma_start3A_43 : memref<128xi32, #tpu.memory_space<vmem>>) semaphore(%arg14 : memref<!tpu.dma_semaphore, #tpu.memory_space<semaphore_mem>>)
      %add3A_47 = arith.constant 1 : i32
      %add3A_48 = arith.addi %select_n3A_25, %add3A_47 : i32
      %dma_start3A_49 = arith.constant 0 : i32
      %dma_start3A_50 = tpu.memref_slice %arg6[%add3A_48, %dma_start3A_49] : memref<136x128xi32, #tpu.memory_space<vmem>> -> memref<1x128xi32, #tpu.memory_space<vmem>>
      %dma_start3A_51 = tpu.memref_squeeze %dma_start3A_50 : memref<1x128xi32, #tpu.memory_space<vmem>> -> memref<128xi32, #tpu.memory_space<vmem>>
      %dma_start3A_52 = arith.constant 0 : i32
      %dma_start3A_53 = arith.constant 0 : i32
      %dma_start3A_54 = tpu.memref_slice %arg2[%dma_start3A_52, %dma_start3A_53] : memref<10240x64xf32, #tpu.memory_space<hbm>> -> memref<10240x64xf32, #tpu.memory_space<hbm>>
      tpu.enqueue_indirect_dma source(%dma_start3A_54 : memref<10240x64xf32, #tpu.memory_space<hbm>>) target(%arg9 : memref<128x64xf32, #tpu.memory_space<vmem>>) offsets(%dma_start3A_51 : memref<128xi32, #tpu.memory_space<vmem>>) semaphore(%arg15 : memref<!tpu.dma_semaphore, #tpu.memory_space<semaphore_mem>>)
      %scan3A_55 = arith.constant 0 : i32
      %scan3A_56 = arith.constant 0 : i32
      %scan3A_57 = arith.constant 136 : i32
      %scan3A_58 = arith.addi %scan3A_56, %scan3A_57 : i32
      %scan3A_59 = arith.constant 1 : i32
      %scan3A_60 = scf.for %scan3A_109 = %scan3A_56 to %scan3A_58 step %scan3A_59 iter_args(%scan3A_110 = %scan3A_55) -> (i32)  : i32 {
        %jit3A_111 = arith.constant 4 : i32
        %eq3A_112 = arith.constant 0 : i32
        %eq3A_113 = arith.cmpi eq, %jit3A_111, %eq3A_112 : i32
        %jit3A_114 = arith.constant 1 : i32
        %select_n3A_115 = arith.select %eq3A_113, %jit3A_114, %jit3A_111 : i32
        %rem3A = arith.remsi %scan3A_109, %select_n3A_115 : i32
        %ne3A = arith.constant 0 : i32
        %ne3A_116 = arith.cmpi ne, %rem3A, %ne3A : i32
        %lt3A = arith.constant 0 : i32
        %lt3A_117 = arith.cmpi slt, %rem3A, %lt3A : i32
        %lt3A_118 = arith.constant 0 : i32
        %lt3A_119 = arith.cmpi slt, %select_n3A_115, %lt3A_118 : i32
        %ne3A_120 = arith.xori %lt3A_117, %lt3A_119 : i1
        %and3A = arith.andi %ne3A_120, %ne3A_116 : i1
        %add3A_121 = arith.addi %rem3A, %select_n3A_115 : i32
        %select_n3A_122 = arith.select %and3A, %add3A_121, %rem3A : i32
        %eq3A_123 = arith.constant 0 : i32
        %eq3A_124 = arith.cmpi eq, %select_n3A_122, %eq3A_123 : i32
        %convert_element_type3A_125 = arith.extui %eq3A_124 : i1 to i32
        %cond3A_126 = arith.constant 0 : i32
        %cond3A_127 = arith.cmpi ne, %convert_element_type3A_125, %cond3A_126 : i32
        scf.if %cond3A_127 {
          %add3A_192 = arith.addi %select_n3A_25, %scan3A_109 : i32
          %dma_wait3A_193 = arith.constant 0 : i32
          %dma_wait3A_194 = tpu.memref_slice %arg6[%add3A_192, %dma_wait3A_193] : memref<136x128xi32, #tpu.memory_space<vmem>> -> memref<1x128xi32, #tpu.memory_space<vmem>>
          %dma_wait3A_195 = tpu.memref_squeeze %dma_wait3A_194 : memref<1x128xi32, #tpu.memory_space<vmem>> -> memref<128xi32, #tpu.memory_space<vmem>>
          %dma_wait3A_196 = arith.constant 0 : i32
          %dma_wait3A_197 = arith.constant 0 : i32
          %dma_wait3A_198 = tpu.memref_slice %arg2[%dma_wait3A_196, %dma_wait3A_197] : memref<10240x64xf32, #tpu.memory_space<hbm>> -> memref<10240x64xf32, #tpu.memory_space<hbm>>
          tpu.wait_indirect_dma semaphore(%arg14 : memref<!tpu.dma_semaphore, #tpu.memory_space<semaphore_mem>>) src(%dma_wait3A_198 : memref<10240x64xf32, #tpu.memory_space<hbm>>) dst(%arg8 : memref<128x64xf32, #tpu.memory_space<vmem>>)
          %add3A_199 = arith.addi %select_n3A_25, %scan3A_109 : i32
          %dma_start3A_200 = arith.constant 0 : i32
          %dma_start3A_201 = tpu.memref_slice %arg7[%add3A_199, %dma_start3A_200] : memref<136x128xi32, #tpu.memory_space<vmem>> -> memref<1x128xi32, #tpu.memory_space<vmem>>
          %dma_start3A_202 = tpu.memref_squeeze %dma_start3A_201 : memref<1x128xi32, #tpu.memory_space<vmem>> -> memref<128xi32, #tpu.memory_space<vmem>>
          %dma_start3A_203 = arith.constant 0 : i32
          %dma_start3A_204 = arith.constant 0 : i32
          %dma_start3A_205 = tpu.memref_slice %arg13[%dma_start3A_203, %dma_start3A_204] : memref<10240x64xf32, #tpu.memory_space<vmem_shared>> -> memref<10240x64xf32, #tpu.memory_space<vmem_shared>>
          tpu.enqueue_indirect_dma source(%arg8 : memref<128x64xf32, #tpu.memory_space<vmem>>) target(%dma_start3A_205 : memref<10240x64xf32, #tpu.memory_space<vmem_shared>>) offsets(%dma_start3A_202 : memref<128xi32, #tpu.memory_space<vmem>>) semaphore(%arg18 : memref<!tpu.dma_semaphore, #tpu.memory_space<semaphore_mem>>) {add = true}
          %add3A_206 = arith.constant 2 : i32
          %add3A_207 = arith.addi %scan3A_109, %add3A_206 : i32
          %lt3A_208 = arith.constant 136 : i32
          %lt3A_209 = arith.cmpi slt, %add3A_207, %lt3A_208 : i32
          %convert_element_type3A_210 = arith.extui %lt3A_209 : i1 to i32
          %cond3A_211 = arith.constant 0 : i32
          %cond3A_212 = arith.cmpi ne, %convert_element_type3A_210, %cond3A_211 : i32
          scf.if %cond3A_212 {
            %ge3A = arith.constant 2 : i32
            %ge3A_213 = arith.cmpi sge, %scan3A_109, %ge3A : i32
            %convert_element_type3A_214 = arith.extui %ge3A_213 : i1 to i32
            %cond3A_215 = arith.constant 0 : i32
            %cond3A_216 = arith.cmpi ne, %convert_element_type3A_214, %cond3A_215 : i32
            scf.if %cond3A_216 {
              %add3A_226 = arith.addi %select_n3A_25, %scan3A_109 : i32
              %sub3A_227 = arith.constant 2 : i32
              %sub3A_228 = arith.subi %add3A_226, %sub3A_227 : i32
              %dma_wait3A_229 = arith.constant 0 : i32
              %dma_wait3A_230 = tpu.memref_slice %arg7[%sub3A_228, %dma_wait3A_229] : memref<136x128xi32, #tpu.memory_space<vmem>> -> memref<1x128xi32, #tpu.memory_space<vmem>>
              %dma_wait3A_231 = tpu.memref_squeeze %dma_wait3A_230 : memref<1x128xi32, #tpu.memory_space<vmem>> -> memref<128xi32, #tpu.memory_space<vmem>>
              %dma_wait3A_232 = arith.constant 0 : i32
              %dma_wait3A_233 = arith.constant 0 : i32
              %dma_wait3A_234 = tpu.memref_slice %arg13[%dma_wait3A_232, %dma_wait3A_233] : memref<10240x64xf32, #tpu.memory_space<vmem_shared>> -> memref<10240x64xf32, #tpu.memory_space<vmem_shared>>
              tpu.wait_indirect_dma semaphore(%arg20 : memref<!tpu.dma_semaphore, #tpu.memory_space<semaphore_mem>>) src(%arg10 : memref<128x64xf32, #tpu.memory_space<vmem>>) dst(%dma_wait3A_234 : memref<10240x64xf32, #tpu.memory_space<vmem_shared>>)
            } else {
            }
            %add3A_217 = arith.addi %select_n3A_25, %scan3A_109 : i32
            %add3A_218 = arith.constant 2 : i32
            %add3A_219 = arith.addi %add3A_217, %add3A_218 : i32
            %dma_start3A_220 = arith.constant 0 : i32
            %dma_start3A_221 = tpu.memref_slice %arg6[%add3A_219, %dma_start3A_220] : memref<136x128xi32, #tpu.memory_space<vmem>> -> memref<1x128xi32, #tpu.memory_space<vmem>>
            %dma_start3A_222 = tpu.memref_squeeze %dma_start3A_221 : memref<1x128xi32, #tpu.memory_space<vmem>> -> memref<128xi32, #tpu.memory_space<vmem>>
            %dma_start3A_223 = arith.constant 0 : i32
            %dma_start3A_224 = arith.constant 0 : i32
            %dma_start3A_225 = tpu.memref_slice %arg2[%dma_start3A_223, %dma_start3A_224] : memref<10240x64xf32, #tpu.memory_space<hbm>> -> memref<10240x64xf32, #tpu.memory_space<hbm>>
            tpu.enqueue_indirect_dma source(%dma_start3A_225 : memref<10240x64xf32, #tpu.memory_space<hbm>>) target(%arg10 : memref<128x64xf32, #tpu.memory_space<vmem>>) offsets(%dma_start3A_222 : memref<128xi32, #tpu.memory_space<vmem>>) semaphore(%arg16 : memref<!tpu.dma_semaphore, #tpu.memory_space<semaphore_mem>>)
          } else {
          }
        } else {
        }
        %jit3A_128 = arith.constant 4 : i32
        %eq3A_129 = arith.constant 0 : i32
        %eq3A_130 = arith.cmpi eq, %jit3A_128, %eq3A_129 : i32
        %jit3A_131 = arith.constant 1 : i32
        %select_n3A_132 = arith.select %eq3A_130, %jit3A_131, %jit3A_128 : i32
        %rem3A_133 = arith.remsi %scan3A_109, %select_n3A_132 : i32
        %ne3A_134 = arith.constant 0 : i32
        %ne3A_135 = arith.cmpi ne, %rem3A_133, %ne3A_134 : i32
        %lt3A_136 = arith.constant 0 : i32
        %lt3A_137 = arith.cmpi slt, %rem3A_133, %lt3A_136 : i32
        %lt3A_138 = arith.constant 0 : i32
        %lt3A_139 = arith.cmpi slt, %select_n3A_132, %lt3A_138 : i32
        %ne3A_140 = arith.xori %lt3A_137, %lt3A_139 : i1
        %and3A_141 = arith.andi %ne3A_140, %ne3A_135 : i1
        %add3A_142 = arith.addi %rem3A_133, %select_n3A_132 : i32
        %select_n3A_143 = arith.select %and3A_141, %add3A_142, %rem3A_133 : i32
        %eq3A_144 = arith.constant 1 : i32
        %eq3A_145 = arith.cmpi eq, %select_n3A_143, %eq3A_144 : i32
        %convert_element_type3A_146 = arith.extui %eq3A_145 : i1 to i32
        %cond3A_147 = arith.constant 0 : i32
        %cond3A_148 = arith.cmpi ne, %convert_element_type3A_146, %cond3A_147 : i32
        scf.if %cond3A_148 {
          %add3A_192 = arith.addi %select_n3A_25, %scan3A_109 : i32
          %dma_wait3A_193 = arith.constant 0 : i32
          %dma_wait3A_194 = tpu.memref_slice %arg6[%add3A_192, %dma_wait3A_193] : memref<136x128xi32, #tpu.memory_space<vmem>> -> memref<1x128xi32, #tpu.memory_space<vmem>>
          %dma_wait3A_195 = tpu.memref_squeeze %dma_wait3A_194 : memref<1x128xi32, #tpu.memory_space<vmem>> -> memref<128xi32, #tpu.memory_space<vmem>>
          %dma_wait3A_196 = arith.constant 0 : i32
          %dma_wait3A_197 = arith.constant 0 : i32
          %dma_wait3A_198 = tpu.memref_slice %arg2[%dma_wait3A_196, %dma_wait3A_197] : memref<10240x64xf32, #tpu.memory_space<hbm>> -> memref<10240x64xf32, #tpu.memory_space<hbm>>
          tpu.wait_indirect_dma semaphore(%arg15 : memref<!tpu.dma_semaphore, #tpu.memory_space<semaphore_mem>>) src(%dma_wait3A_198 : memref<10240x64xf32, #tpu.memory_space<hbm>>) dst(%arg9 : memref<128x64xf32, #tpu.memory_space<vmem>>)
          %add3A_199 = arith.addi %select_n3A_25, %scan3A_109 : i32
          %dma_start3A_200 = arith.constant 0 : i32
          %dma_start3A_201 = tpu.memref_slice %arg7[%add3A_199, %dma_start3A_200] : memref<136x128xi32, #tpu.memory_space<vmem>> -> memref<1x128xi32, #tpu.memory_space<vmem>>
          %dma_start3A_202 = tpu.memref_squeeze %dma_start3A_201 : memref<1x128xi32, #tpu.memory_space<vmem>> -> memref<128xi32, #tpu.memory_space<vmem>>
          %dma_start3A_203 = arith.constant 0 : i32
          %dma_start3A_204 = arith.constant 0 : i32
          %dma_start3A_205 = tpu.memref_slice %arg13[%dma_start3A_203, %dma_start3A_204] : memref<10240x64xf32, #tpu.memory_space<vmem_shared>> -> memref<10240x64xf32, #tpu.memory_space<vmem_shared>>
          tpu.enqueue_indirect_dma source(%arg9 : memref<128x64xf32, #tpu.memory_space<vmem>>) target(%dma_start3A_205 : memref<10240x64xf32, #tpu.memory_space<vmem_shared>>) offsets(%dma_start3A_202 : memref<128xi32, #tpu.memory_space<vmem>>) semaphore(%arg19 : memref<!tpu.dma_semaphore, #tpu.memory_space<semaphore_mem>>) {add = true}
          %add3A_206 = arith.constant 2 : i32
          %add3A_207 = arith.addi %scan3A_109, %add3A_206 : i32
          %lt3A_208 = arith.constant 136 : i32
          %lt3A_209 = arith.cmpi slt, %add3A_207, %lt3A_208 : i32
          %convert_element_type3A_210 = arith.extui %lt3A_209 : i1 to i32
          %cond3A_211 = arith.constant 0 : i32
          %cond3A_212 = arith.cmpi ne, %convert_element_type3A_210, %cond3A_211 : i32
          scf.if %cond3A_212 {
            %ge3A = arith.constant 2 : i32
            %ge3A_213 = arith.cmpi sge, %scan3A_109, %ge3A : i32
            %convert_element_type3A_214 = arith.extui %ge3A_213 : i1 to i32
            %cond3A_215 = arith.constant 0 : i32
            %cond3A_216 = arith.cmpi ne, %convert_element_type3A_214, %cond3A_215 : i32
            scf.if %cond3A_216 {
              %add3A_226 = arith.addi %select_n3A_25, %scan3A_109 : i32
              %sub3A_227 = arith.constant 2 : i32
              %sub3A_228 = arith.subi %add3A_226, %sub3A_227 : i32
              %dma_wait3A_229 = arith.constant 0 : i32
              %dma_wait3A_230 = tpu.memref_slice %arg7[%sub3A_228, %dma_wait3A_229] : memref<136x128xi32, #tpu.memory_space<vmem>> -> memref<1x128xi32, #tpu.memory_space<vmem>>
              %dma_wait3A_231 = tpu.memref_squeeze %dma_wait3A_230 : memref<1x128xi32, #tpu.memory_space<vmem>> -> memref<128xi32, #tpu.memory_space<vmem>>
              %dma_wait3A_232 = arith.constant 0 : i32
              %dma_wait3A_233 = arith.constant 0 : i32
              %dma_wait3A_234 = tpu.memref_slice %arg13[%dma_wait3A_232, %dma_wait3A_233] : memref<10240x64xf32, #tpu.memory_space<vmem_shared>> -> memref<10240x64xf32, #tpu.memory_space<vmem_shared>>
              tpu.wait_indirect_dma semaphore(%arg21 : memref<!tpu.dma_semaphore, #tpu.memory_space<semaphore_mem>>) src(%arg11 : memref<128x64xf32, #tpu.memory_space<vmem>>) dst(%dma_wait3A_234 : memref<10240x64xf32, #tpu.memory_space<vmem_shared>>)
            } else {
            }
            %add3A_217 = arith.addi %select_n3A_25, %scan3A_109 : i32
            %add3A_218 = arith.constant 2 : i32
            %add3A_219 = arith.addi %add3A_217, %add3A_218 : i32
            %dma_start3A_220 = arith.constant 0 : i32
            %dma_start3A_221 = tpu.memref_slice %arg6[%add3A_219, %dma_start3A_220] : memref<136x128xi32, #tpu.memory_space<vmem>> -> memref<1x128xi32, #tpu.memory_space<vmem>>
            %dma_start3A_222 = tpu.memref_squeeze %dma_start3A_221 : memref<1x128xi32, #tpu.memory_space<vmem>> -> memref<128xi32, #tpu.memory_space<vmem>>
            %dma_start3A_223 = arith.constant 0 : i32
            %dma_start3A_224 = arith.constant 0 : i32
            %dma_start3A_225 = tpu.memref_slice %arg2[%dma_start3A_223, %dma_start3A_224] : memref<10240x64xf32, #tpu.memory_space<hbm>> -> memref<10240x64xf32, #tpu.memory_space<hbm>>
            tpu.enqueue_indirect_dma source(%dma_start3A_225 : memref<10240x64xf32, #tpu.memory_space<hbm>>) target(%arg11 : memref<128x64xf32, #tpu.memory_space<vmem>>) offsets(%dma_start3A_222 : memref<128xi32, #tpu.memory_space<vmem>>) semaphore(%arg17 : memref<!tpu.dma_semaphore, #tpu.memory_space<semaphore_mem>>)
          } else {
          }
        } else {
        }
        %jit3A_149 = arith.constant 4 : i32
        %eq3A_150 = arith.constant 0 : i32
        %eq3A_151 = arith.cmpi eq, %jit3A_149, %eq3A_150 : i32
        %jit3A_152 = arith.constant 1 : i32
        %select_n3A_153 = arith.select %eq3A_151, %jit3A_152, %jit3A_149 : i32
        %rem3A_154 = arith.remsi %scan3A_109, %select_n3A_153 : i32
        %ne3A_155 = arith.constant 0 : i32
        %ne3A_156 = arith.cmpi ne, %rem3A_154, %ne3A_155 : i32
        %lt3A_157 = arith.constant 0 : i32
        %lt3A_158 = arith.cmpi slt, %rem3A_154, %lt3A_157 : i32
        %lt3A_159 = arith.constant 0 : i32
        %lt3A_160 = arith.cmpi slt, %select_n3A_153, %lt3A_159 : i32
        %ne3A_161 = arith.xori %lt3A_158, %lt3A_160 : i1
        %and3A_162 = arith.andi %ne3A_161, %ne3A_156 : i1
        %add3A_163 = arith.addi %rem3A_154, %select_n3A_153 : i32
        %select_n3A_164 = arith.select %and3A_162, %add3A_163, %rem3A_154 : i32
        %eq3A_165 = arith.constant 2 : i32
        %eq3A_166 = arith.cmpi eq, %select_n3A_164, %eq3A_165 : i32
        %convert_element_type3A_167 = arith.extui %eq3A_166 : i1 to i32
        %cond3A_168 = arith.constant 0 : i32
        %cond3A_169 = arith.cmpi ne, %convert_element_type3A_167, %cond3A_168 : i32
        scf.if %cond3A_169 {
          %add3A_192 = arith.addi %select_n3A_25, %scan3A_109 : i32
          %dma_wait3A_193 = arith.constant 0 : i32
          %dma_wait3A_194 = tpu.memref_slice %arg6[%add3A_192, %dma_wait3A_193] : memref<136x128xi32, #tpu.memory_space<vmem>> -> memref<1x128xi32, #tpu.memory_space<vmem>>
          %dma_wait3A_195 = tpu.memref_squeeze %dma_wait3A_194 : memref<1x128xi32, #tpu.memory_space<vmem>> -> memref<128xi32, #tpu.memory_space<vmem>>
          %dma_wait3A_196 = arith.constant 0 : i32
          %dma_wait3A_197 = arith.constant 0 : i32
          %dma_wait3A_198 = tpu.memref_slice %arg2[%dma_wait3A_196, %dma_wait3A_197] : memref<10240x64xf32, #tpu.memory_space<hbm>> -> memref<10240x64xf32, #tpu.memory_space<hbm>>
          tpu.wait_indirect_dma semaphore(%arg16 : memref<!tpu.dma_semaphore, #tpu.memory_space<semaphore_mem>>) src(%dma_wait3A_198 : memref<10240x64xf32, #tpu.memory_space<hbm>>) dst(%arg10 : memref<128x64xf32, #tpu.memory_space<vmem>>)
          %add3A_199 = arith.addi %select_n3A_25, %scan3A_109 : i32
          %dma_start3A_200 = arith.constant 0 : i32
          %dma_start3A_201 = tpu.memref_slice %arg7[%add3A_199, %dma_start3A_200] : memref<136x128xi32, #tpu.memory_space<vmem>> -> memref<1x128xi32, #tpu.memory_space<vmem>>
          %dma_start3A_202 = tpu.memref_squeeze %dma_start3A_201 : memref<1x128xi32, #tpu.memory_space<vmem>> -> memref<128xi32, #tpu.memory_space<vmem>>
          %dma_start3A_203 = arith.constant 0 : i32
          %dma_start3A_204 = arith.constant 0 : i32
          %dma_start3A_205 = tpu.memref_slice %arg13[%dma_start3A_203, %dma_start3A_204] : memref<10240x64xf32, #tpu.memory_space<vmem_shared>> -> memref<10240x64xf32, #tpu.memory_space<vmem_shared>>
          tpu.enqueue_indirect_dma source(%arg10 : memref<128x64xf32, #tpu.memory_space<vmem>>) target(%dma_start3A_205 : memref<10240x64xf32, #tpu.memory_space<vmem_shared>>) offsets(%dma_start3A_202 : memref<128xi32, #tpu.memory_space<vmem>>) semaphore(%arg20 : memref<!tpu.dma_semaphore, #tpu.memory_space<semaphore_mem>>) {add = true}
          %add3A_206 = arith.constant 2 : i32
          %add3A_207 = arith.addi %scan3A_109, %add3A_206 : i32
          %lt3A_208 = arith.constant 136 : i32
          %lt3A_209 = arith.cmpi slt, %add3A_207, %lt3A_208 : i32
          %convert_element_type3A_210 = arith.extui %lt3A_209 : i1 to i32
          %cond3A_211 = arith.constant 0 : i32
          %cond3A_212 = arith.cmpi ne, %convert_element_type3A_210, %cond3A_211 : i32
          scf.if %cond3A_212 {
            %ge3A = arith.constant 2 : i32
            %ge3A_213 = arith.cmpi sge, %scan3A_109, %ge3A : i32
            %convert_element_type3A_214 = arith.extui %ge3A_213 : i1 to i32
            %cond3A_215 = arith.constant 0 : i32
            %cond3A_216 = arith.cmpi ne, %convert_element_type3A_214, %cond3A_215 : i32
            scf.if %cond3A_216 {
              %add3A_226 = arith.addi %select_n3A_25, %scan3A_109 : i32
              %sub3A_227 = arith.constant 2 : i32
              %sub3A_228 = arith.subi %add3A_226, %sub3A_227 : i32
              %dma_wait3A_229 = arith.constant 0 : i32
              %dma_wait3A_230 = tpu.memref_slice %arg7[%sub3A_228, %dma_wait3A_229] : memref<136x128xi32, #tpu.memory_space<vmem>> -> memref<1x128xi32, #tpu.memory_space<vmem>>
              %dma_wait3A_231 = tpu.memref_squeeze %dma_wait3A_230 : memref<1x128xi32, #tpu.memory_space<vmem>> -> memref<128xi32, #tpu.memory_space<vmem>>
              %dma_wait3A_232 = arith.constant 0 : i32
              %dma_wait3A_233 = arith.constant 0 : i32
              %dma_wait3A_234 = tpu.memref_slice %arg13[%dma_wait3A_232, %dma_wait3A_233] : memref<10240x64xf32, #tpu.memory_space<vmem_shared>> -> memref<10240x64xf32, #tpu.memory_space<vmem_shared>>
              tpu.wait_indirect_dma semaphore(%arg18 : memref<!tpu.dma_semaphore, #tpu.memory_space<semaphore_mem>>) src(%arg8 : memref<128x64xf32, #tpu.memory_space<vmem>>) dst(%dma_wait3A_234 : memref<10240x64xf32, #tpu.memory_space<vmem_shared>>)
            } else {
            }
            %add3A_217 = arith.addi %select_n3A_25, %scan3A_109 : i32
            %add3A_218 = arith.constant 2 : i32
            %add3A_219 = arith.addi %add3A_217, %add3A_218 : i32
            %dma_start3A_220 = arith.constant 0 : i32
            %dma_start3A_221 = tpu.memref_slice %arg6[%add3A_219, %dma_start3A_220] : memref<136x128xi32, #tpu.memory_space<vmem>> -> memref<1x128xi32, #tpu.memory_space<vmem>>
            %dma_start3A_222 = tpu.memref_squeeze %dma_start3A_221 : memref<1x128xi32, #tpu.memory_space<vmem>> -> memref<128xi32, #tpu.memory_space<vmem>>
            %dma_start3A_223 = arith.constant 0 : i32
            %dma_start3A_224 = arith.constant 0 : i32
            %dma_start3A_225 = tpu.memref_slice %arg2[%dma_start3A_223, %dma_start3A_224] : memref<10240x64xf32, #tpu.memory_space<hbm>> -> memref<10240x64xf32, #tpu.memory_space<hbm>>
            tpu.enqueue_indirect_dma source(%dma_start3A_225 : memref<10240x64xf32, #tpu.memory_space<hbm>>) target(%arg8 : memref<128x64xf32, #tpu.memory_space<vmem>>) offsets(%dma_start3A_222 : memref<128xi32, #tpu.memory_space<vmem>>) semaphore(%arg14 : memref<!tpu.dma_semaphore, #tpu.memory_space<semaphore_mem>>)
          } else {
          }
        } else {
        }
        %jit3A_170 = arith.constant 4 : i32
        %eq3A_171 = arith.constant 0 : i32
        %eq3A_172 = arith.cmpi eq, %jit3A_170, %eq3A_171 : i32
        %jit3A_173 = arith.constant 1 : i32
        %select_n3A_174 = arith.select %eq3A_172, %jit3A_173, %jit3A_170 : i32
        %rem3A_175 = arith.remsi %scan3A_109, %select_n3A_174 : i32
        %ne3A_176 = arith.constant 0 : i32
        %ne3A_177 = arith.cmpi ne, %rem3A_175, %ne3A_176 : i32
        %lt3A_178 = arith.constant 0 : i32
        %lt3A_179 = arith.cmpi slt, %rem3A_175, %lt3A_178 : i32
        %lt3A_180 = arith.constant 0 : i32
        %lt3A_181 = arith.cmpi slt, %select_n3A_174, %lt3A_180 : i32
        %ne3A_182 = arith.xori %lt3A_179, %lt3A_181 : i1
        %and3A_183 = arith.andi %ne3A_182, %ne3A_177 : i1
        %add3A_184 = arith.addi %rem3A_175, %select_n3A_174 : i32
        %select_n3A_185 = arith.select %and3A_183, %add3A_184, %rem3A_175 : i32
        %eq3A_186 = arith.constant 3 : i32
        %eq3A_187 = arith.cmpi eq, %select_n3A_185, %eq3A_186 : i32
        %convert_element_type3A_188 = arith.extui %eq3A_187 : i1 to i32
        %cond3A_189 = arith.constant 0 : i32
        %cond3A_190 = arith.cmpi ne, %convert_element_type3A_188, %cond3A_189 : i32
        scf.if %cond3A_190 {
          %add3A_192 = arith.addi %select_n3A_25, %scan3A_109 : i32
          %dma_wait3A_193 = arith.constant 0 : i32
          %dma_wait3A_194 = tpu.memref_slice %arg6[%add3A_192, %dma_wait3A_193] : memref<136x128xi32, #tpu.memory_space<vmem>> -> memref<1x128xi32, #tpu.memory_space<vmem>>
          %dma_wait3A_195 = tpu.memref_squeeze %dma_wait3A_194 : memref<1x128xi32, #tpu.memory_space<vmem>> -> memref<128xi32, #tpu.memory_space<vmem>>
          %dma_wait3A_196 = arith.constant 0 : i32
          %dma_wait3A_197 = arith.constant 0 : i32
          %dma_wait3A_198 = tpu.memref_slice %arg2[%dma_wait3A_196, %dma_wait3A_197] : memref<10240x64xf32, #tpu.memory_space<hbm>> -> memref<10240x64xf32, #tpu.memory_space<hbm>>
          tpu.wait_indirect_dma semaphore(%arg17 : memref<!tpu.dma_semaphore, #tpu.memory_space<semaphore_mem>>) src(%dma_wait3A_198 : memref<10240x64xf32, #tpu.memory_space<hbm>>) dst(%arg11 : memref<128x64xf32, #tpu.memory_space<vmem>>)
          %add3A_199 = arith.addi %select_n3A_25, %scan3A_109 : i32
          %dma_start3A_200 = arith.constant 0 : i32
          %dma_start3A_201 = tpu.memref_slice %arg7[%add3A_199, %dma_start3A_200] : memref<136x128xi32, #tpu.memory_space<vmem>> -> memref<1x128xi32, #tpu.memory_space<vmem>>
          %dma_start3A_202 = tpu.memref_squeeze %dma_start3A_201 : memref<1x128xi32, #tpu.memory_space<vmem>> -> memref<128xi32, #tpu.memory_space<vmem>>
          %dma_start3A_203 = arith.constant 0 : i32
          %dma_start3A_204 = arith.constant 0 : i32
          %dma_start3A_205 = tpu.memref_slice %arg13[%dma_start3A_203, %dma_start3A_204] : memref<10240x64xf32, #tpu.memory_space<vmem_shared>> -> memref<10240x64xf32, #tpu.memory_space<vmem_shared>>
          tpu.enqueue_indirect_dma source(%arg11 : memref<128x64xf32, #tpu.memory_space<vmem>>) target(%dma_start3A_205 : memref<10240x64xf32, #tpu.memory_space<vmem_shared>>) offsets(%dma_start3A_202 : memref<128xi32, #tpu.memory_space<vmem>>) semaphore(%arg21 : memref<!tpu.dma_semaphore, #tpu.memory_space<semaphore_mem>>) {add = true}
          %add3A_206 = arith.constant 2 : i32
          %add3A_207 = arith.addi %scan3A_109, %add3A_206 : i32
          %lt3A_208 = arith.constant 136 : i32
          %lt3A_209 = arith.cmpi slt, %add3A_207, %lt3A_208 : i32
          %convert_element_type3A_210 = arith.extui %lt3A_209 : i1 to i32
          %cond3A_211 = arith.constant 0 : i32
          %cond3A_212 = arith.cmpi ne, %convert_element_type3A_210, %cond3A_211 : i32
          scf.if %cond3A_212 {
            %ge3A = arith.constant 2 : i32
            %ge3A_213 = arith.cmpi sge, %scan3A_109, %ge3A : i32
            %convert_element_type3A_214 = arith.extui %ge3A_213 : i1 to i32
            %cond3A_215 = arith.constant 0 : i32
            %cond3A_216 = arith.cmpi ne, %convert_element_type3A_214, %cond3A_215 : i32
            scf.if %cond3A_216 {
              %add3A_226 = arith.addi %select_n3A_25, %scan3A_109 : i32
              %sub3A_227 = arith.constant 2 : i32
              %sub3A_228 = arith.subi %add3A_226, %sub3A_227 : i32
              %dma_wait3A_229 = arith.constant 0 : i32
              %dma_wait3A_230 = tpu.memref_slice %arg7[%sub3A_228, %dma_wait3A_229] : memref<136x128xi32, #tpu.memory_space<vmem>> -> memref<1x128xi32, #tpu.memory_space<vmem>>
              %dma_wait3A_231 = tpu.memref_squeeze %dma_wait3A_230 : memref<1x128xi32, #tpu.memory_space<vmem>> -> memref<128xi32, #tpu.memory_space<vmem>>
              %dma_wait3A_232 = arith.constant 0 : i32
              %dma_wait3A_233 = arith.constant 0 : i32
              %dma_wait3A_234 = tpu.memref_slice %arg13[%dma_wait3A_232, %dma_wait3A_233] : memref<10240x64xf32, #tpu.memory_space<vmem_shared>> -> memref<10240x64xf32, #tpu.memory_space<vmem_shared>>
              tpu.wait_indirect_dma semaphore(%arg19 : memref<!tpu.dma_semaphore, #tpu.memory_space<semaphore_mem>>) src(%arg9 : memref<128x64xf32, #tpu.memory_space<vmem>>) dst(%dma_wait3A_234 : memref<10240x64xf32, #tpu.memory_space<vmem_shared>>)
            } else {
            }
            %add3A_217 = arith.addi %select_n3A_25, %scan3A_109 : i32
            %add3A_218 = arith.constant 2 : i32
            %add3A_219 = arith.addi %add3A_217, %add3A_218 : i32
            %dma_start3A_220 = arith.constant 0 : i32
            %dma_start3A_221 = tpu.memref_slice %arg6[%add3A_219, %dma_start3A_220] : memref<136x128xi32, #tpu.memory_space<vmem>> -> memref<1x128xi32, #tpu.memory_space<vmem>>
            %dma_start3A_222 = tpu.memref_squeeze %dma_start3A_221 : memref<1x128xi32, #tpu.memory_space<vmem>> -> memref<128xi32, #tpu.memory_space<vmem>>
            %dma_start3A_223 = arith.constant 0 : i32
            %dma_start3A_224 = arith.constant 0 : i32
            %dma_start3A_225 = tpu.memref_slice %arg2[%dma_start3A_223, %dma_start3A_224] : memref<10240x64xf32, #tpu.memory_space<hbm>> -> memref<10240x64xf32, #tpu.memory_space<hbm>>
            tpu.enqueue_indirect_dma source(%dma_start3A_225 : memref<10240x64xf32, #tpu.memory_space<hbm>>) target(%arg9 : memref<128x64xf32, #tpu.memory_space<vmem>>) offsets(%dma_start3A_222 : memref<128xi32, #tpu.memory_space<vmem>>) semaphore(%arg15 : memref<!tpu.dma_semaphore, #tpu.memory_space<semaphore_mem>>)
          } else {
          }
        } else {
        }
        %scan3A_191 = arith.constant 0 : i32
        scf.yield %scan3A_191 : i32
      }
      %scan3A_61 = arith.constant 136 : i32
      %add3A_62 = arith.constant 136 : i32
      %add3A_63 = arith.addi %select_n3A_25, %add3A_62 : i32
      %sub3A_64 = arith.constant 4 : i32
      %sub3A_65 = arith.subi %add3A_63, %sub3A_64 : i32
      %add3A_66 = arith.constant 0 : i32
      %add3A_67 = arith.addi %sub3A_65, %add3A_66 : i32
      %dma_wait3A = arith.constant 0 : i32
      %dma_wait3A_68 = tpu.memref_slice %arg7[%add3A_67, %dma_wait3A] : memref<136x128xi32, #tpu.memory_space<vmem>> -> memref<1x128xi32, #tpu.memory_space<vmem>>
      %dma_wait3A_69 = tpu.memref_squeeze %dma_wait3A_68 : memref<1x128xi32, #tpu.memory_space<vmem>> -> memref<128xi32, #tpu.memory_space<vmem>>
      %dma_wait3A_70 = arith.constant 0 : i32
      %dma_wait3A_71 = arith.constant 0 : i32
      %dma_wait3A_72 = tpu.memref_slice %arg13[%dma_wait3A_70, %dma_wait3A_71] : memref<10240x64xf32, #tpu.memory_space<vmem_shared>> -> memref<10240x64xf32, #tpu.memory_space<vmem_shared>>
      tpu.wait_indirect_dma semaphore(%arg18 : memref<!tpu.dma_semaphore, #tpu.memory_space<semaphore_mem>>) src(%arg8 : memref<128x64xf32, #tpu.memory_space<vmem>>) dst(%dma_wait3A_72 : memref<10240x64xf32, #tpu.memory_space<vmem_shared>>)
      %add3A_73 = arith.constant 136 : i32
      %add3A_74 = arith.addi %select_n3A_25, %add3A_73 : i32
      %sub3A_75 = arith.constant 4 : i32
      %sub3A_76 = arith.subi %add3A_74, %sub3A_75 : i32
      %add3A_77 = arith.constant 1 : i32
      %add3A_78 = arith.addi %sub3A_76, %add3A_77 : i32
      %dma_wait3A_79 = arith.constant 0 : i32
      %dma_wait3A_80 = tpu.memref_slice %arg7[%add3A_78, %dma_wait3A_79] : memref<136x128xi32, #tpu.memory_space<vmem>> -> memref<1x128xi32, #tpu.memory_space<vmem>>
      %dma_wait3A_81 = tpu.memref_squeeze %dma_wait3A_80 : memref<1x128xi32, #tpu.memory_space<vmem>> -> memref<128xi32, #tpu.memory_space<vmem>>
      %dma_wait3A_82 = arith.constant 0 : i32
      %dma_wait3A_83 = arith.constant 0 : i32
      %dma_wait3A_84 = tpu.memref_slice %arg13[%dma_wait3A_82, %dma_wait3A_83] : memref<10240x64xf32, #tpu.memory_space<vmem_shared>> -> memref<10240x64xf32, #tpu.memory_space<vmem_shared>>
      tpu.wait_indirect_dma semaphore(%arg19 : memref<!tpu.dma_semaphore, #tpu.memory_space<semaphore_mem>>) src(%arg9 : memref<128x64xf32, #tpu.memory_space<vmem>>) dst(%dma_wait3A_84 : memref<10240x64xf32, #tpu.memory_space<vmem_shared>>)
      %add3A_85 = arith.constant 136 : i32
      %add3A_86 = arith.addi %select_n3A_25, %add3A_85 : i32
      %sub3A_87 = arith.constant 4 : i32
      %sub3A_88 = arith.subi %add3A_86, %sub3A_87 : i32
      %add3A_89 = arith.constant 2 : i32
      %add3A_90 = arith.addi %sub3A_88, %add3A_89 : i32
      %dma_wait3A_91 = arith.constant 0 : i32
      %dma_wait3A_92 = tpu.memref_slice %arg7[%add3A_90, %dma_wait3A_91] : memref<136x128xi32, #tpu.memory_space<vmem>> -> memref<1x128xi32, #tpu.memory_space<vmem>>
      %dma_wait3A_93 = tpu.memref_squeeze %dma_wait3A_92 : memref<1x128xi32, #tpu.memory_space<vmem>> -> memref<128xi32, #tpu.memory_space<vmem>>
      %dma_wait3A_94 = arith.constant 0 : i32
      %dma_wait3A_95 = arith.constant 0 : i32
      %dma_wait3A_96 = tpu.memref_slice %arg13[%dma_wait3A_94, %dma_wait3A_95] : memref<10240x64xf32, #tpu.memory_space<vmem_shared>> -> memref<10240x64xf32, #tpu.memory_space<vmem_shared>>
      tpu.wait_indirect_dma semaphore(%arg20 : memref<!tpu.dma_semaphore, #tpu.memory_space<semaphore_mem>>) src(%arg10 : memref<128x64xf32, #tpu.memory_space<vmem>>) dst(%dma_wait3A_96 : memref<10240x64xf32, #tpu.memory_space<vmem_shared>>)
      %add3A_97 = arith.constant 136 : i32
      %add3A_98 = arith.addi %select_n3A_25, %add3A_97 : i32
      %sub3A_99 = arith.constant 4 : i32
      %sub3A_100 = arith.subi %add3A_98, %sub3A_99 : i32
      %add3A_101 = arith.constant 3 : i32
      %add3A_102 = arith.addi %sub3A_100, %add3A_101 : i32
      %dma_wait3A_103 = arith.constant 0 : i32
      %dma_wait3A_104 = tpu.memref_slice %arg7[%add3A_102, %dma_wait3A_103] : memref<136x128xi32, #tpu.memory_space<vmem>> -> memref<1x128xi32, #tpu.memory_space<vmem>>
      %dma_wait3A_105 = tpu.memref_squeeze %dma_wait3A_104 : memref<1x128xi32, #tpu.memory_space<vmem>> -> memref<128xi32, #tpu.memory_space<vmem>>
      %dma_wait3A_106 = arith.constant 0 : i32
      %dma_wait3A_107 = arith.constant 0 : i32
      %dma_wait3A_108 = tpu.memref_slice %arg13[%dma_wait3A_106, %dma_wait3A_107] : memref<10240x64xf32, #tpu.memory_space<vmem_shared>> -> memref<10240x64xf32, #tpu.memory_space<vmem_shared>>
      tpu.wait_indirect_dma semaphore(%arg21 : memref<!tpu.dma_semaphore, #tpu.memory_space<semaphore_mem>>) src(%arg11 : memref<128x64xf32, #tpu.memory_space<vmem>>) dst(%dma_wait3A_108 : memref<10240x64xf32, #tpu.memory_space<vmem_shared>>)
    } else {
    }
    %eq3A_29 = arith.constant 1 : i32
    %eq3A_30 = arith.cmpi eq, %arg0, %eq3A_29 : i32
    %convert_element_type3A_31 = arith.extui %eq3A_30 : i1 to i32
    %cond3A_32 = arith.constant 0 : i32
    %cond3A_33 = arith.cmpi ne, %convert_element_type3A_31, %cond3A_32 : i32
    scf.if %cond3A_33 {
      %dma_start3A = arith.constant 0 : i32
      %dma_start3A_42 = tpu.memref_slice %arg6[%select_n3A_25, %dma_start3A] : memref<136x128xi32, #tpu.memory_space<vmem>> -> memref<1x128xi32, #tpu.memory_space<vmem>>
      %dma_start3A_43 = tpu.memref_squeeze %dma_start3A_42 : memref<1x128xi32, #tpu.memory_space<vmem>> -> memref<128xi32, #tpu.memory_space<vmem>>
      %dma_start3A_44 = arith.constant 0 : i32
      %dma_start3A_45 = arith.constant 0 : i32
      %dma_start3A_46 = tpu.memref_slice %arg2[%dma_start3A_44, %dma_start3A_45] : memref<10240x64xf32, #tpu.memory_space<hbm>> -> memref<10240x64xf32, #tpu.memory_space<hbm>>
      tpu.enqueue_indirect_dma source(%dma_start3A_46 : memref<10240x64xf32, #tpu.memory_space<hbm>>) target(%arg8 : memref<128x64xf32, #tpu.memory_space<vmem>>) offsets(%dma_start3A_43 : memref<128xi32, #tpu.memory_space<vmem>>) semaphore(%arg14 : memref<!tpu.dma_semaphore, #tpu.memory_space<semaphore_mem>>)
      %add3A_47 = arith.constant 1 : i32
      %add3A_48 = arith.addi %select_n3A_25, %add3A_47 : i32
      %dma_start3A_49 = arith.constant 0 : i32
      %dma_start3A_50 = tpu.memref_slice %arg6[%add3A_48, %dma_start3A_49] : memref<136x128xi32, #tpu.memory_space<vmem>> -> memref<1x128xi32, #tpu.memory_space<vmem>>
      %dma_start3A_51 = tpu.memref_squeeze %dma_start3A_50 : memref<1x128xi32, #tpu.memory_space<vmem>> -> memref<128xi32, #tpu.memory_space<vmem>>
      %dma_start3A_52 = arith.constant 0 : i32
      %dma_start3A_53 = arith.constant 0 : i32
      %dma_start3A_54 = tpu.memref_slice %arg2[%dma_start3A_52, %dma_start3A_53] : memref<10240x64xf32, #tpu.memory_space<hbm>> -> memref<10240x64xf32, #tpu.memory_space<hbm>>
      tpu.enqueue_indirect_dma source(%dma_start3A_54 : memref<10240x64xf32, #tpu.memory_space<hbm>>) target(%arg9 : memref<128x64xf32, #tpu.memory_space<vmem>>) offsets(%dma_start3A_51 : memref<128xi32, #tpu.memory_space<vmem>>) semaphore(%arg15 : memref<!tpu.dma_semaphore, #tpu.memory_space<semaphore_mem>>)
      %scan3A_55 = arith.constant 0 : i32
      %scan3A_56 = arith.constant 0 : i32
      %scan3A_57 = arith.constant 24 : i32
      %scan3A_58 = arith.addi %scan3A_56, %scan3A_57 : i32
      %scan3A_59 = arith.constant 1 : i32
      %scan3A_60 = scf.for %scan3A_109 = %scan3A_56 to %scan3A_58 step %scan3A_59 iter_args(%scan3A_110 = %scan3A_55) -> (i32)  : i32 {
        %jit3A_111 = arith.constant 4 : i32
        %eq3A_112 = arith.constant 0 : i32
        %eq3A_113 = arith.cmpi eq, %jit3A_111, %eq3A_112 : i32
        %jit3A_114 = arith.constant 1 : i32
        %select_n3A_115 = arith.select %eq3A_113, %jit3A_114, %jit3A_111 : i32
        %rem3A = arith.remsi %scan3A_109, %select_n3A_115 : i32
        %ne3A = arith.constant 0 : i32
        %ne3A_116 = arith.cmpi ne, %rem3A, %ne3A : i32
        %lt3A = arith.constant 0 : i32
        %lt3A_117 = arith.cmpi slt, %rem3A, %lt3A : i32
        %lt3A_118 = arith.constant 0 : i32
        %lt3A_119 = arith.cmpi slt, %select_n3A_115, %lt3A_118 : i32
        %ne3A_120 = arith.xori %lt3A_117, %lt3A_119 : i1
        %and3A = arith.andi %ne3A_120, %ne3A_116 : i1
        %add3A_121 = arith.addi %rem3A, %select_n3A_115 : i32
        %select_n3A_122 = arith.select %and3A, %add3A_121, %rem3A : i32
        %eq3A_123 = arith.constant 0 : i32
        %eq3A_124 = arith.cmpi eq, %select_n3A_122, %eq3A_123 : i32
        %convert_element_type3A_125 = arith.extui %eq3A_124 : i1 to i32
        %cond3A_126 = arith.constant 0 : i32
        %cond3A_127 = arith.cmpi ne, %convert_element_type3A_125, %cond3A_126 : i32
        scf.if %cond3A_127 {
          %add3A_192 = arith.addi %select_n3A_25, %scan3A_109 : i32
          %dma_wait3A_193 = arith.constant 0 : i32
          %dma_wait3A_194 = tpu.memref_slice %arg6[%add3A_192, %dma_wait3A_193] : memref<136x128xi32, #tpu.memory_space<vmem>> -> memref<1x128xi32, #tpu.memory_space<vmem>>
          %dma_wait3A_195 = tpu.memref_squeeze %dma_wait3A_194 : memref<1x128xi32, #tpu.memory_space<vmem>> -> memref<128xi32, #tpu.memory_space<vmem>>
          %dma_wait3A_196 = arith.constant 0 : i32
          %dma_wait3A_197 = arith.constant 0 : i32
          %dma_wait3A_198 = tpu.memref_slice %arg2[%dma_wait3A_196, %dma_wait3A_197] : memref<10240x64xf32, #tpu.memory_space<hbm>> -> memref<10240x64xf32, #tpu.memory_space<hbm>>
          tpu.wait_indirect_dma semaphore(%arg14 : memref<!tpu.dma_semaphore, #tpu.memory_space<semaphore_mem>>) src(%dma_wait3A_198 : memref<10240x64xf32, #tpu.memory_space<hbm>>) dst(%arg8 : memref<128x64xf32, #tpu.memory_space<vmem>>)
          %add3A_199 = arith.addi %select_n3A_25, %scan3A_109 : i32
          %dma_start3A_200 = arith.constant 0 : i32
          %dma_start3A_201 = tpu.memref_slice %arg7[%add3A_199, %dma_start3A_200] : memref<136x128xi32, #tpu.memory_space<vmem>> -> memref<1x128xi32, #tpu.memory_space<vmem>>
          %dma_start3A_202 = tpu.memref_squeeze %dma_start3A_201 : memref<1x128xi32, #tpu.memory_space<vmem>> -> memref<128xi32, #tpu.memory_space<vmem>>
          %dma_start3A_203 = arith.constant 0 : i32
          %dma_start3A_204 = arith.constant 0 : i32
          %dma_start3A_205 = tpu.memref_slice %arg13[%dma_start3A_203, %dma_start3A_204] : memref<10240x64xf32, #tpu.memory_space<vmem_shared>> -> memref<10240x64xf32, #tpu.memory_space<vmem_shared>>
          tpu.enqueue_indirect_dma source(%arg8 : memref<128x64xf32, #tpu.memory_space<vmem>>) target(%dma_start3A_205 : memref<10240x64xf32, #tpu.memory_space<vmem_shared>>) offsets(%dma_start3A_202 : memref<128xi32, #tpu.memory_space<vmem>>) semaphore(%arg18 : memref<!tpu.dma_semaphore, #tpu.memory_space<semaphore_mem>>) {add = true}
          %add3A_206 = arith.constant 2 : i32
          %add3A_207 = arith.addi %scan3A_109, %add3A_206 : i32
          %lt3A_208 = arith.constant 24 : i32
          %lt3A_209 = arith.cmpi slt, %add3A_207, %lt3A_208 : i32
          %convert_element_type3A_210 = arith.extui %lt3A_209 : i1 to i32
          %cond3A_211 = arith.constant 0 : i32
          %cond3A_212 = arith.cmpi ne, %convert_element_type3A_210, %cond3A_211 : i32
          scf.if %cond3A_212 {
            %ge3A = arith.constant 2 : i32
            %ge3A_213 = arith.cmpi sge, %scan3A_109, %ge3A : i32
            %convert_element_type3A_214 = arith.extui %ge3A_213 : i1 to i32
            %cond3A_215 = arith.constant 0 : i32
            %cond3A_216 = arith.cmpi ne, %convert_element_type3A_214, %cond3A_215 : i32
            scf.if %cond3A_216 {
              %add3A_226 = arith.addi %select_n3A_25, %scan3A_109 : i32
              %sub3A_227 = arith.constant 2 : i32
              %sub3A_228 = arith.subi %add3A_226, %sub3A_227 : i32
              %dma_wait3A_229 = arith.constant 0 : i32
              %dma_wait3A_230 = tpu.memref_slice %arg7[%sub3A_228, %dma_wait3A_229] : memref<136x128xi32, #tpu.memory_space<vmem>> -> memref<1x128xi32, #tpu.memory_space<vmem>>
              %dma_wait3A_231 = tpu.memref_squeeze %dma_wait3A_230 : memref<1x128xi32, #tpu.memory_space<vmem>> -> memref<128xi32, #tpu.memory_space<vmem>>
              %dma_wait3A_232 = arith.constant 0 : i32
              %dma_wait3A_233 = arith.constant 0 : i32
              %dma_wait3A_234 = tpu.memref_slice %arg13[%dma_wait3A_232, %dma_wait3A_233] : memref<10240x64xf32, #tpu.memory_space<vmem_shared>> -> memref<10240x64xf32, #tpu.memory_space<vmem_shared>>
              tpu.wait_indirect_dma semaphore(%arg20 : memref<!tpu.dma_semaphore, #tpu.memory_space<semaphore_mem>>) src(%arg10 : memref<128x64xf32, #tpu.memory_space<vmem>>) dst(%dma_wait3A_234 : memref<10240x64xf32, #tpu.memory_space<vmem_shared>>)
            } else {
            }
            %add3A_217 = arith.addi %select_n3A_25, %scan3A_109 : i32
            %add3A_218 = arith.constant 2 : i32
            %add3A_219 = arith.addi %add3A_217, %add3A_218 : i32
            %dma_start3A_220 = arith.constant 0 : i32
            %dma_start3A_221 = tpu.memref_slice %arg6[%add3A_219, %dma_start3A_220] : memref<136x128xi32, #tpu.memory_space<vmem>> -> memref<1x128xi32, #tpu.memory_space<vmem>>
            %dma_start3A_222 = tpu.memref_squeeze %dma_start3A_221 : memref<1x128xi32, #tpu.memory_space<vmem>> -> memref<128xi32, #tpu.memory_space<vmem>>
            %dma_start3A_223 = arith.constant 0 : i32
            %dma_start3A_224 = arith.constant 0 : i32
            %dma_start3A_225 = tpu.memref_slice %arg2[%dma_start3A_223, %dma_start3A_224] : memref<10240x64xf32, #tpu.memory_space<hbm>> -> memref<10240x64xf32, #tpu.memory_space<hbm>>
            tpu.enqueue_indirect_dma source(%dma_start3A_225 : memref<10240x64xf32, #tpu.memory_space<hbm>>) target(%arg10 : memref<128x64xf32, #tpu.memory_space<vmem>>) offsets(%dma_start3A_222 : memref<128xi32, #tpu.memory_space<vmem>>) semaphore(%arg16 : memref<!tpu.dma_semaphore, #tpu.memory_space<semaphore_mem>>)
          } else {
          }
        } else {
        }
        %jit3A_128 = arith.constant 4 : i32
        %eq3A_129 = arith.constant 0 : i32
        %eq3A_130 = arith.cmpi eq, %jit3A_128, %eq3A_129 : i32
        %jit3A_131 = arith.constant 1 : i32
        %select_n3A_132 = arith.select %eq3A_130, %jit3A_131, %jit3A_128 : i32
        %rem3A_133 = arith.remsi %scan3A_109, %select_n3A_132 : i32
        %ne3A_134 = arith.constant 0 : i32
        %ne3A_135 = arith.cmpi ne, %rem3A_133, %ne3A_134 : i32
        %lt3A_136 = arith.constant 0 : i32
        %lt3A_137 = arith.cmpi slt, %rem3A_133, %lt3A_136 : i32
        %lt3A_138 = arith.constant 0 : i32
        %lt3A_139 = arith.cmpi slt, %select_n3A_132, %lt3A_138 : i32
        %ne3A_140 = arith.xori %lt3A_137, %lt3A_139 : i1
        %and3A_141 = arith.andi %ne3A_140, %ne3A_135 : i1
        %add3A_142 = arith.addi %rem3A_133, %select_n3A_132 : i32
        %select_n3A_143 = arith.select %and3A_141, %add3A_142, %rem3A_133 : i32
        %eq3A_144 = arith.constant 1 : i32
        %eq3A_145 = arith.cmpi eq, %select_n3A_143, %eq3A_144 : i32
        %convert_element_type3A_146 = arith.extui %eq3A_145 : i1 to i32
        %cond3A_147 = arith.constant 0 : i32
        %cond3A_148 = arith.cmpi ne, %convert_element_type3A_146, %cond3A_147 : i32
        scf.if %cond3A_148 {
          %add3A_192 = arith.addi %select_n3A_25, %scan3A_109 : i32
          %dma_wait3A_193 = arith.constant 0 : i32
          %dma_wait3A_194 = tpu.memref_slice %arg6[%add3A_192, %dma_wait3A_193] : memref<136x128xi32, #tpu.memory_space<vmem>> -> memref<1x128xi32, #tpu.memory_space<vmem>>
          %dma_wait3A_195 = tpu.memref_squeeze %dma_wait3A_194 : memref<1x128xi32, #tpu.memory_space<vmem>> -> memref<128xi32, #tpu.memory_space<vmem>>
          %dma_wait3A_196 = arith.constant 0 : i32
          %dma_wait3A_197 = arith.constant 0 : i32
          %dma_wait3A_198 = tpu.memref_slice %arg2[%dma_wait3A_196, %dma_wait3A_197] : memref<10240x64xf32, #tpu.memory_space<hbm>> -> memref<10240x64xf32, #tpu.memory_space<hbm>>
          tpu.wait_indirect_dma semaphore(%arg15 : memref<!tpu.dma_semaphore, #tpu.memory_space<semaphore_mem>>) src(%dma_wait3A_198 : memref<10240x64xf32, #tpu.memory_space<hbm>>) dst(%arg9 : memref<128x64xf32, #tpu.memory_space<vmem>>)
          %add3A_199 = arith.addi %select_n3A_25, %scan3A_109 : i32
          %dma_start3A_200 = arith.constant 0 : i32
          %dma_start3A_201 = tpu.memref_slice %arg7[%add3A_199, %dma_start3A_200] : memref<136x128xi32, #tpu.memory_space<vmem>> -> memref<1x128xi32, #tpu.memory_space<vmem>>
          %dma_start3A_202 = tpu.memref_squeeze %dma_start3A_201 : memref<1x128xi32, #tpu.memory_space<vmem>> -> memref<128xi32, #tpu.memory_space<vmem>>
          %dma_start3A_203 = arith.constant 0 : i32
          %dma_start3A_204 = arith.constant 0 : i32
          %dma_start3A_205 = tpu.memref_slice %arg13[%dma_start3A_203, %dma_start3A_204] : memref<10240x64xf32, #tpu.memory_space<vmem_shared>> -> memref<10240x64xf32, #tpu.memory_space<vmem_shared>>
          tpu.enqueue_indirect_dma source(%arg9 : memref<128x64xf32, #tpu.memory_space<vmem>>) target(%dma_start3A_205 : memref<10240x64xf32, #tpu.memory_space<vmem_shared>>) offsets(%dma_start3A_202 : memref<128xi32, #tpu.memory_space<vmem>>) semaphore(%arg19 : memref<!tpu.dma_semaphore, #tpu.memory_space<semaphore_mem>>) {add = true}
          %add3A_206 = arith.constant 2 : i32
          %add3A_207 = arith.addi %scan3A_109, %add3A_206 : i32
          %lt3A_208 = arith.constant 24 : i32
          %lt3A_209 = arith.cmpi slt, %add3A_207, %lt3A_208 : i32
          %convert_element_type3A_210 = arith.extui %lt3A_209 : i1 to i32
          %cond3A_211 = arith.constant 0 : i32
          %cond3A_212 = arith.cmpi ne, %convert_element_type3A_210, %cond3A_211 : i32
          scf.if %cond3A_212 {
            %ge3A = arith.constant 2 : i32
            %ge3A_213 = arith.cmpi sge, %scan3A_109, %ge3A : i32
            %convert_element_type3A_214 = arith.extui %ge3A_213 : i1 to i32
            %cond3A_215 = arith.constant 0 : i32
            %cond3A_216 = arith.cmpi ne, %convert_element_type3A_214, %cond3A_215 : i32
            scf.if %cond3A_216 {
              %add3A_226 = arith.addi %select_n3A_25, %scan3A_109 : i32
              %sub3A_227 = arith.constant 2 : i32
              %sub3A_228 = arith.subi %add3A_226, %sub3A_227 : i32
              %dma_wait3A_229 = arith.constant 0 : i32
              %dma_wait3A_230 = tpu.memref_slice %arg7[%sub3A_228, %dma_wait3A_229] : memref<136x128xi32, #tpu.memory_space<vmem>> -> memref<1x128xi32, #tpu.memory_space<vmem>>
              %dma_wait3A_231 = tpu.memref_squeeze %dma_wait3A_230 : memref<1x128xi32, #tpu.memory_space<vmem>> -> memref<128xi32, #tpu.memory_space<vmem>>
              %dma_wait3A_232 = arith.constant 0 : i32
              %dma_wait3A_233 = arith.constant 0 : i32
              %dma_wait3A_234 = tpu.memref_slice %arg13[%dma_wait3A_232, %dma_wait3A_233] : memref<10240x64xf32, #tpu.memory_space<vmem_shared>> -> memref<10240x64xf32, #tpu.memory_space<vmem_shared>>
              tpu.wait_indirect_dma semaphore(%arg21 : memref<!tpu.dma_semaphore, #tpu.memory_space<semaphore_mem>>) src(%arg11 : memref<128x64xf32, #tpu.memory_space<vmem>>) dst(%dma_wait3A_234 : memref<10240x64xf32, #tpu.memory_space<vmem_shared>>)
            } else {
            }
            %add3A_217 = arith.addi %select_n3A_25, %scan3A_109 : i32
            %add3A_218 = arith.constant 2 : i32
            %add3A_219 = arith.addi %add3A_217, %add3A_218 : i32
            %dma_start3A_220 = arith.constant 0 : i32
            %dma_start3A_221 = tpu.memref_slice %arg6[%add3A_219, %dma_start3A_220] : memref<136x128xi32, #tpu.memory_space<vmem>> -> memref<1x128xi32, #tpu.memory_space<vmem>>
            %dma_start3A_222 = tpu.memref_squeeze %dma_start3A_221 : memref<1x128xi32, #tpu.memory_space<vmem>> -> memref<128xi32, #tpu.memory_space<vmem>>
            %dma_start3A_223 = arith.constant 0 : i32
            %dma_start3A_224 = arith.constant 0 : i32
            %dma_start3A_225 = tpu.memref_slice %arg2[%dma_start3A_223, %dma_start3A_224] : memref<10240x64xf32, #tpu.memory_space<hbm>> -> memref<10240x64xf32, #tpu.memory_space<hbm>>
            tpu.enqueue_indirect_dma source(%dma_start3A_225 : memref<10240x64xf32, #tpu.memory_space<hbm>>) target(%arg11 : memref<128x64xf32, #tpu.memory_space<vmem>>) offsets(%dma_start3A_222 : memref<128xi32, #tpu.memory_space<vmem>>) semaphore(%arg17 : memref<!tpu.dma_semaphore, #tpu.memory_space<semaphore_mem>>)
          } else {
          }
        } else {
        }
        %jit3A_149 = arith.constant 4 : i32
        %eq3A_150 = arith.constant 0 : i32
        %eq3A_151 = arith.cmpi eq, %jit3A_149, %eq3A_150 : i32
        %jit3A_152 = arith.constant 1 : i32
        %select_n3A_153 = arith.select %eq3A_151, %jit3A_152, %jit3A_149 : i32
        %rem3A_154 = arith.remsi %scan3A_109, %select_n3A_153 : i32
        %ne3A_155 = arith.constant 0 : i32
        %ne3A_156 = arith.cmpi ne, %rem3A_154, %ne3A_155 : i32
        %lt3A_157 = arith.constant 0 : i32
        %lt3A_158 = arith.cmpi slt, %rem3A_154, %lt3A_157 : i32
        %lt3A_159 = arith.constant 0 : i32
        %lt3A_160 = arith.cmpi slt, %select_n3A_153, %lt3A_159 : i32
        %ne3A_161 = arith.xori %lt3A_158, %lt3A_160 : i1
        %and3A_162 = arith.andi %ne3A_161, %ne3A_156 : i1
        %add3A_163 = arith.addi %rem3A_154, %select_n3A_153 : i32
        %select_n3A_164 = arith.select %and3A_162, %add3A_163, %rem3A_154 : i32
        %eq3A_165 = arith.constant 2 : i32
        %eq3A_166 = arith.cmpi eq, %select_n3A_164, %eq3A_165 : i32
        %convert_element_type3A_167 = arith.extui %eq3A_166 : i1 to i32
        %cond3A_168 = arith.constant 0 : i32
        %cond3A_169 = arith.cmpi ne, %convert_element_type3A_167, %cond3A_168 : i32
        scf.if %cond3A_169 {
          %add3A_192 = arith.addi %select_n3A_25, %scan3A_109 : i32
          %dma_wait3A_193 = arith.constant 0 : i32
          %dma_wait3A_194 = tpu.memref_slice %arg6[%add3A_192, %dma_wait3A_193] : memref<136x128xi32, #tpu.memory_space<vmem>> -> memref<1x128xi32, #tpu.memory_space<vmem>>
          %dma_wait3A_195 = tpu.memref_squeeze %dma_wait3A_194 : memref<1x128xi32, #tpu.memory_space<vmem>> -> memref<128xi32, #tpu.memory_space<vmem>>
          %dma_wait3A_196 = arith.constant 0 : i32
          %dma_wait3A_197 = arith.constant 0 : i32
          %dma_wait3A_198 = tpu.memref_slice %arg2[%dma_wait3A_196, %dma_wait3A_197] : memref<10240x64xf32, #tpu.memory_space<hbm>> -> memref<10240x64xf32, #tpu.memory_space<hbm>>
          tpu.wait_indirect_dma semaphore(%arg16 : memref<!tpu.dma_semaphore, #tpu.memory_space<semaphore_mem>>) src(%dma_wait3A_198 : memref<10240x64xf32, #tpu.memory_space<hbm>>) dst(%arg10 : memref<128x64xf32, #tpu.memory_space<vmem>>)
          %add3A_199 = arith.addi %select_n3A_25, %scan3A_109 : i32
          %dma_start3A_200 = arith.constant 0 : i32
          %dma_start3A_201 = tpu.memref_slice %arg7[%add3A_199, %dma_start3A_200] : memref<136x128xi32, #tpu.memory_space<vmem>> -> memref<1x128xi32, #tpu.memory_space<vmem>>
          %dma_start3A_202 = tpu.memref_squeeze %dma_start3A_201 : memref<1x128xi32, #tpu.memory_space<vmem>> -> memref<128xi32, #tpu.memory_space<vmem>>
          %dma_start3A_203 = arith.constant 0 : i32
          %dma_start3A_204 = arith.constant 0 : i32
          %dma_start3A_205 = tpu.memref_slice %arg13[%dma_start3A_203, %dma_start3A_204] : memref<10240x64xf32, #tpu.memory_space<vmem_shared>> -> memref<10240x64xf32, #tpu.memory_space<vmem_shared>>
          tpu.enqueue_indirect_dma source(%arg10 : memref<128x64xf32, #tpu.memory_space<vmem>>) target(%dma_start3A_205 : memref<10240x64xf32, #tpu.memory_space<vmem_shared>>) offsets(%dma_start3A_202 : memref<128xi32, #tpu.memory_space<vmem>>) semaphore(%arg20 : memref<!tpu.dma_semaphore, #tpu.memory_space<semaphore_mem>>) {add = true}
          %add3A_206 = arith.constant 2 : i32
          %add3A_207 = arith.addi %scan3A_109, %add3A_206 : i32
          %lt3A_208 = arith.constant 24 : i32
          %lt3A_209 = arith.cmpi slt, %add3A_207, %lt3A_208 : i32
          %convert_element_type3A_210 = arith.extui %lt3A_209 : i1 to i32
          %cond3A_211 = arith.constant 0 : i32
          %cond3A_212 = arith.cmpi ne, %convert_element_type3A_210, %cond3A_211 : i32
          scf.if %cond3A_212 {
            %ge3A = arith.constant 2 : i32
            %ge3A_213 = arith.cmpi sge, %scan3A_109, %ge3A : i32
            %convert_element_type3A_214 = arith.extui %ge3A_213 : i1 to i32
            %cond3A_215 = arith.constant 0 : i32
            %cond3A_216 = arith.cmpi ne, %convert_element_type3A_214, %cond3A_215 : i32
            scf.if %cond3A_216 {
              %add3A_226 = arith.addi %select_n3A_25, %scan3A_109 : i32
              %sub3A_227 = arith.constant 2 : i32
              %sub3A_228 = arith.subi %add3A_226, %sub3A_227 : i32
              %dma_wait3A_229 = arith.constant 0 : i32
              %dma_wait3A_230 = tpu.memref_slice %arg7[%sub3A_228, %dma_wait3A_229] : memref<136x128xi32, #tpu.memory_space<vmem>> -> memref<1x128xi32, #tpu.memory_space<vmem>>
              %dma_wait3A_231 = tpu.memref_squeeze %dma_wait3A_230 : memref<1x128xi32, #tpu.memory_space<vmem>> -> memref<128xi32, #tpu.memory_space<vmem>>
              %dma_wait3A_232 = arith.constant 0 : i32
              %dma_wait3A_233 = arith.constant 0 : i32
              %dma_wait3A_234 = tpu.memref_slice %arg13[%dma_wait3A_232, %dma_wait3A_233] : memref<10240x64xf32, #tpu.memory_space<vmem_shared>> -> memref<10240x64xf32, #tpu.memory_space<vmem_shared>>
              tpu.wait_indirect_dma semaphore(%arg18 : memref<!tpu.dma_semaphore, #tpu.memory_space<semaphore_mem>>) src(%arg8 : memref<128x64xf32, #tpu.memory_space<vmem>>) dst(%dma_wait3A_234 : memref<10240x64xf32, #tpu.memory_space<vmem_shared>>)
            } else {
            }
            %add3A_217 = arith.addi %select_n3A_25, %scan3A_109 : i32
            %add3A_218 = arith.constant 2 : i32
            %add3A_219 = arith.addi %add3A_217, %add3A_218 : i32
            %dma_start3A_220 = arith.constant 0 : i32
            %dma_start3A_221 = tpu.memref_slice %arg6[%add3A_219, %dma_start3A_220] : memref<136x128xi32, #tpu.memory_space<vmem>> -> memref<1x128xi32, #tpu.memory_space<vmem>>
            %dma_start3A_222 = tpu.memref_squeeze %dma_start3A_221 : memref<1x128xi32, #tpu.memory_space<vmem>> -> memref<128xi32, #tpu.memory_space<vmem>>
            %dma_start3A_223 = arith.constant 0 : i32
            %dma_start3A_224 = arith.constant 0 : i32
            %dma_start3A_225 = tpu.memref_slice %arg2[%dma_start3A_223, %dma_start3A_224] : memref<10240x64xf32, #tpu.memory_space<hbm>> -> memref<10240x64xf32, #tpu.memory_space<hbm>>
            tpu.enqueue_indirect_dma source(%dma_start3A_225 : memref<10240x64xf32, #tpu.memory_space<hbm>>) target(%arg8 : memref<128x64xf32, #tpu.memory_space<vmem>>) offsets(%dma_start3A_222 : memref<128xi32, #tpu.memory_space<vmem>>) semaphore(%arg14 : memref<!tpu.dma_semaphore, #tpu.memory_space<semaphore_mem>>)
          } else {
          }
        } else {
        }
        %jit3A_170 = arith.constant 4 : i32
        %eq3A_171 = arith.constant 0 : i32
        %eq3A_172 = arith.cmpi eq, %jit3A_170, %eq3A_171 : i32
        %jit3A_173 = arith.constant 1 : i32
        %select_n3A_174 = arith.select %eq3A_172, %jit3A_173, %jit3A_170 : i32
        %rem3A_175 = arith.remsi %scan3A_109, %select_n3A_174 : i32
        %ne3A_176 = arith.constant 0 : i32
        %ne3A_177 = arith.cmpi ne, %rem3A_175, %ne3A_176 : i32
        %lt3A_178 = arith.constant 0 : i32
        %lt3A_179 = arith.cmpi slt, %rem3A_175, %lt3A_178 : i32
        %lt3A_180 = arith.constant 0 : i32
        %lt3A_181 = arith.cmpi slt, %select_n3A_174, %lt3A_180 : i32
        %ne3A_182 = arith.xori %lt3A_179, %lt3A_181 : i1
        %and3A_183 = arith.andi %ne3A_182, %ne3A_177 : i1
        %add3A_184 = arith.addi %rem3A_175, %select_n3A_174 : i32
        %select_n3A_185 = arith.select %and3A_183, %add3A_184, %rem3A_175 : i32
        %eq3A_186 = arith.constant 3 : i32
        %eq3A_187 = arith.cmpi eq, %select_n3A_185, %eq3A_186 : i32
        %convert_element_type3A_188 = arith.extui %eq3A_187 : i1 to i32
        %cond3A_189 = arith.constant 0 : i32
        %cond3A_190 = arith.cmpi ne, %convert_element_type3A_188, %cond3A_189 : i32
        scf.if %cond3A_190 {
          %add3A_192 = arith.addi %select_n3A_25, %scan3A_109 : i32
          %dma_wait3A_193 = arith.constant 0 : i32
          %dma_wait3A_194 = tpu.memref_slice %arg6[%add3A_192, %dma_wait3A_193] : memref<136x128xi32, #tpu.memory_space<vmem>> -> memref<1x128xi32, #tpu.memory_space<vmem>>
          %dma_wait3A_195 = tpu.memref_squeeze %dma_wait3A_194 : memref<1x128xi32, #tpu.memory_space<vmem>> -> memref<128xi32, #tpu.memory_space<vmem>>
          %dma_wait3A_196 = arith.constant 0 : i32
          %dma_wait3A_197 = arith.constant 0 : i32
          %dma_wait3A_198 = tpu.memref_slice %arg2[%dma_wait3A_196, %dma_wait3A_197] : memref<10240x64xf32, #tpu.memory_space<hbm>> -> memref<10240x64xf32, #tpu.memory_space<hbm>>
          tpu.wait_indirect_dma semaphore(%arg17 : memref<!tpu.dma_semaphore, #tpu.memory_space<semaphore_mem>>) src(%dma_wait3A_198 : memref<10240x64xf32, #tpu.memory_space<hbm>>) dst(%arg11 : memref<128x64xf32, #tpu.memory_space<vmem>>)
          %add3A_199 = arith.addi %select_n3A_25, %scan3A_109 : i32
          %dma_start3A_200 = arith.constant 0 : i32
          %dma_start3A_201 = tpu.memref_slice %arg7[%add3A_199, %dma_start3A_200] : memref<136x128xi32, #tpu.memory_space<vmem>> -> memref<1x128xi32, #tpu.memory_space<vmem>>
          %dma_start3A_202 = tpu.memref_squeeze %dma_start3A_201 : memref<1x128xi32, #tpu.memory_space<vmem>> -> memref<128xi32, #tpu.memory_space<vmem>>
          %dma_start3A_203 = arith.constant 0 : i32
          %dma_start3A_204 = arith.constant 0 : i32
          %dma_start3A_205 = tpu.memref_slice %arg13[%dma_start3A_203, %dma_start3A_204] : memref<10240x64xf32, #tpu.memory_space<vmem_shared>> -> memref<10240x64xf32, #tpu.memory_space<vmem_shared>>
          tpu.enqueue_indirect_dma source(%arg11 : memref<128x64xf32, #tpu.memory_space<vmem>>) target(%dma_start3A_205 : memref<10240x64xf32, #tpu.memory_space<vmem_shared>>) offsets(%dma_start3A_202 : memref<128xi32, #tpu.memory_space<vmem>>) semaphore(%arg21 : memref<!tpu.dma_semaphore, #tpu.memory_space<semaphore_mem>>) {add = true}
          %add3A_206 = arith.constant 2 : i32
          %add3A_207 = arith.addi %scan3A_109, %add3A_206 : i32
          %lt3A_208 = arith.constant 24 : i32
          %lt3A_209 = arith.cmpi slt, %add3A_207, %lt3A_208 : i32
          %convert_element_type3A_210 = arith.extui %lt3A_209 : i1 to i32
          %cond3A_211 = arith.constant 0 : i32
          %cond3A_212 = arith.cmpi ne, %convert_element_type3A_210, %cond3A_211 : i32
          scf.if %cond3A_212 {
            %ge3A = arith.constant 2 : i32
            %ge3A_213 = arith.cmpi sge, %scan3A_109, %ge3A : i32
            %convert_element_type3A_214 = arith.extui %ge3A_213 : i1 to i32
            %cond3A_215 = arith.constant 0 : i32
            %cond3A_216 = arith.cmpi ne, %convert_element_type3A_214, %cond3A_215 : i32
            scf.if %cond3A_216 {
              %add3A_226 = arith.addi %select_n3A_25, %scan3A_109 : i32
              %sub3A_227 = arith.constant 2 : i32
              %sub3A_228 = arith.subi %add3A_226, %sub3A_227 : i32
              %dma_wait3A_229 = arith.constant 0 : i32
              %dma_wait3A_230 = tpu.memref_slice %arg7[%sub3A_228, %dma_wait3A_229] : memref<136x128xi32, #tpu.memory_space<vmem>> -> memref<1x128xi32, #tpu.memory_space<vmem>>
              %dma_wait3A_231 = tpu.memref_squeeze %dma_wait3A_230 : memref<1x128xi32, #tpu.memory_space<vmem>> -> memref<128xi32, #tpu.memory_space<vmem>>
              %dma_wait3A_232 = arith.constant 0 : i32
              %dma_wait3A_233 = arith.constant 0 : i32
              %dma_wait3A_234 = tpu.memref_slice %arg13[%dma_wait3A_232, %dma_wait3A_233] : memref<10240x64xf32, #tpu.memory_space<vmem_shared>> -> memref<10240x64xf32, #tpu.memory_space<vmem_shared>>
              tpu.wait_indirect_dma semaphore(%arg19 : memref<!tpu.dma_semaphore, #tpu.memory_space<semaphore_mem>>) src(%arg9 : memref<128x64xf32, #tpu.memory_space<vmem>>) dst(%dma_wait3A_234 : memref<10240x64xf32, #tpu.memory_space<vmem_shared>>)
            } else {
            }
            %add3A_217 = arith.addi %select_n3A_25, %scan3A_109 : i32
            %add3A_218 = arith.constant 2 : i32
            %add3A_219 = arith.addi %add3A_217, %add3A_218 : i32
            %dma_start3A_220 = arith.constant 0 : i32
            %dma_start3A_221 = tpu.memref_slice %arg6[%add3A_219, %dma_start3A_220] : memref<136x128xi32, #tpu.memory_space<vmem>> -> memref<1x128xi32, #tpu.memory_space<vmem>>
            %dma_start3A_222 = tpu.memref_squeeze %dma_start3A_221 : memref<1x128xi32, #tpu.memory_space<vmem>> -> memref<128xi32, #tpu.memory_space<vmem>>
            %dma_start3A_223 = arith.constant 0 : i32
            %dma_start3A_224 = arith.constant 0 : i32
            %dma_start3A_225 = tpu.memref_slice %arg2[%dma_start3A_223, %dma_start3A_224] : memref<10240x64xf32, #tpu.memory_space<hbm>> -> memref<10240x64xf32, #tpu.memory_space<hbm>>
            tpu.enqueue_indirect_dma source(%dma_start3A_225 : memref<10240x64xf32, #tpu.memory_space<hbm>>) target(%arg9 : memref<128x64xf32, #tpu.memory_space<vmem>>) offsets(%dma_start3A_222 : memref<128xi32, #tpu.memory_space<vmem>>) semaphore(%arg15 : memref<!tpu.dma_semaphore, #tpu.memory_space<semaphore_mem>>)
          } else {
          }
        } else {
        }
        %scan3A_191 = arith.constant 0 : i32
        scf.yield %scan3A_191 : i32
      }
      %scan3A_61 = arith.constant 24 : i32
      %add3A_62 = arith.constant 24 : i32
      %add3A_63 = arith.addi %select_n3A_25, %add3A_62 : i32
      %sub3A_64 = arith.constant 4 : i32
      %sub3A_65 = arith.subi %add3A_63, %sub3A_64 : i32
      %add3A_66 = arith.constant 0 : i32
      %add3A_67 = arith.addi %sub3A_65, %add3A_66 : i32
      %dma_wait3A = arith.constant 0 : i32
      %dma_wait3A_68 = tpu.memref_slice %arg7[%add3A_67, %dma_wait3A] : memref<136x128xi32, #tpu.memory_space<vmem>> -> memref<1x128xi32, #tpu.memory_space<vmem>>
      %dma_wait3A_69 = tpu.memref_squeeze %dma_wait3A_68 : memref<1x128xi32, #tpu.memory_space<vmem>> -> memref<128xi32, #tpu.memory_space<vmem>>
      %dma_wait3A_70 = arith.constant 0 : i32
      %dma_wait3A_71 = arith.constant 0 : i32
      %dma_wait3A_72 = tpu.memref_slice %arg13[%dma_wait3A_70, %dma_wait3A_71] : memref<10240x64xf32, #tpu.memory_space<vmem_shared>> -> memref<10240x64xf32, #tpu.memory_space<vmem_shared>>
      tpu.wait_indirect_dma semaphore(%arg18 : memref<!tpu.dma_semaphore, #tpu.memory_space<semaphore_mem>>) src(%arg8 : memref<128x64xf32, #tpu.memory_space<vmem>>) dst(%dma_wait3A_72 : memref<10240x64xf32, #tpu.memory_space<vmem_shared>>)
      %add3A_73 = arith.constant 24 : i32
      %add3A_74 = arith.addi %select_n3A_25, %add3A_73 : i32
      %sub3A_75 = arith.constant 4 : i32
      %sub3A_76 = arith.subi %add3A_74, %sub3A_75 : i32
      %add3A_77 = arith.constant 1 : i32
      %add3A_78 = arith.addi %sub3A_76, %add3A_77 : i32
      %dma_wait3A_79 = arith.constant 0 : i32
      %dma_wait3A_80 = tpu.memref_slice %arg7[%add3A_78, %dma_wait3A_79] : memref<136x128xi32, #tpu.memory_space<vmem>> -> memref<1x128xi32, #tpu.memory_space<vmem>>
      %dma_wait3A_81 = tpu.memref_squeeze %dma_wait3A_80 : memref<1x128xi32, #tpu.memory_space<vmem>> -> memref<128xi32, #tpu.memory_space<vmem>>
      %dma_wait3A_82 = arith.constant 0 : i32
      %dma_wait3A_83 = arith.constant 0 : i32
      %dma_wait3A_84 = tpu.memref_slice %arg13[%dma_wait3A_82, %dma_wait3A_83] : memref<10240x64xf32, #tpu.memory_space<vmem_shared>> -> memref<10240x64xf32, #tpu.memory_space<vmem_shared>>
      tpu.wait_indirect_dma semaphore(%arg19 : memref<!tpu.dma_semaphore, #tpu.memory_space<semaphore_mem>>) src(%arg9 : memref<128x64xf32, #tpu.memory_space<vmem>>) dst(%dma_wait3A_84 : memref<10240x64xf32, #tpu.memory_space<vmem_shared>>)
      %add3A_85 = arith.constant 24 : i32
      %add3A_86 = arith.addi %select_n3A_25, %add3A_85 : i32
      %sub3A_87 = arith.constant 4 : i32
      %sub3A_88 = arith.subi %add3A_86, %sub3A_87 : i32
      %add3A_89 = arith.constant 2 : i32
      %add3A_90 = arith.addi %sub3A_88, %add3A_89 : i32
      %dma_wait3A_91 = arith.constant 0 : i32
      %dma_wait3A_92 = tpu.memref_slice %arg7[%add3A_90, %dma_wait3A_91] : memref<136x128xi32, #tpu.memory_space<vmem>> -> memref<1x128xi32, #tpu.memory_space<vmem>>
      %dma_wait3A_93 = tpu.memref_squeeze %dma_wait3A_92 : memref<1x128xi32, #tpu.memory_space<vmem>> -> memref<128xi32, #tpu.memory_space<vmem>>
      %dma_wait3A_94 = arith.constant 0 : i32
      %dma_wait3A_95 = arith.constant 0 : i32
      %dma_wait3A_96 = tpu.memref_slice %arg13[%dma_wait3A_94, %dma_wait3A_95] : memref<10240x64xf32, #tpu.memory_space<vmem_shared>> -> memref<10240x64xf32, #tpu.memory_space<vmem_shared>>
      tpu.wait_indirect_dma semaphore(%arg20 : memref<!tpu.dma_semaphore, #tpu.memory_space<semaphore_mem>>) src(%arg10 : memref<128x64xf32, #tpu.memory_space<vmem>>) dst(%dma_wait3A_96 : memref<10240x64xf32, #tpu.memory_space<vmem_shared>>)
      %add3A_97 = arith.constant 24 : i32
      %add3A_98 = arith.addi %select_n3A_25, %add3A_97 : i32
      %sub3A_99 = arith.constant 4 : i32
      %sub3A_100 = arith.subi %add3A_98, %sub3A_99 : i32
      %add3A_101 = arith.constant 3 : i32
      %add3A_102 = arith.addi %sub3A_100, %add3A_101 : i32
      %dma_wait3A_103 = arith.constant 0 : i32
      %dma_wait3A_104 = tpu.memref_slice %arg7[%add3A_102, %dma_wait3A_103] : memref<136x128xi32, #tpu.memory_space<vmem>> -> memref<1x128xi32, #tpu.memory_space<vmem>>
      %dma_wait3A_105 = tpu.memref_squeeze %dma_wait3A_104 : memref<1x128xi32, #tpu.memory_space<vmem>> -> memref<128xi32, #tpu.memory_space<vmem>>
      %dma_wait3A_106 = arith.constant 0 : i32
      %dma_wait3A_107 = arith.constant 0 : i32
      %dma_wait3A_108 = tpu.memref_slice %arg13[%dma_wait3A_106, %dma_wait3A_107] : memref<10240x64xf32, #tpu.memory_space<vmem_shared>> -> memref<10240x64xf32, #tpu.memory_space<vmem_shared>>
      tpu.wait_indirect_dma semaphore(%arg21 : memref<!tpu.dma_semaphore, #tpu.memory_space<semaphore_mem>>) src(%arg11 : memref<128x64xf32, #tpu.memory_space<vmem>>) dst(%dma_wait3A_108 : memref<10240x64xf32, #tpu.memory_space<vmem_shared>>)
    } else {
    }
    %barrier3A_34 = arith.constant 0 : index
    tpu.barrier barrier_id(%barrier3A_34)
    %scan3A_35 = arith.constant 0 : i32
    %scan3A_36 = arith.constant 0 : i32
    %scan3A_37 = arith.constant 5 : i32
    %scan3A_38 = arith.addi %scan3A_36, %scan3A_37 : i32
    %scan3A_39 = arith.constant 1 : i32
    %scan3A_40 = scf.for %scan3A_42 = %scan3A_36 to %scan3A_38 step %scan3A_39 iter_args(%scan3A_43 = %scan3A_35) -> (i32)  : i32 {
      %mul3A_44 = arith.constant 640 : i32
      %mul3A_45 = arith.muli %arg1, %mul3A_44 : i32
      %mul3A_46 = arith.constant 128 : i32
      %mul3A_47 = arith.muli %scan3A_42, %mul3A_46 : i32
      %add3A_48 = arith.addi %mul3A_45, %mul3A_47 : i32
      "tpu.region"() ({
        %run_scoped3A = tpu.sem_alloc : memref<!tpu.dma_semaphore, #tpu.memory_space<semaphore_mem>>
        %dma_start3A = arith.constant 0 : i32
        %dma_start3A_50 = tpu.memref_slice %arg5[%arg0, %add3A_48, %dma_start3A] : memref<2x10240x64xf32, #tpu.memory_space<hbm>> -> memref<1x128x64xf32, #tpu.memory_space<hbm>>
        %dma_start3A_51 = tpu.memref_squeeze %dma_start3A_50 : memref<1x128x64xf32, #tpu.memory_space<hbm>> -> memref<128x64xf32, #tpu.memory_space<hbm>>
        %dma_start3A_52 = arith.constant 0 : i32
        %dma_start3A_53 = tpu.memref_slice %arg13[%add3A_48, %dma_start3A_52] : memref<10240x64xf32, #tpu.memory_space<vmem_shared>> -> memref<128x64xf32, #tpu.memory_space<vmem_shared>>
        tpu.enqueue_dma source(%dma_start3A_53 : memref<128x64xf32, #tpu.memory_space<vmem_shared>>) target(%dma_start3A_51 : memref<128x64xf32, #tpu.memory_space<hbm>>) target_semaphore(%run_scoped3A : memref<!tpu.dma_semaphore, #tpu.memory_space<semaphore_mem>>)
        %dma_wait3A = arith.constant 0 : i32
        %dma_wait3A_54 = tpu.memref_slice %arg5[%arg0, %add3A_48, %dma_wait3A] : memref<2x10240x64xf32, #tpu.memory_space<hbm>> -> memref<1x128x64xf32, #tpu.memory_space<hbm>>
        %dma_wait3A_55 = tpu.memref_squeeze %dma_wait3A_54 : memref<1x128x64xf32, #tpu.memory_space<hbm>> -> memref<128x64xf32, #tpu.memory_space<hbm>>
        %dma_wait3A_56 = arith.constant 0 : i32
        %dma_wait3A_57 = tpu.memref_slice %arg13[%add3A_48, %dma_wait3A_56] : memref<10240x64xf32, #tpu.memory_space<vmem_shared>> -> memref<128x64xf32, #tpu.memory_space<vmem_shared>>
        tpu.wait_dma2 semaphore(%run_scoped3A : memref<!tpu.dma_semaphore, #tpu.memory_space<semaphore_mem>>) src(%dma_wait3A_57 : memref<128x64xf32, #tpu.memory_space<vmem_shared>>) dst(%dma_wait3A_55 : memref<128x64xf32, #tpu.memory_space<hbm>>)
        tpu.yield
      }) : () -> ()
      %scan3A_49 = arith.constant 0 : i32
      scf.yield %scan3A_49 : i32
    }
    %scan3A_41 = arith.constant 5 : i32
    return
  }
}

module attributes {stable_mosaic.version = 14 : i64} {
  func.func @body(%arg0: memref<2x10000x1xf32, #tpu.memory_space<vmem>>, %arg1: memref<10000x1xi32, #tpu.memory_space<vmem>>, %arg2: memref<10000x16xf32, #tpu.memory_space<vmem>>, %arg3: memref<10000x1xf32, #tpu.memory_space<vmem>>, %arg4: memref<10000x16xf32, #tpu.memory_space<vmem>>, %arg5: memref<10000x1xf32, #tpu.memory_space<vmem>>, %arg6: memref<10000x1xi32, #tpu.memory_space<vmem>>, %arg7: memref<1x64xf32, #tpu.memory_space<vmem>>, %arg8: memref<1x64xf32, #tpu.memory_space<vmem>>) attributes {dimension_semantics = [], scalar_prefetch = 0 : i64, scratch_operands = 0 : i64, tpu.core_type = #tpu.core_type<tc>} {
    %get3A = arith.constant 0 : index
    %get3A_0 = arith.constant 0 : index
    %get3A_1 = arith.constant 0 : index
    %get3A_2 = vector.load %arg0[%get3A, %get3A_0, %get3A_1] : memref<2x10000x1xf32, #tpu.memory_space<vmem>>, vector<1x10000x1xf32>
    %get3A_3 = vector.shape_cast %get3A_2 : vector<1x10000x1xf32> to vector<10000x1xf32>
    %get3A_4 = arith.constant 1 : index
    %get3A_5 = arith.constant 0 : index
    %get3A_6 = arith.constant 0 : index
    %get3A_7 = vector.load %arg0[%get3A_4, %get3A_5, %get3A_6] : memref<2x10000x1xf32, #tpu.memory_space<vmem>>, vector<1x10000x1xf32>
    %get3A_8 = vector.shape_cast %get3A_7 : vector<1x10000x1xf32> to vector<10000x1xf32>
    %add3A = arith.addf %get3A_3, %get3A_8 : vector<10000x1xf32>
    %add3A_9 = arith.constant 1.000000e+00 : f32
    %add3A_10 = vector.broadcast %add3A_9 : f32 to vector<10000x1xf32>
    %add3A_11 = arith.addf %add3A, %add3A_10 : vector<10000x1xf32>
    %rsqrt3A = math.rsqrt %add3A_11 : vector<10000x1xf32>
    %get3A_12 = arith.constant 0 : index
    %get3A_13 = arith.constant 0 : index
    %get3A_14 = vector.load %arg1[%get3A_12, %get3A_13] : memref<10000x1xi32, #tpu.memory_space<vmem>>, vector<10000x1xi32>
    %iota3A = tpu.iota {dimensions = array<i32: 1>} : vector<10000x64xi32>
    %eq3A = vector.broadcast %get3A_14 : vector<10000x1xi32> to vector<10000x64xi32>
    %eq3A_15 = arith.cmpi eq, %eq3A, %iota3A : vector<10000x64xi32>
    %convert_element_type3A = arith.extui %eq3A_15 : vector<10000x64xi1> to vector<10000x64xi32>
    %convert_element_type3A_16 = arith.sitofp %convert_element_type3A : vector<10000x64xi32> to vector<10000x64xf32>
    %reduce_sum3A = arith.constant dense<0.000000e+00> : vector<64xf32>
    %reduce_sum3A_17 = vector.multi_reduction <add>, %convert_element_type3A_16, %reduce_sum3A [0] : vector<10000x64xf32> to vector<64xf32>
    %broadcast_in_dim3A = vector.shape_cast %reduce_sum3A_17 : vector<64xf32> to vector<1x64xf32>
    %max3A = arith.constant 1.000000e+00 : f32
    %max3A_18 = vector.broadcast %max3A : f32 to vector<1x64xf32>
    %max3A_19 = arith.maximumf %broadcast_in_dim3A, %max3A_18 : vector<1x64xf32>
    %div3A = arith.constant 1.000000e+00 : f32
    %div3A_20 = vector.broadcast %div3A : f32 to vector<1x64xf32>
    %div3A_21 = arith.divf %div3A_20, %max3A_19 : vector<1x64xf32>
    %dot_general3A = arith.constant dense<0.000000e+00> : vector<10000x1xf32>
    %dot_general3A_22 = tpu.matmul %convert_element_type3A_16, %div3A_21, %dot_general3A {dimension_numbers = #tpu.dot_dimension_numbers<[1], [1], [0], [0], [0, 0, 1, 0], [], []>, transpose_lhs_hint = false} : vector<10000x64xf32>, vector<1x64xf32>, vector<10000x1xf32> -> vector<10000x1xf32>
    %swap3A = arith.constant 0 : index
    %swap3A_23 = arith.constant 0 : index
    %swap3A_24 = vector.load %arg3[%swap3A, %swap3A_23] : memref<10000x1xf32, #tpu.memory_space<vmem>>, vector<10000x1xf32>
    tpu.vector_store %arg3[%swap3A, %swap3A_23], %rsqrt3A {strides = array<i32>} : memref<10000x1xf32, #tpu.memory_space<vmem>>, vector<10000x1xf32>,
    %get3A_25 = arith.constant 0 : index
    %get3A_26 = arith.constant 0 : index
    %get3A_27 = vector.load %arg2[%get3A_25, %get3A_26] : memref<10000x16xf32, #tpu.memory_space<vmem>>, vector<10000x16xf32>
    %mul3A = vector.broadcast %rsqrt3A : vector<10000x1xf32> to vector<10000x16xf32>
    %mul3A_28 = arith.mulf %get3A_27, %mul3A : vector<10000x16xf32>
    %swap3A_29 = arith.constant 0 : index
    %swap3A_30 = arith.constant 0 : index
    %swap3A_31 = vector.load %arg4[%swap3A_29, %swap3A_30] : memref<10000x16xf32, #tpu.memory_space<vmem>>, vector<10000x16xf32>
    tpu.vector_store %arg4[%swap3A_29, %swap3A_30], %mul3A_28 {strides = array<i32>} : memref<10000x16xf32, #tpu.memory_space<vmem>>, vector<10000x16xf32>,
    %mul3A_32 = arith.mulf %rsqrt3A, %dot_general3A_22 : vector<10000x1xf32>
    %swap3A_33 = arith.constant 0 : index
    %swap3A_34 = arith.constant 0 : index
    %swap3A_35 = vector.load %arg5[%swap3A_33, %swap3A_34] : memref<10000x1xf32, #tpu.memory_space<vmem>>, vector<10000x1xf32>
    tpu.vector_store %arg5[%swap3A_33, %swap3A_34], %mul3A_32 {strides = array<i32>} : memref<10000x1xf32, #tpu.memory_space<vmem>>, vector<10000x1xf32>,
    %mul3A_36 = arith.constant 10240 : i32
    %mul3A_37 = vector.broadcast %mul3A_36 : i32 to vector<10000x1xi32>
    %mul3A_38 = arith.muli %get3A_14, %mul3A_37 : vector<10000x1xi32>
    %swap3A_39 = arith.constant 0 : index
    %swap3A_40 = arith.constant 0 : index
    %swap3A_41 = vector.load %arg6[%swap3A_39, %swap3A_40] : memref<10000x1xi32, #tpu.memory_space<vmem>>, vector<10000x1xi32>
    tpu.vector_store %arg6[%swap3A_39, %swap3A_40], %mul3A_38 {strides = array<i32>} : memref<10000x1xi32, #tpu.memory_space<vmem>>, vector<10000x1xi32>,
    %swap3A_42 = arith.constant 0 : index
    %swap3A_43 = arith.constant 0 : index
    %swap3A_44 = vector.load %arg7[%swap3A_42, %swap3A_43] : memref<1x64xf32, #tpu.memory_space<vmem>>, vector<1x64xf32>
    tpu.vector_store %arg7[%swap3A_42, %swap3A_43], %div3A_21 {strides = array<i32>} : memref<1x64xf32, #tpu.memory_space<vmem>>, vector<1x64xf32>,
    %gt3A = arith.constant 0.000000e+00 : f32
    %gt3A_45 = vector.broadcast %gt3A : f32 to vector<1x64xf32>
    %gt3A_46 = arith.cmpf ogt, %broadcast_in_dim3A, %gt3A_45 : vector<1x64xf32>
    %convert_element_type3A_47 = arith.extui %gt3A_46 : vector<1x64xi1> to vector<1x64xi32>
    %convert_element_type3A_48 = arith.sitofp %convert_element_type3A_47 : vector<1x64xi32> to vector<1x64xf32>
    %swap3A_49 = arith.constant 0 : index
    %swap3A_50 = arith.constant 0 : index
    %swap3A_51 = vector.load %arg8[%swap3A_49, %swap3A_50] : memref<1x64xf32, #tpu.memory_space<vmem>>, vector<1x64xf32>
    tpu.vector_store %arg8[%swap3A_49, %swap3A_50], %convert_element_type3A_48 {strides = array<i32>} : memref<1x64xf32, #tpu.memory_space<vmem>>, vector<1x64xf32>,
    return
  }
}

module attributes {stable_mosaic.version = 14 : i64} {
  func.func @body(%arg0: memref<2x10000x16xf32, #tpu.memory_space<vmem>>, %arg1: memref<10000x16xf32, #tpu.memory_space<vmem>>, %arg2: memref<10000x1xf32, #tpu.memory_space<vmem>>, %arg3: memref<16x128xf32, #tpu.memory_space<vmem>>, %arg4: memref<1x128xf32, #tpu.memory_space<vmem>>, %arg5: memref<10000x128xf32, #tpu.memory_space<vmem>>) attributes {dimension_semantics = [], scalar_prefetch = 0 : i64, scratch_operands = 0 : i64, tpu.core_type = #tpu.core_type<tc>} {
    %get3A = arith.constant 0 : index
    %get3A_0 = arith.constant 0 : index
    %get3A_1 = arith.constant 0 : index
    %get3A_2 = vector.load %arg0[%get3A, %get3A_0, %get3A_1] : memref<2x10000x16xf32, #tpu.memory_space<vmem>>, vector<1x10000x16xf32>
    %get3A_3 = vector.shape_cast %get3A_2 : vector<1x10000x16xf32> to vector<10000x16xf32>
    %get3A_4 = arith.constant 1 : index
    %get3A_5 = arith.constant 0 : index
    %get3A_6 = arith.constant 0 : index
    %get3A_7 = vector.load %arg0[%get3A_4, %get3A_5, %get3A_6] : memref<2x10000x16xf32, #tpu.memory_space<vmem>>, vector<1x10000x16xf32>
    %get3A_8 = vector.shape_cast %get3A_7 : vector<1x10000x16xf32> to vector<10000x16xf32>
    %add3A = arith.addf %get3A_3, %get3A_8 : vector<10000x16xf32>
    %get3A_9 = arith.constant 0 : index
    %get3A_10 = arith.constant 0 : index
    %get3A_11 = vector.load %arg1[%get3A_9, %get3A_10] : memref<10000x16xf32, #tpu.memory_space<vmem>>, vector<10000x16xf32>
    %add3A_12 = arith.addf %add3A, %get3A_11 : vector<10000x16xf32>
    %get3A_13 = arith.constant 0 : index
    %get3A_14 = arith.constant 0 : index
    %get3A_15 = vector.load %arg2[%get3A_13, %get3A_14] : memref<10000x1xf32, #tpu.memory_space<vmem>>, vector<10000x1xf32>
    %mul3A = vector.broadcast %get3A_15 : vector<10000x1xf32> to vector<10000x16xf32>
    %mul3A_16 = arith.mulf %add3A_12, %mul3A : vector<10000x16xf32>
    %get3A_17 = arith.constant 0 : index
    %get3A_18 = arith.constant 0 : index
    %get3A_19 = vector.load %arg3[%get3A_17, %get3A_18] : memref<16x128xf32, #tpu.memory_space<vmem>>, vector<16x128xf32>
    %dot_general3A = arith.constant dense<0.000000e+00> : vector<10000x128xf32>
    %dot_general3A_20 = tpu.matmul %mul3A_16, %get3A_19, %dot_general3A {dimension_numbers = #tpu.dot_dimension_numbers<[1], [0], [0], [1], [0, 0, 1, 1], [], []>, transpose_lhs_hint = false} : vector<10000x16xf32>, vector<16x128xf32>, vector<10000x128xf32> -> vector<10000x128xf32>
    %get3A_21 = arith.constant 0 : index
    %get3A_22 = arith.constant 0 : index
    %get3A_23 = vector.load %arg4[%get3A_21, %get3A_22] : memref<1x128xf32, #tpu.memory_space<vmem>>, vector<1x128xf32>
    %add3A_24 = vector.broadcast %get3A_23 : vector<1x128xf32> to vector<10000x128xf32>
    %add3A_25 = arith.addf %dot_general3A_20, %add3A_24 : vector<10000x128xf32>
    %max3A = arith.constant 0.000000e+00 : f32
    %max3A_26 = vector.broadcast %max3A : f32 to vector<10000x128xf32>
    %max3A_27 = arith.maximumf %add3A_25, %max3A_26 : vector<10000x128xf32>
    %get3A_28 = arith.constant 0 : index
    %get3A_29 = arith.constant 0 : index
    %get3A_30 = vector.load %arg2[%get3A_28, %get3A_29] : memref<10000x1xf32, #tpu.memory_space<vmem>>, vector<10000x1xf32>
    %mul3A_31 = vector.broadcast %get3A_30 : vector<10000x1xf32> to vector<10000x128xf32>
    %mul3A_32 = arith.mulf %max3A_27, %mul3A_31 : vector<10000x128xf32>
    %swap3A = arith.constant 0 : index
    %swap3A_33 = arith.constant 0 : index
    %swap3A_34 = vector.load %arg5[%swap3A, %swap3A_33] : memref<10000x128xf32, #tpu.memory_space<vmem>>, vector<10000x128xf32>
    tpu.vector_store %arg5[%swap3A, %swap3A_33], %mul3A_32 {strides = array<i32>} : memref<10000x128xf32, #tpu.memory_space<vmem>>, vector<10000x128xf32>,
    return
  }
}

module attributes {stable_mosaic.version = 14 : i64} {
  func.func @body(%arg0: memref<2x10000x64xf32, #tpu.memory_space<vmem>>, %arg1: memref<2x10000x64xf32, #tpu.memory_space<vmem>>, %arg2: memref<10000x128xf32, #tpu.memory_space<vmem>>, %arg3: memref<10000x1xf32, #tpu.memory_space<vmem>>, %arg4: memref<128x128xf32, #tpu.memory_space<vmem>>, %arg5: memref<1x128xf32, #tpu.memory_space<vmem>>, %arg6: memref<10000x128xf32, #tpu.memory_space<vmem>>) attributes {dimension_semantics = [], scalar_prefetch = 0 : i64, scratch_operands = 0 : i64, tpu.core_type = #tpu.core_type<tc>} {
    %get3A = arith.constant 0 : index
    %get3A_0 = arith.constant 0 : index
    %get3A_1 = arith.constant 0 : index
    %get3A_2 = vector.load %arg0[%get3A, %get3A_0, %get3A_1] : memref<2x10000x64xf32, #tpu.memory_space<vmem>>, vector<1x10000x64xf32>
    %get3A_3 = vector.shape_cast %get3A_2 : vector<1x10000x64xf32> to vector<10000x64xf32>
    %get3A_4 = arith.constant 1 : index
    %get3A_5 = arith.constant 0 : index
    %get3A_6 = arith.constant 0 : index
    %get3A_7 = vector.load %arg0[%get3A_4, %get3A_5, %get3A_6] : memref<2x10000x64xf32, #tpu.memory_space<vmem>>, vector<1x10000x64xf32>
    %get3A_8 = vector.shape_cast %get3A_7 : vector<1x10000x64xf32> to vector<10000x64xf32>
    %add3A = arith.addf %get3A_3, %get3A_8 : vector<10000x64xf32>
    %get3A_9 = arith.constant 0 : index
    %get3A_10 = arith.constant 0 : index
    %get3A_11 = arith.constant 0 : index
    %get3A_12 = vector.load %arg1[%get3A_9, %get3A_10, %get3A_11] : memref<2x10000x64xf32, #tpu.memory_space<vmem>>, vector<1x10000x64xf32>
    %get3A_13 = vector.shape_cast %get3A_12 : vector<1x10000x64xf32> to vector<10000x64xf32>
    %get3A_14 = arith.constant 1 : index
    %get3A_15 = arith.constant 0 : index
    %get3A_16 = arith.constant 0 : index
    %get3A_17 = vector.load %arg1[%get3A_14, %get3A_15, %get3A_16] : memref<2x10000x64xf32, #tpu.memory_space<vmem>>, vector<1x10000x64xf32>
    %get3A_18 = vector.shape_cast %get3A_17 : vector<1x10000x64xf32> to vector<10000x64xf32>
    %add3A_19 = arith.addf %get3A_13, %get3A_18 : vector<10000x64xf32>
    %concatenate3A = tpu.concatenate %add3A, %add3A_19 in 1 : vector<10000x64xf32>, vector<10000x64xf32> -> vector<10000x128xf32>
    %get3A_20 = arith.constant 0 : index
    %get3A_21 = arith.constant 0 : index
    %get3A_22 = vector.load %arg2[%get3A_20, %get3A_21] : memref<10000x128xf32, #tpu.memory_space<vmem>>, vector<10000x128xf32>
    %add3A_23 = arith.addf %concatenate3A, %get3A_22 : vector<10000x128xf32>
    %get3A_24 = arith.constant 0 : index
    %get3A_25 = arith.constant 0 : index
    %get3A_26 = vector.load %arg3[%get3A_24, %get3A_25] : memref<10000x1xf32, #tpu.memory_space<vmem>>, vector<10000x1xf32>
    %mul3A = vector.broadcast %get3A_26 : vector<10000x1xf32> to vector<10000x128xf32>
    %mul3A_27 = arith.mulf %add3A_23, %mul3A : vector<10000x128xf32>
    %get3A_28 = arith.constant 0 : index
    %get3A_29 = arith.constant 0 : index
    %get3A_30 = vector.load %arg4[%get3A_28, %get3A_29] : memref<128x128xf32, #tpu.memory_space<vmem>>, vector<128x128xf32>
    %dot_general3A = arith.constant dense<0.000000e+00> : vector<10000x128xf32>
    %dot_general3A_31 = tpu.matmul %mul3A_27, %get3A_30, %dot_general3A {dimension_numbers = #tpu.dot_dimension_numbers<[1], [0], [0], [1], [0, 0, 1, 1], [], []>, transpose_lhs_hint = false} : vector<10000x128xf32>, vector<128x128xf32>, vector<10000x128xf32> -> vector<10000x128xf32>
    %get3A_32 = arith.constant 0 : index
    %get3A_33 = arith.constant 0 : index
    %get3A_34 = vector.load %arg5[%get3A_32, %get3A_33] : memref<1x128xf32, #tpu.memory_space<vmem>>, vector<1x128xf32>
    %add3A_35 = vector.broadcast %get3A_34 : vector<1x128xf32> to vector<10000x128xf32>
    %add3A_36 = arith.addf %dot_general3A_31, %add3A_35 : vector<10000x128xf32>
    %max3A = arith.constant 0.000000e+00 : f32
    %max3A_37 = vector.broadcast %max3A : f32 to vector<10000x128xf32>
    %max3A_38 = arith.maximumf %add3A_36, %max3A_37 : vector<10000x128xf32>
    %swap3A = arith.constant 0 : index
    %swap3A_39 = arith.constant 0 : index
    %swap3A_40 = vector.load %arg6[%swap3A, %swap3A_39] : memref<10000x128xf32, #tpu.memory_space<vmem>>, vector<10000x128xf32>
    tpu.vector_store %arg6[%swap3A, %swap3A_39], %max3A_38 {strides = array<i32>} : memref<10000x128xf32, #tpu.memory_space<vmem>>, vector<10000x128xf32>,
    return
  }
}

module attributes {stable_mosaic.version = 14 : i64} {
  func.func @body(%arg0: memref<2x64x10000xf32, #tpu.memory_space<vmem>>, %arg1: memref<10000x128xf32, #tpu.memory_space<vmem>>, %arg2: memref<1x10000xi32, #tpu.memory_space<vmem>>, %arg3: memref<1x10000xf32, #tpu.memory_space<vmem>>, %arg4: memref<64x1xf32, #tpu.memory_space<vmem>>, %arg5: memref<64x1xf32, #tpu.memory_space<vmem>>, %arg6: memref<128x128xf32, #tpu.memory_space<vmem>>, %arg7: memref<1x128xf32, #tpu.memory_space<vmem>>, %arg8: memref<128x2xf32, #tpu.memory_space<vmem>>, %arg9: memref<1x2xf32, #tpu.memory_space<vmem>>, %arg10: memref<64x2xf32, #tpu.memory_space<vmem>>) attributes {dimension_semantics = [], scalar_prefetch = 0 : i64, scratch_operands = 0 : i64, tpu.core_type = #tpu.core_type<tc>} {
    %iota3A = tpu.iota {dimensions = array<i32: 0>} : vector<64x10000xi32>
    %get3A = arith.constant 0 : index
    %get3A_0 = arith.constant 0 : index
    %get3A_1 = vector.load %arg2[%get3A, %get3A_0] : memref<1x10000xi32, #tpu.memory_space<vmem>>, vector<1x10000xi32>
    %eq3A = vector.broadcast %get3A_1 : vector<1x10000xi32> to vector<64x10000xi32>
    %eq3A_2 = arith.cmpi eq, %eq3A, %iota3A : vector<64x10000xi32>
    %convert_element_type3A = arith.extui %eq3A_2 : vector<64x10000xi1> to vector<64x10000xi32>
    %convert_element_type3A_3 = arith.sitofp %convert_element_type3A : vector<64x10000xi32> to vector<64x10000xf32>
    %get3A_4 = arith.constant 0 : index
    %get3A_5 = arith.constant 0 : index
    %get3A_6 = vector.load %arg3[%get3A_4, %get3A_5] : memref<1x10000xf32, #tpu.memory_space<vmem>>, vector<1x10000xf32>
    %get3A_7 = arith.constant 0 : index
    %get3A_8 = arith.constant 0 : index
    %get3A_9 = arith.constant 0 : index
    %get3A_10 = vector.load %arg0[%get3A_7, %get3A_8, %get3A_9] : memref<2x64x10000xf32, #tpu.memory_space<vmem>>, vector<1x64x10000xf32>
    %get3A_11 = vector.shape_cast %get3A_10 : vector<1x64x10000xf32> to vector<64x10000xf32>
    %get3A_12 = arith.constant 1 : index
    %get3A_13 = arith.constant 0 : index
    %get3A_14 = arith.constant 0 : index
    %get3A_15 = vector.load %arg0[%get3A_12, %get3A_13, %get3A_14] : memref<2x64x10000xf32, #tpu.memory_space<vmem>>, vector<1x64x10000xf32>
    %get3A_16 = vector.shape_cast %get3A_15 : vector<1x64x10000xf32> to vector<64x10000xf32>
    %add3A = arith.addf %get3A_11, %get3A_16 : vector<64x10000xf32>
    %mul3A = arith.mulf %get3A_6, %get3A_6 : vector<1x10000xf32>
    %mul3A_17 = vector.broadcast %mul3A : vector<1x10000xf32> to vector<64x10000xf32>
    %mul3A_18 = arith.mulf %convert_element_type3A_3, %mul3A_17 : vector<64x10000xf32>
    %get3A_19 = arith.constant 0 : index
    %get3A_20 = arith.constant 0 : index
    %get3A_21 = vector.load %arg4[%get3A_19, %get3A_20] : memref<64x1xf32, #tpu.memory_space<vmem>>, vector<64x1xf32>
    %mul3A_22 = vector.broadcast %get3A_21 : vector<64x1xf32> to vector<64x10000xf32>
    %mul3A_23 = arith.mulf %mul3A_18, %mul3A_22 : vector<64x10000xf32>
    %add3A_24 = arith.addf %add3A, %mul3A_23 : vector<64x10000xf32>
    %get3A_25 = arith.constant 0 : index
    %get3A_26 = arith.constant 0 : index
    %get3A_27 = vector.load %arg1[%get3A_25, %get3A_26] : memref<10000x128xf32, #tpu.memory_space<vmem>>, vector<10000x128xf32>
    %dot_general3A = arith.constant dense<0.000000e+00> : vector<64x128xf32>
    %dot_general3A_28 = tpu.matmul %add3A_24, %get3A_27, %dot_general3A {dimension_numbers = #tpu.dot_dimension_numbers<[1], [0], [0], [1], [0, 0, 1, 1], [], []>, transpose_lhs_hint = false} : vector<64x10000xf32>, vector<10000x128xf32>, vector<64x128xf32> -> vector<64x128xf32>
    %get3A_29 = arith.constant 0 : index
    %get3A_30 = arith.constant 0 : index
    %get3A_31 = vector.load %arg6[%get3A_29, %get3A_30] : memref<128x128xf32, #tpu.memory_space<vmem>>, vector<128x128xf32>
    %dot_general3A_32 = arith.constant dense<0.000000e+00> : vector<64x128xf32>
    %dot_general3A_33 = tpu.matmul %dot_general3A_28, %get3A_31, %dot_general3A_32 {dimension_numbers = #tpu.dot_dimension_numbers<[1], [0], [0], [1], [0, 0, 1, 1], [], []>, transpose_lhs_hint = false} : vector<64x128xf32>, vector<128x128xf32>, vector<64x128xf32> -> vector<64x128xf32>
    %get3A_34 = arith.constant 0 : index
    %get3A_35 = arith.constant 0 : index
    %get3A_36 = vector.load %arg5[%get3A_34, %get3A_35] : memref<64x1xf32, #tpu.memory_space<vmem>>, vector<64x1xf32>
    %get3A_37 = arith.constant 0 : index
    %get3A_38 = arith.constant 0 : index
    %get3A_39 = vector.load %arg7[%get3A_37, %get3A_38] : memref<1x128xf32, #tpu.memory_space<vmem>>, vector<1x128xf32>
    %mul3A_40 = vector.broadcast %get3A_36 : vector<64x1xf32> to vector<64x128xf32>
    %mul3A_41 = vector.broadcast %get3A_39 : vector<1x128xf32> to vector<64x128xf32>
    %mul3A_42 = arith.mulf %mul3A_40, %mul3A_41 : vector<64x128xf32>
    %add3A_43 = arith.addf %dot_general3A_33, %mul3A_42 : vector<64x128xf32>
    %get3A_44 = arith.constant 0 : index
    %get3A_45 = arith.constant 0 : index
    %get3A_46 = vector.load %arg8[%get3A_44, %get3A_45] : memref<128x2xf32, #tpu.memory_space<vmem>>, vector<128x2xf32>
    %dot_general3A_47 = arith.constant dense<0.000000e+00> : vector<64x2xf32>
    %dot_general3A_48 = tpu.matmul %add3A_43, %get3A_46, %dot_general3A_47 {dimension_numbers = #tpu.dot_dimension_numbers<[1], [0], [0], [1], [0, 0, 1, 1], [], []>, transpose_lhs_hint = false} : vector<64x128xf32>, vector<128x2xf32>, vector<64x2xf32> -> vector<64x2xf32>
    %get3A_49 = arith.constant 0 : index
    %get3A_50 = arith.constant 0 : index
    %get3A_51 = vector.load %arg9[%get3A_49, %get3A_50] : memref<1x2xf32, #tpu.memory_space<vmem>>, vector<1x2xf32>
    %add3A_52 = vector.broadcast %get3A_51 : vector<1x2xf32> to vector<64x2xf32>
    %add3A_53 = arith.addf %dot_general3A_48, %add3A_52 : vector<64x2xf32>
    %swap3A = arith.constant 0 : index
    %swap3A_54 = arith.constant 0 : index
    %swap3A_55 = vector.load %arg10[%swap3A, %swap3A_54] : memref<64x2xf32, #tpu.memory_space<vmem>>, vector<64x2xf32>
    tpu.vector_store %arg10[%swap3A, %swap3A_54], %add3A_53 {strides = array<i32>} : memref<64x2xf32, #tpu.memory_space<vmem>>, vector<64x2xf32>,
    return
  }
}

</mosaic_0001>

<sc_bundles>
// kernel: kernel.11.cloned.1.call-start
scs
__scs_entry_jumppad:
0x0: {  	(pc) =	sbr.rel $0x88, $3  }
0x1: {  	(tag) =	ssettag $0x0;
	lr =	simm.s32 $0x1  }
0x2: {  	[smem:$0x3F96] =	sst lr;
	_ =	strace $0xD0000000  }
0x3: {  	_ = 	snop  }
0x4: {  	_ = 	snop  }
0x5: {  	_ = 	snop  }
0x6: {  	_ = 	snop  }
0x7: {  	_ = 	snop  }
__scs_overlays_trampoline_lowered:
0x8: {  	[smem:$0x3FA5] =	sst s0  }
0x9: {  	[smem:$0x3FA6] =	sst s1  }
0xa: {  	[smem:$0x3FA7] =	sst s2  }
0xb: {  	[smem:$0x3FA8] =	sst s3  }
0xc: {  	[smem:$0x3FA9] =	sst s4  }
0xd: {  	[smem:$0x3FAA] =	sst s5  }
0xe: {  	[smem:$0x3FAB] =	sst s6  }
0xf: {  	[smem:$0x3FAC] =	sst s7  }
0x10: {  	[smem:$0x3FAD] =	sst s8  }
0x11: {  	[smem:$0x3FAE] =	sst s9;
	s0 =	simm.s32 @!p0 $0x0  }
0x12: {  	s1 =	sld [smem:$0x3F94];
	s0 =	simm.s32 @p0 $0x1  }
0x13: {  	[smem:$0x3FAF] =	sst s0;
	s0 =	simm.s32 @!p1 $0x0  }
0x14: {  	s2 =	sld [smem:$0x3F93];
	s0 =	simm.s32 @p1 $0x1  }
0x15: {  	[smem:$0x3FB0] =	sst s0;
	s0 =	simm.s32 @!p2 $0x0  }
0x16: {  	s3 =	sld [smem:$0x3FDB];
	s0 =	simm.s32 @p2 $0x1  }
0x17: {  	s4 =	simm.s32 $0x1BF5;
	[smem:$0x3FB2] =	sst s0  }
0x18: {  	s0 =	sld [smem:$0x3F95];
	_ =	swait.ge [sflag:s4], $0x0  }
0x19: {  	s7 =	sld [smem:$0x3F96]  }
0x1a: {  	s8 =	sadd.s32 $0xFFFFE003, lr  }
0x1b: {  	s9 =	sadd.s32 $0xFFFFFEF7, lr;
	s5 =	simm.s32 $0xFFFFFFFF;
	p2 =	slt.u32 s8, $0xFFFFF086  }
0x1c: {  	p1 =	slt.u32 s9, $0xF7A;
	s5 =	simm.s32 @!p2 $0x0  }
0x1d: {  	s5 =	simm.s32 @p1 $0x1;
	p0 =	seq.s32 s7, s2  }
0x1e: {  	s7 =	smul.u32 @!p0 $0xF7A, s2;
	p2 =	seq.s32 @!p0 s5, $0x0  }
0x1f: {  	s9 =	smul.u32 $0xF7A, s1;
	s8 =	simm.s32 @!p0 $0x1BF5;
	p2 =	por !p2, p0  }
0x20: {  	[sflag:s8] =	ssyncset.s32 @!p0 $0xFFFFF086;
	s6 =	sadd.s32 @!p0 s3, s7;
	s7 =	simm.s32 @!p0 $0x108  }
0x21: {  	s3 =	sadd.s32 s3, s9;
	s6 =	sadd.s32 @!p0 $0x88, s6;
	s7 =	simm.s32 @p2 $0x1082  }
0x22: {  	[simem:s7], [sflag:s8] =	dma.local @!p0 [hbm:s6], $0xF7A  }
0x23: {  	s9 =	sor.u32 $0xD0000000, s2;
	s6 =	simm.s32 $0x108;
	_ =	swait.ge @!p0 [sflag:s8], $0x0  }
0x24: {  	s3 =	sadd.s32 $0x88, s3;
	s6 =	simm.s32 @!p1 $0x1082;
	[sflag:s4] =	ssyncset.s32 $0xFFFFF086  }
0x25: {  	[simem:s6], [sflag:s4] =	dma.local [hbm:s3], $0xF7A  }
0x26: {  	[smem:$0x3F96] =	sst s1;
	(tag) =	ssettag s2;
	_ =	strace s9  }
0x27: {  	s1 =	sld [smem:$0x3FA6]  }
0x28: {  	s2 =	sld [smem:$0x3FA7]  }
0x29: {  	s4 =	sld [smem:$0x3FA9]  }
0x2a: {  	p0 =	seq.s32 s5, $0x0;
	s5 =	sld [smem:$0x3FAA]  }
0x2b: {  	s6 =	sld [smem:$0x3FAB]  }
0x2c: {  	s7 =	sld [smem:$0x3FAC]  }
0x2d: {  	s3 =	simm.s32 $0x108;
	s8 =	sld [smem:$0x3FAD]  }
0x2e: {  	s3 =	simm.s32 @!p0 $0x1082;
	s9 =	sld [smem:$0x3FAE]  }
0x2f: {  	lr =	sadd.s32 s0, s3;
	s0 =	sld [smem:$0x3FA5]  }
0x30: {  	s3 =	sld [smem:$0x3FA8]  }
0x31: {  	[smem:$0x3FB1] =	sst s10  }
0x32: {  	s10 =	sld [smem:$0x3FAF];
	_ =	sdelay $0x3  }
0x33: {  	p0 =	seq.s32 s10, $0x1;
	s10 =	sld [smem:$0x3FB1];
	_ =	sdelay $0x3  }
0x34: {  	[smem:$0x3FB1] =	sst s10  }
0x35: {  	s10 =	sld [smem:$0x3FB0];
	_ =	sdelay $0x3  }
0x36: {  	p1 =	seq.s32 s10, $0x1;
	s10 =	sld [smem:$0x3FB1];
	_ =	sdelay $0x3  }
0x37: {  	[smem:$0x3FB1] =	sst s10  }
0x38: {  	s10 =	sld [smem:$0x3FB2]  }
0x39: {  	_ = 	snop;
	(pc) =	sbr.ind lr, $3  }
0x3a: {  	_ = 	snop  }
0x3b: {  	_ = 	snop  }
0x3c: {  	p2 =	seq.s32 s10, $0x1;
	s10 =	sld [smem:$0x3FB1]  }
0x3d: {  	_ =	shalt  }
0x3e: {  	_ =	shalt  }
0x3f: {  	_ =	shalt  }
0x40: {  	_ =	shalt  }
0x41: {  	_ =	shalt  }
0x42: {  	_ =	shalt  }
0x43: {  	_ =	shalt  }
0x44: {  	_ =	shalt  }
0x45: {  	_ =	shalt  }
0x46: {  	_ =	shalt  }
0x47: {  	_ =	shalt  }
0x48: {  	_ =	shalt  }
0x49: {  	_ =	shalt  }
0x4a: {  	_ =	shalt  }
0x4b: {  	_ =	shalt  }
0x4c: {  	_ =	shalt  }
0x4d: {  	_ =	shalt  }
0x4e: {  	_ =	shalt  }
0x4f: {  	_ =	shalt  }
0x50: {  	_ =	shalt  }
0x51: {  	_ =	shalt  }
0x52: {  	_ =	shalt  }
0x53: {  	_ =	shalt  }
0x54: {  	_ =	shalt  }
0x55: {  	_ =	shalt  }
0x56: {  	_ =	shalt  }
0x57: {  	_ =	shalt  }
0x58: {  	_ =	shalt  }
0x59: {  	_ =	shalt  }
0x5a: {  	_ =	shalt  }
0x5b: {  	_ =	shalt  }
0x5c: {  	_ =	shalt  }
0x5d: {  	_ =	shalt  }
0x5e: {  	_ =	shalt  }
0x5f: {  	_ =	shalt  }
0x60: {  	_ =	shalt  }
0x61: {  	_ =	shalt  }
0x62: {  	_ =	shalt  }
0x63: {  	_ =	shalt  }
0x64: {  	_ =	shalt  }
0x65: {  	_ =	shalt  }
0x66: {  	_ =	shalt  }
0x67: {  	_ =	shalt  }
0x68: {  	_ =	shalt  }
0x69: {  	_ =	shalt  }
0x6a: {  	_ =	shalt  }
0x6b: {  	_ =	shalt  }
0x6c: {  	_ =	shalt  }
0x6d: {  	_ =	shalt  }
0x6e: {  	_ =	shalt  }
0x6f: {  	_ =	shalt  }
0x70: {  	_ =	shalt  }
0x71: {  	_ =	shalt  }
0x72: {  	_ =	shalt  }
0x73: {  	_ =	shalt  }
0x74: {  	_ =	shalt  }
0x75: {  	_ =	shalt  }
0x76: {  	_ =	shalt  }
0x77: {  	_ =	shalt  }
0x78: {  	_ =	shalt  }
0x79: {  	_ =	shalt  }
0x7a: {  	_ =	shalt  }
0x7b: {  	_ =	shalt  }
0x7c: {  	_ =	shalt  }
0x7d: {  	_ =	shalt  }
0x7e: {  	_ =	shalt  }
0x7f: {  	_ =	shalt  }
0x80: {  	_ =	shalt  }
0x81: {  	_ =	shalt  }
0x82: {  	_ =	shalt  }
0x83: {  	_ =	shalt  }
0x84: {  	_ =	shalt  }
0x85: {  	_ =	shalt  }
0x86: {  	_ =	shalt  }
0x87: {  	_ =	shalt  }
.Lfunc_end0:
.L_simem_size_0:
called_computation_lowered:
.L_overlay_start_0:
0x88: {  	s2 =	sld [smem:$0x3FD9]  }
0x89: {  	s3 =	sld [smem:$0x3FFE];
	_ =	sdelay $0x1  }
0x8a: {  	s1 =	srdreg.scid  }
0x8b: {  	s0 =	sand.u32 $0x1, s1  }
0x8c: {  	s16 =	sshll.u32 s0, $0xA;
	s2 =	sadd.s32 s3, s2  }
0x8d: {  	s2 =	sadd.s32 s2, s16  }
0x8e: {  	[smem:$0x3FBD] =	sst s2  }
0x8f: {  	_ = 	snop  }
0x90: {  	(tm) =	ssettm $0x1  }
0x91: {  	s17 =	sld [smem:$0x3FFB];
	_ =	sdelay $0x3  }
0x92: {  	_ =	strace s17  }
0x93: {  	s2 =	sld [smem:$0x3FFC];
	_ =	sdelay $0x3  }
0x94: {  	_ =	strace s2  }
0x95: {  	s2 =	sld [smem:$0x3FFD];
	_ =	sdelay $0x3  }
0x96: {  	_ =	strace s2  }
0x97: {  	_ =	strace $0x8FFFFFFF  }
0x98: {  	s18 =	sld [smem:$0x3FDB];
	_ =	sdelay $0x1  }
0x99: {  	s19 =	simm.s32 $_scs_section_size  }
0x9a: {  	s4 =	simm.s32 $_size__tile_overlayer_lowered;
	s5 =	simm.s32 $_tile_overlayer_lowered  }
0x9b: {  	s22 =	simm.s32 $0x1BFF;
	s21 =	sshll.u32 s5, $0x1;
	s2 =	sadd.s32 s19, s18  }
0x9c: {  	s6 =	simm.s32 $0x0;
	s20 =	sshll.u32 s4, $0x1;
	s4 =	sadd.s32 s21, s2  }
0x9d: {  	[timem:s6], [sflag:s22] =	dma.local [hbm:s4], s20  }
0x9e: {  	_ =	swait.ge [sflag:s22], s20  }
0x9f: {  	s3 =	ssub.s32 $0x0, s20;
	[sflag:s22] =	ssyncset.done $0x0  }
0xa0: {  	[sflag:s22] =	ssyncadd.s32 s3;
	_ =	sdelay $0x1  }
0xa1: {  	s23 =	simm.s32 $0x1B8B  }
0xa2: {  	_ =	swait.ge [sflag:s23], $0x1  }
0xa3: {  	[sflag:s23] =	ssyncset.done $0x0  }
0xa4: {  	s25 =	simm.s32 $0x1B8E;
	s24 =	sld [smem:$0x3FFE];
	[sflag:s23] =	ssyncadd.s32 $0xFFFFFFFF  }
0xa5: {  	s26 =	simm.s32 $execute0_lowered;
	[smem:$0x3FD2] =	sst s25  }
0xa6: {  	s4 =	sshll.u32 s26, $0x1;
	_ =	strace $0x80000046;
	[dreg:$0x1] =	wrdreg $0xFFFFFFFF  }
0xa7: {  	s28 =	simm.s32 $_size_execute0_lowered;
	s2 =	sadd.s32 s2, s4;
	[dreg:$0x0] =	wrdreg $0x0  }
0xa8: {  	s4 =	sshll.u32 s28, $0x1;
	[dreg:$0x2] =	wrdreg s2  }
0xa9: {  	[dreg:$0x3] =	wrdreg s4  }
0xaa: {  	[dreg:$0x4] =	wrdreg $0xC0  }
0xab: {  	_ =	task [dreg:s6], $0x5FFFF  }
0xac: {  	[dreg:$0x1] =	wrdreg $0xFFFFFFFF  }
0xad: {  	[dreg:$0x0] =	wrdreg $0x60  }
0xae: {  	[dreg:$0x2] =	wrdreg s24  }
0xaf: {  	[dreg:$0x3] =	wrdreg $0x52800  }
0xb0: {  	[dreg:$0x4] =	wrdreg $0x9  }
0xb1: {  	_ =	task.clear_ibuf [dreg:s6], $0x5FFFF;
	_ =	strace $0x90000046  }
0xb2: {  	s29 =	simm.s32 $0x9;
	_ =	strace $0x80000048  }
0xb3: {  	_ =	swait.ge [sflag:s29], $0x1  }
0xb4: {  	[sflag:s29] =	ssyncadd.s32 $0xFFFFFFFF  }
0xb5: {  	_ =	strace $0x90000048  }
0xb6: {  	_ =	sfence  }
0xb7: {  	s30 =	sld [smem:$0x0];
	_ =	sdelay $0x2  }
0xb8: {  	s31 =	sshll.u32 s1, $0xD;
	s1 =	sshrl.u32 s1, $0x2  }
0xb9: {  	s3 =	sand.u32 $0x4000, s31;
	s1 =	sadd.s32 s1, s30  }
0xba: {  	s0 =	sor.u32 s3, s0;
	s1 =	sshll.u32 s1, $0x11  }
0xbb: {  	s0 =	sor.u32 s1, s0  }
0xbc: {  	s0 =	sadd.s32 $0x8F2B, s0  }
0xbd: {  	[sflag:s0] =	ssyncadd.remote.s32 $0x1  }
0xbe: {  	_ =	sfence.sel $0xFFFF  }
0xbf: {  	[dreg:$0x0] =	wrdreg $0xFFFFFFFF;
	(pc) =	sbr.abs _section_cstart, $3  }
0xc0: {  	[dreg:$0x1] =	wrdreg $0xFFFFFFFF  }
0xc1: {  	_ =	task.clear_ibuf [dreg:s6], $0x2FFFF;
	_ =	strace $0x9FFFFFFF  }
0xc2: {  	(tm) =	ssettm $0x7FFFFFFF  }
0xc3: {  	_ =	shalt  }
tec
execute0_lowered:
.L_overlay_start_1:
0x0: {  	(tag) =	ssettag $0x1  }
0x1: {  	s1 =	srdreg.scid;
	s4 =	rddreg [dreg:$0x0]  }
0x2: {  	s0 =	stileid.u32;
	s2 =	rddreg [dreg:$0x1];
	s3 =	simm.s32 $0x0  }
0x3: {  	s10 =	simm.s32 $0x2800;
	s5 =	sand.u32 $0x1, s1;
	s1 =	rddreg [dreg:$0x2]  }
0x4: {  	s13 =	simm.s32 $0x0;
	s6 =	smul.u32 $0x280, s0;
	[smem:$0x7FF] =	sst s3  }
0x5: {  	s11 =	sshll.u32 s0, $0x6;
	s7 =	sshll.u32 s5, $0x4;
	s8 =	smul.u32 $0x2800, s5  }
0x6: {  	_ =	strace $0x80000047;
	s5 =	ssub.s32 $0x2, s5;
	s7 =	sor.u32 s0, s7  }
0x7: {  	s31 =	sshrl.u32 s5, $0x1;
	s7 =	smul.u32 $0x500, s7;
	s8 =	sadd.s32 s6, s8  }
0x8: {  	s11 =	sor.u32 $0x1C01, s11;
	s9 =	ssub.s32 s5, s31;
	s8 =	sshrl.u32 s8, $0x3  }
0x9: {  	s5 =	sadd.s32 s6, s2;
	s7 =	sadd.s32 s7, s4;
	s8 =	sadd.s32 s8, s4  }
0xa: {  	s12 =	sshrl.u32 s5, $0x3;
	s4 =	sadd.s32 $0x1200, s7;
	s6 =	sadd.s32 $0xB200, s8  }
0xb: {  	v0 =	vimm.f32 $1.000000000e+00;
	v1 =	vimm.f32 $0.0e+00;
	s7 =	smax.u32 s9, $0x1;
	s8 =	simm.s32 $0x1;
	s9 =	simm.s32 $0x5000  }
.LBB2_1:
0xc: {  	s14 =	simm.s32 $0x40;
	s15 =	simm.s32 $0x0  }
.LBB2_2:
0xd: {  	p0 =	sne.s32 s14, $0x9FC0;
	[tilespmem:s15+$0x2800] =	vst v0;
	s15 =	smov.u32 s14;
	s14 =	sadd.s32 $0x40, s14  }
.Ltmp0:
0xe: {  	(pc) =	sbr.rel @p0 .LBB2_2-.Ltmp0, $2  }
0xf: {  	_ =	sdelay $0x2  }
0x10: {  	s15 =	sshra.s32 s15, $0x2  }
0x11: {  	[tilespmem:s15+$0x2800] =	vst v0  }
0x12: {  	[tilespmem:$0x5000] =	vst v1  }
0x13: {  	[tilespmem:$0x5010] =	vst v1  }
0x14: {  	[tilespmem:$0x5020] =	vst v1  }
0x15: {  	[tilespmem:$0x5030] =	vst v1  }
0x16: {  	[tilespmem:$0x5040] =	vst v1  }
0x17: {  	[tilespmem:$0x5050] =	vst v1  }
0x18: {  	[tilespmem:$0x5060] =	vst v1  }
0x19: {  	[tilespmem:$0x5070] =	vst v1  }
0x1a: {  	[tilespmem:$0x5080] =	vst v1  }
0x1b: {  	[tilespmem:$0x5090] =	vst v1  }
0x1c: {  	[tilespmem:$0x50A0] =	vst v1  }
0x1d: {  	[tilespmem:$0x50B0] =	vst v1  }
0x1e: {  	[tilespmem:$0x50C0] =	vst v1  }
0x1f: {  	[tilespmem:$0x50D0] =	vst v1  }
0x20: {  	[tilespmem:$0x50E0] =	vst v1  }
0x21: {  	[tilespmem:$0x50F0] =	vst v1  }
0x22: {  	[tilespmem:$0x5100] =	vst v1  }
0x23: {  	[tilespmem:$0x5110] =	vst v1  }
0x24: {  	[tilespmem:$0x5120] =	vst v1  }
0x25: {  	[tilespmem:$0x5130] =	vst v1  }
0x26: {  	[tilespmem:$0x5140] =	vst v1  }
0x27: {  	[tilespmem:$0x5150] =	vst v1  }
0x28: {  	[tilespmem:$0x5160] =	vst v1  }
0x29: {  	[tilespmem:$0x5170] =	vst v1  }
0x2a: {  	[tilespmem:$0x5180] =	vst v1  }
0x2b: {  	[tilespmem:$0x5190] =	vst v1  }
0x2c: {  	[tilespmem:$0x51A0] =	vst v1  }
0x2d: {  	[tilespmem:$0x51B0] =	vst v1  }
0x2e: {  	[tilespmem:$0x51C0] =	vst v1  }
0x2f: {  	[tilespmem:$0x51D0] =	vst v1  }
0x30: {  	[tilespmem:$0x51E0] =	vst v1  }
0x31: {  	[tilespmem:$0x51F0] =	vst v1  }
0x32: {  	[tilespmem:$0x5200] =	vst v1  }
0x33: {  	[tilespmem:$0x5210] =	vst v1  }
0x34: {  	[tilespmem:$0x5220] =	vst v1  }
0x35: {  	[tilespmem:$0x5230] =	vst v1  }
0x36: {  	[tilespmem:$0x5240] =	vst v1  }
0x37: {  	[tilespmem:$0x5250] =	vst v1  }
0x38: {  	[tilespmem:$0x5260] =	vst v1  }
0x39: {  	[tilespmem:$0x5270] =	vst v1  }
0x3a: {  	[tilespmem:s3], [sflag:$0x1] =	stream.linear.gather [hbm4b:s4+s3], $0x2800, $0x38;
	[tilespmem:$0x5500] =	vst v63  }
0x3b: {  	_ =	swait.ge [sflag:s8], $0x2800  }
0x3c: {  	[sflag:s8] =	ssyncset.done $0x0  }
0x3d: {  	[sflag:s8] =	ssyncadd.s32 $0xFFFFD800  }
0x3e: {  	[spmem:s5] =	stream.linear.scatter [tilespmem:s9], [sflag:$0x1], $0x280, $0x38;
	[tilespmem:$0x5500] =	vst v63  }
0x3f: {  	_ =	swait.ge [sflag:s8], $0x280  }
0x40: {  	[sflag:s8] =	ssyncset.done $0x0  }
0x41: {  	[sflag:s8] =	ssyncadd.s32 $0xFFFFFD80  }
0x42: {  	[bflag:$0x0] =	sbarrier.arrive $0xFFFF  }
0x43: {  	[spmem:s2] =	stream.indirect.scatter.add.f32 [tilespmem:s10], [sflag:$0x1], $0x1, s3, s10, $0xb8;
	[tilespmem:$0x5500] =	vst v63  }
0x44: {  	_ =	swait.ge [sflag:s8], $0x2800  }
0x45: {  	s13 =	sadd.s32 $0x1, s13;
	[sflag:s8] =	ssyncset.done $0x0  }
0x46: {  	p0 =	sne.s32 s13, s7;
	[sflag:s8] =	ssyncadd.s32 $0xFFFFD800  }
.Ltmp1:
0x47: {  	[bflag:$0x0] =	sbarrier.arrive $0xFFFF;
	(pc) =	sbr.rel @p0 .LBB2_1-.Ltmp1, $4  }
0x48: {  	[hbm:s6], [sflag:s11] =	dma.local [spmem:s12], $0x50  }
0x49: {  	_ =	swait.ge [sflag:s8], $0x50  }
0x4a: {  	[sflag:s8] =	ssyncset.done $0x0  }
0x4b: {  	[sflag:s8] =	ssyncadd.s32 $0xFFFFFFB0  }
0x4c: {  	_ =	sfence.sel $0x180000  }
0x4d: {  	[bflag:$0x0] =	sbarrier.arrive $0xFFFF  }
0x4e: {  	p0 =	sne.s32 s0, $0x0;
	_ =	strace $0x90000047  }
0x4f: {  	s0 =	sadd.s32 @!p0 $0x100000, s1;
	[bflag:$0x2] =	sbarrier.arrive $0xFFFF  }
0x50: {  	[sflag:s0] =	ssyncadd.tile.s32 @!p0 $0x1;
	_ =	shalt  }
.Lfunc_end2:
_tile_overlayer_lowered:
.L_overlay_start_2:
0x51: {  	(tag) =	ssettag $0x2  }
0x52: {  	s0 =	rddreg [dreg:$0x0];
	s2 =	stileid.u32  }
0x53: {  	s1 =	rddreg [dreg:$0x1];
	p0 =	sne.s32 s2, $0x0  }
0x54: {  	s3 =	rddreg [dreg:$0x2];
	[bflag:$0x3] =	sbarrier.arrive $0xFFFF;
	s2 =	simm.s32 @!p0 $0x1C01  }
0x55: {  	[timem:s3], [sflag:s2] =	dma.local @!p0 [hbm:s0], s1  }
0x56: {  	s0 =	simm.s32 @!p0 $0x1  }
0x57: {  	_ =	swait.ge @!p0 [sflag:s0], s1  }
0x58: {  	s1 =	ssub.s32 @!p0 $0x0, s1;
	[sflag:s0] =	ssyncset.done @!p0 $0x0  }
0x59: {  	[sflag:s0] =	ssyncadd.s32 @!p0 s1  }
0x5a: {  	[bflag:$0x3] =	sbarrier.arrive $0xFFFF  }
0x5b: {  	_ =	shalt  }

// kernel: kernel.14.cloned.1.call-start
scs
__scs_entry_jumppad:
0x0: {  	(pc) =	sbr.rel $0x88, $3  }
0x1: {  	(tag) =	ssettag $0x0;
	lr =	simm.s32 $0x1  }
0x2: {  	[smem:$0x3F96] =	sst lr;
	_ =	strace $0xD0000000  }
0x3: {  	_ = 	snop  }
0x4: {  	_ = 	snop  }
0x5: {  	_ = 	snop  }
0x6: {  	_ = 	snop  }
0x7: {  	_ = 	snop  }
__scs_overlays_trampoline_lowered:
0x8: {  	[smem:$0x3FA5] =	sst s0  }
0x9: {  	[smem:$0x3FA6] =	sst s1  }
0xa: {  	[smem:$0x3FA7] =	sst s2  }
0xb: {  	[smem:$0x3FA8] =	sst s3  }
0xc: {  	[smem:$0x3FA9] =	sst s4  }
0xd: {  	[smem:$0x3FAA] =	sst s5  }
0xe: {  	[smem:$0x3FAB] =	sst s6  }
0xf: {  	[smem:$0x3FAC] =	sst s7  }
0x10: {  	[smem:$0x3FAD] =	sst s8  }
0x11: {  	[smem:$0x3FAE] =	sst s9;
	s0 =	simm.s32 @!p0 $0x0  }
0x12: {  	s1 =	sld [smem:$0x3F94];
	s0 =	simm.s32 @p0 $0x1  }
0x13: {  	[smem:$0x3FAF] =	sst s0;
	s0 =	simm.s32 @!p1 $0x0  }
0x14: {  	s2 =	sld [smem:$0x3F93];
	s0 =	simm.s32 @p1 $0x1  }
0x15: {  	[smem:$0x3FB0] =	sst s0;
	s0 =	simm.s32 @!p2 $0x0  }
0x16: {  	s3 =	sld [smem:$0x3FDB];
	s0 =	simm.s32 @p2 $0x1  }
0x17: {  	s4 =	simm.s32 $0x1BF5;
	[smem:$0x3FB2] =	sst s0  }
0x18: {  	s0 =	sld [smem:$0x3F95];
	_ =	swait.ge [sflag:s4], $0x0  }
0x19: {  	s7 =	sld [smem:$0x3F96]  }
0x1a: {  	s8 =	sadd.s32 $0xFFFFE003, lr  }
0x1b: {  	s9 =	sadd.s32 $0xFFFFFEF7, lr;
	s5 =	simm.s32 $0xFFFFFFFF;
	p2 =	slt.u32 s8, $0xFFFFF086  }
0x1c: {  	p1 =	slt.u32 s9, $0xF7A;
	s5 =	simm.s32 @!p2 $0x0  }
0x1d: {  	s5 =	simm.s32 @p1 $0x1;
	p0 =	seq.s32 s7, s2  }
0x1e: {  	s7 =	smul.u32 @!p0 $0xF7A, s2;
	p2 =	seq.s32 @!p0 s5, $0x0  }
0x1f: {  	s9 =	smul.u32 $0xF7A, s1;
	s8 =	simm.s32 @!p0 $0x1BF5;
	p2 =	por !p2, p0  }
0x20: {  	[sflag:s8] =	ssyncset.s32 @!p0 $0xFFFFF086;
	s6 =	sadd.s32 @!p0 s3, s7;
	s7 =	simm.s32 @!p0 $0x108  }
0x21: {  	s3 =	sadd.s32 s3, s9;
	s6 =	sadd.s32 @!p0 $0x88, s6;
	s7 =	simm.s32 @p2 $0x1082  }
0x22: {  	[simem:s7], [sflag:s8] =	dma.local @!p0 [hbm:s6], $0xF7A  }
0x23: {  	s9 =	sor.u32 $0xD0000000, s2;
	s6 =	simm.s32 $0x108;
	_ =	swait.ge @!p0 [sflag:s8], $0x0  }
0x24: {  	s3 =	sadd.s32 $0x88, s3;
	s6 =	simm.s32 @!p1 $0x1082;
	[sflag:s4] =	ssyncset.s32 $0xFFFFF086  }
0x25: {  	[simem:s6], [sflag:s4] =	dma.local [hbm:s3], $0xF7A  }
0x26: {  	[smem:$0x3F96] =	sst s1;
	(tag) =	ssettag s2;
	_ =	strace s9  }
0x27: {  	s1 =	sld [smem:$0x3FA6]  }
0x28: {  	s2 =	sld [smem:$0x3FA7]  }
0x29: {  	s4 =	sld [smem:$0x3FA9]  }
0x2a: {  	p0 =	seq.s32 s5, $0x0;
	s5 =	sld [smem:$0x3FAA]  }
0x2b: {  	s6 =	sld [smem:$0x3FAB]  }
0x2c: {  	s7 =	sld [smem:$0x3FAC]  }
0x2d: {  	s3 =	simm.s32 $0x108;
	s8 =	sld [smem:$0x3FAD]  }
0x2e: {  	s3 =	simm.s32 @!p0 $0x1082;
	s9 =	sld [smem:$0x3FAE]  }
0x2f: {  	lr =	sadd.s32 s0, s3;
	s0 =	sld [smem:$0x3FA5]  }
0x30: {  	s3 =	sld [smem:$0x3FA8]  }
0x31: {  	[smem:$0x3FB1] =	sst s10  }
0x32: {  	s10 =	sld [smem:$0x3FAF];
	_ =	sdelay $0x3  }
0x33: {  	p0 =	seq.s32 s10, $0x1;
	s10 =	sld [smem:$0x3FB1];
	_ =	sdelay $0x3  }
0x34: {  	[smem:$0x3FB1] =	sst s10  }
0x35: {  	s10 =	sld [smem:$0x3FB0];
	_ =	sdelay $0x3  }
0x36: {  	p1 =	seq.s32 s10, $0x1;
	s10 =	sld [smem:$0x3FB1];
	_ =	sdelay $0x3  }
0x37: {  	[smem:$0x3FB1] =	sst s10  }
0x38: {  	s10 =	sld [smem:$0x3FB2]  }
0x39: {  	_ = 	snop;
	(pc) =	sbr.ind lr, $3  }
0x3a: {  	_ = 	snop  }
0x3b: {  	_ = 	snop  }
0x3c: {  	p2 =	seq.s32 s10, $0x1;
	s10 =	sld [smem:$0x3FB1]  }
0x3d: {  	_ =	shalt  }
0x3e: {  	_ =	shalt  }
0x3f: {  	_ =	shalt  }
0x40: {  	_ =	shalt  }
0x41: {  	_ =	shalt  }
0x42: {  	_ =	shalt  }
0x43: {  	_ =	shalt  }
0x44: {  	_ =	shalt  }
0x45: {  	_ =	shalt  }
0x46: {  	_ =	shalt  }
0x47: {  	_ =	shalt  }
0x48: {  	_ =	shalt  }
0x49: {  	_ =	shalt  }
0x4a: {  	_ =	shalt  }
0x4b: {  	_ =	shalt  }
0x4c: {  	_ =	shalt  }
0x4d: {  	_ =	shalt  }
0x4e: {  	_ =	shalt  }
0x4f: {  	_ =	shalt  }
0x50: {  	_ =	shalt  }
0x51: {  	_ =	shalt  }
0x52: {  	_ =	shalt  }
0x53: {  	_ =	shalt  }
0x54: {  	_ =	shalt  }
0x55: {  	_ =	shalt  }
0x56: {  	_ =	shalt  }
0x57: {  	_ =	shalt  }
0x58: {  	_ =	shalt  }
0x59: {  	_ =	shalt  }
0x5a: {  	_ =	shalt  }
0x5b: {  	_ =	shalt  }
0x5c: {  	_ =	shalt  }
0x5d: {  	_ =	shalt  }
0x5e: {  	_ =	shalt  }
0x5f: {  	_ =	shalt  }
0x60: {  	_ =	shalt  }
0x61: {  	_ =	shalt  }
0x62: {  	_ =	shalt  }
0x63: {  	_ =	shalt  }
0x64: {  	_ =	shalt  }
0x65: {  	_ =	shalt  }
0x66: {  	_ =	shalt  }
0x67: {  	_ =	shalt  }
0x68: {  	_ =	shalt  }
0x69: {  	_ =	shalt  }
0x6a: {  	_ =	shalt  }
0x6b: {  	_ =	shalt  }
0x6c: {  	_ =	shalt  }
0x6d: {  	_ =	shalt  }
0x6e: {  	_ =	shalt  }
0x6f: {  	_ =	shalt  }
0x70: {  	_ =	shalt  }
0x71: {  	_ =	shalt  }
0x72: {  	_ =	shalt  }
0x73: {  	_ =	shalt  }
0x74: {  	_ =	shalt  }
0x75: {  	_ =	shalt  }
0x76: {  	_ =	shalt  }
0x77: {  	_ =	shalt  }
0x78: {  	_ =	shalt  }
0x79: {  	_ =	shalt  }
0x7a: {  	_ =	shalt  }
0x7b: {  	_ =	shalt  }
0x7c: {  	_ =	shalt  }
0x7d: {  	_ =	shalt  }
0x7e: {  	_ =	shalt  }
0x7f: {  	_ =	shalt  }
0x80: {  	_ =	shalt  }
0x81: {  	_ =	shalt  }
0x82: {  	_ =	shalt  }
0x83: {  	_ =	shalt  }
0x84: {  	_ =	shalt  }
0x85: {  	_ =	shalt  }
0x86: {  	_ =	shalt  }
0x87: {  	_ =	shalt  }
.Lfunc_end0:
.L_simem_size_0:
called_computation.1_lowered:
.L_overlay_start_0:
0x88: {  	s2 =	sld [smem:$0x3FD9]  }
0x89: {  	s3 =	sld [smem:$0x3FFE];
	_ =	sdelay $0x1  }
0x8a: {  	s1 =	srdreg.scid  }
0x8b: {  	s0 =	sand.u32 $0x1, s1  }
0x8c: {  	s16 =	sshll.u32 s0, $0xA;
	s2 =	sadd.s32 s3, s2  }
0x8d: {  	s2 =	sadd.s32 s2, s16  }
0x8e: {  	[smem:$0x3FBD] =	sst s2  }
0x8f: {  	_ = 	snop  }
0x90: {  	(tm) =	ssettm $0x1  }
0x91: {  	s17 =	sld [smem:$0x3FFB];
	_ =	sdelay $0x3  }
0x92: {  	_ =	strace s17  }
0x93: {  	s2 =	sld [smem:$0x3FFC];
	_ =	sdelay $0x3  }
0x94: {  	_ =	strace s2  }
0x95: {  	s2 =	sld [smem:$0x3FFD];
	_ =	sdelay $0x3  }
0x96: {  	_ =	strace s2  }
0x97: {  	_ =	strace $0x8FFFFFFF  }
0x98: {  	s18 =	sld [smem:$0x3FDB];
	_ =	sdelay $0x1  }
0x99: {  	s19 =	simm.s32 $_scs_section_size  }
0x9a: {  	s4 =	simm.s32 $_size__tile_overlayer_lowered;
	s5 =	simm.s32 $_tile_overlayer_lowered  }
0x9b: {  	s22 =	simm.s32 $0x1BFF;
	s21 =	sshll.u32 s5, $0x1;
	s2 =	sadd.s32 s19, s18  }
0x9c: {  	s6 =	simm.s32 $0x0;
	s20 =	sshll.u32 s4, $0x1;
	s4 =	sadd.s32 s21, s2  }
0x9d: {  	[timem:s6], [sflag:s22] =	dma.local [hbm:s4], s20  }
0x9e: {  	_ =	swait.ge [sflag:s22], s20  }
0x9f: {  	s3 =	ssub.s32 $0x0, s20;
	[sflag:s22] =	ssyncset.done $0x0  }
0xa0: {  	[sflag:s22] =	ssyncadd.s32 s3;
	_ =	sdelay $0x1  }
0xa1: {  	s23 =	simm.s32 $0x1B8B  }
0xa2: {  	_ =	swait.ge [sflag:s23], $0x1  }
0xa3: {  	[sflag:s23] =	ssyncset.done $0x0  }
0xa4: {  	s25 =	simm.s32 $0x1B8E;
	s24 =	sld [smem:$0x3FFE];
	[sflag:s23] =	ssyncadd.s32 $0xFFFFFFFF  }
0xa5: {  	s26 =	simm.s32 $execute0_lowered;
	[smem:$0x3FD2] =	sst s25  }
0xa6: {  	s4 =	sshll.u32 s26, $0x1;
	_ =	strace $0x80000049;
	[dreg:$0x1] =	wrdreg $0xFFFFFFFF  }
0xa7: {  	s28 =	simm.s32 $_size_execute0_lowered;
	s2 =	sadd.s32 s2, s4;
	[dreg:$0x0] =	wrdreg $0x0  }
0xa8: {  	s4 =	sshll.u32 s28, $0x1;
	[dreg:$0x2] =	wrdreg s2  }
0xa9: {  	[dreg:$0x3] =	wrdreg s4  }
0xaa: {  	[dreg:$0x4] =	wrdreg $0xC0  }
0xab: {  	_ =	task [dreg:s6], $0x5FFFF  }
0xac: {  	[dreg:$0x1] =	wrdreg $0xFFFFFFFF  }
0xad: {  	[dreg:$0x0] =	wrdreg $0x60  }
0xae: {  	[dreg:$0x2] =	wrdreg s24  }
0xaf: {  	[dreg:$0x3] =	wrdreg $0xB0000  }
0xb0: {  	[dreg:$0x4] =	wrdreg $0xA  }
0xb1: {  	_ =	task.clear_ibuf [dreg:s6], $0x5FFFF;
	_ =	strace $0x90000049  }
0xb2: {  	s29 =	simm.s32 $0xA;
	_ =	strace $0x8000004B  }
0xb3: {  	_ =	swait.ge [sflag:s29], $0x1  }
0xb4: {  	[sflag:s29] =	ssyncadd.s32 $0xFFFFFFFF  }
0xb5: {  	_ =	strace $0x9000004B  }
0xb6: {  	_ =	sfence  }
0xb7: {  	s30 =	sld [smem:$0x0];
	_ =	sdelay $0x2  }
0xb8: {  	s31 =	sshll.u32 s1, $0xD;
	s1 =	sshrl.u32 s1, $0x2  }
0xb9: {  	s3 =	sand.u32 $0x4000, s31;
	s1 =	sadd.s32 s1, s30  }
0xba: {  	s0 =	sor.u32 s3, s0;
	s1 =	sshll.u32 s1, $0x11  }
0xbb: {  	s0 =	sor.u32 s1, s0  }
0xbc: {  	s0 =	sadd.s32 $0x8F2B, s0  }
0xbd: {  	[sflag:s0] =	ssyncadd.remote.s32 $0x1  }
0xbe: {  	_ =	sfence.sel $0xFFFF  }
0xbf: {  	[dreg:$0x0] =	wrdreg $0xFFFFFFFF;
	(pc) =	sbr.abs _section_cstart, $3  }
0xc0: {  	[dreg:$0x1] =	wrdreg $0xFFFFFFFF  }
0xc1: {  	_ =	task.clear_ibuf [dreg:s6], $0x2FFFF;
	_ =	strace $0x9FFFFFFF  }
0xc2: {  	(tm) =	ssettm $0x7FFFFFFF  }
0xc3: {  	_ =	shalt  }
tec
execute0_lowered:
.L_overlay_start_1:
0x0: {  	(tag) =	ssettag $0x1  }
0x1: {  	s0 =	rddreg [dreg:$0x0]  }
0x2: {  	s15 =	stileid.u32;
	s2 =	rddreg [dreg:$0x1]  }
0x3: {  	s16 =	simm.s32 $0x0;
	s3 =	srdreg.scid;
	s1 =	smul.u32 $0x18, s15  }
0x4: {  	s28 =	simm.s32 $0xA800;
	s29 =	simm.s32 $0x9;
	s4 =	smul.u32 $0x88, s15  }
0x5: {  	s3 =	sand.u32 $0x1, s3;
	[smem:$0x7FF] =	sst s16;
	s6 =	smul.u32 $0xA000, s15  }
0x6: {  	p0 =	seq.s32 s3, $0x0;
	_ =	strace $0x8000004A;
	s21 =	ssub.s32 $0x2, s3  }
0x7: {  	s8 =	ssub.s32 $0x0, s3;
	s23 =	smul.u32 $0x28000, s3;
	p6 =	sne.s32 s3, $0x0  }
0x8: {  	s1 =	sadd.s32 $0x880, s1;
	s9 =	sshrl.u32 s21, $0x1;
	s6 =	sshrl.u32 s6, $0x2  }
0x9: {  	s3 =	simm.s32 @!p6 $0x0;
	s5 =	smin.u32 s1, $0x978;
	s9 =	ssub.s32 s21, s9  }
0xa: {  	s19 =	sadd.s32 s6, s2;
	s3 =	simm.s32 @p6 $0x1;
	s1 =	ssub.s32 s1, s5  }
0xb: {  	s5 =	smov.u32 @p0 s4;
	s4 =	sadd.s32 $0x15C00, s0;
	s24 =	smax.u32 s9, $0x1  }
0xc: {  	s25 =	sadd.s32 $0x800, s19;
	s26 =	sadd.s32 $0x1000, s19;
	[smem:$0x7FD] =	sst s3  }
0xd: {  	s5 =	sshll.u32 s5, $0x4;
	s6 =	sand.u32 s1, s8;
	s1 =	sshll.u32 s1, $0x9  }
0xe: {  	s8 =	smul.u32 $0x2800, s15;
	s7 =	sadd.s32 s5, s0;
	s0 =	sadd.s32 $0x1AC00, s0  }
0xf: {  	s22 =	sshra.s32 s1, $0x2;
	s6 =	sshll.u32 s6, $0x9;
	s17 =	sadd.s32 $0xBC00, s7  }
0x10: {  	s18 =	sadd.s32 $0x1200, s7;
	[dreg:$0x3] =	wrdreg s22;
	s7 =	sor.u32 $0x80, s22  }
0x11: {  	s13 =	sadd.s32 s23, s8;
	s14 =	sadd.s32 $0x1000, s8;
	s11 =	sadd.s32 $0x1800, s8  }
0x12: {  	s12 =	sadd.s32 $0x2000, s8;
	[dreg:$0x4] =	wrdreg s7;
	s7 =	sadd.s32 $0x800, s8  }
0x13: {  	s9 =	sshrl.u32 s13, $0x3;
	s22 =	sadd.s32 s23, s14;
	s13 =	sadd.s32 s23, s11  }
0x14: {  	s1 =	sadd.s32 s23, s12;
	s12 =	sadd.s32 s12, s2;
	s10 =	sadd.s32 s23, s7  }
0x15: {  	s5 =	sadd.s32 s0, s9;
	s23 =	sshrl.u32 s13, $0x3;
	s1 =	sshrl.u32 s1, $0x3  }
0x16: {  	s9 =	sadd.s32 s14, s2;
	s13 =	sshrl.u32 s12, $0x3;
	s14 =	sadd.s32 $0x2000, s19  }
0x17: {  	s10 =	sshrl.u32 s10, $0x3;
	s21 =	sadd.s32 s0, s23;
	[dreg:$0xb] =	wrdreg s13  }
0x18: {  	s23 =	sadd.s32 $0x1800, s19;
	[dreg:$0xc] =	wrdreg s14;
	s20 =	sadd.s32 s0, s10  }
0x19: {  	s10 =	sshrl.u32 s22, $0x3;
	s22 =	sadd.s32 s0, s1;
	s1 =	sadd.s32 s8, s2  }
0x1a: {  	s8 =	sadd.s32 s7, s2;
	[dreg:$0x6] =	wrdreg s23;
	s30 =	sadd.s32 s0, s10  }
.Ltmp0:
0x1b: {  	s0 =	sshrl.u32 s1, $0x3;
	[dreg:$0x5] =	wrdreg s22;
	(pc) =	sbr.rel .LBB2_1-.Ltmp0, $4  }
0x1c: {  	s6 =	sshra.s32 s6, $0x2;
	s1 =	sshrl.u32 s8, $0x3;
	[dreg:$0x7] =	wrdreg s0  }
0x1d: {  	s10 =	sadd.s32 s11, s2;
	s8 =	sshrl.u32 s9, $0x3;
	[dreg:$0x8] =	wrdreg s1  }
0x1e: {  	s7 =	sadd.s32 $0x100, s6;
	s31 =	sshrl.u32 s10, $0x3;
	[dreg:$0x9] =	wrdreg s8  }
0x1f: {  	v0 =	vimm.f32 $0.0e+00;
	s11 =	sadd.s32 $0x4400, s6;
	s9 =	simm.s32 $0x0;
	[dreg:$0xa] =	wrdreg s31  }
.LBB2_8:
0x20: {  	[sflag:s15] =	ssyncadd.s32 @!p2 $0xFFFFF800  }
0x21: {  	[spmem:s2] =	stream.indirect.scatter.add.f32 @!p2 [tilespmem:s16], [sflag:$0x5], $0x10, s20, s17, $0xb8;
	[tilespmem:$0xD800] =	vst v63  }
0x22: {  	_ =	swait.ge @!p5 [sflag:s18], $0x800  }
0x23: {  	s12 =	sld [smem:$0x7FB]  }
0x24: {  	s6 =	simm.s32 @!p3 $0x0  }
0x25: {  	p1 =	por @!p0 p4, p3;
	s6 =	simm.s32 @p3 $0x1;
	[sflag:s18] =	ssyncset.done @!p5 $0x0  }
0x26: {  	[smem:$0x7ED] =	sst s6;
	[sflag:s18] =	ssyncadd.s32 @!p5 $0xFFFFF800;
	p3 =	seq.s32 s12, $0x1  }
0x27: {  	[tilespmem:s14], [sflag:$0x3] =	stream.indirect.gather @!p3 [hbm4b:s4+s13], $0x10, s19, s13, $0xb8;
	[tilespmem:$0xD800] =	vst v63  }
0x28: {  	p1 =	por p1, p0;
	s13 =	sld [smem:$0x7ED]  }
0x29: {  	p3 =	slt.u32 @!p1 s3, $0x2;
	s3 =	simm.s32 @!p6 $0x2  }
0x2a: {  	p2 =	por p0, p0;
	s6 =	simm.s32 @!p6 $0x9000;
	_ =	swait.ge @!p6 [sflag:s3], $0x800  }
0x2b: {  	p0 =	por @!p6 p3, p4;
	[sflag:s3] =	ssyncset.done @!p6 $0x0;
	p3 =	seq.s32 s13, $0x1  }
0x2c: {  	[sflag:s3] =	ssyncadd.s32 @!p6 $0xFFFFF800;
	s3 =	simm.s32 @!p6 $0x80;
	p0 =	por @!p2 p0, p3  }
0x2d: {  	[spmem:s2] =	stream.indirect.scatter.add.f32 @!p6 [tilespmem:s6], [sflag:$0x6], $0x10, s20, s3, $0xb8;
	[tilespmem:$0xD800] =	vst v63  }
0x2e: {  	p0 =	por p0, p2  }
0x2f: {  	s3 =	simm.s32 @!p0 $0x8  }
0x30: {  	_ =	swait.ge @!p0 [sflag:s3], $0x800  }
0x31: {  	s22 =	rddreg [dreg:$0x5]  }
0x32: {  	s15 =	stileid.u32;
	s18 =	smov.u32 s23;
	s23 =	rddreg [dreg:$0x6]  }
0x33: {  	s21 =	smov.u32 s1;
	s16 =	simm.s32 $0x0;
	s14 =	sld [smem:$0x7FD]  }
0x34: {  	s17 =	smov.u32 s31;
	s6 =	simm.s32 @!p1 $0x80;
	s1 =	rddreg [dreg:$0x8]  }
0x35: {  	s20 =	smov.u32 s8;
	[sflag:s3] =	ssyncset.done @!p0 $0x0;
	s8 =	rddreg [dreg:$0x9]  }
0x36: {  	s31 =	rddreg [dreg:$0xa];
	[sflag:s3] =	ssyncadd.s32 @!p0 $0xFFFFF800;
	s3 =	simm.s32 @!p1 $0xA000  }
0x37: {  	[tilespmem:s3], [sflag:$0x4] =	stream.indirect.gather @!p1 [hbm4b:s4+s6], $0x10, s19, s6, $0xb8;
	[tilespmem:$0xD800] =	vst v63  }
0x38: {  	s19 =	smov.u32 s0;
	s0 =	rddreg [dreg:$0x7];
	p6 =	seq.s32 s14, $0x1  }
.LBB2_9:
0x39: {  	s3 =	simm.s32 $0x5  }
0x3a: {  	_ =	swait.ge [sflag:s3], $0x800  }
0x3b: {  	[sflag:s3] =	ssyncset.done $0x0  }
0x3c: {  	s10 =	simm.s32 $0x6;
	[sflag:s3] =	ssyncadd.s32 $0xFFFFF800  }
0x3d: {  	_ =	swait.ge [sflag:s10], $0x800  }
0x3e: {  	[sflag:s10] =	ssyncset.done $0x0  }
0x3f: {  	s12 =	simm.s32 $0x7;
	[sflag:s10] =	ssyncadd.s32 $0xFFFFF800  }
0x40: {  	_ =	swait.ge [sflag:s12], $0x800  }
0x41: {  	[sflag:s12] =	ssyncset.done $0x0  }
0x42: {  	s13 =	simm.s32 $0x8;
	[sflag:s12] =	ssyncadd.s32 $0xFFFFF800  }
0x43: {  	_ =	swait.ge [sflag:s13], $0x800  }
0x44: {  	[sflag:s13] =	ssyncset.done $0x0  }
0x45: {  	s14 =	sshll.u32 s15, $0x6;
	[sflag:s13] =	ssyncadd.s32 $0xFFFFF800  }
0x46: {  	s3 =	sor.u32 $0x1C09, s14;
	[bflag:$0x0] =	sbarrier.arrive $0xFFFF  }
0x47: {  	[hbm:s5], [sflag:s3] =	dma.local [spmem:s0], $0x100  }
0x48: {  	_ =	swait.ge [sflag:s29], $0x100  }
0x49: {  	[sflag:s29] =	ssyncset.done $0x0  }
0x4a: {  	[sflag:s29] =	ssyncadd.s32 $0xFFFFFF00  }
0x4b: {  	[hbm:s20], [sflag:s3] =	dma.local [spmem:s1], $0x100  }
0x4c: {  	_ =	swait.ge [sflag:s29], $0x100  }
0x4d: {  	[sflag:s29] =	ssyncset.done $0x0  }
0x4e: {  	[sflag:s29] =	ssyncadd.s32 $0xFFFFFF00  }
0x4f: {  	[hbm:s30], [sflag:s3] =	dma.local [spmem:s8], $0x100  }
0x50: {  	_ =	swait.ge [sflag:s29], $0x100  }
0x51: {  	[sflag:s29] =	ssyncset.done $0x0  }
0x52: {  	[sflag:s29] =	ssyncadd.s32 $0xFFFFFF00  }
0x53: {  	[hbm:s21], [sflag:s3] =	dma.local [spmem:s31], $0x100  }
0x54: {  	s9 =	sadd.s32 $0x1, s9;
	_ =	swait.ge [sflag:s29], $0x100  }
0x55: {  	p0 =	sne.s32 s9, s24;
	[sflag:s29] =	ssyncset.done $0x0  }
.Ltmp1:
0x56: {  	s6 =	rddreg [dreg:$0xb];
	[sflag:s29] =	ssyncadd.s32 $0xFFFFFF00;
	(pc) =	sbr.rel @!p0 .LBB2_10-.Ltmp1, $4  }
0x57: {  	[hbm:s22], [sflag:s3] =	dma.local [spmem:s6], $0x100  }
0x58: {  	_ =	swait.ge [sflag:s29], $0x100  }
0x59: {  	[sflag:s29] =	ssyncset.done $0x0  }
0x5a: {  	[sflag:s29] =	ssyncadd.s32 $0xFFFFFF00  }
.LBB2_1:
0x5b: {  	s3 =	simm.s32 $0x40;
	s6 =	simm.s32 $0x0  }
.LBB2_2:
0x5c: {  	p0 =	sne.s32 s3, $0x1FC0;
	[tilespmem:s6+$0xA800] =	vst v0;
	s6 =	smov.u32 s3;
	s3 =	sadd.s32 $0x40, s3  }
.Ltmp2:
0x5d: {  	(pc) =	sbr.rel @p0 .LBB2_2-.Ltmp2, $2  }
0x5e: {  	_ =	sdelay $0x2  }
0x5f: {  	s6 =	sshra.s32 s6, $0x2  }
0x60: {  	[tilespmem:s6+$0xA800] =	vst v0  }
0x61: {  	[spmem:s19] =	stream.linear.scatter [tilespmem:s28], [sflag:$0x9], $0x800, $0x38;
	[tilespmem:$0xD800] =	vst v63  }
0x62: {  	_ =	swait.ge [sflag:s29], $0x800  }
0x63: {  	[sflag:s29] =	ssyncset.done $0x0  }
0x64: {  	[sflag:s29] =	ssyncadd.s32 $0xFFFFF800  }
0x65: {  	[spmem:s25] =	stream.linear.scatter [tilespmem:s28], [sflag:$0x9], $0x800, $0x38;
	[tilespmem:$0xD800] =	vst v63  }
0x66: {  	_ =	swait.ge [sflag:s29], $0x800  }
0x67: {  	[sflag:s29] =	ssyncset.done $0x0  }
0x68: {  	[sflag:s29] =	ssyncadd.s32 $0xFFFFF800  }
0x69: {  	[spmem:s26] =	stream.linear.scatter [tilespmem:s28], [sflag:$0x9], $0x800, $0x38;
	[tilespmem:$0xD800] =	vst v63  }
0x6a: {  	_ =	swait.ge [sflag:s29], $0x800  }
0x6b: {  	[sflag:s29] =	ssyncset.done $0x0  }
0x6c: {  	[sflag:s29] =	ssyncadd.s32 $0xFFFFF800  }
0x6d: {  	[spmem:s23] =	stream.linear.scatter [tilespmem:s28], [sflag:$0x9], $0x800, $0x38;
	[tilespmem:$0xD800] =	vst v63  }
0x6e: {  	_ =	swait.ge [sflag:s29], $0x800  }
0x6f: {  	[sflag:s29] =	ssyncset.done $0x0  }
0x70: {  	s3 =	rddreg [dreg:$0xc];
	[sflag:s29] =	ssyncadd.s32 $0xFFFFF800  }
0x71: {  	[spmem:s3] =	stream.linear.scatter [tilespmem:s28], [sflag:$0x9], $0x800, $0x38;
	[tilespmem:$0xD800] =	vst v63  }
0x72: {  	_ =	swait.ge [sflag:s29], $0x800  }
0x73: {  	[sflag:s29] =	ssyncset.done $0x0  }
0x74: {  	[sflag:s29] =	ssyncadd.s32 $0xFFFFF800  }
0x75: {  	[tilespmem:s16], [sflag:$0x9] =	stream.linear.gather [hbm4b:s17+s16], $0x4400, $0x38;
	[tilespmem:$0xD800] =	vst v63  }
0x76: {  	_ =	swait.ge [sflag:s29], $0x4400  }
0x77: {  	[sflag:s29] =	ssyncset.done $0x0  }
0x78: {  	s14 =	simm.s32 $0x4400;
	[sflag:s29] =	ssyncadd.s32 $0xFFFFBC00  }
0x79: {  	[tilespmem:s14], [sflag:$0x9] =	stream.linear.gather [hbm4b:s18+s16], $0x4400, $0x38;
	[tilespmem:$0xD800] =	vst v63  }
.Ltmp3:
0x7a: {  	_ =	swait.ge [sflag:s29], $0x4400;
	(pc) =	sbr.rel @p6 .LBB2_6-.Ltmp3, $3  }
0x7b: {  	[sflag:s29] =	ssyncset.done $0x0  }
0x7c: {  	[sflag:s29] =	ssyncadd.s32 $0xFFFFBC00  }
0x7d: {  	[bflag:$0x0] =	sbarrier.arrive $0xFFFF;
	_ =	sdelay $0x1  }
0x7e: {  	s3 =	simm.s32 $0x0;
	s6 =	simm.s32 $0x80;
	s10 =	simm.s32 $0x8800  }
0x7f: {  	[tilespmem:s10], [sflag:$0x1] =	stream.indirect.gather [hbm4b:s4+s6], $0x10, s3, s6, $0xb8;
	[tilespmem:$0xD800] =	vst v63  }
0x80: {  	s14 =	simm.s32 $0x9000  }
0x81: {  	[tilespmem:s14], [sflag:$0x2] =	stream.indirect.gather [hbm4b:s4+s6], $0x10, s6, s6, $0xb8;
	[tilespmem:$0xD800] =	vst v63  }
0x82: {  	s10 =	smov.u32 s7;
	s6 =	smov.u32 s11  }
.LBB2_5:
0x83: {  	s12 =	sand.u32 $0x3, s3  }
0x84: {  	p1 =	sgt.s32 s12, $0x1  }
0x85: {  	p0 =	seq.s32 @p1 s12, $0x2  }
0x86: {  	p2 =	por !p0, !p1  }
0x87: {  	s13 =	simm.s32 @!p2 $0x3;
	p3 =	sgt.u32 @!p2 s3, $0x85  }
0x88: {  	_ =	swait.ge @!p2 [sflag:s13], $0x800;
	p4 =	por @p1 p3, !p0  }
0x89: {  	s14 =	simm.s32 @!p2 $0x9800;
	[sflag:s13] =	ssyncset.done @!p2 $0x0;
	p4 =	por p4, !p1  }
0x8a: {  	[sflag:s13] =	ssyncadd.s32 @!p2 $0xFFFFF800;
	s13 =	simm.s32 @!p2 $0x80;
	p5 =	slt.u32 @!p4 s3, $0x2  }
0x8b: {  	[spmem:s2] =	stream.indirect.scatter.add.f32 @!p2 [tilespmem:s14], [sflag:$0x7], $0x10, s6, s13, $0xb8;
	[tilespmem:$0xD800] =	vst v63  }
0x8c: {  	p2 =	por @!p2 p5, p3  }
0x8d: {  	p2 =	por @p1 p2, !p0  }
0x8e: {  	p2 =	por p2, !p1  }
0x8f: {  	s13 =	simm.s32 @!p2 $0x5  }
0x90: {  	_ =	swait.ge @!p2 [sflag:s13], $0x800  }
0x91: {  	s14 =	simm.s32 @!p4 $0x8800;
	[sflag:s13] =	ssyncset.done @!p2 $0x0  }
0x92: {  	[sflag:s13] =	ssyncadd.s32 @!p2 $0xFFFFF800;
	s13 =	simm.s32 @!p4 $0x80;
	p2 =	por p0, !p1  }
0x93: {  	[tilespmem:s14], [sflag:$0x1] =	stream.indirect.gather @!p4 [hbm4b:s4+s13], $0x10, s10, s13, $0xb8;
	[tilespmem:$0xD800] =	vst v63  }
0x94: {  	s13 =	simm.s32 @!p2 $0x4;
	p3 =	sgt.u32 @!p2 s3, $0x85  }
0x95: {  	_ =	swait.ge @!p2 [sflag:s13], $0x800;
	p4 =	por @p1 p3, p0  }
0x96: {  	s14 =	simm.s32 @!p2 $0xA000;
	[sflag:s13] =	ssyncset.done @!p2 $0x0;
	p4 =	por p4, !p1  }
0x97: {  	[sflag:s13] =	ssyncadd.s32 @!p2 $0xFFFFF800;
	s13 =	simm.s32 @!p2 $0x80;
	p5 =	slt.u32 @!p4 s3, $0x2  }
0x98: {  	[spmem:s2] =	stream.indirect.scatter.add.f32 @!p2 [tilespmem:s14], [sflag:$0x8], $0x10, s6, s13, $0xb8;
	[tilespmem:$0xD800] =	vst v63  }
0x99: {  	p2 =	por @!p2 p5, p3  }
0x9a: {  	p0 =	por @p1 p2, p0  }
0x9b: {  	p0 =	por p0, !p1  }
0x9c: {  	s13 =	simm.s32 @!p0 $0x6  }
0x9d: {  	_ =	swait.ge @!p0 [sflag:s13], $0x800  }
0x9e: {  	s14 =	simm.s32 @!p4 $0x9000;
	[sflag:s13] =	ssyncset.done @!p0 $0x0  }
0x9f: {  	[sflag:s13] =	ssyncadd.s32 @!p0 $0xFFFFF800;
	s13 =	simm.s32 @!p4 $0x80;
	p0 =	seq.s32 @!p1 s12, $0x0  }
0xa0: {  	[tilespmem:s14], [sflag:$0x2] =	stream.indirect.gather @!p4 [hbm4b:s4+s13], $0x10, s10, s13, $0xb8;
	[tilespmem:$0xD800] =	vst v63  }
0xa1: {  	p2 =	por !p0, p1  }
0xa2: {  	s12 =	simm.s32 @!p2 $0x1;
	p3 =	sgt.u32 @!p2 s3, $0x85  }
0xa3: {  	_ =	swait.ge @!p2 [sflag:s12], $0x800;
	p4 =	por @!p1 p3, !p0  }
0xa4: {  	s13 =	simm.s32 @!p2 $0x8800;
	[sflag:s12] =	ssyncset.done @!p2 $0x0;
	p4 =	por p4, p1  }
0xa5: {  	[sflag:s12] =	ssyncadd.s32 @!p2 $0xFFFFF800;
	s12 =	simm.s32 @!p2 $0x80;
	p5 =	slt.u32 @!p4 s3, $0x2  }
0xa6: {  	[spmem:s2] =	stream.indirect.scatter.add.f32 @!p2 [tilespmem:s13], [sflag:$0x5], $0x10, s6, s12, $0xb8;
	[tilespmem:$0xD800] =	vst v63  }
0xa7: {  	p2 =	por @!p2 p5, p3  }
0xa8: {  	p2 =	por @!p1 p2, !p0  }
0xa9: {  	p2 =	por p2, p1  }
0xaa: {  	s12 =	simm.s32 @!p2 $0x7  }
0xab: {  	_ =	swait.ge @!p2 [sflag:s12], $0x800  }
0xac: {  	s13 =	simm.s32 @!p4 $0x9800;
	[sflag:s12] =	ssyncset.done @!p2 $0x0  }
0xad: {  	[sflag:s12] =	ssyncadd.s32 @!p2 $0xFFFFF800;
	s12 =	simm.s32 @!p4 $0x80;
	p2 =	por p0, p1  }
0xae: {  	[tilespmem:s13], [sflag:$0x3] =	stream.indirect.gather @!p4 [hbm4b:s4+s12], $0x10, s10, s12, $0xb8;
	[tilespmem:$0xD800] =	vst v63  }
0xaf: {  	s12 =	simm.s32 @!p2 $0x2;
	p3 =	sgt.u32 @!p2 s3, $0x85  }
0xb0: {  	_ =	swait.ge @!p2 [sflag:s12], $0x800;
	p4 =	por @!p1 p3, p0  }
0xb1: {  	s13 =	simm.s32 @!p2 $0x9000;
	[sflag:s12] =	ssyncset.done @!p2 $0x0;
	p4 =	por p4, p1  }
0xb2: {  	[sflag:s12] =	ssyncadd.s32 @!p2 $0xFFFFF800;
	s12 =	simm.s32 @!p2 $0x80;
	p5 =	slt.u32 @!p4 s3, $0x2  }
0xb3: {  	[spmem:s2] =	stream.indirect.scatter.add.f32 @!p2 [tilespmem:s13], [sflag:$0x6], $0x10, s6, s12, $0xb8;
	[tilespmem:$0xD800] =	vst v63  }
0xb4: {  	p2 =	por @!p2 p5, p3  }
0xb5: {  	p0 =	por @!p1 p2, p0  }
0xb6: {  	p0 =	por p0, p1  }
0xb7: {  	s12 =	simm.s32 @!p0 $0x8  }
0xb8: {  	_ =	swait.ge @!p0 [sflag:s12], $0x800  }
0xb9: {  	s3 =	sadd.s32 $0x1, s3;
	[sflag:s12] =	ssyncset.done @!p0 $0x0  }
0xba: {  	[sflag:s12] =	ssyncadd.s32 @!p0 $0xFFFFF800;
	p0 =	seq.s32 s3, $0x88  }
.Ltmp4:
0xbb: {  	_ = 	snop;
	(pc) =	sbr.rel @!p0 .LBB2_5-.Ltmp4, $4  }
0xbc: {  	_ = 	snop  }
0xbd: {  	s13 =	simm.s32 @!p4 $0xA000;
	s12 =	simm.s32 @!p4 $0x80  }
0xbe: {  	[tilespmem:s13], [sflag:$0x4] =	stream.indirect.gather @!p4 [hbm4b:s4+s12], $0x10, s10, s12, $0xb8;
	[tilespmem:$0xD800] =	vst v63  }
0xbf: {  	s6 =	sadd.s32 $0x80, s6;
	s10 =	sadd.s32 $0x80, s10  }
.Ltmp5:
0xc0: {  	_ = 	snop;
	(pc) =	sbr.rel .LBB2_9-.Ltmp5, $1  }
0xc1: {  	_ =	sdelay $0x3  }
.LBB2_6:
0xc2: {  	s0 =	smov.u32 s19;
	s23 =	smov.u32 s18  }
0xc3: {  	s3 =	rddreg [dreg:$0x3];
	s6 =	simm.s32 $0x80;
	s10 =	simm.s32 $0x8800  }
0xc4: {  	[tilespmem:s10], [sflag:$0x1] =	stream.indirect.gather [hbm4b:s4+s6], $0x10, s3, s6, $0xb8;
	[tilespmem:$0xD800] =	vst v63  }
0xc5: {  	s18 =	rddreg [dreg:$0x4];
	s19 =	simm.s32 $0x9000;
	s3 =	simm.s32 $0x0  }
0xc6: {  	[tilespmem:s19], [sflag:$0x2] =	stream.indirect.gather [hbm4b:s4+s6], $0x10, s18, s6, $0xb8;
	[tilespmem:$0xD800] =	vst v63  }
0xc7: {  	s6 =	sand.u32 $0x3, s3  }
0xc8: {  	p1 =	sgt.s32 s6, $0x1  }
0xc9: {  	p0 =	seq.s32 @p1 s6, $0x2  }
0xca: {  	p3 =	por !p0, !p1  }
0xcb: {  	p5 =	por @!p3 $0x0, $0x0  }
0xcc: {  	s10 =	simm.s32 @!p3 $0x3;
	p2 =	por @p1 p5, !p0  }
0xcd: {  	p4 =	por p1, p1;
	_ =	swait.ge @!p3 [sflag:s10], $0x800;
	p2 =	por p2, !p1  }
0xce: {  	s12 =	simm.s32 @!p3 $0x9800;
	[sflag:s10] =	ssyncset.done @!p3 $0x0;
	p6 =	por @!p2 $0x1, $0x1  }
0xcf: {  	[sflag:s10] =	ssyncadd.s32 @!p3 $0xFFFFF800;
	s10 =	simm.s32 @!p3 $0x80;
	p5 =	por @!p3 p6, p5  }
0xd0: {  	[spmem:s2] =	stream.indirect.scatter.add.f32 @!p3 [tilespmem:s12], [sflag:$0x7], $0x10, s11, s10, $0xb8;
	[tilespmem:$0xD800] =	vst v63  }
0xd1: {  	p5 =	por @p4 p5, !p0  }
0xd2: {  	p5 =	por p5, !p4  }
0xd3: {  	s13 =	simm.s32 @!p5 $0x5  }
0xd4: {  	p1 =	seq.s32 @!p1 s6, $0x0;
	_ =	swait.ge @!p5 [sflag:s13], $0x800  }
0xd5: {  	p3 =	por p0, !p4;
	s10 =	simm.s32 @!p2 $0x8800;
	[sflag:s13] =	ssyncset.done @!p5 $0x0  }
0xd6: {  	s12 =	simm.s32 @!p2 $0x80;
	[sflag:s13] =	ssyncadd.s32 @!p5 $0xFFFFF800;
	s13 =	simm.s32 @!p3 $0x4  }
0xd7: {  	[tilespmem:s10], [sflag:$0x1] =	stream.indirect.gather @!p2 [hbm4b:s4+s12], $0x10, s7, s12, $0xb8;
	[tilespmem:$0xD800] =	vst v63  }
0xd8: {  	p6 =	por @!p3 $0x0, $0x0;
	s6 =	simm.s32 @!p3 $0xA000;
	_ =	swait.ge @!p3 [sflag:s13], $0x800  }
0xd9: {  	p5 =	por @p4 p6, p0;
	p6 =	por p1, p1;
	[sflag:s13] =	ssyncset.done @!p3 $0x0  }
0xda: {  	s10 =	simm.s32 @!p3 $0x80;
	p1 =	por p5, !p4;
	[sflag:s13] =	ssyncadd.s32 @!p3 $0xFFFFF800  }
0xdb: {  	[spmem:s2] =	stream.indirect.scatter.add.f32 @!p3 [tilespmem:s6], [sflag:$0x8], $0x10, s11, s10, $0xb8;
	[tilespmem:$0xD800] =	vst v63  }
0xdc: {  	s6 =	simm.s32 @!p1 $0x0  }
0xdd: {  	p2 =	por !p6, p4;
	s6 =	simm.s32 @p1 $0x1;
	p1 =	por @!p1 $0x1, $0x1  }
0xde: {  	p5 =	por @!p2 $0x0, $0x0;
	[smem:$0x7FC] =	sst s6;
	s6 =	simm.s32 @!p1 $0x0  }
0xdf: {  	s6 =	simm.s32 @p1 $0x1;
	p1 =	por @!p4 p5, !p6  }
0xe0: {  	[smem:$0x7F9] =	sst s6;
	s6 =	simm.s32 @!p1 $0x0  }
0xe1: {  	s8 =	smov.u32 s20;
	s6 =	simm.s32 @p1 $0x1;
	s20 =	sld [smem:$0x7F9]  }
0xe2: {  	s1 =	smov.u32 s21;
	[smem:$0x7FA] =	sst s6  }
0xe3: {  	s31 =	smov.u32 s17;
	s19 =	smov.u32 s7;
	s21 =	sld [smem:$0x7FA]  }
0xe4: {  	s15 =	simm.s32 @!p2 $0x1;
	p5 =	por @!p3 $0x0, $0x0;
	p1 =	seq.s32 s20, $0x1  }
0xe5: {  	s16 =	simm.s32 @!p2 $0x8800;
	s17 =	simm.s32 @!p2 $0x80;
	p3 =	por @!p3 p1, p5  }
0xe6: {  	s6 =	simm.s32 $0x1;
	p5 =	seq.s32 s21, $0x1;
	p0 =	por @p4 p3, p0  }
0xe7: {  	s20 =	smov.u32 s11;
	p1 =	por p5, p4;
	p0 =	por p0, !p4  }
0xe8: {  	p5 =	por @!p2 $0x0, $0x0;
	p3 =	por @!p1 $0x1, $0x1;
	s10 =	simm.s32 @!p0 $0x6  }
0xe9: {  	s13 =	simm.s32 @!p1 $0x80;
	p3 =	por @!p2 p3, p5;
	_ =	swait.ge @!p0 [sflag:s10], $0x800  }
0xea: {  	[sflag:s10] =	ssyncset.done @!p0 $0x0;
	p3 =	por @!p4 p3, !p6;
	s22 =	sld [smem:$0x7FC]  }
0xeb: {  	s14 =	simm.s32 @!p1 $0x9800;
	[sflag:s10] =	ssyncadd.s32 @!p0 $0xFFFFF800;
	p5 =	por p3, p4  }
0xec: {  	s10 =	simm.s32 @!p1 $0x0;
	p3 =	por p6, p6;
	p6 =	por p6, p4  }
0xed: {  	s10 =	simm.s32 @p1 $0x1;
	s18 =	simm.s32 @!p5 $0x7;
	p0 =	seq.s32 s22, $0x1  }
0xee: {  	[smem:$0x7FB] =	sst s10;
	s10 =	simm.s32 @!p0 $0x80;
	s12 =	simm.s32 @!p0 $0x9000  }
0xef: {  	[tilespmem:s12], [sflag:$0x2] =	stream.indirect.gather @!p0 [hbm4b:s4+s10], $0x10, s7, s10, $0xb8;
	[tilespmem:$0xD800] =	vst v63  }
0xf0: {  	p0 =	por p4, p4;
	s10 =	sadd.s32 $0x80, s11;
	_ =	swait.ge @!p2 [sflag:s15], $0x800  }
0xf1: {  	p4 =	por @!p6 $0x0, $0x0;
	s12 =	sadd.s32 $0x80, s7;
	[sflag:s15] =	ssyncset.done @!p2 $0x0  }
.LBB2_7:
0xf2: {  	[sflag:s15] =	ssyncadd.s32 @!p2 $0xFFFFF800;
	s15 =	simm.s32 @!p3 $0x0  }
0xf3: {  	s15 =	simm.s32 @p3 $0x1  }
0xf4: {  	[spmem:s2] =	stream.indirect.scatter.add.f32 @!p2 [tilespmem:s16], [sflag:$0x5], $0x10, s20, s17, $0xb8;
	[tilespmem:$0xD800] =	vst v63  }
0xf5: {  	[smem:$0x7ED] =	sst s15;
	s15 =	simm.s32 @!p4 $0x0  }
0xf6: {  	s15 =	simm.s32 @p4 $0x1  }
0xf7: {  	p3 =	por @!p0 p4, p3;
	[smem:$0x7EB] =	sst s15;
	s15 =	simm.s32 @!p0 $0x0  }
0xf8: {  	s15 =	simm.s32 @p0 $0x1;
	p0 =	por p3, p0  }
0xf9: {  	s21 =	sand.u32 $0x3, s6;
	[smem:$0x7EE] =	sst s15;
	s16 =	simm.s32 @!p0 $0x0  }
0xfa: {  	p1 =	sgt.s32 s21, $0x1;
	_ =	swait.ge @!p5 [sflag:s18], $0x800;
	s16 =	simm.s32 @p0 $0x1  }
0xfb: {  	p2 =	seq.s32 @p1 s21, $0x2;
	[smem:$0x7F1] =	sst s16  }
0xfc: {  	p3 =	seq.s32 @!p1 s21, $0x0;
	s15 =	smov.u32 s6;
	s17 =	sld [smem:$0x7EB]  }
0xfd: {  	p0 =	slt.u32 @!p0 s3, $0x2;
	s16 =	simm.s32 @!p2 $0x0;
	s21 =	sld [smem:$0x7ED]  }
0xfe: {  	[sflag:s18] =	ssyncset.done @!p5 $0x0;
	s22 =	sld [smem:$0x7EE];
	s16 =	simm.s32 @p2 $0x1  }
0xff: {  	s3 =	simm.s32 @!p0 $0x0;
	[smem:$0x7F4] =	sst s16;
	s16 =	simm.s32 @!p3 $0x0  }
0x100: {  	s3 =	simm.s32 @p0 $0x1;
	s16 =	simm.s32 @p3 $0x1;
	p3 =	por !p2, !p1  }
0x101: {  	[sflag:s18] =	ssyncadd.s32 @!p5 $0xFFFFF800;
	[smem:$0x7EC] =	sst s3;
	p0 =	sgt.u32 @!p3 s15, $0x15  }
0x102: {  	p5 =	seq.s32 s17, $0x1;
	s18 =	sld [smem:$0x7EC];
	s3 =	simm.s32 @!p0 $0x0  }
0x103: {  	s17 =	sld [smem:$0x7FB];
	s3 =	simm.s32 @p0 $0x1;
	p0 =	por @p1 p0, !p2  }
0x104: {  	[smem:$0x7F0] =	sst s3;
	s3 =	simm.s32 @!p0 $0x0  }
0x105: {  	[smem:$0x7F5] =	sst s16;
	s3 =	simm.s32 @p0 $0x1  }
0x106: {  	s6 =	sadd.s32 $0x1, s6;
	[smem:$0x7EF] =	sst s3  }
0x107: {  	p0 =	sne.s32 s6, $0x18;
	s16 =	sld [smem:$0x7EF]  }
0x108: {  	p4 =	seq.s32 s18, $0x1;
	p2 =	seq.s32 s22, $0x1;
	s3 =	simm.s32 @!p0 $0x0  }
0x109: {  	p4 =	por @!p6 p4, p5;
	s3 =	simm.s32 @p0 $0x1;
	p0 =	seq.s32 s21, $0x1  }
0x10a: {  	p5 =	por @!p2 p4, p0;
	p4 =	seq.s32 s16, $0x1  }
0x10b: {  	[smem:$0x7F8] =	sst s3;
	p0 =	por p2, p2;
	p2 =	por p4, !p1  }
0x10c: {  	p4 =	por p1, p1;
	p1 =	seq.s32 s17, $0x1;
	s3 =	simm.s32 @!p2 $0x0  }
0x10d: {  	[tilespmem:s14], [sflag:$0x3] =	stream.indirect.gather @!p1 [hbm4b:s4+s13], $0x10, s19, s13, $0xb8;
	[tilespmem:$0xD800] =	vst v63  }
0x10e: {  	s3 =	simm.s32 @p2 $0x1  }
0x10f: {  	[smem:$0x7F6] =	sst s3;
	s3 =	smov.u32 s15;
	s15 =	simm.s32 @!p6 $0x2  }
0x110: {  	s18 =	sld [smem:$0x7F0];
	_ =	swait.ge @!p6 [sflag:s15], $0x800  }
0x111: {  	s21 =	sld [smem:$0x7F4];
	_ =	sdelay $0x1  }
0x112: {  	p1 =	seq.s32 s18, $0x1;
	p2 =	slt.u32 @!p2 s3, $0x2  }
0x113: {  	p1 =	por @!p3 p2, p1;
	p2 =	seq.s32 s21, $0x1  }
0x114: {  	p1 =	por @p4 p1, !p2  }
0x115: {  	p0 =	por p5, p0;
	[sflag:s15] =	ssyncset.done @!p6 $0x0;
	s14 =	simm.s32 @!p1 $0x0  }
0x116: {  	s13 =	simm.s32 @!p6 $0x9000;
	[sflag:s15] =	ssyncadd.s32 @!p6 $0xFFFFF800;
	s14 =	simm.s32 @p1 $0x1  }
0x117: {  	p5 =	por p2, !p4;
	[smem:$0x7F3] =	sst s14;
	s14 =	simm.s32 @!p6 $0x80  }
0x118: {  	[spmem:s2] =	stream.indirect.scatter.add.f32 @!p6 [tilespmem:s13], [sflag:$0x6], $0x10, s20, s14, $0xb8;
	[tilespmem:$0xD800] =	vst v63  }
0x119: {  	p6 =	sgt.u32 @!p5 s3, $0x15  }
0x11a: {  	s13 =	simm.s32 @!p6 $0x0  }
0x11b: {  	s13 =	simm.s32 @p6 $0x1  }
0x11c: {  	s15 =	simm.s32 @!p0 $0x8;
	p1 =	por p2, p2;
	[smem:$0x7F2] =	sst s13  }
0x11d: {  	p1 =	por @p4 p6, p1;
	_ =	swait.ge @!p0 [sflag:s15], $0x800  }
0x11e: {  	p6 =	por p1, !p4;
	s22 =	sld [smem:$0x7F1]  }
0x11f: {  	s17 =	simm.s32 @!p6 $0x0  }
0x120: {  	s16 =	simm.s32 @!p3 $0x3;
	s17 =	simm.s32 @p6 $0x1  }
0x121: {  	[sflag:s15] =	ssyncset.done @!p0 $0x0;
	[smem:$0x7F7] =	sst s17;
	p2 =	seq.s32 s22, $0x1  }
0x122: {  	[sflag:s15] =	ssyncadd.s32 @!p0 $0xFFFFF800;
	s13 =	simm.s32 @!p2 $0xA000;
	s14 =	simm.s32 @!p2 $0x80  }
0x123: {  	[tilespmem:s13], [sflag:$0x4] =	stream.indirect.gather @!p2 [hbm4b:s4+s14], $0x10, s19, s14, $0xb8;
	[tilespmem:$0xD800] =	vst v63  }
0x124: {  	_ =	swait.ge @!p3 [sflag:s16], $0x800  }
0x125: {  	s14 =	sld [smem:$0x7F2]  }
0x126: {  	s15 =	sld [smem:$0x7F3];
	_ =	sdelay $0x1  }
0x127: {  	p0 =	slt.u32 @!p6 s3, $0x2;
	s13 =	simm.s32 @!p3 $0x80;
	[sflag:s16] =	ssyncset.done @!p3 $0x0  }
0x128: {  	[sflag:s16] =	ssyncadd.s32 @!p3 $0xFFFFF800;
	p1 =	seq.s32 s14, $0x1;
	p6 =	seq.s32 s15, $0x1  }
0x129: {  	s14 =	simm.s32 @!p3 $0x9800;
	p0 =	por @!p5 p0, p1;
	p1 =	por p6, !p4  }
0x12a: {  	[spmem:s2] =	stream.indirect.scatter.add.f32 @!p3 [tilespmem:s14], [sflag:$0x7], $0x10, s10, s13, $0xb8;
	[tilespmem:$0xD800] =	vst v63  }
0x12b: {  	s15 =	simm.s32 @!p1 $0x5  }
0x12c: {  	s16 =	sld [smem:$0x7F4];
	_ =	swait.ge @!p1 [sflag:s15], $0x800  }
0x12d: {  	s18 =	sld [smem:$0x7F6];
	_ =	sdelay $0x1  }
0x12e: {  	p2 =	seq.s32 s16, $0x1;
	s16 =	simm.s32 @!p5 $0x4  }
0x12f: {  	s17 =	sld [smem:$0x7F5];
	[sflag:s15] =	ssyncset.done @!p1 $0x0;
	p3 =	seq.s32 s18, $0x1  }
0x130: {  	[sflag:s15] =	ssyncadd.s32 @!p1 $0xFFFFF800;
	s14 =	simm.s32 @!p3 $0x8800;
	s15 =	simm.s32 @!p3 $0x80  }
0x131: {  	[tilespmem:s14], [sflag:$0x1] =	stream.indirect.gather @!p3 [hbm4b:s4+s15], $0x10, s12, s15, $0xb8;
	[tilespmem:$0xD800] =	vst v63  }
0x132: {  	s13 =	simm.s32 @!p5 $0xA000;
	p0 =	por @p4 p0, p2;
	_ =	swait.ge @!p5 [sflag:s16], $0x800  }
0x133: {  	p0 =	por p0, !p4;
	p2 =	seq.s32 s17, $0x1;
	[sflag:s16] =	ssyncset.done @!p5 $0x0  }
0x134: {  	p6 =	por p2, p2;
	s14 =	simm.s32 @!p5 $0x80;
	[sflag:s16] =	ssyncadd.s32 @!p5 $0xFFFFF800  }
0x135: {  	[spmem:s2] =	stream.indirect.scatter.add.f32 @!p5 [tilespmem:s13], [sflag:$0x8], $0x10, s10, s14, $0xb8;
	[tilespmem:$0xD800] =	vst v63  }
0x136: {  	p2 =	por !p6, p4;
	s14 =	simm.s32 @!p0 $0x6  }
0x137: {  	p1 =	sgt.u32 @!p2 s3, $0x15;
	_ =	swait.ge @!p0 [sflag:s14], $0x800  }
0x138: {  	p3 =	por @!p4 p1, !p6;
	s21 =	sld [smem:$0x7F7]  }
0x139: {  	p3 =	por p3, p4;
	[sflag:s14] =	ssyncset.done @!p0 $0x0  }
0x13a: {  	[sflag:s14] =	ssyncadd.s32 @!p0 $0xFFFFF800;
	s14 =	simm.s32 @!p3 $0x0  }
0x13b: {  	s15 =	simm.s32 @!p2 $0x1;
	s14 =	simm.s32 @p3 $0x1;
	p0 =	seq.s32 s21, $0x1  }
0x13c: {  	[smem:$0x7FB] =	sst s14;
	s21 =	simm.s32 @!p0 $0x80;
	s22 =	simm.s32 @!p0 $0x9000  }
0x13d: {  	[tilespmem:s22], [sflag:$0x2] =	stream.indirect.gather @!p0 [hbm4b:s4+s21], $0x10, s12, s21, $0xb8;
	[tilespmem:$0xD800] =	vst v63  }
0x13e: {  	_ =	swait.ge @!p2 [sflag:s15], $0x800  }
0x13f: {  	p5 =	slt.u32 @!p3 s3, $0x2;
	s22 =	sld [smem:$0x7F8]  }
0x140: {  	p1 =	por @!p2 p5, p1  }
0x141: {  	p1 =	por @!p4 p1, !p6  }
0x142: {  	p5 =	por p1, p4;
	p1 =	seq.s32 s22, $0x1  }
.Ltmp6:
0x143: {  	s20 =	smov.u32 s10;
	s19 =	smov.u32 s12;
	(pc) =	sbr.rel @p1 .LBB2_7-.Ltmp6, $4  }
0x144: {  	s17 =	simm.s32 @!p2 $0x80;
	s16 =	simm.s32 @!p2 $0x8800;
	s13 =	simm.s32 @!p3 $0x80  }
0x145: {  	s10 =	sadd.s32 $0x80, s10;
	s18 =	simm.s32 @!p5 $0x7;
	s14 =	simm.s32 @!p3 $0x9800  }
0x146: {  	p3 =	por p6, p6;
	p6 =	por p6, p4;
	p0 =	por p4, p4  }
0x147: {  	p4 =	sgt.u32 @!p6 s3, $0x15;
	s12 =	sadd.s32 $0x80, s12;
	[sflag:s15] =	ssyncset.done @!p2 $0x0  }
.Ltmp7:
0x148: {  	_ = 	snop;
	(pc) =	sbr.rel .LBB2_8-.Ltmp7, $1  }
0x149: {  	_ =	sdelay $0x3  }
.LBB2_10:
0x14a: {  	_ =	sfence.sel $0x180000  }
0x14b: {  	[bflag:$0x0] =	sbarrier.arrive $0xFFFF  }
0x14c: {  	_ =	strace $0x9000004A  }
0x14d: {  	[bflag:$0x2] =	sbarrier.arrive $0xFFFF  }
0x14e: {  	p0 =	sne.s32 s15, $0x0;
	s0 =	rddreg [dreg:$0x2]  }
0x14f: {  	s0 =	sadd.s32 @!p0 $0x100000, s0  }
0x150: {  	[sflag:s0] =	ssyncadd.tile.s32 @!p0 $0x1;
	_ =	shalt  }
.Lfunc_end2:
_tile_overlayer_lowered:
.L_overlay_start_2:
0x151: {  	(tag) =	ssettag $0x2  }
0x152: {  	s0 =	rddreg [dreg:$0x0];
	s2 =	stileid.u32  }
0x153: {  	s1 =	rddreg [dreg:$0x1];
	p0 =	sne.s32 s2, $0x0  }
0x154: {  	s3 =	rddreg [dreg:$0x2];
	[bflag:$0x3] =	sbarrier.arrive $0xFFFF;
	s2 =	simm.s32 @!p0 $0x1C09  }
0x155: {  	[timem:s3], [sflag:s2] =	dma.local @!p0 [hbm:s0], s1  }
0x156: {  	s0 =	simm.s32 @!p0 $0x9  }
0x157: {  	_ =	swait.ge @!p0 [sflag:s0], s1  }
0x158: {  	s1 =	ssub.s32 @!p0 $0x0, s1;
	[sflag:s0] =	ssyncset.done @!p0 $0x0  }
0x159: {  	[sflag:s0] =	ssyncadd.s32 @!p0 s1  }
0x15a: {  	[bflag:$0x3] =	sbarrier.arrive $0xFFFF  }
0x15b: {  	_ =	shalt  }

// kernel: kernel.17.cloned.1.call-start
scs
__scs_entry_jumppad:
0x0: {  	(pc) =	sbr.rel $0x88, $3  }
0x1: {  	(tag) =	ssettag $0x0;
	lr =	simm.s32 $0x1  }
0x2: {  	[smem:$0x3F96] =	sst lr;
	_ =	strace $0xD0000000  }
0x3: {  	_ = 	snop  }
0x4: {  	_ = 	snop  }
0x5: {  	_ = 	snop  }
0x6: {  	_ = 	snop  }
0x7: {  	_ = 	snop  }
__scs_overlays_trampoline_lowered:
0x8: {  	[smem:$0x3FA5] =	sst s0  }
0x9: {  	[smem:$0x3FA6] =	sst s1  }
0xa: {  	[smem:$0x3FA7] =	sst s2  }
0xb: {  	[smem:$0x3FA8] =	sst s3  }
0xc: {  	[smem:$0x3FA9] =	sst s4  }
0xd: {  	[smem:$0x3FAA] =	sst s5  }
0xe: {  	[smem:$0x3FAB] =	sst s6  }
0xf: {  	[smem:$0x3FAC] =	sst s7  }
0x10: {  	[smem:$0x3FAD] =	sst s8  }
0x11: {  	[smem:$0x3FAE] =	sst s9;
	s0 =	simm.s32 @!p0 $0x0  }
0x12: {  	s1 =	sld [smem:$0x3F94];
	s0 =	simm.s32 @p0 $0x1  }
0x13: {  	[smem:$0x3FAF] =	sst s0;
	s0 =	simm.s32 @!p1 $0x0  }
0x14: {  	s2 =	sld [smem:$0x3F93];
	s0 =	simm.s32 @p1 $0x1  }
0x15: {  	[smem:$0x3FB0] =	sst s0;
	s0 =	simm.s32 @!p2 $0x0  }
0x16: {  	s3 =	sld [smem:$0x3FDB];
	s0 =	simm.s32 @p2 $0x1  }
0x17: {  	s4 =	simm.s32 $0x1BF5;
	[smem:$0x3FB2] =	sst s0  }
0x18: {  	s0 =	sld [smem:$0x3F95];
	_ =	swait.ge [sflag:s4], $0x0  }
0x19: {  	s7 =	sld [smem:$0x3F96]  }
0x1a: {  	s8 =	sadd.s32 $0xFFFFE003, lr  }
0x1b: {  	s9 =	sadd.s32 $0xFFFFFEF7, lr;
	s5 =	simm.s32 $0xFFFFFFFF;
	p2 =	slt.u32 s8, $0xFFFFF086  }
0x1c: {  	p1 =	slt.u32 s9, $0xF7A;
	s5 =	simm.s32 @!p2 $0x0  }
0x1d: {  	s5 =	simm.s32 @p1 $0x1;
	p0 =	seq.s32 s7, s2  }
0x1e: {  	s7 =	smul.u32 @!p0 $0xF7A, s2;
	p2 =	seq.s32 @!p0 s5, $0x0  }
0x1f: {  	s9 =	smul.u32 $0xF7A, s1;
	s8 =	simm.s32 @!p0 $0x1BF5;
	p2 =	por !p2, p0  }
0x20: {  	[sflag:s8] =	ssyncset.s32 @!p0 $0xFFFFF086;
	s6 =	sadd.s32 @!p0 s3, s7;
	s7 =	simm.s32 @!p0 $0x108  }
0x21: {  	s3 =	sadd.s32 s3, s9;
	s6 =	sadd.s32 @!p0 $0x88, s6;
	s7 =	simm.s32 @p2 $0x1082  }
0x22: {  	[simem:s7], [sflag:s8] =	dma.local @!p0 [hbm:s6], $0xF7A  }
0x23: {  	s9 =	sor.u32 $0xD0000000, s2;
	s6 =	simm.s32 $0x108;
	_ =	swait.ge @!p0 [sflag:s8], $0x0  }
0x24: {  	s3 =	sadd.s32 $0x88, s3;
	s6 =	simm.s32 @!p1 $0x1082;
	[sflag:s4] =	ssyncset.s32 $0xFFFFF086  }
0x25: {  	[simem:s6], [sflag:s4] =	dma.local [hbm:s3], $0xF7A  }
0x26: {  	[smem:$0x3F96] =	sst s1;
	(tag) =	ssettag s2;
	_ =	strace s9  }
0x27: {  	s1 =	sld [smem:$0x3FA6]  }
0x28: {  	s2 =	sld [smem:$0x3FA7]  }
0x29: {  	s4 =	sld [smem:$0x3FA9]  }
0x2a: {  	p0 =	seq.s32 s5, $0x0;
	s5 =	sld [smem:$0x3FAA]  }
0x2b: {  	s6 =	sld [smem:$0x3FAB]  }
0x2c: {  	s7 =	sld [smem:$0x3FAC]  }
0x2d: {  	s3 =	simm.s32 $0x108;
	s8 =	sld [smem:$0x3FAD]  }
0x2e: {  	s3 =	simm.s32 @!p0 $0x1082;
	s9 =	sld [smem:$0x3FAE]  }
0x2f: {  	lr =	sadd.s32 s0, s3;
	s0 =	sld [smem:$0x3FA5]  }
0x30: {  	s3 =	sld [smem:$0x3FA8]  }
0x31: {  	[smem:$0x3FB1] =	sst s10  }
0x32: {  	s10 =	sld [smem:$0x3FAF];
	_ =	sdelay $0x3  }
0x33: {  	p0 =	seq.s32 s10, $0x1;
	s10 =	sld [smem:$0x3FB1];
	_ =	sdelay $0x3  }
0x34: {  	[smem:$0x3FB1] =	sst s10  }
0x35: {  	s10 =	sld [smem:$0x3FB0];
	_ =	sdelay $0x3  }
0x36: {  	p1 =	seq.s32 s10, $0x1;
	s10 =	sld [smem:$0x3FB1];
	_ =	sdelay $0x3  }
0x37: {  	[smem:$0x3FB1] =	sst s10  }
0x38: {  	s10 =	sld [smem:$0x3FB2]  }
0x39: {  	_ = 	snop;
	(pc) =	sbr.ind lr, $3  }
0x3a: {  	_ = 	snop  }
0x3b: {  	_ = 	snop  }
0x3c: {  	p2 =	seq.s32 s10, $0x1;
	s10 =	sld [smem:$0x3FB1]  }
0x3d: {  	_ =	shalt  }
0x3e: {  	_ =	shalt  }
0x3f: {  	_ =	shalt  }
0x40: {  	_ =	shalt  }
0x41: {  	_ =	shalt  }
0x42: {  	_ =	shalt  }
0x43: {  	_ =	shalt  }
0x44: {  	_ =	shalt  }
0x45: {  	_ =	shalt  }
0x46: {  	_ =	shalt  }
0x47: {  	_ =	shalt  }
0x48: {  	_ =	shalt  }
0x49: {  	_ =	shalt  }
0x4a: {  	_ =	shalt  }
0x4b: {  	_ =	shalt  }
0x4c: {  	_ =	shalt  }
0x4d: {  	_ =	shalt  }
0x4e: {  	_ =	shalt  }
0x4f: {  	_ =	shalt  }
0x50: {  	_ =	shalt  }
0x51: {  	_ =	shalt  }
0x52: {  	_ =	shalt  }
0x53: {  	_ =	shalt  }
0x54: {  	_ =	shalt  }
0x55: {  	_ =	shalt  }
0x56: {  	_ =	shalt  }
0x57: {  	_ =	shalt  }
0x58: {  	_ =	shalt  }
0x59: {  	_ =	shalt  }
0x5a: {  	_ =	shalt  }
0x5b: {  	_ =	shalt  }
0x5c: {  	_ =	shalt  }
0x5d: {  	_ =	shalt  }
0x5e: {  	_ =	shalt  }
0x5f: {  	_ =	shalt  }
0x60: {  	_ =	shalt  }
0x61: {  	_ =	shalt  }
0x62: {  	_ =	shalt  }
0x63: {  	_ =	shalt  }
0x64: {  	_ =	shalt  }
0x65: {  	_ =	shalt  }
0x66: {  	_ =	shalt  }
0x67: {  	_ =	shalt  }
0x68: {  	_ =	shalt  }
0x69: {  	_ =	shalt  }
0x6a: {  	_ =	shalt  }
0x6b: {  	_ =	shalt  }
0x6c: {  	_ =	shalt  }
0x6d: {  	_ =	shalt  }
0x6e: {  	_ =	shalt  }
0x6f: {  	_ =	shalt  }
0x70: {  	_ =	shalt  }
0x71: {  	_ =	shalt  }
0x72: {  	_ =	shalt  }
0x73: {  	_ =	shalt  }
0x74: {  	_ =	shalt  }
0x75: {  	_ =	shalt  }
0x76: {  	_ =	shalt  }
0x77: {  	_ =	shalt  }
0x78: {  	_ =	shalt  }
0x79: {  	_ =	shalt  }
0x7a: {  	_ =	shalt  }
0x7b: {  	_ =	shalt  }
0x7c: {  	_ =	shalt  }
0x7d: {  	_ =	shalt  }
0x7e: {  	_ =	shalt  }
0x7f: {  	_ =	shalt  }
0x80: {  	_ =	shalt  }
0x81: {  	_ =	shalt  }
0x82: {  	_ =	shalt  }
0x83: {  	_ =	shalt  }
0x84: {  	_ =	shalt  }
0x85: {  	_ =	shalt  }
0x86: {  	_ =	shalt  }
0x87: {  	_ =	shalt  }
.Lfunc_end0:
.L_simem_size_0:
called_computation.2_lowered:
.L_overlay_start_0:
0x88: {  	s2 =	sld [smem:$0x3FD9]  }
0x89: {  	s3 =	sld [smem:$0x3FFE];
	_ =	sdelay $0x1  }
0x8a: {  	s1 =	srdreg.scid  }
0x8b: {  	s0 =	sand.u32 $0x1, s1  }
0x8c: {  	s17 =	sshll.u32 s0, $0xA;
	s2 =	sadd.s32 s3, s2  }
0x8d: {  	s2 =	sadd.s32 s2, s17  }
0x8e: {  	[smem:$0x3FBD] =	sst s2  }
0x8f: {  	_ = 	snop  }
0x90: {  	(tm) =	ssettm $0x1  }
0x91: {  	s18 =	sld [smem:$0x3FFB];
	_ =	sdelay $0x3  }
0x92: {  	_ =	strace s18  }
0x93: {  	s2 =	sld [smem:$0x3FFC];
	_ =	sdelay $0x3  }
0x94: {  	_ =	strace s2  }
0x95: {  	s2 =	sld [smem:$0x3FFD];
	_ =	sdelay $0x3  }
0x96: {  	_ =	strace s2  }
0x97: {  	_ =	strace $0x8FFFFFFF  }
0x98: {  	s19 =	sld [smem:$0x3FDB];
	_ =	sdelay $0x1  }
0x99: {  	s20 =	simm.s32 $_scs_section_size  }
0x9a: {  	s4 =	simm.s32 $_size__tile_overlayer_lowered;
	s5 =	simm.s32 $_tile_overlayer_lowered  }
0x9b: {  	s6 =	simm.s32 $0x1BFF;
	s21 =	sshll.u32 s5, $0x1;
	s3 =	sadd.s32 s20, s19  }
0x9c: {  	s22 =	simm.s32 $0x0;
	s4 =	sshll.u32 s4, $0x1;
	s5 =	sadd.s32 s21, s3  }
0x9d: {  	[timem:s22], [sflag:s6] =	dma.local [hbm:s5], s4  }
0x9e: {  	_ =	swait.ge [sflag:s6], s4  }
0x9f: {  	s4 =	ssub.s32 $0x0, s4;
	[sflag:s6] =	ssyncset.done $0x0  }
0xa0: {  	[sflag:s6] =	ssyncadd.s32 s4;
	_ =	sdelay $0x1  }
0xa1: {  	s23 =	simm.s32 $0x1B8B  }
0xa2: {  	_ =	swait.ge [sflag:s23], $0x1  }
0xa3: {  	[sflag:s23] =	ssyncset.done $0x0  }
0xa4: {  	[sflag:s23] =	ssyncadd.s32 $0xFFFFFFFF  }
0xa5: {  	s4 =	sld [smem:$0x0]  }
0xa6: {  	s5 =	sand.u32 $0xFFFFFFFE, s1  }
0xa7: {  	p0 =	sne.s32 s1, s5  }
0xa8: {  	s5 =	sshll.u32 @p0 s5, $0xE  }
0xa9: {  	s5 =	sadd.s32 @p0 $0x11B8D, s5;
	s6 =	sshll.u32 @p0 s4, $0x11  }
0xaa: {  	s5 =	sor.u32 @p0 s6, s5  }
0xab: {  	[sflag:s5] =	ssyncadd.remote.s32 @p0 $0x1;
	_ =	sdelay $0x1  }
0xac: {  	s5 =	simm.s32 @p0 $0x1B8D  }
0xad: {  	_ =	swait.eq @p0 [sflag:s5], $0x1  }
0xae: {  	[sflag:s5] =	ssyncadd.s32 @p0 $0xFFFFFFFF  }
0xaf: {  	s6 =	sshll.u32 @!p0 s1, $0xE  }
0xb0: {  	s6 =	sor.u32 @!p0 $0x4000, s6;
	s5 =	simm.s32 @!p0 $0x1B8D  }
0xb1: {  	s4 =	sshll.u32 @!p0 s4, $0x11;
	s6 =	sadd.s32 @!p0 $0x11B8D, s6;
	_ =	swait.eq @!p0 [sflag:s5], $0x1  }
0xb2: {  	s4 =	sor.u32 @!p0 s4, s6;
	[sflag:s5] =	ssyncadd.s32 @!p0 $0xFFFFFFFF  }
0xb3: {  	s25 =	simm.s32 $0x1B8E;
	s24 =	sld [smem:$0x3FFE];
	[sflag:s4] =	ssyncadd.remote.s32 @!p0 $0x1  }
0xb4: {  	s26 =	simm.s32 $execute0_lowered;
	[smem:$0x3FD2] =	sst s25  }
0xb5: {  	s5 =	sshll.u32 s26, $0x1;
	_ =	strace $0x8000004F;
	[dreg:$0x1] =	wrdreg $0xFFFFFFFF  }
0xb6: {  	s28 =	simm.s32 $_size_execute0_lowered;
	s3 =	sadd.s32 s3, s5;
	[dreg:$0x0] =	wrdreg $0x0  }
0xb7: {  	s5 =	sshll.u32 s28, $0x1;
	[dreg:$0x2] =	wrdreg s3  }
0xb8: {  	[dreg:$0x3] =	wrdreg s5  }
0xb9: {  	[dreg:$0x4] =	wrdreg $0xC0  }
0xba: {  	_ =	task [dreg:s22], $0x5FFFF  }
0xbb: {  	[dreg:$0x1] =	wrdreg $0xFFFFFFFF  }
0xbc: {  	[dreg:$0x0] =	wrdreg $0x60  }
0xbd: {  	[dreg:$0x2] =	wrdreg s24  }
0xbe: {  	[dreg:$0x3] =	wrdreg $0x128000  }
0xbf: {  	[dreg:$0x4] =	wrdreg $0xA  }
0xc0: {  	_ =	task.clear_ibuf [dreg:s22], $0x5FFFF;
	_ =	strace $0x9000004F  }
0xc1: {  	s29 =	simm.s32 $0xA;
	_ =	strace $0x80000051  }
0xc2: {  	_ =	swait.ge [sflag:s29], $0x1  }
0xc3: {  	[sflag:s29] =	ssyncadd.s32 $0xFFFFFFFF  }
0xc4: {  	_ =	strace $0x90000051  }
0xc5: {  	_ =	sfence  }
0xc6: {  	s30 =	sld [smem:$0x0];
	_ =	sdelay $0x2  }
0xc7: {  	s31 =	sshll.u32 s1, $0xD;
	s1 =	sshrl.u32 s1, $0x2  }
0xc8: {  	s4 =	sand.u32 $0x4000, s31;
	s1 =	sadd.s32 s1, s30  }
0xc9: {  	s0 =	sor.u32 s4, s0;
	s1 =	sshll.u32 s1, $0x11  }
0xca: {  	s0 =	sor.u32 s1, s0  }
0xcb: {  	s0 =	sadd.s32 $0x8F2B, s0  }
0xcc: {  	[sflag:s0] =	ssyncadd.remote.s32 $0x1  }
0xcd: {  	_ =	sfence.sel $0xFFFF  }
0xce: {  	[dreg:$0x0] =	wrdreg $0xFFFFFFFF;
	(pc) =	sbr.abs _section_cstart, $3  }
0xcf: {  	[dreg:$0x1] =	wrdreg $0xFFFFFFFF  }
0xd0: {  	_ =	task.clear_ibuf [dreg:s22], $0x2FFFF;
	_ =	strace $0x9FFFFFFF  }
0xd1: {  	(tm) =	ssettm $0x7FFFFFFF  }
tec
execute0_lowered:
.L_overlay_start_1:
0x0: {  	(tag) =	ssettag $0x1  }
0x1: {  	s0 =	rddreg [dreg:$0x0]  }
0x2: {  	s15 =	stileid.u32;
	s2 =	rddreg [dreg:$0x1]  }
0x3: {  	s16 =	simm.s32 $0x0;
	s3 =	srdreg.scid;
	s1 =	smul.u32 $0x18, s15  }
0x4: {  	s28 =	simm.s32 $0x10800;
	s29 =	simm.s32 $0x9;
	s4 =	smul.u32 $0x88, s15  }
0x5: {  	s3 =	sand.u32 $0x1, s3;
	[smem:$0x7FF] =	sst s16;
	s6 =	smul.u32 $0x28000, s15  }
0x6: {  	p0 =	seq.s32 s3, $0x0;
	_ =	strace $0x80000050;
	s23 =	ssub.s32 $0x2, s3  }
0x7: {  	s8 =	ssub.s32 $0x0, s3;
	s25 =	smul.u32 $0xA0000, s3;
	p6 =	sne.s32 s3, $0x0  }
0x8: {  	s1 =	sadd.s32 $0x880, s1;
	s9 =	sshrl.u32 s23, $0x1;
	s6 =	sshrl.u32 s6, $0x2  }
0x9: {  	s3 =	simm.s32 @!p6 $0x0;
	s5 =	smin.u32 s1, $0x978;
	s9 =	ssub.s32 s23, s9  }
0xa: {  	s21 =	sadd.s32 s6, s2;
	s3 =	simm.s32 @p6 $0x1;
	s1 =	ssub.s32 s1, s5  }
0xb: {  	s5 =	smov.u32 @p0 s4;
	s4 =	sadd.s32 $0x4D800, s0;
	s19 =	smax.u32 s9, $0x1  }
0xc: {  	s20 =	sadd.s32 $0x2000, s21;
	s26 =	sadd.s32 $0x4000, s21;
	[smem:$0x7FD] =	sst s3  }
0xd: {  	s5 =	sshll.u32 s5, $0x4;
	s6 =	sand.u32 s1, s8;
	s1 =	sshll.u32 s1, $0x9  }
0xe: {  	s8 =	smul.u32 $0xA000, s15;
	s7 =	sadd.s32 s5, s0;
	s0 =	sadd.s32 $0x61800, s0  }
0xf: {  	s24 =	sshra.s32 s1, $0x2;
	s6 =	sshll.u32 s6, $0x9;
	s17 =	sadd.s32 $0xBC00, s7  }
0x10: {  	s18 =	sadd.s32 $0x1200, s7;
	[dreg:$0x3] =	wrdreg s24;
	s7 =	sor.u32 $0x80, s24  }
0x11: {  	s13 =	sadd.s32 s25, s8;
	s14 =	sadd.s32 $0x4000, s8;
	s11 =	sadd.s32 $0x6000, s8  }
0x12: {  	s12 =	sadd.s32 $0x8000, s8;
	[dreg:$0x4] =	wrdreg s7;
	s7 =	sadd.s32 $0x2000, s8  }
0x13: {  	s9 =	sshrl.u32 s13, $0x3;
	s24 =	sadd.s32 s25, s14;
	s13 =	sadd.s32 s25, s11  }
0x14: {  	s1 =	sadd.s32 s25, s12;
	s12 =	sadd.s32 s12, s2;
	s10 =	sadd.s32 s25, s7  }
0x15: {  	s5 =	sadd.s32 s0, s9;
	s25 =	sshrl.u32 s13, $0x3;
	s1 =	sshrl.u32 s1, $0x3  }
0x16: {  	s9 =	sadd.s32 s14, s2;
	s13 =	sshrl.u32 s12, $0x3;
	s14 =	sadd.s32 $0x8000, s21  }
0x17: {  	s10 =	sshrl.u32 s10, $0x3;
	s23 =	sadd.s32 s0, s25;
	[dreg:$0xb] =	wrdreg s13  }
0x18: {  	s25 =	sadd.s32 $0x6000, s21;
	[dreg:$0xc] =	wrdreg s14;
	s30 =	sadd.s32 s0, s10  }
0x19: {  	s10 =	sshrl.u32 s24, $0x3;
	s24 =	sadd.s32 s0, s1;
	s1 =	sadd.s32 s8, s2  }
0x1a: {  	s8 =	sadd.s32 s7, s2;
	[dreg:$0x6] =	wrdreg s25;
	s22 =	sadd.s32 s0, s10  }
.Ltmp0:
0x1b: {  	s0 =	sshrl.u32 s1, $0x3;
	[dreg:$0x5] =	wrdreg s24;
	(pc) =	sbr.rel .LBB2_1-.Ltmp0, $4  }
0x1c: {  	s6 =	sshra.s32 s6, $0x2;
	s1 =	sshrl.u32 s8, $0x3;
	[dreg:$0x7] =	wrdreg s0  }
0x1d: {  	s10 =	sadd.s32 s11, s2;
	s8 =	sshrl.u32 s9, $0x3;
	[dreg:$0x8] =	wrdreg s1  }
0x1e: {  	s7 =	sadd.s32 $0x100, s6;
	s31 =	sshrl.u32 s10, $0x3;
	[dreg:$0x9] =	wrdreg s8  }
0x1f: {  	v0 =	vimm.f32 $0.0e+00;
	s11 =	sadd.s32 $0x4400, s6;
	s9 =	simm.s32 $0x0;
	[dreg:$0xa] =	wrdreg s31  }
.LBB2_8:
0x20: {  	[sflag:s15] =	ssyncadd.s32 @!p2 $0xFFFFE000  }
0x21: {  	[spmem:s2] =	stream.indirect.scatter.add.f32 @!p2 [tilespmem:s16], [sflag:$0x5], $0x40, s20, s17, $0xb8;
	[tilespmem:$0x1C800] =	vst v63  }
0x22: {  	_ =	swait.ge @!p5 [sflag:s18], $0x2000  }
0x23: {  	s12 =	sld [smem:$0x7FB]  }
0x24: {  	s6 =	simm.s32 @!p3 $0x0  }
0x25: {  	p1 =	por @!p0 p4, p3;
	s6 =	simm.s32 @p3 $0x1;
	[sflag:s18] =	ssyncset.done @!p5 $0x0  }
0x26: {  	[smem:$0x7ED] =	sst s6;
	[sflag:s18] =	ssyncadd.s32 @!p5 $0xFFFFE000;
	p3 =	seq.s32 s12, $0x1  }
0x27: {  	[tilespmem:s14], [sflag:$0x3] =	stream.indirect.gather @!p3 [hbm4b:s4+s13], $0x40, s19, s13, $0xb8;
	[tilespmem:$0x1C800] =	vst v63  }
0x28: {  	p1 =	por p1, p0;
	s13 =	sld [smem:$0x7ED]  }
0x29: {  	p3 =	slt.u32 @!p1 s3, $0x2;
	s3 =	simm.s32 @!p6 $0x2  }
0x2a: {  	p2 =	por p0, p0;
	s6 =	simm.s32 @!p6 $0xA800;
	_ =	swait.ge @!p6 [sflag:s3], $0x2000  }
0x2b: {  	p0 =	por @!p6 p3, p4;
	[sflag:s3] =	ssyncset.done @!p6 $0x0;
	p3 =	seq.s32 s13, $0x1  }
0x2c: {  	[sflag:s3] =	ssyncadd.s32 @!p6 $0xFFFFE000;
	s3 =	simm.s32 @!p6 $0x80;
	p0 =	por @!p2 p0, p3  }
0x2d: {  	[spmem:s2] =	stream.indirect.scatter.add.f32 @!p6 [tilespmem:s6], [sflag:$0x6], $0x40, s20, s3, $0xb8;
	[tilespmem:$0x1C800] =	vst v63  }
0x2e: {  	p0 =	por p0, p2  }
0x2f: {  	s3 =	simm.s32 @!p0 $0x8  }
0x30: {  	_ =	swait.ge @!p0 [sflag:s3], $0x2000  }
0x31: {  	s15 =	stileid.u32;
	s20 =	smov.u32 s25;
	s25 =	rddreg [dreg:$0x6]  }
0x32: {  	s21 =	smov.u32 s0;
	s22 =	smov.u32 s8;
	s14 =	sld [smem:$0x7FD]  }
0x33: {  	s16 =	simm.s32 $0x0;
	s17 =	smov.u32 s31;
	s0 =	rddreg [dreg:$0x7]  }
0x34: {  	s18 =	smov.u32 s23;
	s23 =	smov.u32 s1;
	s1 =	rddreg [dreg:$0x8]  }
0x35: {  	s6 =	simm.s32 @!p1 $0x80;
	[sflag:s3] =	ssyncset.done @!p0 $0x0;
	s8 =	rddreg [dreg:$0x9]  }
0x36: {  	s31 =	rddreg [dreg:$0xa];
	[sflag:s3] =	ssyncadd.s32 @!p0 $0xFFFFE000;
	s3 =	simm.s32 @!p1 $0xE800  }
0x37: {  	[tilespmem:s3], [sflag:$0x4] =	stream.indirect.gather @!p1 [hbm4b:s4+s6], $0x40, s19, s6, $0xb8;
	[tilespmem:$0x1C800] =	vst v63  }
0x38: {  	s19 =	smov.u32 s24;
	s24 =	rddreg [dreg:$0x5];
	p6 =	seq.s32 s14, $0x1  }
.LBB2_9:
0x39: {  	s3 =	simm.s32 $0x5  }
0x3a: {  	_ =	swait.ge [sflag:s3], $0x2000  }
0x3b: {  	[sflag:s3] =	ssyncset.done $0x0  }
0x3c: {  	s10 =	simm.s32 $0x6;
	[sflag:s3] =	ssyncadd.s32 $0xFFFFE000  }
0x3d: {  	_ =	swait.ge [sflag:s10], $0x2000  }
0x3e: {  	[sflag:s10] =	ssyncset.done $0x0  }
0x3f: {  	s12 =	simm.s32 $0x7;
	[sflag:s10] =	ssyncadd.s32 $0xFFFFE000  }
0x40: {  	_ =	swait.ge [sflag:s12], $0x2000  }
0x41: {  	[sflag:s12] =	ssyncset.done $0x0  }
0x42: {  	s13 =	simm.s32 $0x8;
	[sflag:s12] =	ssyncadd.s32 $0xFFFFE000  }
0x43: {  	_ =	swait.ge [sflag:s13], $0x2000  }
0x44: {  	[sflag:s13] =	ssyncset.done $0x0  }
0x45: {  	s14 =	sshll.u32 s15, $0x6;
	[sflag:s13] =	ssyncadd.s32 $0xFFFFE000  }
0x46: {  	s3 =	sor.u32 $0x1C09, s14;
	[bflag:$0x0] =	sbarrier.arrive $0xFFFF  }
0x47: {  	[hbm:s5], [sflag:s3] =	dma.local [spmem:s0], $0x400  }
0x48: {  	_ =	swait.ge [sflag:s29], $0x400  }
0x49: {  	[sflag:s29] =	ssyncset.done $0x0  }
0x4a: {  	[sflag:s29] =	ssyncadd.s32 $0xFFFFFC00  }
0x4b: {  	[hbm:s30], [sflag:s3] =	dma.local [spmem:s1], $0x400  }
0x4c: {  	_ =	swait.ge [sflag:s29], $0x400  }
0x4d: {  	[sflag:s29] =	ssyncset.done $0x0  }
0x4e: {  	[sflag:s29] =	ssyncadd.s32 $0xFFFFFC00  }
0x4f: {  	[hbm:s22], [sflag:s3] =	dma.local [spmem:s8], $0x400  }
0x50: {  	_ =	swait.ge [sflag:s29], $0x400  }
0x51: {  	[sflag:s29] =	ssyncset.done $0x0  }
0x52: {  	[sflag:s29] =	ssyncadd.s32 $0xFFFFFC00  }
0x53: {  	[hbm:s23], [sflag:s3] =	dma.local [spmem:s31], $0x400  }
0x54: {  	s9 =	sadd.s32 $0x1, s9;
	_ =	swait.ge [sflag:s29], $0x400  }
0x55: {  	p0 =	sne.s32 s9, s19;
	[sflag:s29] =	ssyncset.done $0x0  }
.Ltmp1:
0x56: {  	s6 =	rddreg [dreg:$0xb];
	[sflag:s29] =	ssyncadd.s32 $0xFFFFFC00;
	(pc) =	sbr.rel @!p0 .LBB2_10-.Ltmp1, $4  }
0x57: {  	[hbm:s24], [sflag:s3] =	dma.local [spmem:s6], $0x400  }
0x58: {  	_ =	swait.ge [sflag:s29], $0x400  }
0x59: {  	[sflag:s29] =	ssyncset.done $0x0  }
0x5a: {  	[sflag:s29] =	ssyncadd.s32 $0xFFFFFC00  }
.LBB2_1:
0x5b: {  	s6 =	simm.s32 $0x100;
	s3 =	simm.s32 $0x0  }
.LBB2_2:
0x5c: {  	p0 =	sne.s32 s6, $0x7F00;
	[tilespmem:s3+$0x10830] =	vst v0;
	s10 =	smov.u32 s6;
	s6 =	sadd.s32 $0x100, s6  }
.Ltmp2:
0x5d: {  	[tilespmem:s3+$0x10820] =	vst v0;
	(pc) =	sbr.rel @p0 .LBB2_2-.Ltmp2, $3  }
0x5e: {  	[tilespmem:s3+$0x10800] =	vst v0  }
0x5f: {  	[tilespmem:s3+$0x10810] =	vst v0;
	_ =	sdelay $0x1  }
0x60: {  	s3 =	sshra.s32 s10, $0x2  }
0x61: {  	[tilespmem:s3+$0x10830] =	vst v0  }
0x62: {  	[tilespmem:s3+$0x10820] =	vst v0  }
0x63: {  	[tilespmem:s3+$0x10800] =	vst v0  }
0x64: {  	[tilespmem:s3+$0x10810] =	vst v0  }
0x65: {  	[spmem:s21] =	stream.linear.scatter [tilespmem:s28], [sflag:$0x9], $0x2000, $0x38;
	[tilespmem:$0x1C800] =	vst v63  }
0x66: {  	_ =	swait.ge [sflag:s29], $0x2000  }
0x67: {  	[sflag:s29] =	ssyncset.done $0x0  }
0x68: {  	[sflag:s29] =	ssyncadd.s32 $0xFFFFE000  }
0x69: {  	[spmem:s20] =	stream.linear.scatter [tilespmem:s28], [sflag:$0x9], $0x2000, $0x38;
	[tilespmem:$0x1C800] =	vst v63  }
0x6a: {  	_ =	swait.ge [sflag:s29], $0x2000  }
0x6b: {  	[sflag:s29] =	ssyncset.done $0x0  }
0x6c: {  	[sflag:s29] =	ssyncadd.s32 $0xFFFFE000  }
0x6d: {  	[spmem:s26] =	stream.linear.scatter [tilespmem:s28], [sflag:$0x9], $0x2000, $0x38;
	[tilespmem:$0x1C800] =	vst v63  }
0x6e: {  	_ =	swait.ge [sflag:s29], $0x2000  }
0x6f: {  	[sflag:s29] =	ssyncset.done $0x0  }
0x70: {  	[sflag:s29] =	ssyncadd.s32 $0xFFFFE000  }
0x71: {  	[spmem:s25] =	stream.linear.scatter [tilespmem:s28], [sflag:$0x9], $0x2000, $0x38;
	[tilespmem:$0x1C800] =	vst v63  }
0x72: {  	_ =	swait.ge [sflag:s29], $0x2000  }
0x73: {  	[sflag:s29] =	ssyncset.done $0x0  }
0x74: {  	s13 =	rddreg [dreg:$0xc];
	[sflag:s29] =	ssyncadd.s32 $0xFFFFE000  }
0x75: {  	[spmem:s13] =	stream.linear.scatter [tilespmem:s28], [sflag:$0x9], $0x2000, $0x38;
	[tilespmem:$0x1C800] =	vst v63  }
0x76: {  	_ =	swait.ge [sflag:s29], $0x2000  }
0x77: {  	[sflag:s29] =	ssyncset.done $0x0  }
0x78: {  	[sflag:s29] =	ssyncadd.s32 $0xFFFFE000  }
0x79: {  	[tilespmem:s16], [sflag:$0x9] =	stream.linear.gather [hbm4b:s17+s16], $0x4400, $0x38;
	[tilespmem:$0x1C800] =	vst v63  }
0x7a: {  	_ =	swait.ge [sflag:s29], $0x4400  }
0x7b: {  	[sflag:s29] =	ssyncset.done $0x0  }
0x7c: {  	s14 =	simm.s32 $0x4400;
	[sflag:s29] =	ssyncadd.s32 $0xFFFFBC00  }
0x7d: {  	[tilespmem:s14], [sflag:$0x9] =	stream.linear.gather [hbm4b:s18+s16], $0x4400, $0x38;
	[tilespmem:$0x1C800] =	vst v63  }
.Ltmp3:
0x7e: {  	_ =	swait.ge [sflag:s29], $0x4400;
	(pc) =	sbr.rel @p6 .LBB2_6-.Ltmp3, $3  }
0x7f: {  	[sflag:s29] =	ssyncset.done $0x0  }
0x80: {  	[sflag:s29] =	ssyncadd.s32 $0xFFFFBC00  }
0x81: {  	[bflag:$0x0] =	sbarrier.arrive $0xFFFF;
	_ =	sdelay $0x1  }
0x82: {  	s3 =	simm.s32 $0x0;
	s6 =	simm.s32 $0x80;
	s10 =	simm.s32 $0x8800  }
0x83: {  	[tilespmem:s10], [sflag:$0x1] =	stream.indirect.gather [hbm4b:s4+s6], $0x40, s3, s6, $0xb8;
	[tilespmem:$0x1C800] =	vst v63  }
0x84: {  	s14 =	simm.s32 $0xA800  }
0x85: {  	[tilespmem:s14], [sflag:$0x2] =	stream.indirect.gather [hbm4b:s4+s6], $0x40, s6, s6, $0xb8;
	[tilespmem:$0x1C800] =	vst v63  }
0x86: {  	s10 =	smov.u32 s7;
	s6 =	smov.u32 s11  }
.LBB2_5:
0x87: {  	s12 =	sand.u32 $0x3, s3  }
0x88: {  	p1 =	sgt.s32 s12, $0x1  }
0x89: {  	p0 =	seq.s32 @p1 s12, $0x2  }
0x8a: {  	p2 =	por !p0, !p1  }
0x8b: {  	s13 =	simm.s32 @!p2 $0x3;
	p3 =	sgt.u32 @!p2 s3, $0x85  }
0x8c: {  	_ =	swait.ge @!p2 [sflag:s13], $0x2000;
	p4 =	por @p1 p3, !p0  }
0x8d: {  	s14 =	simm.s32 @!p2 $0xC800;
	[sflag:s13] =	ssyncset.done @!p2 $0x0;
	p4 =	por p4, !p1  }
0x8e: {  	[sflag:s13] =	ssyncadd.s32 @!p2 $0xFFFFE000;
	s13 =	simm.s32 @!p2 $0x80;
	p5 =	slt.u32 @!p4 s3, $0x2  }
0x8f: {  	[spmem:s2] =	stream.indirect.scatter.add.f32 @!p2 [tilespmem:s14], [sflag:$0x7], $0x40, s6, s13, $0xb8;
	[tilespmem:$0x1C800] =	vst v63  }
0x90: {  	p2 =	por @!p2 p5, p3  }
0x91: {  	p2 =	por @p1 p2, !p0  }
0x92: {  	p2 =	por p2, !p1  }
0x93: {  	s13 =	simm.s32 @!p2 $0x5  }
0x94: {  	_ =	swait.ge @!p2 [sflag:s13], $0x2000  }
0x95: {  	s14 =	simm.s32 @!p4 $0x8800;
	[sflag:s13] =	ssyncset.done @!p2 $0x0  }
0x96: {  	[sflag:s13] =	ssyncadd.s32 @!p2 $0xFFFFE000;
	s13 =	simm.s32 @!p4 $0x80;
	p2 =	por p0, !p1  }
0x97: {  	[tilespmem:s14], [sflag:$0x1] =	stream.indirect.gather @!p4 [hbm4b:s4+s13], $0x40, s10, s13, $0xb8;
	[tilespmem:$0x1C800] =	vst v63  }
0x98: {  	s13 =	simm.s32 @!p2 $0x4;
	p3 =	sgt.u32 @!p2 s3, $0x85  }
0x99: {  	_ =	swait.ge @!p2 [sflag:s13], $0x2000;
	p4 =	por @p1 p3, p0  }
0x9a: {  	s14 =	simm.s32 @!p2 $0xE800;
	[sflag:s13] =	ssyncset.done @!p2 $0x0;
	p4 =	por p4, !p1  }
0x9b: {  	[sflag:s13] =	ssyncadd.s32 @!p2 $0xFFFFE000;
	s13 =	simm.s32 @!p2 $0x80;
	p5 =	slt.u32 @!p4 s3, $0x2  }
0x9c: {  	[spmem:s2] =	stream.indirect.scatter.add.f32 @!p2 [tilespmem:s14], [sflag:$0x8], $0x40, s6, s13, $0xb8;
	[tilespmem:$0x1C800] =	vst v63  }
0x9d: {  	p2 =	por @!p2 p5, p3  }
0x9e: {  	p0 =	por @p1 p2, p0  }
0x9f: {  	p0 =	por p0, !p1  }
0xa0: {  	s13 =	simm.s32 @!p0 $0x6  }
0xa1: {  	_ =	swait.ge @!p0 [sflag:s13], $0x2000  }
0xa2: {  	s14 =	simm.s32 @!p4 $0xA800;
	[sflag:s13] =	ssyncset.done @!p0 $0x0  }
0xa3: {  	[sflag:s13] =	ssyncadd.s32 @!p0 $0xFFFFE000;
	s13 =	simm.s32 @!p4 $0x80;
	p0 =	seq.s32 @!p1 s12, $0x0  }
0xa4: {  	[tilespmem:s14], [sflag:$0x2] =	stream.indirect.gather @!p4 [hbm4b:s4+s13], $0x40, s10, s13, $0xb8;
	[tilespmem:$0x1C800] =	vst v63  }
0xa5: {  	p2 =	por !p0, p1  }
0xa6: {  	s12 =	simm.s32 @!p2 $0x1;
	p3 =	sgt.u32 @!p2 s3, $0x85  }
0xa7: {  	_ =	swait.ge @!p2 [sflag:s12], $0x2000;
	p4 =	por @!p1 p3, !p0  }
0xa8: {  	s13 =	simm.s32 @!p2 $0x8800;
	[sflag:s12] =	ssyncset.done @!p2 $0x0;
	p4 =	por p4, p1  }
0xa9: {  	[sflag:s12] =	ssyncadd.s32 @!p2 $0xFFFFE000;
	s12 =	simm.s32 @!p2 $0x80;
	p5 =	slt.u32 @!p4 s3, $0x2  }
0xaa: {  	[spmem:s2] =	stream.indirect.scatter.add.f32 @!p2 [tilespmem:s13], [sflag:$0x5], $0x40, s6, s12, $0xb8;
	[tilespmem:$0x1C800] =	vst v63  }
0xab: {  	p2 =	por @!p2 p5, p3  }
0xac: {  	p2 =	por @!p1 p2, !p0  }
0xad: {  	p2 =	por p2, p1  }
0xae: {  	s12 =	simm.s32 @!p2 $0x7  }
0xaf: {  	_ =	swait.ge @!p2 [sflag:s12], $0x2000  }
0xb0: {  	s13 =	simm.s32 @!p4 $0xC800;
	[sflag:s12] =	ssyncset.done @!p2 $0x0  }
0xb1: {  	[sflag:s12] =	ssyncadd.s32 @!p2 $0xFFFFE000;
	s12 =	simm.s32 @!p4 $0x80;
	p2 =	por p0, p1  }
0xb2: {  	[tilespmem:s13], [sflag:$0x3] =	stream.indirect.gather @!p4 [hbm4b:s4+s12], $0x40, s10, s12, $0xb8;
	[tilespmem:$0x1C800] =	vst v63  }
0xb3: {  	s12 =	simm.s32 @!p2 $0x2;
	p3 =	sgt.u32 @!p2 s3, $0x85  }
0xb4: {  	_ =	swait.ge @!p2 [sflag:s12], $0x2000;
	p4 =	por @!p1 p3, p0  }
0xb5: {  	s13 =	simm.s32 @!p2 $0xA800;
	[sflag:s12] =	ssyncset.done @!p2 $0x0;
	p4 =	por p4, p1  }
0xb6: {  	[sflag:s12] =	ssyncadd.s32 @!p2 $0xFFFFE000;
	s12 =	simm.s32 @!p2 $0x80;
	p5 =	slt.u32 @!p4 s3, $0x2  }
0xb7: {  	[spmem:s2] =	stream.indirect.scatter.add.f32 @!p2 [tilespmem:s13], [sflag:$0x6], $0x40, s6, s12, $0xb8;
	[tilespmem:$0x1C800] =	vst v63  }
0xb8: {  	p2 =	por @!p2 p5, p3  }
0xb9: {  	p0 =	por @!p1 p2, p0  }
0xba: {  	p0 =	por p0, p1  }
0xbb: {  	s12 =	simm.s32 @!p0 $0x8  }
0xbc: {  	_ =	swait.ge @!p0 [sflag:s12], $0x2000  }
0xbd: {  	s3 =	sadd.s32 $0x1, s3;
	[sflag:s12] =	ssyncset.done @!p0 $0x0  }
0xbe: {  	[sflag:s12] =	ssyncadd.s32 @!p0 $0xFFFFE000;
	p0 =	seq.s32 s3, $0x88  }
.Ltmp4:
0xbf: {  	_ = 	snop;
	(pc) =	sbr.rel @!p0 .LBB2_5-.Ltmp4, $4  }
0xc0: {  	_ = 	snop  }
0xc1: {  	s13 =	simm.s32 @!p4 $0xE800;
	s12 =	simm.s32 @!p4 $0x80  }
0xc2: {  	[tilespmem:s13], [sflag:$0x4] =	stream.indirect.gather @!p4 [hbm4b:s4+s12], $0x40, s10, s12, $0xb8;
	[tilespmem:$0x1C800] =	vst v63  }
0xc3: {  	s6 =	sadd.s32 $0x80, s6;
	s10 =	sadd.s32 $0x80, s10  }
.Ltmp5:
0xc4: {  	_ = 	snop;
	(pc) =	sbr.rel .LBB2_9-.Ltmp5, $1  }
0xc5: {  	_ =	sdelay $0x3  }
.LBB2_6:
0xc6: {  	s1 =	smov.u32 s23;
	s24 =	smov.u32 s19;
	s23 =	smov.u32 s18  }
0xc7: {  	s3 =	rddreg [dreg:$0x3];
	s6 =	simm.s32 $0x80;
	s10 =	simm.s32 $0x8800  }
0xc8: {  	[tilespmem:s10], [sflag:$0x1] =	stream.indirect.gather [hbm4b:s4+s6], $0x40, s3, s6, $0xb8;
	[tilespmem:$0x1C800] =	vst v63  }
0xc9: {  	s18 =	rddreg [dreg:$0x4];
	s19 =	simm.s32 $0xA800;
	s3 =	simm.s32 $0x0  }
0xca: {  	[tilespmem:s19], [sflag:$0x2] =	stream.indirect.gather [hbm4b:s4+s6], $0x40, s18, s6, $0xb8;
	[tilespmem:$0x1C800] =	vst v63  }
0xcb: {  	s6 =	sand.u32 $0x3, s3  }
0xcc: {  	p1 =	sgt.s32 s6, $0x1  }
0xcd: {  	p0 =	seq.s32 @p1 s6, $0x2  }
0xce: {  	p3 =	por !p0, !p1  }
0xcf: {  	p5 =	por @!p3 $0x0, $0x0  }
0xd0: {  	s10 =	simm.s32 @!p3 $0x3;
	p2 =	por @p1 p5, !p0  }
0xd1: {  	p4 =	por p1, p1;
	_ =	swait.ge @!p3 [sflag:s10], $0x2000;
	p2 =	por p2, !p1  }
0xd2: {  	s12 =	simm.s32 @!p3 $0xC800;
	[sflag:s10] =	ssyncset.done @!p3 $0x0;
	p6 =	por @!p2 $0x1, $0x1  }
0xd3: {  	[sflag:s10] =	ssyncadd.s32 @!p3 $0xFFFFE000;
	s10 =	simm.s32 @!p3 $0x80;
	p5 =	por @!p3 p6, p5  }
0xd4: {  	[spmem:s2] =	stream.indirect.scatter.add.f32 @!p3 [tilespmem:s12], [sflag:$0x7], $0x40, s11, s10, $0xb8;
	[tilespmem:$0x1C800] =	vst v63  }
0xd5: {  	p5 =	por @p4 p5, !p0  }
0xd6: {  	p5 =	por p5, !p4  }
0xd7: {  	s13 =	simm.s32 @!p5 $0x5  }
0xd8: {  	p1 =	seq.s32 @!p1 s6, $0x0;
	_ =	swait.ge @!p5 [sflag:s13], $0x2000  }
0xd9: {  	p3 =	por p0, !p4;
	s10 =	simm.s32 @!p2 $0x8800;
	[sflag:s13] =	ssyncset.done @!p5 $0x0  }
0xda: {  	s12 =	simm.s32 @!p2 $0x80;
	[sflag:s13] =	ssyncadd.s32 @!p5 $0xFFFFE000;
	s13 =	simm.s32 @!p3 $0x4  }
0xdb: {  	[tilespmem:s10], [sflag:$0x1] =	stream.indirect.gather @!p2 [hbm4b:s4+s12], $0x40, s7, s12, $0xb8;
	[tilespmem:$0x1C800] =	vst v63  }
0xdc: {  	p6 =	por @!p3 $0x0, $0x0;
	s6 =	simm.s32 @!p3 $0xE800;
	_ =	swait.ge @!p3 [sflag:s13], $0x2000  }
0xdd: {  	p5 =	por @p4 p6, p0;
	p6 =	por p1, p1;
	[sflag:s13] =	ssyncset.done @!p3 $0x0  }
0xde: {  	s10 =	simm.s32 @!p3 $0x80;
	p1 =	por p5, !p4;
	[sflag:s13] =	ssyncadd.s32 @!p3 $0xFFFFE000  }
0xdf: {  	[spmem:s2] =	stream.indirect.scatter.add.f32 @!p3 [tilespmem:s6], [sflag:$0x8], $0x40, s11, s10, $0xb8;
	[tilespmem:$0x1C800] =	vst v63  }
0xe0: {  	s6 =	simm.s32 @!p1 $0x0  }
0xe1: {  	p2 =	por !p6, p4;
	s6 =	simm.s32 @p1 $0x1;
	p1 =	por @!p1 $0x1, $0x1  }
0xe2: {  	p5 =	por @!p2 $0x0, $0x0;
	[smem:$0x7FC] =	sst s6;
	s6 =	simm.s32 @!p1 $0x0  }
0xe3: {  	s6 =	simm.s32 @p1 $0x1;
	p1 =	por @!p4 p5, !p6  }
0xe4: {  	[smem:$0x7F9] =	sst s6;
	s6 =	simm.s32 @!p1 $0x0  }
0xe5: {  	s25 =	smov.u32 s20;
	s6 =	simm.s32 @p1 $0x1;
	s20 =	sld [smem:$0x7F9]  }
0xe6: {  	s8 =	smov.u32 s22;
	s0 =	smov.u32 s21;
	[smem:$0x7FA] =	sst s6  }
0xe7: {  	s31 =	smov.u32 s17;
	s19 =	smov.u32 s7;
	s21 =	sld [smem:$0x7FA]  }
0xe8: {  	s15 =	simm.s32 @!p2 $0x1;
	p5 =	por @!p3 $0x0, $0x0;
	p1 =	seq.s32 s20, $0x1  }
0xe9: {  	s16 =	simm.s32 @!p2 $0x8800;
	s17 =	simm.s32 @!p2 $0x80;
	p3 =	por @!p3 p1, p5  }
0xea: {  	s6 =	simm.s32 $0x1;
	p5 =	seq.s32 s21, $0x1;
	p0 =	por @p4 p3, p0  }
0xeb: {  	s20 =	smov.u32 s11;
	p1 =	por p5, p4;
	p0 =	por p0, !p4  }
0xec: {  	p5 =	por @!p2 $0x0, $0x0;
	p3 =	por @!p1 $0x1, $0x1;
	s10 =	simm.s32 @!p0 $0x6  }
0xed: {  	s13 =	simm.s32 @!p1 $0x80;
	p3 =	por @!p2 p3, p5;
	_ =	swait.ge @!p0 [sflag:s10], $0x2000  }
0xee: {  	[sflag:s10] =	ssyncset.done @!p0 $0x0;
	p3 =	por @!p4 p3, !p6;
	s22 =	sld [smem:$0x7FC]  }
0xef: {  	s14 =	simm.s32 @!p1 $0xC800;
	[sflag:s10] =	ssyncadd.s32 @!p0 $0xFFFFE000;
	p5 =	por p3, p4  }
0xf0: {  	s10 =	simm.s32 @!p1 $0x0;
	p3 =	por p6, p6;
	p6 =	por p6, p4  }
0xf1: {  	s10 =	simm.s32 @p1 $0x1;
	s18 =	simm.s32 @!p5 $0x7;
	p0 =	seq.s32 s22, $0x1  }
0xf2: {  	[smem:$0x7FB] =	sst s10;
	s10 =	simm.s32 @!p0 $0x80;
	s12 =	simm.s32 @!p0 $0xA800  }
0xf3: {  	[tilespmem:s12], [sflag:$0x2] =	stream.indirect.gather @!p0 [hbm4b:s4+s10], $0x40, s7, s10, $0xb8;
	[tilespmem:$0x1C800] =	vst v63  }
0xf4: {  	p0 =	por p4, p4;
	s10 =	sadd.s32 $0x80, s11;
	_ =	swait.ge @!p2 [sflag:s15], $0x2000  }
0xf5: {  	p4 =	por @!p6 $0x0, $0x0;
	s12 =	sadd.s32 $0x80, s7;
	[sflag:s15] =	ssyncset.done @!p2 $0x0  }
.LBB2_7:
0xf6: {  	[sflag:s15] =	ssyncadd.s32 @!p2 $0xFFFFE000;
	s15 =	simm.s32 @!p3 $0x0  }
0xf7: {  	s15 =	simm.s32 @p3 $0x1  }
0xf8: {  	[spmem:s2] =	stream.indirect.scatter.add.f32 @!p2 [tilespmem:s16], [sflag:$0x5], $0x40, s20, s17, $0xb8;
	[tilespmem:$0x1C800] =	vst v63  }
0xf9: {  	[smem:$0x7ED] =	sst s15;
	s15 =	simm.s32 @!p4 $0x0  }
0xfa: {  	s15 =	simm.s32 @p4 $0x1  }
0xfb: {  	p3 =	por @!p0 p4, p3;
	[smem:$0x7EB] =	sst s15;
	s15 =	simm.s32 @!p0 $0x0  }
0xfc: {  	s15 =	simm.s32 @p0 $0x1;
	p0 =	por p3, p0  }
0xfd: {  	s21 =	sand.u32 $0x3, s6;
	[smem:$0x7EE] =	sst s15;
	s16 =	simm.s32 @!p0 $0x0  }
0xfe: {  	p1 =	sgt.s32 s21, $0x1;
	_ =	swait.ge @!p5 [sflag:s18], $0x2000;
	s16 =	simm.s32 @p0 $0x1  }
0xff: {  	p2 =	seq.s32 @p1 s21, $0x2;
	[smem:$0x7F1] =	sst s16  }
0x100: {  	p3 =	seq.s32 @!p1 s21, $0x0;
	s15 =	smov.u32 s6;
	s17 =	sld [smem:$0x7EB]  }
0x101: {  	p0 =	slt.u32 @!p0 s3, $0x2;
	s16 =	simm.s32 @!p2 $0x0;
	s21 =	sld [smem:$0x7ED]  }
0x102: {  	[sflag:s18] =	ssyncset.done @!p5 $0x0;
	s22 =	sld [smem:$0x7EE];
	s16 =	simm.s32 @p2 $0x1  }
0x103: {  	s3 =	simm.s32 @!p0 $0x0;
	[smem:$0x7F4] =	sst s16;
	s16 =	simm.s32 @!p3 $0x0  }
0x104: {  	s3 =	simm.s32 @p0 $0x1;
	s16 =	simm.s32 @p3 $0x1;
	p3 =	por !p2, !p1  }
0x105: {  	[sflag:s18] =	ssyncadd.s32 @!p5 $0xFFFFE000;
	[smem:$0x7EC] =	sst s3;
	p0 =	sgt.u32 @!p3 s15, $0x15  }
0x106: {  	p5 =	seq.s32 s17, $0x1;
	s18 =	sld [smem:$0x7EC];
	s3 =	simm.s32 @!p0 $0x0  }
0x107: {  	s17 =	sld [smem:$0x7FB];
	s3 =	simm.s32 @p0 $0x1;
	p0 =	por @p1 p0, !p2  }
0x108: {  	[smem:$0x7F0] =	sst s3;
	s3 =	simm.s32 @!p0 $0x0  }
0x109: {  	[smem:$0x7F5] =	sst s16;
	s3 =	simm.s32 @p0 $0x1  }
0x10a: {  	s6 =	sadd.s32 $0x1, s6;
	[smem:$0x7EF] =	sst s3  }
0x10b: {  	p0 =	sne.s32 s6, $0x18;
	s16 =	sld [smem:$0x7EF]  }
0x10c: {  	p4 =	seq.s32 s18, $0x1;
	p2 =	seq.s32 s22, $0x1;
	s3 =	simm.s32 @!p0 $0x0  }
0x10d: {  	p4 =	por @!p6 p4, p5;
	s3 =	simm.s32 @p0 $0x1;
	p0 =	seq.s32 s21, $0x1  }
0x10e: {  	p5 =	por @!p2 p4, p0;
	p4 =	seq.s32 s16, $0x1  }
0x10f: {  	[smem:$0x7F8] =	sst s3;
	p0 =	por p2, p2;
	p2 =	por p4, !p1  }
0x110: {  	p4 =	por p1, p1;
	p1 =	seq.s32 s17, $0x1;
	s3 =	simm.s32 @!p2 $0x0  }
0x111: {  	[tilespmem:s14], [sflag:$0x3] =	stream.indirect.gather @!p1 [hbm4b:s4+s13], $0x40, s19, s13, $0xb8;
	[tilespmem:$0x1C800] =	vst v63  }
0x112: {  	s3 =	simm.s32 @p2 $0x1  }
0x113: {  	[smem:$0x7F6] =	sst s3;
	s3 =	smov.u32 s15;
	s15 =	simm.s32 @!p6 $0x2  }
0x114: {  	s18 =	sld [smem:$0x7F0];
	_ =	swait.ge @!p6 [sflag:s15], $0x2000  }
0x115: {  	s21 =	sld [smem:$0x7F4];
	_ =	sdelay $0x1  }
0x116: {  	p1 =	seq.s32 s18, $0x1;
	p2 =	slt.u32 @!p2 s3, $0x2  }
0x117: {  	p1 =	por @!p3 p2, p1;
	p2 =	seq.s32 s21, $0x1  }
0x118: {  	p1 =	por @p4 p1, !p2  }
0x119: {  	p0 =	por p5, p0;
	[sflag:s15] =	ssyncset.done @!p6 $0x0;
	s14 =	simm.s32 @!p1 $0x0  }
0x11a: {  	s13 =	simm.s32 @!p6 $0xA800;
	[sflag:s15] =	ssyncadd.s32 @!p6 $0xFFFFE000;
	s14 =	simm.s32 @p1 $0x1  }
0x11b: {  	p5 =	por p2, !p4;
	[smem:$0x7F3] =	sst s14;
	s14 =	simm.s32 @!p6 $0x80  }
0x11c: {  	[spmem:s2] =	stream.indirect.scatter.add.f32 @!p6 [tilespmem:s13], [sflag:$0x6], $0x40, s20, s14, $0xb8;
	[tilespmem:$0x1C800] =	vst v63  }
0x11d: {  	p6 =	sgt.u32 @!p5 s3, $0x15  }
0x11e: {  	s13 =	simm.s32 @!p6 $0x0  }
0x11f: {  	s13 =	simm.s32 @p6 $0x1  }
0x120: {  	s15 =	simm.s32 @!p0 $0x8;
	p1 =	por p2, p2;
	[smem:$0x7F2] =	sst s13  }
0x121: {  	p1 =	por @p4 p6, p1;
	_ =	swait.ge @!p0 [sflag:s15], $0x2000  }
0x122: {  	p6 =	por p1, !p4;
	s22 =	sld [smem:$0x7F1]  }
0x123: {  	s17 =	simm.s32 @!p6 $0x0  }
0x124: {  	s16 =	simm.s32 @!p3 $0x3;
	s17 =	simm.s32 @p6 $0x1  }
0x125: {  	[sflag:s15] =	ssyncset.done @!p0 $0x0;
	[smem:$0x7F7] =	sst s17;
	p2 =	seq.s32 s22, $0x1  }
0x126: {  	[sflag:s15] =	ssyncadd.s32 @!p0 $0xFFFFE000;
	s13 =	simm.s32 @!p2 $0xE800;
	s14 =	simm.s32 @!p2 $0x80  }
0x127: {  	[tilespmem:s13], [sflag:$0x4] =	stream.indirect.gather @!p2 [hbm4b:s4+s14], $0x40, s19, s14, $0xb8;
	[tilespmem:$0x1C800] =	vst v63  }
0x128: {  	_ =	swait.ge @!p3 [sflag:s16], $0x2000  }
0x129: {  	s14 =	sld [smem:$0x7F2]  }
0x12a: {  	s15 =	sld [smem:$0x7F3];
	_ =	sdelay $0x1  }
0x12b: {  	p0 =	slt.u32 @!p6 s3, $0x2;
	s13 =	simm.s32 @!p3 $0x80;
	[sflag:s16] =	ssyncset.done @!p3 $0x0  }
0x12c: {  	[sflag:s16] =	ssyncadd.s32 @!p3 $0xFFFFE000;
	p1 =	seq.s32 s14, $0x1;
	p6 =	seq.s32 s15, $0x1  }
0x12d: {  	s14 =	simm.s32 @!p3 $0xC800;
	p0 =	por @!p5 p0, p1;
	p1 =	por p6, !p4  }
0x12e: {  	[spmem:s2] =	stream.indirect.scatter.add.f32 @!p3 [tilespmem:s14], [sflag:$0x7], $0x40, s10, s13, $0xb8;
	[tilespmem:$0x1C800] =	vst v63  }
0x12f: {  	s15 =	simm.s32 @!p1 $0x5  }
0x130: {  	s16 =	sld [smem:$0x7F4];
	_ =	swait.ge @!p1 [sflag:s15], $0x2000  }
0x131: {  	s18 =	sld [smem:$0x7F6];
	_ =	sdelay $0x1  }
0x132: {  	p2 =	seq.s32 s16, $0x1;
	s16 =	simm.s32 @!p5 $0x4  }
0x133: {  	s17 =	sld [smem:$0x7F5];
	[sflag:s15] =	ssyncset.done @!p1 $0x0;
	p3 =	seq.s32 s18, $0x1  }
0x134: {  	[sflag:s15] =	ssyncadd.s32 @!p1 $0xFFFFE000;
	s14 =	simm.s32 @!p3 $0x8800;
	s15 =	simm.s32 @!p3 $0x80  }
0x135: {  	[tilespmem:s14], [sflag:$0x1] =	stream.indirect.gather @!p3 [hbm4b:s4+s15], $0x40, s12, s15, $0xb8;
	[tilespmem:$0x1C800] =	vst v63  }
0x136: {  	s13 =	simm.s32 @!p5 $0xE800;
	p0 =	por @p4 p0, p2;
	_ =	swait.ge @!p5 [sflag:s16], $0x2000  }
0x137: {  	p0 =	por p0, !p4;
	p2 =	seq.s32 s17, $0x1;
	[sflag:s16] =	ssyncset.done @!p5 $0x0  }
0x138: {  	p6 =	por p2, p2;
	s14 =	simm.s32 @!p5 $0x80;
	[sflag:s16] =	ssyncadd.s32 @!p5 $0xFFFFE000  }
0x139: {  	[spmem:s2] =	stream.indirect.scatter.add.f32 @!p5 [tilespmem:s13], [sflag:$0x8], $0x40, s10, s14, $0xb8;
	[tilespmem:$0x1C800] =	vst v63  }
0x13a: {  	p2 =	por !p6, p4;
	s14 =	simm.s32 @!p0 $0x6  }
0x13b: {  	p1 =	sgt.u32 @!p2 s3, $0x15;
	_ =	swait.ge @!p0 [sflag:s14], $0x2000  }
0x13c: {  	p3 =	por @!p4 p1, !p6;
	s21 =	sld [smem:$0x7F7]  }
0x13d: {  	p3 =	por p3, p4;
	[sflag:s14] =	ssyncset.done @!p0 $0x0  }
0x13e: {  	[sflag:s14] =	ssyncadd.s32 @!p0 $0xFFFFE000;
	s14 =	simm.s32 @!p3 $0x0  }
0x13f: {  	s15 =	simm.s32 @!p2 $0x1;
	s14 =	simm.s32 @p3 $0x1;
	p0 =	seq.s32 s21, $0x1  }
0x140: {  	[smem:$0x7FB] =	sst s14;
	s21 =	simm.s32 @!p0 $0x80;
	s22 =	simm.s32 @!p0 $0xA800  }
0x141: {  	[tilespmem:s22], [sflag:$0x2] =	stream.indirect.gather @!p0 [hbm4b:s4+s21], $0x40, s12, s21, $0xb8;
	[tilespmem:$0x1C800] =	vst v63  }
0x142: {  	_ =	swait.ge @!p2 [sflag:s15], $0x2000  }
0x143: {  	p5 =	slt.u32 @!p3 s3, $0x2;
	s22 =	sld [smem:$0x7F8]  }
0x144: {  	p1 =	por @!p2 p5, p1  }
0x145: {  	p1 =	por @!p4 p1, !p6  }
0x146: {  	p5 =	por p1, p4;
	p1 =	seq.s32 s22, $0x1  }
.Ltmp6:
0x147: {  	s20 =	smov.u32 s10;
	s19 =	smov.u32 s12;
	(pc) =	sbr.rel @p1 .LBB2_7-.Ltmp6, $4  }
0x148: {  	s17 =	simm.s32 @!p2 $0x80;
	s16 =	simm.s32 @!p2 $0x8800;
	s13 =	simm.s32 @!p3 $0x80  }
0x149: {  	s10 =	sadd.s32 $0x80, s10;
	s18 =	simm.s32 @!p5 $0x7;
	s14 =	simm.s32 @!p3 $0xC800  }
0x14a: {  	p3 =	por p6, p6;
	p6 =	por p6, p4;
	p0 =	por p4, p4  }
0x14b: {  	p4 =	sgt.u32 @!p6 s3, $0x15;
	s12 =	sadd.s32 $0x80, s12;
	[sflag:s15] =	ssyncset.done @!p2 $0x0  }
.Ltmp7:
0x14c: {  	_ = 	snop;
	(pc) =	sbr.rel .LBB2_8-.Ltmp7, $1  }
0x14d: {  	_ =	sdelay $0x3  }
.LBB2_10:
0x14e: {  	_ =	sfence.sel $0x180000  }
0x14f: {  	[bflag:$0x0] =	sbarrier.arrive $0xFFFF  }
0x150: {  	_ =	strace $0x90000050  }
0x151: {  	[bflag:$0x2] =	sbarrier.arrive $0xFFFF  }
0x152: {  	p0 =	sne.s32 s15, $0x0;
	s0 =	rddreg [dreg:$0x2]  }
0x153: {  	s0 =	sadd.s32 @!p0 $0x100000, s0  }
0x154: {  	[sflag:s0] =	ssyncadd.tile.s32 @!p0 $0x1;
	_ =	shalt  }
.Lfunc_end2:
_tile_overlayer_lowered:
.L_overlay_start_2:
0x155: {  	(tag) =	ssettag $0x2  }
0x156: {  	s0 =	rddreg [dreg:$0x0];
	s2 =	stileid.u32  }
0x157: {  	s1 =	rddreg [dreg:$0x1];
	p0 =	sne.s32 s2, $0x0  }
0x158: {  	s3 =	rddreg [dreg:$0x2];
	[bflag:$0x3] =	sbarrier.arrive $0xFFFF;
	s2 =	simm.s32 @!p0 $0x1C09  }
0x159: {  	[timem:s3], [sflag:s2] =	dma.local @!p0 [hbm:s0], s1  }
0x15a: {  	s0 =	simm.s32 @!p0 $0x9  }
0x15b: {  	_ =	swait.ge @!p0 [sflag:s0], s1  }
0x15c: {  	s1 =	ssub.s32 @!p0 $0x0, s1;
	[sflag:s0] =	ssyncset.done @!p0 $0x0  }
0x15d: {  	[sflag:s0] =	ssyncadd.s32 @!p0 s1  }
0x15e: {  	[bflag:$0x3] =	sbarrier.arrive $0xFFFF  }
0x15f: {  	_ =	shalt  }

// kernel: kernel.20.cloned.1.call-start
scs
__scs_entry_jumppad:
0x0: {  	(pc) =	sbr.rel $0x88, $3  }
0x1: {  	(tag) =	ssettag $0x0;
	lr =	simm.s32 $0x1  }
0x2: {  	[smem:$0x3F96] =	sst lr;
	_ =	strace $0xD0000000  }
0x3: {  	_ = 	snop  }
0x4: {  	_ = 	snop  }
0x5: {  	_ = 	snop  }
0x6: {  	_ = 	snop  }
0x7: {  	_ = 	snop  }
__scs_overlays_trampoline_lowered:
0x8: {  	[smem:$0x3FA5] =	sst s0  }
0x9: {  	[smem:$0x3FA6] =	sst s1  }
0xa: {  	[smem:$0x3FA7] =	sst s2  }
0xb: {  	[smem:$0x3FA8] =	sst s3  }
0xc: {  	[smem:$0x3FA9] =	sst s4  }
0xd: {  	[smem:$0x3FAA] =	sst s5  }
0xe: {  	[smem:$0x3FAB] =	sst s6  }
0xf: {  	[smem:$0x3FAC] =	sst s7  }
0x10: {  	[smem:$0x3FAD] =	sst s8  }
0x11: {  	[smem:$0x3FAE] =	sst s9;
	s0 =	simm.s32 @!p0 $0x0  }
0x12: {  	s1 =	sld [smem:$0x3F94];
	s0 =	simm.s32 @p0 $0x1  }
0x13: {  	[smem:$0x3FAF] =	sst s0;
	s0 =	simm.s32 @!p1 $0x0  }
0x14: {  	s2 =	sld [smem:$0x3F93];
	s0 =	simm.s32 @p1 $0x1  }
0x15: {  	[smem:$0x3FB0] =	sst s0;
	s0 =	simm.s32 @!p2 $0x0  }
0x16: {  	s3 =	sld [smem:$0x3FDB];
	s0 =	simm.s32 @p2 $0x1  }
0x17: {  	s4 =	simm.s32 $0x1BF5;
	[smem:$0x3FB2] =	sst s0  }
0x18: {  	s0 =	sld [smem:$0x3F95];
	_ =	swait.ge [sflag:s4], $0x0  }
0x19: {  	s7 =	sld [smem:$0x3F96]  }
0x1a: {  	s8 =	sadd.s32 $0xFFFFE003, lr  }
0x1b: {  	s9 =	sadd.s32 $0xFFFFFEF7, lr;
	s5 =	simm.s32 $0xFFFFFFFF;
	p2 =	slt.u32 s8, $0xFFFFF086  }
0x1c: {  	p1 =	slt.u32 s9, $0xF7A;
	s5 =	simm.s32 @!p2 $0x0  }
0x1d: {  	s5 =	simm.s32 @p1 $0x1;
	p0 =	seq.s32 s7, s2  }
0x1e: {  	s7 =	smul.u32 @!p0 $0xF7A, s2;
	p2 =	seq.s32 @!p0 s5, $0x0  }
0x1f: {  	s9 =	smul.u32 $0xF7A, s1;
	s8 =	simm.s32 @!p0 $0x1BF5;
	p2 =	por !p2, p0  }
0x20: {  	[sflag:s8] =	ssyncset.s32 @!p0 $0xFFFFF086;
	s6 =	sadd.s32 @!p0 s3, s7;
	s7 =	simm.s32 @!p0 $0x108  }
0x21: {  	s3 =	sadd.s32 s3, s9;
	s6 =	sadd.s32 @!p0 $0x88, s6;
	s7 =	simm.s32 @p2 $0x1082  }
0x22: {  	[simem:s7], [sflag:s8] =	dma.local @!p0 [hbm:s6], $0xF7A  }
0x23: {  	s9 =	sor.u32 $0xD0000000, s2;
	s6 =	simm.s32 $0x108;
	_ =	swait.ge @!p0 [sflag:s8], $0x0  }
0x24: {  	s3 =	sadd.s32 $0x88, s3;
	s6 =	simm.s32 @!p1 $0x1082;
	[sflag:s4] =	ssyncset.s32 $0xFFFFF086  }
0x25: {  	[simem:s6], [sflag:s4] =	dma.local [hbm:s3], $0xF7A  }
0x26: {  	[smem:$0x3F96] =	sst s1;
	(tag) =	ssettag s2;
	_ =	strace s9  }
0x27: {  	s1 =	sld [smem:$0x3FA6]  }
0x28: {  	s2 =	sld [smem:$0x3FA7]  }
0x29: {  	s4 =	sld [smem:$0x3FA9]  }
0x2a: {  	p0 =	seq.s32 s5, $0x0;
	s5 =	sld [smem:$0x3FAA]  }
0x2b: {  	s6 =	sld [smem:$0x3FAB]  }
0x2c: {  	s7 =	sld [smem:$0x3FAC]  }
0x2d: {  	s3 =	simm.s32 $0x108;
	s8 =	sld [smem:$0x3FAD]  }
0x2e: {  	s3 =	simm.s32 @!p0 $0x1082;
	s9 =	sld [smem:$0x3FAE]  }
0x2f: {  	lr =	sadd.s32 s0, s3;
	s0 =	sld [smem:$0x3FA5]  }
0x30: {  	s3 =	sld [smem:$0x3FA8]  }
0x31: {  	[smem:$0x3FB1] =	sst s10  }
0x32: {  	s10 =	sld [smem:$0x3FAF];
	_ =	sdelay $0x3  }
0x33: {  	p0 =	seq.s32 s10, $0x1;
	s10 =	sld [smem:$0x3FB1];
	_ =	sdelay $0x3  }
0x34: {  	[smem:$0x3FB1] =	sst s10  }
0x35: {  	s10 =	sld [smem:$0x3FB0];
	_ =	sdelay $0x3  }
0x36: {  	p1 =	seq.s32 s10, $0x1;
	s10 =	sld [smem:$0x3FB1];
	_ =	sdelay $0x3  }
0x37: {  	[smem:$0x3FB1] =	sst s10  }
0x38: {  	s10 =	sld [smem:$0x3FB2]  }
0x39: {  	_ = 	snop;
	(pc) =	sbr.ind lr, $3  }
0x3a: {  	_ = 	snop  }
0x3b: {  	_ = 	snop  }
0x3c: {  	p2 =	seq.s32 s10, $0x1;
	s10 =	sld [smem:$0x3FB1]  }
0x3d: {  	_ =	shalt  }
0x3e: {  	_ =	shalt  }
0x3f: {  	_ =	shalt  }
0x40: {  	_ =	shalt  }
0x41: {  	_ =	shalt  }
0x42: {  	_ =	shalt  }
0x43: {  	_ =	shalt  }
0x44: {  	_ =	shalt  }
0x45: {  	_ =	shalt  }
0x46: {  	_ =	shalt  }
0x47: {  	_ =	shalt  }
0x48: {  	_ =	shalt  }
0x49: {  	_ =	shalt  }
0x4a: {  	_ =	shalt  }
0x4b: {  	_ =	shalt  }
0x4c: {  	_ =	shalt  }
0x4d: {  	_ =	shalt  }
0x4e: {  	_ =	shalt  }
0x4f: {  	_ =	shalt  }
0x50: {  	_ =	shalt  }
0x51: {  	_ =	shalt  }
0x52: {  	_ =	shalt  }
0x53: {  	_ =	shalt  }
0x54: {  	_ =	shalt  }
0x55: {  	_ =	shalt  }
0x56: {  	_ =	shalt  }
0x57: {  	_ =	shalt  }
0x58: {  	_ =	shalt  }
0x59: {  	_ =	shalt  }
0x5a: {  	_ =	shalt  }
0x5b: {  	_ =	shalt  }
0x5c: {  	_ =	shalt  }
0x5d: {  	_ =	shalt  }
0x5e: {  	_ =	shalt  }
0x5f: {  	_ =	shalt  }
0x60: {  	_ =	shalt  }
0x61: {  	_ =	shalt  }
0x62: {  	_ =	shalt  }
0x63: {  	_ =	shalt  }
0x64: {  	_ =	shalt  }
0x65: {  	_ =	shalt  }
0x66: {  	_ =	shalt  }
0x67: {  	_ =	shalt  }
0x68: {  	_ =	shalt  }
0x69: {  	_ =	shalt  }
0x6a: {  	_ =	shalt  }
0x6b: {  	_ =	shalt  }
0x6c: {  	_ =	shalt  }
0x6d: {  	_ =	shalt  }
0x6e: {  	_ =	shalt  }
0x6f: {  	_ =	shalt  }
0x70: {  	_ =	shalt  }
0x71: {  	_ =	shalt  }
0x72: {  	_ =	shalt  }
0x73: {  	_ =	shalt  }
0x74: {  	_ =	shalt  }
0x75: {  	_ =	shalt  }
0x76: {  	_ =	shalt  }
0x77: {  	_ =	shalt  }
0x78: {  	_ =	shalt  }
0x79: {  	_ =	shalt  }
0x7a: {  	_ =	shalt  }
0x7b: {  	_ =	shalt  }
0x7c: {  	_ =	shalt  }
0x7d: {  	_ =	shalt  }
0x7e: {  	_ =	shalt  }
0x7f: {  	_ =	shalt  }
0x80: {  	_ =	shalt  }
0x81: {  	_ =	shalt  }
0x82: {  	_ =	shalt  }
0x83: {  	_ =	shalt  }
0x84: {  	_ =	shalt  }
0x85: {  	_ =	shalt  }
0x86: {  	_ =	shalt  }
0x87: {  	_ =	shalt  }
.Lfunc_end0:
.L_simem_size_0:
called_computation.3_lowered:
.L_overlay_start_0:
0x88: {  	s2 =	sld [smem:$0x3FD9]  }
0x89: {  	s3 =	sld [smem:$0x3FFE];
	_ =	sdelay $0x1  }
0x8a: {  	s1 =	srdreg.scid  }
0x8b: {  	s0 =	sand.u32 $0x1, s1  }
0x8c: {  	s17 =	sshll.u32 s0, $0xA;
	s2 =	sadd.s32 s3, s2  }
0x8d: {  	s2 =	sadd.s32 s2, s17  }
0x8e: {  	[smem:$0x3FBD] =	sst s2  }
0x8f: {  	_ = 	snop  }
0x90: {  	(tm) =	ssettm $0x1  }
0x91: {  	s18 =	sld [smem:$0x3FFB];
	_ =	sdelay $0x3  }
0x92: {  	_ =	strace s18  }
0x93: {  	s2 =	sld [smem:$0x3FFC];
	_ =	sdelay $0x3  }
0x94: {  	_ =	strace s2  }
0x95: {  	s2 =	sld [smem:$0x3FFD];
	_ =	sdelay $0x3  }
0x96: {  	_ =	strace s2  }
0x97: {  	_ =	strace $0x8FFFFFFF  }
0x98: {  	s19 =	sld [smem:$0x3FDB];
	_ =	sdelay $0x1  }
0x99: {  	s20 =	simm.s32 $_scs_section_size  }
0x9a: {  	s4 =	simm.s32 $_size__tile_overlayer_lowered;
	s5 =	simm.s32 $_tile_overlayer_lowered  }
0x9b: {  	s6 =	simm.s32 $0x1BFF;
	s21 =	sshll.u32 s5, $0x1;
	s3 =	sadd.s32 s20, s19  }
0x9c: {  	s22 =	simm.s32 $0x0;
	s4 =	sshll.u32 s4, $0x1;
	s5 =	sadd.s32 s21, s3  }
0x9d: {  	[timem:s22], [sflag:s6] =	dma.local [hbm:s5], s4  }
0x9e: {  	_ =	swait.ge [sflag:s6], s4  }
0x9f: {  	s4 =	ssub.s32 $0x0, s4;
	[sflag:s6] =	ssyncset.done $0x0  }
0xa0: {  	[sflag:s6] =	ssyncadd.s32 s4;
	_ =	sdelay $0x1  }
0xa1: {  	s23 =	simm.s32 $0x1B8B  }
0xa2: {  	_ =	swait.ge [sflag:s23], $0x1  }
0xa3: {  	[sflag:s23] =	ssyncset.done $0x0  }
0xa4: {  	[sflag:s23] =	ssyncadd.s32 $0xFFFFFFFF  }
0xa5: {  	s4 =	sld [smem:$0x0]  }
0xa6: {  	s5 =	sand.u32 $0xFFFFFFFE, s1  }
0xa7: {  	p0 =	sne.s32 s1, s5  }
0xa8: {  	s5 =	sshll.u32 @p0 s5, $0xE  }
0xa9: {  	s5 =	sadd.s32 @p0 $0x11B8D, s5;
	s6 =	sshll.u32 @p0 s4, $0x11  }
0xaa: {  	s5 =	sor.u32 @p0 s6, s5  }
0xab: {  	[sflag:s5] =	ssyncadd.remote.s32 @p0 $0x1;
	_ =	sdelay $0x1  }
0xac: {  	s5 =	simm.s32 @p0 $0x1B8D  }
0xad: {  	_ =	swait.eq @p0 [sflag:s5], $0x1  }
0xae: {  	[sflag:s5] =	ssyncadd.s32 @p0 $0xFFFFFFFF  }
0xaf: {  	s6 =	sshll.u32 @!p0 s1, $0xE  }
0xb0: {  	s6 =	sor.u32 @!p0 $0x4000, s6;
	s5 =	simm.s32 @!p0 $0x1B8D  }
0xb1: {  	s4 =	sshll.u32 @!p0 s4, $0x11;
	s6 =	sadd.s32 @!p0 $0x11B8D, s6;
	_ =	swait.eq @!p0 [sflag:s5], $0x1  }
0xb2: {  	s4 =	sor.u32 @!p0 s4, s6;
	[sflag:s5] =	ssyncadd.s32 @!p0 $0xFFFFFFFF  }
0xb3: {  	s25 =	simm.s32 $0x1B8E;
	s24 =	sld [smem:$0x3FFE];
	[sflag:s4] =	ssyncadd.remote.s32 @!p0 $0x1  }
0xb4: {  	s26 =	simm.s32 $execute0_lowered;
	[smem:$0x3FD2] =	sst s25  }
0xb5: {  	s5 =	sshll.u32 s26, $0x1;
	_ =	strace $0x80000052;
	[dreg:$0x1] =	wrdreg $0xFFFFFFFF  }
0xb6: {  	s28 =	simm.s32 $_size_execute0_lowered;
	s3 =	sadd.s32 s3, s5;
	[dreg:$0x0] =	wrdreg $0x0  }
0xb7: {  	s5 =	sshll.u32 s28, $0x1;
	[dreg:$0x2] =	wrdreg s3  }
0xb8: {  	[dreg:$0x3] =	wrdreg s5  }
0xb9: {  	[dreg:$0x4] =	wrdreg $0xC0  }
0xba: {  	_ =	task [dreg:s22], $0x5FFFF  }
0xbb: {  	[dreg:$0x1] =	wrdreg $0xFFFFFFFF  }
0xbc: {  	[dreg:$0x0] =	wrdreg $0x60  }
0xbd: {  	[dreg:$0x2] =	wrdreg s24  }
0xbe: {  	[dreg:$0x3] =	wrdreg $0x128000  }
0xbf: {  	[dreg:$0x4] =	wrdreg $0xB  }
0xc0: {  	_ =	task.clear_ibuf [dreg:s22], $0x5FFFF;
	_ =	strace $0x90000052  }
0xc1: {  	s29 =	simm.s32 $0xB;
	_ =	strace $0x80000054  }
0xc2: {  	_ =	swait.ge [sflag:s29], $0x1  }
0xc3: {  	[sflag:s29] =	ssyncadd.s32 $0xFFFFFFFF  }
0xc4: {  	_ =	strace $0x90000054  }
0xc5: {  	_ =	sfence  }
0xc6: {  	s30 =	sld [smem:$0x0];
	_ =	sdelay $0x2  }
0xc7: {  	s31 =	sshll.u32 s1, $0xD;
	s1 =	sshrl.u32 s1, $0x2  }
0xc8: {  	s4 =	sand.u32 $0x4000, s31;
	s1 =	sadd.s32 s1, s30  }
0xc9: {  	s0 =	sor.u32 s4, s0;
	s1 =	sshll.u32 s1, $0x11  }
0xca: {  	s0 =	sor.u32 s1, s0  }
0xcb: {  	s0 =	sadd.s32 $0x8F2B, s0  }
0xcc: {  	[sflag:s0] =	ssyncadd.remote.s32 $0x1  }
0xcd: {  	_ =	sfence.sel $0xFFFF  }
0xce: {  	[dreg:$0x0] =	wrdreg $0xFFFFFFFF;
	(pc) =	sbr.abs _section_cstart, $3  }
0xcf: {  	[dreg:$0x1] =	wrdreg $0xFFFFFFFF  }
0xd0: {  	_ =	task.clear_ibuf [dreg:s22], $0x2FFFF;
	_ =	strace $0x9FFFFFFF  }
0xd1: {  	(tm) =	ssettm $0x7FFFFFFF  }
tec
execute0_lowered:
.L_overlay_start_1:
0x0: {  	(tag) =	ssettag $0x1  }
0x1: {  	s0 =	rddreg [dreg:$0x0]  }
0x2: {  	s15 =	stileid.u32;
	s2 =	rddreg [dreg:$0x1]  }
0x3: {  	s16 =	simm.s32 $0x0;
	s3 =	srdreg.scid;
	s1 =	smul.u32 $0x18, s15  }
0x4: {  	s28 =	simm.s32 $0x10800;
	s29 =	simm.s32 $0x9;
	s4 =	smul.u32 $0x88, s15  }
0x5: {  	s3 =	sand.u32 $0x1, s3;
	[smem:$0x7FF] =	sst s16;
	s6 =	smul.u32 $0x28000, s15  }
0x6: {  	p0 =	seq.s32 s3, $0x0;
	_ =	strace $0x80000053;
	s23 =	ssub.s32 $0x2, s3  }
0x7: {  	s8 =	ssub.s32 $0x0, s3;
	s25 =	smul.u32 $0xA0000, s3;
	p6 =	sne.s32 s3, $0x0  }
0x8: {  	s1 =	sadd.s32 $0x880, s1;
	s9 =	sshrl.u32 s23, $0x1;
	s6 =	sshrl.u32 s6, $0x2  }
0x9: {  	s3 =	simm.s32 @!p6 $0x0;
	s5 =	smin.u32 s1, $0x978;
	s9 =	ssub.s32 s23, s9  }
0xa: {  	s21 =	sadd.s32 s6, s2;
	s3 =	simm.s32 @p6 $0x1;
	s1 =	ssub.s32 s1, s5  }
0xb: {  	s5 =	smov.u32 @p0 s4;
	s4 =	sadd.s32 $0x89800, s0;
	s19 =	smax.u32 s9, $0x1  }
0xc: {  	s20 =	sadd.s32 $0x2000, s21;
	s26 =	sadd.s32 $0x4000, s21;
	[smem:$0x7FD] =	sst s3  }
0xd: {  	s5 =	sshll.u32 s5, $0x4;
	s6 =	sand.u32 s1, s8;
	s1 =	sshll.u32 s1, $0x9  }
0xe: {  	s8 =	smul.u32 $0xA000, s15;
	s7 =	sadd.s32 s5, s0;
	s0 =	sadd.s32 $0x9D800, s0  }
0xf: {  	s24 =	sshra.s32 s1, $0x2;
	s6 =	sshll.u32 s6, $0x9;
	s17 =	sadd.s32 $0xBC00, s7  }
0x10: {  	s18 =	sadd.s32 $0x1200, s7;
	[dreg:$0x3] =	wrdreg s24;
	s7 =	sor.u32 $0x80, s24  }
0x11: {  	s13 =	sadd.s32 s25, s8;
	s14 =	sadd.s32 $0x4000, s8;
	s11 =	sadd.s32 $0x6000, s8  }
0x12: {  	s12 =	sadd.s32 $0x8000, s8;
	[dreg:$0x4] =	wrdreg s7;
	s7 =	sadd.s32 $0x2000, s8  }
0x13: {  	s9 =	sshrl.u32 s13, $0x3;
	s24 =	sadd.s32 s25, s14;
	s13 =	sadd.s32 s25, s11  }
0x14: {  	s1 =	sadd.s32 s25, s12;
	s12 =	sadd.s32 s12, s2;
	s10 =	sadd.s32 s25, s7  }
0x15: {  	s5 =	sadd.s32 s0, s9;
	s25 =	sshrl.u32 s13, $0x3;
	s1 =	sshrl.u32 s1, $0x3  }
0x16: {  	s9 =	sadd.s32 s14, s2;
	s13 =	sshrl.u32 s12, $0x3;
	s14 =	sadd.s32 $0x8000, s21  }
0x17: {  	s10 =	sshrl.u32 s10, $0x3;
	s23 =	sadd.s32 s0, s25;
	[dreg:$0xb] =	wrdreg s13  }
0x18: {  	s25 =	sadd.s32 $0x6000, s21;
	[dreg:$0xc] =	wrdreg s14;
	s30 =	sadd.s32 s0, s10  }
0x19: {  	s10 =	sshrl.u32 s24, $0x3;
	s24 =	sadd.s32 s0, s1;
	s1 =	sadd.s32 s8, s2  }
0x1a: {  	s8 =	sadd.s32 s7, s2;
	[dreg:$0x6] =	wrdreg s25;
	s22 =	sadd.s32 s0, s10  }
.Ltmp0:
0x1b: {  	s0 =	sshrl.u32 s1, $0x3;
	[dreg:$0x5] =	wrdreg s24;
	(pc) =	sbr.rel .LBB2_1-.Ltmp0, $4  }
0x1c: {  	s6 =	sshra.s32 s6, $0x2;
	s1 =	sshrl.u32 s8, $0x3;
	[dreg:$0x7] =	wrdreg s0  }
0x1d: {  	s10 =	sadd.s32 s11, s2;
	s8 =	sshrl.u32 s9, $0x3;
	[dreg:$0x8] =	wrdreg s1  }
0x1e: {  	s7 =	sadd.s32 $0x100, s6;
	s31 =	sshrl.u32 s10, $0x3;
	[dreg:$0x9] =	wrdreg s8  }
0x1f: {  	v0 =	vimm.f32 $0.0e+00;
	s11 =	sadd.s32 $0x4400, s6;
	s9 =	simm.s32 $0x0;
	[dreg:$0xa] =	wrdreg s31  }
.LBB2_8:
0x20: {  	[sflag:s15] =	ssyncadd.s32 @!p2 $0xFFFFE000  }
0x21: {  	[spmem:s2] =	stream.indirect.scatter.add.f32 @!p2 [tilespmem:s16], [sflag:$0x5], $0x40, s20, s17, $0xb8;
	[tilespmem:$0x1C800] =	vst v63  }
0x22: {  	_ =	swait.ge @!p5 [sflag:s18], $0x2000  }
0x23: {  	s12 =	sld [smem:$0x7FB]  }
0x24: {  	s6 =	simm.s32 @!p3 $0x0  }
0x25: {  	p1 =	por @!p0 p4, p3;
	s6 =	simm.s32 @p3 $0x1;
	[sflag:s18] =	ssyncset.done @!p5 $0x0  }
0x26: {  	[smem:$0x7ED] =	sst s6;
	[sflag:s18] =	ssyncadd.s32 @!p5 $0xFFFFE000;
	p3 =	seq.s32 s12, $0x1  }
0x27: {  	[tilespmem:s14], [sflag:$0x3] =	stream.indirect.gather @!p3 [hbm4b:s4+s13], $0x40, s19, s13, $0xb8;
	[tilespmem:$0x1C800] =	vst v63  }
0x28: {  	p1 =	por p1, p0;
	s13 =	sld [smem:$0x7ED]  }
0x29: {  	p3 =	slt.u32 @!p1 s3, $0x2;
	s3 =	simm.s32 @!p6 $0x2  }
0x2a: {  	p2 =	por p0, p0;
	s6 =	simm.s32 @!p6 $0xA800;
	_ =	swait.ge @!p6 [sflag:s3], $0x2000  }
0x2b: {  	p0 =	por @!p6 p3, p4;
	[sflag:s3] =	ssyncset.done @!p6 $0x0;
	p3 =	seq.s32 s13, $0x1  }
0x2c: {  	[sflag:s3] =	ssyncadd.s32 @!p6 $0xFFFFE000;
	s3 =	simm.s32 @!p6 $0x80;
	p0 =	por @!p2 p0, p3  }
0x2d: {  	[spmem:s2] =	stream.indirect.scatter.add.f32 @!p6 [tilespmem:s6], [sflag:$0x6], $0x40, s20, s3, $0xb8;
	[tilespmem:$0x1C800] =	vst v63  }
0x2e: {  	p0 =	por p0, p2  }
0x2f: {  	s3 =	simm.s32 @!p0 $0x8  }
0x30: {  	_ =	swait.ge @!p0 [sflag:s3], $0x2000  }
0x31: {  	s15 =	stileid.u32;
	s20 =	smov.u32 s25;
	s25 =	rddreg [dreg:$0x6]  }
0x32: {  	s21 =	smov.u32 s0;
	s22 =	smov.u32 s8;
	s14 =	sld [smem:$0x7FD]  }
0x33: {  	s16 =	simm.s32 $0x0;
	s17 =	smov.u32 s31;
	s0 =	rddreg [dreg:$0x7]  }
0x34: {  	s18 =	smov.u32 s23;
	s23 =	smov.u32 s1;
	s1 =	rddreg [dreg:$0x8]  }
0x35: {  	s6 =	simm.s32 @!p1 $0x80;
	[sflag:s3] =	ssyncset.done @!p0 $0x0;
	s8 =	rddreg [dreg:$0x9]  }
0x36: {  	s31 =	rddreg [dreg:$0xa];
	[sflag:s3] =	ssyncadd.s32 @!p0 $0xFFFFE000;
	s3 =	simm.s32 @!p1 $0xE800  }
0x37: {  	[tilespmem:s3], [sflag:$0x4] =	stream.indirect.gather @!p1 [hbm4b:s4+s6], $0x40, s19, s6, $0xb8;
	[tilespmem:$0x1C800] =	vst v63  }
0x38: {  	s19 =	smov.u32 s24;
	s24 =	rddreg [dreg:$0x5];
	p6 =	seq.s32 s14, $0x1  }
.LBB2_9:
0x39: {  	s3 =	simm.s32 $0x5  }
0x3a: {  	_ =	swait.ge [sflag:s3], $0x2000  }
0x3b: {  	[sflag:s3] =	ssyncset.done $0x0  }
0x3c: {  	s10 =	simm.s32 $0x6;
	[sflag:s3] =	ssyncadd.s32 $0xFFFFE000  }
0x3d: {  	_ =	swait.ge [sflag:s10], $0x2000  }
0x3e: {  	[sflag:s10] =	ssyncset.done $0x0  }
0x3f: {  	s12 =	simm.s32 $0x7;
	[sflag:s10] =	ssyncadd.s32 $0xFFFFE000  }
0x40: {  	_ =	swait.ge [sflag:s12], $0x2000  }
0x41: {  	[sflag:s12] =	ssyncset.done $0x0  }
0x42: {  	s13 =	simm.s32 $0x8;
	[sflag:s12] =	ssyncadd.s32 $0xFFFFE000  }
0x43: {  	_ =	swait.ge [sflag:s13], $0x2000  }
0x44: {  	[sflag:s13] =	ssyncset.done $0x0  }
0x45: {  	s14 =	sshll.u32 s15, $0x6;
	[sflag:s13] =	ssyncadd.s32 $0xFFFFE000  }
0x46: {  	s3 =	sor.u32 $0x1C09, s14;
	[bflag:$0x0] =	sbarrier.arrive $0xFFFF  }
0x47: {  	[hbm:s5], [sflag:s3] =	dma.local [spmem:s0], $0x400  }
0x48: {  	_ =	swait.ge [sflag:s29], $0x400  }
0x49: {  	[sflag:s29] =	ssyncset.done $0x0  }
0x4a: {  	[sflag:s29] =	ssyncadd.s32 $0xFFFFFC00  }
0x4b: {  	[hbm:s30], [sflag:s3] =	dma.local [spmem:s1], $0x400  }
0x4c: {  	_ =	swait.ge [sflag:s29], $0x400  }
0x4d: {  	[sflag:s29] =	ssyncset.done $0x0  }
0x4e: {  	[sflag:s29] =	ssyncadd.s32 $0xFFFFFC00  }
0x4f: {  	[hbm:s22], [sflag:s3] =	dma.local [spmem:s8], $0x400  }
0x50: {  	_ =	swait.ge [sflag:s29], $0x400  }
0x51: {  	[sflag:s29] =	ssyncset.done $0x0  }
0x52: {  	[sflag:s29] =	ssyncadd.s32 $0xFFFFFC00  }
0x53: {  	[hbm:s23], [sflag:s3] =	dma.local [spmem:s31], $0x400  }
0x54: {  	s9 =	sadd.s32 $0x1, s9;
	_ =	swait.ge [sflag:s29], $0x400  }
0x55: {  	p0 =	sne.s32 s9, s19;
	[sflag:s29] =	ssyncset.done $0x0  }
.Ltmp1:
0x56: {  	s6 =	rddreg [dreg:$0xb];
	[sflag:s29] =	ssyncadd.s32 $0xFFFFFC00;
	(pc) =	sbr.rel @!p0 .LBB2_10-.Ltmp1, $4  }
0x57: {  	[hbm:s24], [sflag:s3] =	dma.local [spmem:s6], $0x400  }
0x58: {  	_ =	swait.ge [sflag:s29], $0x400  }
0x59: {  	[sflag:s29] =	ssyncset.done $0x0  }
0x5a: {  	[sflag:s29] =	ssyncadd.s32 $0xFFFFFC00  }
.LBB2_1:
0x5b: {  	s6 =	simm.s32 $0x100;
	s3 =	simm.s32 $0x0  }
.LBB2_2:
0x5c: {  	p0 =	sne.s32 s6, $0x7F00;
	[tilespmem:s3+$0x10830] =	vst v0;
	s10 =	smov.u32 s6;
	s6 =	sadd.s32 $0x100, s6  }
.Ltmp2:
0x5d: {  	[tilespmem:s3+$0x10820] =	vst v0;
	(pc) =	sbr.rel @p0 .LBB2_2-.Ltmp2, $3  }
0x5e: {  	[tilespmem:s3+$0x10800] =	vst v0  }
0x5f: {  	[tilespmem:s3+$0x10810] =	vst v0;
	_ =	sdelay $0x1  }
0x60: {  	s3 =	sshra.s32 s10, $0x2  }
0x61: {  	[tilespmem:s3+$0x10830] =	vst v0  }
0x62: {  	[tilespmem:s3+$0x10820] =	vst v0  }
0x63: {  	[tilespmem:s3+$0x10800] =	vst v0  }
0x64: {  	[tilespmem:s3+$0x10810] =	vst v0  }
0x65: {  	[spmem:s21] =	stream.linear.scatter [tilespmem:s28], [sflag:$0x9], $0x2000, $0x38;
	[tilespmem:$0x1C800] =	vst v63  }
0x66: {  	_ =	swait.ge [sflag:s29], $0x2000  }
0x67: {  	[sflag:s29] =	ssyncset.done $0x0  }
0x68: {  	[sflag:s29] =	ssyncadd.s32 $0xFFFFE000  }
0x69: {  	[spmem:s20] =	stream.linear.scatter [tilespmem:s28], [sflag:$0x9], $0x2000, $0x38;
	[tilespmem:$0x1C800] =	vst v63  }
0x6a: {  	_ =	swait.ge [sflag:s29], $0x2000  }
0x6b: {  	[sflag:s29] =	ssyncset.done $0x0  }
0x6c: {  	[sflag:s29] =	ssyncadd.s32 $0xFFFFE000  }
0x6d: {  	[spmem:s26] =	stream.linear.scatter [tilespmem:s28], [sflag:$0x9], $0x2000, $0x38;
	[tilespmem:$0x1C800] =	vst v63  }
0x6e: {  	_ =	swait.ge [sflag:s29], $0x2000  }
0x6f: {  	[sflag:s29] =	ssyncset.done $0x0  }
0x70: {  	[sflag:s29] =	ssyncadd.s32 $0xFFFFE000  }
0x71: {  	[spmem:s25] =	stream.linear.scatter [tilespmem:s28], [sflag:$0x9], $0x2000, $0x38;
	[tilespmem:$0x1C800] =	vst v63  }
0x72: {  	_ =	swait.ge [sflag:s29], $0x2000  }
0x73: {  	[sflag:s29] =	ssyncset.done $0x0  }
0x74: {  	s13 =	rddreg [dreg:$0xc];
	[sflag:s29] =	ssyncadd.s32 $0xFFFFE000  }
0x75: {  	[spmem:s13] =	stream.linear.scatter [tilespmem:s28], [sflag:$0x9], $0x2000, $0x38;
	[tilespmem:$0x1C800] =	vst v63  }
0x76: {  	_ =	swait.ge [sflag:s29], $0x2000  }
0x77: {  	[sflag:s29] =	ssyncset.done $0x0  }
0x78: {  	[sflag:s29] =	ssyncadd.s32 $0xFFFFE000  }
0x79: {  	[tilespmem:s16], [sflag:$0x9] =	stream.linear.gather [hbm4b:s17+s16], $0x4400, $0x38;
	[tilespmem:$0x1C800] =	vst v63  }
0x7a: {  	_ =	swait.ge [sflag:s29], $0x4400  }
0x7b: {  	[sflag:s29] =	ssyncset.done $0x0  }
0x7c: {  	s14 =	simm.s32 $0x4400;
	[sflag:s29] =	ssyncadd.s32 $0xFFFFBC00  }
0x7d: {  	[tilespmem:s14], [sflag:$0x9] =	stream.linear.gather [hbm4b:s18+s16], $0x4400, $0x38;
	[tilespmem:$0x1C800] =	vst v63  }
.Ltmp3:
0x7e: {  	_ =	swait.ge [sflag:s29], $0x4400;
	(pc) =	sbr.rel @p6 .LBB2_6-.Ltmp3, $3  }
0x7f: {  	[sflag:s29] =	ssyncset.done $0x0  }
0x80: {  	[sflag:s29] =	ssyncadd.s32 $0xFFFFBC00  }
0x81: {  	[bflag:$0x0] =	sbarrier.arrive $0xFFFF;
	_ =	sdelay $0x1  }
0x82: {  	s3 =	simm.s32 $0x0;
	s6 =	simm.s32 $0x80;
	s10 =	simm.s32 $0x8800  }
0x83: {  	[tilespmem:s10], [sflag:$0x1] =	stream.indirect.gather [hbm4b:s4+s6], $0x40, s3, s6, $0xb8;
	[tilespmem:$0x1C800] =	vst v63  }
0x84: {  	s14 =	simm.s32 $0xA800  }
0x85: {  	[tilespmem:s14], [sflag:$0x2] =	stream.indirect.gather [hbm4b:s4+s6], $0x40, s6, s6, $0xb8;
	[tilespmem:$0x1C800] =	vst v63  }
0x86: {  	s10 =	smov.u32 s7;
	s6 =	smov.u32 s11  }
.LBB2_5:
0x87: {  	s12 =	sand.u32 $0x3, s3  }
0x88: {  	p1 =	sgt.s32 s12, $0x1  }
0x89: {  	p0 =	seq.s32 @p1 s12, $0x2  }
0x8a: {  	p2 =	por !p0, !p1  }
0x8b: {  	s13 =	simm.s32 @!p2 $0x3;
	p3 =	sgt.u32 @!p2 s3, $0x85  }
0x8c: {  	_ =	swait.ge @!p2 [sflag:s13], $0x2000;
	p4 =	por @p1 p3, !p0  }
0x8d: {  	s14 =	simm.s32 @!p2 $0xC800;
	[sflag:s13] =	ssyncset.done @!p2 $0x0;
	p4 =	por p4, !p1  }
0x8e: {  	[sflag:s13] =	ssyncadd.s32 @!p2 $0xFFFFE000;
	s13 =	simm.s32 @!p2 $0x80;
	p5 =	slt.u32 @!p4 s3, $0x2  }
0x8f: {  	[spmem:s2] =	stream.indirect.scatter.add.f32 @!p2 [tilespmem:s14], [sflag:$0x7], $0x40, s6, s13, $0xb8;
	[tilespmem:$0x1C800] =	vst v63  }
0x90: {  	p2 =	por @!p2 p5, p3  }
0x91: {  	p2 =	por @p1 p2, !p0  }
0x92: {  	p2 =	por p2, !p1  }
0x93: {  	s13 =	simm.s32 @!p2 $0x5  }
0x94: {  	_ =	swait.ge @!p2 [sflag:s13], $0x2000  }
0x95: {  	s14 =	simm.s32 @!p4 $0x8800;
	[sflag:s13] =	ssyncset.done @!p2 $0x0  }
0x96: {  	[sflag:s13] =	ssyncadd.s32 @!p2 $0xFFFFE000;
	s13 =	simm.s32 @!p4 $0x80;
	p2 =	por p0, !p1  }
0x97: {  	[tilespmem:s14], [sflag:$0x1] =	stream.indirect.gather @!p4 [hbm4b:s4+s13], $0x40, s10, s13, $0xb8;
	[tilespmem:$0x1C800] =	vst v63  }
0x98: {  	s13 =	simm.s32 @!p2 $0x4;
	p3 =	sgt.u32 @!p2 s3, $0x85  }
0x99: {  	_ =	swait.ge @!p2 [sflag:s13], $0x2000;
	p4 =	por @p1 p3, p0  }
0x9a: {  	s14 =	simm.s32 @!p2 $0xE800;
	[sflag:s13] =	ssyncset.done @!p2 $0x0;
	p4 =	por p4, !p1  }
0x9b: {  	[sflag:s13] =	ssyncadd.s32 @!p2 $0xFFFFE000;
	s13 =	simm.s32 @!p2 $0x80;
	p5 =	slt.u32 @!p4 s3, $0x2  }
0x9c: {  	[spmem:s2] =	stream.indirect.scatter.add.f32 @!p2 [tilespmem:s14], [sflag:$0x8], $0x40, s6, s13, $0xb8;
	[tilespmem:$0x1C800] =	vst v63  }
0x9d: {  	p2 =	por @!p2 p5, p3  }
0x9e: {  	p0 =	por @p1 p2, p0  }
0x9f: {  	p0 =	por p0, !p1  }
0xa0: {  	s13 =	simm.s32 @!p0 $0x6  }
0xa1: {  	_ =	swait.ge @!p0 [sflag:s13], $0x2000  }
0xa2: {  	s14 =	simm.s32 @!p4 $0xA800;
	[sflag:s13] =	ssyncset.done @!p0 $0x0  }
0xa3: {  	[sflag:s13] =	ssyncadd.s32 @!p0 $0xFFFFE000;
	s13 =	simm.s32 @!p4 $0x80;
	p0 =	seq.s32 @!p1 s12, $0x0  }
0xa4: {  	[tilespmem:s14], [sflag:$0x2] =	stream.indirect.gather @!p4 [hbm4b:s4+s13], $0x40, s10, s13, $0xb8;
	[tilespmem:$0x1C800] =	vst v63  }
0xa5: {  	p2 =	por !p0, p1  }
0xa6: {  	s12 =	simm.s32 @!p2 $0x1;
	p3 =	sgt.u32 @!p2 s3, $0x85  }
0xa7: {  	_ =	swait.ge @!p2 [sflag:s12], $0x2000;
	p4 =	por @!p1 p3, !p0  }
0xa8: {  	s13 =	simm.s32 @!p2 $0x8800;
	[sflag:s12] =	ssyncset.done @!p2 $0x0;
	p4 =	por p4, p1  }
0xa9: {  	[sflag:s12] =	ssyncadd.s32 @!p2 $0xFFFFE000;
	s12 =	simm.s32 @!p2 $0x80;
	p5 =	slt.u32 @!p4 s3, $0x2  }
0xaa: {  	[spmem:s2] =	stream.indirect.scatter.add.f32 @!p2 [tilespmem:s13], [sflag:$0x5], $0x40, s6, s12, $0xb8;
	[tilespmem:$0x1C800] =	vst v63  }
0xab: {  	p2 =	por @!p2 p5, p3  }
0xac: {  	p2 =	por @!p1 p2, !p0  }
0xad: {  	p2 =	por p2, p1  }
0xae: {  	s12 =	simm.s32 @!p2 $0x7  }
0xaf: {  	_ =	swait.ge @!p2 [sflag:s12], $0x2000  }
0xb0: {  	s13 =	simm.s32 @!p4 $0xC800;
	[sflag:s12] =	ssyncset.done @!p2 $0x0  }
0xb1: {  	[sflag:s12] =	ssyncadd.s32 @!p2 $0xFFFFE000;
	s12 =	simm.s32 @!p4 $0x80;
	p2 =	por p0, p1  }
0xb2: {  	[tilespmem:s13], [sflag:$0x3] =	stream.indirect.gather @!p4 [hbm4b:s4+s12], $0x40, s10, s12, $0xb8;
	[tilespmem:$0x1C800] =	vst v63  }
0xb3: {  	s12 =	simm.s32 @!p2 $0x2;
	p3 =	sgt.u32 @!p2 s3, $0x85  }
0xb4: {  	_ =	swait.ge @!p2 [sflag:s12], $0x2000;
	p4 =	por @!p1 p3, p0  }
0xb5: {  	s13 =	simm.s32 @!p2 $0xA800;
	[sflag:s12] =	ssyncset.done @!p2 $0x0;
	p4 =	por p4, p1  }
0xb6: {  	[sflag:s12] =	ssyncadd.s32 @!p2 $0xFFFFE000;
	s12 =	simm.s32 @!p2 $0x80;
	p5 =	slt.u32 @!p4 s3, $0x2  }
0xb7: {  	[spmem:s2] =	stream.indirect.scatter.add.f32 @!p2 [tilespmem:s13], [sflag:$0x6], $0x40, s6, s12, $0xb8;
	[tilespmem:$0x1C800] =	vst v63  }
0xb8: {  	p2 =	por @!p2 p5, p3  }
0xb9: {  	p0 =	por @!p1 p2, p0  }
0xba: {  	p0 =	por p0, p1  }
0xbb: {  	s12 =	simm.s32 @!p0 $0x8  }
0xbc: {  	_ =	swait.ge @!p0 [sflag:s12], $0x2000  }
0xbd: {  	s3 =	sadd.s32 $0x1, s3;
	[sflag:s12] =	ssyncset.done @!p0 $0x0  }
0xbe: {  	[sflag:s12] =	ssyncadd.s32 @!p0 $0xFFFFE000;
	p0 =	seq.s32 s3, $0x88  }
.Ltmp4:
0xbf: {  	_ = 	snop;
	(pc) =	sbr.rel @!p0 .LBB2_5-.Ltmp4, $4  }
0xc0: {  	_ = 	snop  }
0xc1: {  	s13 =	simm.s32 @!p4 $0xE800;
	s12 =	simm.s32 @!p4 $0x80  }
0xc2: {  	[tilespmem:s13], [sflag:$0x4] =	stream.indirect.gather @!p4 [hbm4b:s4+s12], $0x40, s10, s12, $0xb8;
	[tilespmem:$0x1C800] =	vst v63  }
0xc3: {  	s6 =	sadd.s32 $0x80, s6;
	s10 =	sadd.s32 $0x80, s10  }
.Ltmp5:
0xc4: {  	_ = 	snop;
	(pc) =	sbr.rel .LBB2_9-.Ltmp5, $1  }
0xc5: {  	_ =	sdelay $0x3  }
.LBB2_6:
0xc6: {  	s1 =	smov.u32 s23;
	s24 =	smov.u32 s19;
	s23 =	smov.u32 s18  }
0xc7: {  	s3 =	rddreg [dreg:$0x3];
	s6 =	simm.s32 $0x80;
	s10 =	simm.s32 $0x8800  }
0xc8: {  	[tilespmem:s10], [sflag:$0x1] =	stream.indirect.gather [hbm4b:s4+s6], $0x40, s3, s6, $0xb8;
	[tilespmem:$0x1C800] =	vst v63  }
0xc9: {  	s18 =	rddreg [dreg:$0x4];
	s19 =	simm.s32 $0xA800;
	s3 =	simm.s32 $0x0  }
0xca: {  	[tilespmem:s19], [sflag:$0x2] =	stream.indirect.gather [hbm4b:s4+s6], $0x40, s18, s6, $0xb8;
	[tilespmem:$0x1C800] =	vst v63  }
0xcb: {  	s6 =	sand.u32 $0x3, s3  }
0xcc: {  	p1 =	sgt.s32 s6, $0x1  }
0xcd: {  	p0 =	seq.s32 @p1 s6, $0x2  }
0xce: {  	p3 =	por !p0, !p1  }
0xcf: {  	p5 =	por @!p3 $0x0, $0x0  }
0xd0: {  	s10 =	simm.s32 @!p3 $0x3;
	p2 =	por @p1 p5, !p0  }
0xd1: {  	p4 =	por p1, p1;
	_ =	swait.ge @!p3 [sflag:s10], $0x2000;
	p2 =	por p2, !p1  }
0xd2: {  	s12 =	simm.s32 @!p3 $0xC800;
	[sflag:s10] =	ssyncset.done @!p3 $0x0;
	p6 =	por @!p2 $0x1, $0x1  }
0xd3: {  	[sflag:s10] =	ssyncadd.s32 @!p3 $0xFFFFE000;
	s10 =	simm.s32 @!p3 $0x80;
	p5 =	por @!p3 p6, p5  }
0xd4: {  	[spmem:s2] =	stream.indirect.scatter.add.f32 @!p3 [tilespmem:s12], [sflag:$0x7], $0x40, s11, s10, $0xb8;
	[tilespmem:$0x1C800] =	vst v63  }
0xd5: {  	p5 =	por @p4 p5, !p0  }
0xd6: {  	p5 =	por p5, !p4  }
0xd7: {  	s13 =	simm.s32 @!p5 $0x5  }
0xd8: {  	p1 =	seq.s32 @!p1 s6, $0x0;
	_ =	swait.ge @!p5 [sflag:s13], $0x2000  }
0xd9: {  	p3 =	por p0, !p4;
	s10 =	simm.s32 @!p2 $0x8800;
	[sflag:s13] =	ssyncset.done @!p5 $0x0  }
0xda: {  	s12 =	simm.s32 @!p2 $0x80;
	[sflag:s13] =	ssyncadd.s32 @!p5 $0xFFFFE000;
	s13 =	simm.s32 @!p3 $0x4  }
0xdb: {  	[tilespmem:s10], [sflag:$0x1] =	stream.indirect.gather @!p2 [hbm4b:s4+s12], $0x40, s7, s12, $0xb8;
	[tilespmem:$0x1C800] =	vst v63  }
0xdc: {  	p6 =	por @!p3 $0x0, $0x0;
	s6 =	simm.s32 @!p3 $0xE800;
	_ =	swait.ge @!p3 [sflag:s13], $0x2000  }
0xdd: {  	p5 =	por @p4 p6, p0;
	p6 =	por p1, p1;
	[sflag:s13] =	ssyncset.done @!p3 $0x0  }
0xde: {  	s10 =	simm.s32 @!p3 $0x80;
	p1 =	por p5, !p4;
	[sflag:s13] =	ssyncadd.s32 @!p3 $0xFFFFE000  }
0xdf: {  	[spmem:s2] =	stream.indirect.scatter.add.f32 @!p3 [tilespmem:s6], [sflag:$0x8], $0x40, s11, s10, $0xb8;
	[tilespmem:$0x1C800] =	vst v63  }
0xe0: {  	s6 =	simm.s32 @!p1 $0x0  }
0xe1: {  	p2 =	por !p6, p4;
	s6 =	simm.s32 @p1 $0x1;
	p1 =	por @!p1 $0x1, $0x1  }
0xe2: {  	p5 =	por @!p2 $0x0, $0x0;
	[smem:$0x7FC] =	sst s6;
	s6 =	simm.s32 @!p1 $0x0  }
0xe3: {  	s6 =	simm.s32 @p1 $0x1;
	p1 =	por @!p4 p5, !p6  }
0xe4: {  	[smem:$0x7F9] =	sst s6;
	s6 =	simm.s32 @!p1 $0x0  }
0xe5: {  	s25 =	smov.u32 s20;
	s6 =	simm.s32 @p1 $0x1;
	s20 =	sld [smem:$0x7F9]  }
0xe6: {  	s8 =	smov.u32 s22;
	s0 =	smov.u32 s21;
	[smem:$0x7FA] =	sst s6  }
0xe7: {  	s31 =	smov.u32 s17;
	s19 =	smov.u32 s7;
	s21 =	sld [smem:$0x7FA]  }
0xe8: {  	s15 =	simm.s32 @!p2 $0x1;
	p5 =	por @!p3 $0x0, $0x0;
	p1 =	seq.s32 s20, $0x1  }
0xe9: {  	s16 =	simm.s32 @!p2 $0x8800;
	s17 =	simm.s32 @!p2 $0x80;
	p3 =	por @!p3 p1, p5  }
0xea: {  	s6 =	simm.s32 $0x1;
	p5 =	seq.s32 s21, $0x1;
	p0 =	por @p4 p3, p0  }
0xeb: {  	s20 =	smov.u32 s11;
	p1 =	por p5, p4;
	p0 =	por p0, !p4  }
0xec: {  	p5 =	por @!p2 $0x0, $0x0;
	p3 =	por @!p1 $0x1, $0x1;
	s10 =	simm.s32 @!p0 $0x6  }
0xed: {  	s13 =	simm.s32 @!p1 $0x80;
	p3 =	por @!p2 p3, p5;
	_ =	swait.ge @!p0 [sflag:s10], $0x2000  }
0xee: {  	[sflag:s10] =	ssyncset.done @!p0 $0x0;
	p3 =	por @!p4 p3, !p6;
	s22 =	sld [smem:$0x7FC]  }
0xef: {  	s14 =	simm.s32 @!p1 $0xC800;
	[sflag:s10] =	ssyncadd.s32 @!p0 $0xFFFFE000;
	p5 =	por p3, p4  }
0xf0: {  	s10 =	simm.s32 @!p1 $0x0;
	p3 =	por p6, p6;
	p6 =	por p6, p4  }
0xf1: {  	s10 =	simm.s32 @p1 $0x1;
	s18 =	simm.s32 @!p5 $0x7;
	p0 =	seq.s32 s22, $0x1  }
0xf2: {  	[smem:$0x7FB] =	sst s10;
	s10 =	simm.s32 @!p0 $0x80;
	s12 =	simm.s32 @!p0 $0xA800  }
0xf3: {  	[tilespmem:s12], [sflag:$0x2] =	stream.indirect.gather @!p0 [hbm4b:s4+s10], $0x40, s7, s10, $0xb8;
	[tilespmem:$0x1C800] =	vst v63  }
0xf4: {  	p0 =	por p4, p4;
	s10 =	sadd.s32 $0x80, s11;
	_ =	swait.ge @!p2 [sflag:s15], $0x2000  }
0xf5: {  	p4 =	por @!p6 $0x0, $0x0;
	s12 =	sadd.s32 $0x80, s7;
	[sflag:s15] =	ssyncset.done @!p2 $0x0  }
.LBB2_7:
0xf6: {  	[sflag:s15] =	ssyncadd.s32 @!p2 $0xFFFFE000;
	s15 =	simm.s32 @!p3 $0x0  }
0xf7: {  	s15 =	simm.s32 @p3 $0x1  }
0xf8: {  	[spmem:s2] =	stream.indirect.scatter.add.f32 @!p2 [tilespmem:s16], [sflag:$0x5], $0x40, s20, s17, $0xb8;
	[tilespmem:$0x1C800] =	vst v63  }
0xf9: {  	[smem:$0x7ED] =	sst s15;
	s15 =	simm.s32 @!p4 $0x0  }
0xfa: {  	s15 =	simm.s32 @p4 $0x1  }
0xfb: {  	p3 =	por @!p0 p4, p3;
	[smem:$0x7EB] =	sst s15;
	s15 =	simm.s32 @!p0 $0x0  }
0xfc: {  	s15 =	simm.s32 @p0 $0x1;
	p0 =	por p3, p0  }
0xfd: {  	s21 =	sand.u32 $0x3, s6;
	[smem:$0x7EE] =	sst s15;
	s16 =	simm.s32 @!p0 $0x0  }
0xfe: {  	p1 =	sgt.s32 s21, $0x1;
	_ =	swait.ge @!p5 [sflag:s18], $0x2000;
	s16 =	simm.s32 @p0 $0x1  }
0xff: {  	p2 =	seq.s32 @p1 s21, $0x2;
	[smem:$0x7F1] =	sst s16  }
0x100: {  	p3 =	seq.s32 @!p1 s21, $0x0;
	s15 =	smov.u32 s6;
	s17 =	sld [smem:$0x7EB]  }
0x101: {  	p0 =	slt.u32 @!p0 s3, $0x2;
	s16 =	simm.s32 @!p2 $0x0;
	s21 =	sld [smem:$0x7ED]  }
0x102: {  	[sflag:s18] =	ssyncset.done @!p5 $0x0;
	s22 =	sld [smem:$0x7EE];
	s16 =	simm.s32 @p2 $0x1  }
0x103: {  	s3 =	simm.s32 @!p0 $0x0;
	[smem:$0x7F4] =	sst s16;
	s16 =	simm.s32 @!p3 $0x0  }
0x104: {  	s3 =	simm.s32 @p0 $0x1;
	s16 =	simm.s32 @p3 $0x1;
	p3 =	por !p2, !p1  }
0x105: {  	[sflag:s18] =	ssyncadd.s32 @!p5 $0xFFFFE000;
	[smem:$0x7EC] =	sst s3;
	p0 =	sgt.u32 @!p3 s15, $0x15  }
0x106: {  	p5 =	seq.s32 s17, $0x1;
	s18 =	sld [smem:$0x7EC];
	s3 =	simm.s32 @!p0 $0x0  }
0x107: {  	s17 =	sld [smem:$0x7FB];
	s3 =	simm.s32 @p0 $0x1;
	p0 =	por @p1 p0, !p2  }
0x108: {  	[smem:$0x7F0] =	sst s3;
	s3 =	simm.s32 @!p0 $0x0  }
0x109: {  	[smem:$0x7F5] =	sst s16;
	s3 =	simm.s32 @p0 $0x1  }
0x10a: {  	s6 =	sadd.s32 $0x1, s6;
	[smem:$0x7EF] =	sst s3  }
0x10b: {  	p0 =	sne.s32 s6, $0x18;
	s16 =	sld [smem:$0x7EF]  }
0x10c: {  	p4 =	seq.s32 s18, $0x1;
	p2 =	seq.s32 s22, $0x1;
	s3 =	simm.s32 @!p0 $0x0  }
0x10d: {  	p4 =	por @!p6 p4, p5;
	s3 =	simm.s32 @p0 $0x1;
	p0 =	seq.s32 s21, $0x1  }
0x10e: {  	p5 =	por @!p2 p4, p0;
	p4 =	seq.s32 s16, $0x1  }
0x10f: {  	[smem:$0x7F8] =	sst s3;
	p0 =	por p2, p2;
	p2 =	por p4, !p1  }
0x110: {  	p4 =	por p1, p1;
	p1 =	seq.s32 s17, $0x1;
	s3 =	simm.s32 @!p2 $0x0  }
0x111: {  	[tilespmem:s14], [sflag:$0x3] =	stream.indirect.gather @!p1 [hbm4b:s4+s13], $0x40, s19, s13, $0xb8;
	[tilespmem:$0x1C800] =	vst v63  }
0x112: {  	s3 =	simm.s32 @p2 $0x1  }
0x113: {  	[smem:$0x7F6] =	sst s3;
	s3 =	smov.u32 s15;
	s15 =	simm.s32 @!p6 $0x2  }
0x114: {  	s18 =	sld [smem:$0x7F0];
	_ =	swait.ge @!p6 [sflag:s15], $0x2000  }
0x115: {  	s21 =	sld [smem:$0x7F4];
	_ =	sdelay $0x1  }
0x116: {  	p1 =	seq.s32 s18, $0x1;
	p2 =	slt.u32 @!p2 s3, $0x2  }
0x117: {  	p1 =	por @!p3 p2, p1;
	p2 =	seq.s32 s21, $0x1  }
0x118: {  	p1 =	por @p4 p1, !p2  }
0x119: {  	p0 =	por p5, p0;
	[sflag:s15] =	ssyncset.done @!p6 $0x0;
	s14 =	simm.s32 @!p1 $0x0  }
0x11a: {  	s13 =	simm.s32 @!p6 $0xA800;
	[sflag:s15] =	ssyncadd.s32 @!p6 $0xFFFFE000;
	s14 =	simm.s32 @p1 $0x1  }
0x11b: {  	p5 =	por p2, !p4;
	[smem:$0x7F3] =	sst s14;
	s14 =	simm.s32 @!p6 $0x80  }
0x11c: {  	[spmem:s2] =	stream.indirect.scatter.add.f32 @!p6 [tilespmem:s13], [sflag:$0x6], $0x40, s20, s14, $0xb8;
	[tilespmem:$0x1C800] =	vst v63  }
0x11d: {  	p6 =	sgt.u32 @!p5 s3, $0x15  }
0x11e: {  	s13 =	simm.s32 @!p6 $0x0  }
0x11f: {  	s13 =	simm.s32 @p6 $0x1  }
0x120: {  	s15 =	simm.s32 @!p0 $0x8;
	p1 =	por p2, p2;
	[smem:$0x7F2] =	sst s13  }
0x121: {  	p1 =	por @p4 p6, p1;
	_ =	swait.ge @!p0 [sflag:s15], $0x2000  }
0x122: {  	p6 =	por p1, !p4;
	s22 =	sld [smem:$0x7F1]  }
0x123: {  	s17 =	simm.s32 @!p6 $0x0  }
0x124: {  	s16 =	simm.s32 @!p3 $0x3;
	s17 =	simm.s32 @p6 $0x1  }
0x125: {  	[sflag:s15] =	ssyncset.done @!p0 $0x0;
	[smem:$0x7F7] =	sst s17;
	p2 =	seq.s32 s22, $0x1  }
0x126: {  	[sflag:s15] =	ssyncadd.s32 @!p0 $0xFFFFE000;
	s13 =	simm.s32 @!p2 $0xE800;
	s14 =	simm.s32 @!p2 $0x80  }
0x127: {  	[tilespmem:s13], [sflag:$0x4] =	stream.indirect.gather @!p2 [hbm4b:s4+s14], $0x40, s19, s14, $0xb8;
	[tilespmem:$0x1C800] =	vst v63  }
0x128: {  	_ =	swait.ge @!p3 [sflag:s16], $0x2000  }
0x129: {  	s14 =	sld [smem:$0x7F2]  }
0x12a: {  	s15 =	sld [smem:$0x7F3];
	_ =	sdelay $0x1  }
0x12b: {  	p0 =	slt.u32 @!p6 s3, $0x2;
	s13 =	simm.s32 @!p3 $0x80;
	[sflag:s16] =	ssyncset.done @!p3 $0x0  }
0x12c: {  	[sflag:s16] =	ssyncadd.s32 @!p3 $0xFFFFE000;
	p1 =	seq.s32 s14, $0x1;
	p6 =	seq.s32 s15, $0x1  }
0x12d: {  	s14 =	simm.s32 @!p3 $0xC800;
	p0 =	por @!p5 p0, p1;
	p1 =	por p6, !p4  }
0x12e: {  	[spmem:s2] =	stream.indirect.scatter.add.f32 @!p3 [tilespmem:s14], [sflag:$0x7], $0x40, s10, s13, $0xb8;
	[tilespmem:$0x1C800] =	vst v63  }
0x12f: {  	s15 =	simm.s32 @!p1 $0x5  }
0x130: {  	s16 =	sld [smem:$0x7F4];
	_ =	swait.ge @!p1 [sflag:s15], $0x2000  }
0x131: {  	s18 =	sld [smem:$0x7F6];
	_ =	sdelay $0x1  }
0x132: {  	p2 =	seq.s32 s16, $0x1;
	s16 =	simm.s32 @!p5 $0x4  }
0x133: {  	s17 =	sld [smem:$0x7F5];
	[sflag:s15] =	ssyncset.done @!p1 $0x0;
	p3 =	seq.s32 s18, $0x1  }
0x134: {  	[sflag:s15] =	ssyncadd.s32 @!p1 $0xFFFFE000;
	s14 =	simm.s32 @!p3 $0x8800;
	s15 =	simm.s32 @!p3 $0x80  }
0x135: {  	[tilespmem:s14], [sflag:$0x1] =	stream.indirect.gather @!p3 [hbm4b:s4+s15], $0x40, s12, s15, $0xb8;
	[tilespmem:$0x1C800] =	vst v63  }
0x136: {  	s13 =	simm.s32 @!p5 $0xE800;
	p0 =	por @p4 p0, p2;
	_ =	swait.ge @!p5 [sflag:s16], $0x2000  }
0x137: {  	p0 =	por p0, !p4;
	p2 =	seq.s32 s17, $0x1;
	[sflag:s16] =	ssyncset.done @!p5 $0x0  }
0x138: {  	p6 =	por p2, p2;
	s14 =	simm.s32 @!p5 $0x80;
	[sflag:s16] =	ssyncadd.s32 @!p5 $0xFFFFE000  }
0x139: {  	[spmem:s2] =	stream.indirect.scatter.add.f32 @!p5 [tilespmem:s13], [sflag:$0x8], $0x40, s10, s14, $0xb8;
	[tilespmem:$0x1C800] =	vst v63  }
0x13a: {  	p2 =	por !p6, p4;
	s14 =	simm.s32 @!p0 $0x6  }
0x13b: {  	p1 =	sgt.u32 @!p2 s3, $0x15;
	_ =	swait.ge @!p0 [sflag:s14], $0x2000  }
0x13c: {  	p3 =	por @!p4 p1, !p6;
	s21 =	sld [smem:$0x7F7]  }
0x13d: {  	p3 =	por p3, p4;
	[sflag:s14] =	ssyncset.done @!p0 $0x0  }
0x13e: {  	[sflag:s14] =	ssyncadd.s32 @!p0 $0xFFFFE000;
	s14 =	simm.s32 @!p3 $0x0  }
0x13f: {  	s15 =	simm.s32 @!p2 $0x1;
	s14 =	simm.s32 @p3 $0x1;
	p0 =	seq.s32 s21, $0x1  }
0x140: {  	[smem:$0x7FB] =	sst s14;
	s21 =	simm.s32 @!p0 $0x80;
	s22 =	simm.s32 @!p0 $0xA800  }
0x141: {  	[tilespmem:s22], [sflag:$0x2] =	stream.indirect.gather @!p0 [hbm4b:s4+s21], $0x40, s12, s21, $0xb8;
	[tilespmem:$0x1C800] =	vst v63  }
0x142: {  	_ =	swait.ge @!p2 [sflag:s15], $0x2000  }
0x143: {  	p5 =	slt.u32 @!p3 s3, $0x2;
	s22 =	sld [smem:$0x7F8]  }
0x144: {  	p1 =	por @!p2 p5, p1  }
0x145: {  	p1 =	por @!p4 p1, !p6  }
0x146: {  	p5 =	por p1, p4;
	p1 =	seq.s32 s22, $0x1  }
.Ltmp6:
0x147: {  	s20 =	smov.u32 s10;
	s19 =	smov.u32 s12;
	(pc) =	sbr.rel @p1 .LBB2_7-.Ltmp6, $4  }
0x148: {  	s17 =	simm.s32 @!p2 $0x80;
	s16 =	simm.s32 @!p2 $0x8800;
	s13 =	simm.s32 @!p3 $0x80  }
0x149: {  	s10 =	sadd.s32 $0x80, s10;
	s18 =	simm.s32 @!p5 $0x7;
	s14 =	simm.s32 @!p3 $0xC800  }
0x14a: {  	p3 =	por p6, p6;
	p6 =	por p6, p4;
	p0 =	por p4, p4  }
0x14b: {  	p4 =	sgt.u32 @!p6 s3, $0x15;
	s12 =	sadd.s32 $0x80, s12;
	[sflag:s15] =	ssyncset.done @!p2 $0x0  }
.Ltmp7:
0x14c: {  	_ = 	snop;
	(pc) =	sbr.rel .LBB2_8-.Ltmp7, $1  }
0x14d: {  	_ =	sdelay $0x3  }
.LBB2_10:
0x14e: {  	_ =	sfence.sel $0x180000  }
0x14f: {  	[bflag:$0x0] =	sbarrier.arrive $0xFFFF  }
0x150: {  	_ =	strace $0x90000053  }
0x151: {  	[bflag:$0x2] =	sbarrier.arrive $0xFFFF  }
0x152: {  	p0 =	sne.s32 s15, $0x0;
	s0 =	rddreg [dreg:$0x2]  }
0x153: {  	s0 =	sadd.s32 @!p0 $0x100000, s0  }
0x154: {  	[sflag:s0] =	ssyncadd.tile.s32 @!p0 $0x1;
	_ =	shalt  }
.Lfunc_end2:
_tile_overlayer_lowered:
.L_overlay_start_2:
0x155: {  	(tag) =	ssettag $0x2  }
0x156: {  	s0 =	rddreg [dreg:$0x0];
	s2 =	stileid.u32  }
0x157: {  	s1 =	rddreg [dreg:$0x1];
	p0 =	sne.s32 s2, $0x0  }
0x158: {  	s3 =	rddreg [dreg:$0x2];
	[bflag:$0x3] =	sbarrier.arrive $0xFFFF;
	s2 =	simm.s32 @!p0 $0x1C09  }
0x159: {  	[timem:s3], [sflag:s2] =	dma.local @!p0 [hbm:s0], s1  }
0x15a: {  	s0 =	simm.s32 @!p0 $0x9  }
0x15b: {  	_ =	swait.ge @!p0 [sflag:s0], s1  }
0x15c: {  	s1 =	ssub.s32 @!p0 $0x0, s1;
	[sflag:s0] =	ssyncset.done @!p0 $0x0  }
0x15d: {  	[sflag:s0] =	ssyncadd.s32 @!p0 s1  }
0x15e: {  	[bflag:$0x3] =	sbarrier.arrive $0xFFFF  }
0x15f: {  	_ =	shalt  }

// kernel: kernel.23.cloned.1.call-start
scs
__scs_entry_jumppad:
0x0: {  	(pc) =	sbr.rel $0x88, $3  }
0x1: {  	(tag) =	ssettag $0x0;
	lr =	simm.s32 $0x1  }
0x2: {  	[smem:$0x3F96] =	sst lr;
	_ =	strace $0xD0000000  }
0x3: {  	_ = 	snop  }
0x4: {  	_ = 	snop  }
0x5: {  	_ = 	snop  }
0x6: {  	_ = 	snop  }
0x7: {  	_ = 	snop  }
__scs_overlays_trampoline_lowered:
0x8: {  	[smem:$0x3FA5] =	sst s0  }
0x9: {  	[smem:$0x3FA6] =	sst s1  }
0xa: {  	[smem:$0x3FA7] =	sst s2  }
0xb: {  	[smem:$0x3FA8] =	sst s3  }
0xc: {  	[smem:$0x3FA9] =	sst s4  }
0xd: {  	[smem:$0x3FAA] =	sst s5  }
0xe: {  	[smem:$0x3FAB] =	sst s6  }
0xf: {  	[smem:$0x3FAC] =	sst s7  }
0x10: {  	[smem:$0x3FAD] =	sst s8  }
0x11: {  	[smem:$0x3FAE] =	sst s9;
	s0 =	simm.s32 @!p0 $0x0  }
0x12: {  	s1 =	sld [smem:$0x3F94];
	s0 =	simm.s32 @p0 $0x1  }
0x13: {  	[smem:$0x3FAF] =	sst s0;
	s0 =	simm.s32 @!p1 $0x0  }
0x14: {  	s2 =	sld [smem:$0x3F93];
	s0 =	simm.s32 @p1 $0x1  }
0x15: {  	[smem:$0x3FB0] =	sst s0;
	s0 =	simm.s32 @!p2 $0x0  }
0x16: {  	s3 =	sld [smem:$0x3FDB];
	s0 =	simm.s32 @p2 $0x1  }
0x17: {  	s4 =	simm.s32 $0x1BF5;
	[smem:$0x3FB2] =	sst s0  }
0x18: {  	s0 =	sld [smem:$0x3F95];
	_ =	swait.ge [sflag:s4], $0x0  }
0x19: {  	s7 =	sld [smem:$0x3F96]  }
0x1a: {  	s8 =	sadd.s32 $0xFFFFE003, lr  }
0x1b: {  	s9 =	sadd.s32 $0xFFFFFEF7, lr;
	s5 =	simm.s32 $0xFFFFFFFF;
	p2 =	slt.u32 s8, $0xFFFFF086  }
0x1c: {  	p1 =	slt.u32 s9, $0xF7A;
	s5 =	simm.s32 @!p2 $0x0  }
0x1d: {  	s5 =	simm.s32 @p1 $0x1;
	p0 =	seq.s32 s7, s2  }
0x1e: {  	s7 =	smul.u32 @!p0 $0xF7A, s2;
	p2 =	seq.s32 @!p0 s5, $0x0  }
0x1f: {  	s9 =	smul.u32 $0xF7A, s1;
	s8 =	simm.s32 @!p0 $0x1BF5;
	p2 =	por !p2, p0  }
0x20: {  	[sflag:s8] =	ssyncset.s32 @!p0 $0xFFFFF086;
	s6 =	sadd.s32 @!p0 s3, s7;
	s7 =	simm.s32 @!p0 $0x108  }
0x21: {  	s3 =	sadd.s32 s3, s9;
	s6 =	sadd.s32 @!p0 $0x88, s6;
	s7 =	simm.s32 @p2 $0x1082  }
0x22: {  	[simem:s7], [sflag:s8] =	dma.local @!p0 [hbm:s6], $0xF7A  }
0x23: {  	s9 =	sor.u32 $0xD0000000, s2;
	s6 =	simm.s32 $0x108;
	_ =	swait.ge @!p0 [sflag:s8], $0x0  }
0x24: {  	s3 =	sadd.s32 $0x88, s3;
	s6 =	simm.s32 @!p1 $0x1082;
	[sflag:s4] =	ssyncset.s32 $0xFFFFF086  }
0x25: {  	[simem:s6], [sflag:s4] =	dma.local [hbm:s3], $0xF7A  }
0x26: {  	[smem:$0x3F96] =	sst s1;
	(tag) =	ssettag s2;
	_ =	strace s9  }
0x27: {  	s1 =	sld [smem:$0x3FA6]  }
0x28: {  	s2 =	sld [smem:$0x3FA7]  }
0x29: {  	s4 =	sld [smem:$0x3FA9]  }
0x2a: {  	p0 =	seq.s32 s5, $0x0;
	s5 =	sld [smem:$0x3FAA]  }
0x2b: {  	s6 =	sld [smem:$0x3FAB]  }
0x2c: {  	s7 =	sld [smem:$0x3FAC]  }
0x2d: {  	s3 =	simm.s32 $0x108;
	s8 =	sld [smem:$0x3FAD]  }
0x2e: {  	s3 =	simm.s32 @!p0 $0x1082;
	s9 =	sld [smem:$0x3FAE]  }
0x2f: {  	lr =	sadd.s32 s0, s3;
	s0 =	sld [smem:$0x3FA5]  }
0x30: {  	s3 =	sld [smem:$0x3FA8]  }
0x31: {  	[smem:$0x3FB1] =	sst s10  }
0x32: {  	s10 =	sld [smem:$0x3FAF];
	_ =	sdelay $0x3  }
0x33: {  	p0 =	seq.s32 s10, $0x1;
	s10 =	sld [smem:$0x3FB1];
	_ =	sdelay $0x3  }
0x34: {  	[smem:$0x3FB1] =	sst s10  }
0x35: {  	s10 =	sld [smem:$0x3FB0];
	_ =	sdelay $0x3  }
0x36: {  	p1 =	seq.s32 s10, $0x1;
	s10 =	sld [smem:$0x3FB1];
	_ =	sdelay $0x3  }
0x37: {  	[smem:$0x3FB1] =	sst s10  }
0x38: {  	s10 =	sld [smem:$0x3FB2]  }
0x39: {  	_ = 	snop;
	(pc) =	sbr.ind lr, $3  }
0x3a: {  	_ = 	snop  }
0x3b: {  	_ = 	snop  }
0x3c: {  	p2 =	seq.s32 s10, $0x1;
	s10 =	sld [smem:$0x3FB1]  }
0x3d: {  	_ =	shalt  }
0x3e: {  	_ =	shalt  }
0x3f: {  	_ =	shalt  }
0x40: {  	_ =	shalt  }
0x41: {  	_ =	shalt  }
0x42: {  	_ =	shalt  }
0x43: {  	_ =	shalt  }
0x44: {  	_ =	shalt  }
0x45: {  	_ =	shalt  }
0x46: {  	_ =	shalt  }
0x47: {  	_ =	shalt  }
0x48: {  	_ =	shalt  }
0x49: {  	_ =	shalt  }
0x4a: {  	_ =	shalt  }
0x4b: {  	_ =	shalt  }
0x4c: {  	_ =	shalt  }
0x4d: {  	_ =	shalt  }
0x4e: {  	_ =	shalt  }
0x4f: {  	_ =	shalt  }
0x50: {  	_ =	shalt  }
0x51: {  	_ =	shalt  }
0x52: {  	_ =	shalt  }
0x53: {  	_ =	shalt  }
0x54: {  	_ =	shalt  }
0x55: {  	_ =	shalt  }
0x56: {  	_ =	shalt  }
0x57: {  	_ =	shalt  }
0x58: {  	_ =	shalt  }
0x59: {  	_ =	shalt  }
0x5a: {  	_ =	shalt  }
0x5b: {  	_ =	shalt  }
0x5c: {  	_ =	shalt  }
0x5d: {  	_ =	shalt  }
0x5e: {  	_ =	shalt  }
0x5f: {  	_ =	shalt  }
0x60: {  	_ =	shalt  }
0x61: {  	_ =	shalt  }
0x62: {  	_ =	shalt  }
0x63: {  	_ =	shalt  }
0x64: {  	_ =	shalt  }
0x65: {  	_ =	shalt  }
0x66: {  	_ =	shalt  }
0x67: {  	_ =	shalt  }
0x68: {  	_ =	shalt  }
0x69: {  	_ =	shalt  }
0x6a: {  	_ =	shalt  }
0x6b: {  	_ =	shalt  }
0x6c: {  	_ =	shalt  }
0x6d: {  	_ =	shalt  }
0x6e: {  	_ =	shalt  }
0x6f: {  	_ =	shalt  }
0x70: {  	_ =	shalt  }
0x71: {  	_ =	shalt  }
0x72: {  	_ =	shalt  }
0x73: {  	_ =	shalt  }
0x74: {  	_ =	shalt  }
0x75: {  	_ =	shalt  }
0x76: {  	_ =	shalt  }
0x77: {  	_ =	shalt  }
0x78: {  	_ =	shalt  }
0x79: {  	_ =	shalt  }
0x7a: {  	_ =	shalt  }
0x7b: {  	_ =	shalt  }
0x7c: {  	_ =	shalt  }
0x7d: {  	_ =	shalt  }
0x7e: {  	_ =	shalt  }
0x7f: {  	_ =	shalt  }
0x80: {  	_ =	shalt  }
0x81: {  	_ =	shalt  }
0x82: {  	_ =	shalt  }
0x83: {  	_ =	shalt  }
0x84: {  	_ =	shalt  }
0x85: {  	_ =	shalt  }
0x86: {  	_ =	shalt  }
0x87: {  	_ =	shalt  }
.Lfunc_end0:
.L_simem_size_0:
called_computation.4_lowered:
.L_overlay_start_0:
0x88: {  	s2 =	sld [smem:$0x3FD9]  }
0x89: {  	s3 =	sld [smem:$0x3FFE];
	_ =	sdelay $0x1  }
0x8a: {  	s1 =	srdreg.scid  }
0x8b: {  	s0 =	sand.u32 $0x1, s1  }
0x8c: {  	s17 =	sshll.u32 s0, $0xA;
	s2 =	sadd.s32 s3, s2  }
0x8d: {  	s2 =	sadd.s32 s2, s17  }
0x8e: {  	[smem:$0x3FBD] =	sst s2  }
0x8f: {  	_ = 	snop  }
0x90: {  	(tm) =	ssettm $0x1  }
0x91: {  	s18 =	sld [smem:$0x3FFB];
	_ =	sdelay $0x3  }
0x92: {  	_ =	strace s18  }
0x93: {  	s2 =	sld [smem:$0x3FFC];
	_ =	sdelay $0x3  }
0x94: {  	_ =	strace s2  }
0x95: {  	s2 =	sld [smem:$0x3FFD];
	_ =	sdelay $0x3  }
0x96: {  	_ =	strace s2  }
0x97: {  	_ =	strace $0x8FFFFFFF  }
0x98: {  	s19 =	sld [smem:$0x3FDB];
	_ =	sdelay $0x1  }
0x99: {  	s20 =	simm.s32 $_scs_section_size  }
0x9a: {  	s4 =	simm.s32 $_size__tile_overlayer_lowered;
	s5 =	simm.s32 $_tile_overlayer_lowered  }
0x9b: {  	s6 =	simm.s32 $0x1BFF;
	s21 =	sshll.u32 s5, $0x1;
	s3 =	sadd.s32 s20, s19  }
0x9c: {  	s22 =	simm.s32 $0x0;
	s4 =	sshll.u32 s4, $0x1;
	s5 =	sadd.s32 s21, s3  }
0x9d: {  	[timem:s22], [sflag:s6] =	dma.local [hbm:s5], s4  }
0x9e: {  	_ =	swait.ge [sflag:s6], s4  }
0x9f: {  	s4 =	ssub.s32 $0x0, s4;
	[sflag:s6] =	ssyncset.done $0x0  }
0xa0: {  	[sflag:s6] =	ssyncadd.s32 s4;
	_ =	sdelay $0x1  }
0xa1: {  	s23 =	simm.s32 $0x1B8B  }
0xa2: {  	_ =	swait.ge [sflag:s23], $0x1  }
0xa3: {  	[sflag:s23] =	ssyncset.done $0x0  }
0xa4: {  	[sflag:s23] =	ssyncadd.s32 $0xFFFFFFFF  }
0xa5: {  	s4 =	sld [smem:$0x0]  }
0xa6: {  	s5 =	sand.u32 $0xFFFFFFFE, s1  }
0xa7: {  	p0 =	sne.s32 s1, s5  }
0xa8: {  	s5 =	sshll.u32 @p0 s5, $0xE  }
0xa9: {  	s5 =	sadd.s32 @p0 $0x11B8D, s5;
	s6 =	sshll.u32 @p0 s4, $0x11  }
0xaa: {  	s5 =	sor.u32 @p0 s6, s5  }
0xab: {  	[sflag:s5] =	ssyncadd.remote.s32 @p0 $0x1;
	_ =	sdelay $0x1  }
0xac: {  	s5 =	simm.s32 @p0 $0x1B8D  }
0xad: {  	_ =	swait.eq @p0 [sflag:s5], $0x1  }
0xae: {  	[sflag:s5] =	ssyncadd.s32 @p0 $0xFFFFFFFF  }
0xaf: {  	s6 =	sshll.u32 @!p0 s1, $0xE  }
0xb0: {  	s6 =	sor.u32 @!p0 $0x4000, s6;
	s5 =	simm.s32 @!p0 $0x1B8D  }
0xb1: {  	s4 =	sshll.u32 @!p0 s4, $0x11;
	s6 =	sadd.s32 @!p0 $0x11B8D, s6;
	_ =	swait.eq @!p0 [sflag:s5], $0x1  }
0xb2: {  	s4 =	sor.u32 @!p0 s4, s6;
	[sflag:s5] =	ssyncadd.s32 @!p0 $0xFFFFFFFF  }
0xb3: {  	s25 =	simm.s32 $0x1B8E;
	s24 =	sld [smem:$0x3FFE];
	[sflag:s4] =	ssyncadd.remote.s32 @!p0 $0x1  }
0xb4: {  	s26 =	simm.s32 $execute0_lowered;
	[smem:$0x3FD2] =	sst s25  }
0xb5: {  	s5 =	sshll.u32 s26, $0x1;
	_ =	strace $0x8000004C;
	[dreg:$0x1] =	wrdreg $0xFFFFFFFF  }
0xb6: {  	s28 =	simm.s32 $_size_execute0_lowered;
	s3 =	sadd.s32 s3, s5;
	[dreg:$0x0] =	wrdreg $0x0  }
0xb7: {  	s5 =	sshll.u32 s28, $0x1;
	[dreg:$0x2] =	wrdreg s3  }
0xb8: {  	[dreg:$0x3] =	wrdreg s5  }
0xb9: {  	[dreg:$0x4] =	wrdreg $0xC0  }
0xba: {  	_ =	task [dreg:s22], $0x5FFFF  }
0xbb: {  	[dreg:$0x1] =	wrdreg $0xFFFFFFFF  }
0xbc: {  	[dreg:$0x0] =	wrdreg $0x60  }
0xbd: {  	[dreg:$0x2] =	wrdreg s24  }
0xbe: {  	[dreg:$0x3] =	wrdreg $0x128000  }
0xbf: {  	[dreg:$0x4] =	wrdreg $0x9  }
0xc0: {  	_ =	task.clear_ibuf [dreg:s22], $0x5FFFF;
	_ =	strace $0x9000004C  }
0xc1: {  	s29 =	simm.s32 $0x9;
	_ =	strace $0x8000004E  }
0xc2: {  	_ =	swait.ge [sflag:s29], $0x1  }
0xc3: {  	[sflag:s29] =	ssyncadd.s32 $0xFFFFFFFF  }
0xc4: {  	_ =	strace $0x9000004E  }
0xc5: {  	_ =	sfence  }
0xc6: {  	s30 =	sld [smem:$0x0];
	_ =	sdelay $0x2  }
0xc7: {  	s31 =	sshll.u32 s1, $0xD;
	s1 =	sshrl.u32 s1, $0x2  }
0xc8: {  	s4 =	sand.u32 $0x4000, s31;
	s1 =	sadd.s32 s1, s30  }
0xc9: {  	s0 =	sor.u32 s4, s0;
	s1 =	sshll.u32 s1, $0x11  }
0xca: {  	s0 =	sor.u32 s1, s0  }
0xcb: {  	s0 =	sadd.s32 $0x8F2B, s0  }
0xcc: {  	[sflag:s0] =	ssyncadd.remote.s32 $0x1  }
0xcd: {  	_ =	sfence.sel $0xFFFF  }
0xce: {  	[dreg:$0x0] =	wrdreg $0xFFFFFFFF;
	(pc) =	sbr.abs _section_cstart, $3  }
0xcf: {  	[dreg:$0x1] =	wrdreg $0xFFFFFFFF  }
0xd0: {  	_ =	task.clear_ibuf [dreg:s22], $0x2FFFF;
	_ =	strace $0x9FFFFFFF  }
0xd1: {  	(tm) =	ssettm $0x7FFFFFFF  }
tec
execute0_lowered:
.L_overlay_start_1:
0x0: {  	(tag) =	ssettag $0x1  }
0x1: {  	s0 =	srdreg.scid  }
0x2: {  	s2 =	rddreg [dreg:$0x0];
	s18 =	stileid.u32;
	s1 =	simm.s32 $0x0  }
0x3: {  	s21 =	rddreg [dreg:$0x1];
	s0 =	sand.u32 $0x1, s0;
	s5 =	smul.u32 $0xA000, s18  }
0x4: {  	[smem:$0x7FF] =	sst s1;
	s6 =	sadd.s32 $0x25800, s2;
	s22 =	smul.u32 $0x28000, s18  }
0x5: {  	s23 =	sadd.s32 $0xB200, s2;
	s24 =	sadd.s32 $0x24C00, s2;
	s3 =	sshll.u32 s0, $0x4  }
0x6: {  	s4 =	smul.u32 $0xA0000, s0;
	s0 =	ssub.s32 $0x2, s0;
	s3 =	sor.u32 s18, s3  }
0x7: {  	s7 =	sshrl.u32 s0, $0x1;
	s9 =	sadd.s32 $0x2000, s5;
	s11 =	sadd.s32 $0x3000, s5  }
0x8: {  	s3 =	smul.u32 $0x500, s3;
	s8 =	sadd.s32 s4, s5;
	s0 =	ssub.s32 s0, s7  }
0x9: {  	s10 =	sadd.s32 s4, s9;
	s12 =	sadd.s32 s4, s11;
	s25 =	sshrl.u32 s8, $0x3  }
0xa: {  	s8 =	sor.u32 $0x1000, s5;
	s10 =	sshrl.u32 s10, $0x3;
	s13 =	sshrl.u32 s12, $0x3  }
0xb: {  	s12 =	sadd.s32 $0x5000, s5;
	s7 =	sadd.s32 s6, s25;
	s26 =	sadd.s32 s4, s8  }
0xc: {  	s3 =	sadd.s32 s3, s2;
	[dreg:$0x3] =	wrdreg s7;
	s7 =	sshrl.u32 s26, $0x3  }
0xd: {  	s2 =	sadd.s32 $0x25200, s2;
	s25 =	sshrl.u32 s22, $0x2;
	s7 =	sadd.s32 s6, s7  }
0xe: {  	s26 =	sadd.s32 $0xBC00, s3;
	[dreg:$0x4] =	wrdreg s7;
	s7 =	sadd.s32 s6, s10  }
0xf: {  	s3 =	sadd.s32 $0x1200, s3;
	s10 =	sadd.s32 $0x4000, s5;
	[dreg:$0x5] =	wrdreg s7  }
0x10: {  	s7 =	sadd.s32 s6, s13;
	s14 =	sadd.s32 s4, s10;
	s13 =	sadd.s32 s4, s12  }
0x11: {  	s10 =	sadd.s32 s10, s21;
	[dreg:$0x6] =	wrdreg s7;
	s7 =	sshrl.u32 s14, $0x3  }
0x12: {  	s14 =	sadd.s32 $0x6000, s5;
	s15 =	sshrl.u32 s13, $0x3;
	s13 =	sadd.s32 $0x7000, s5  }
0x13: {  	s7 =	sadd.s32 s6, s7;
	s16 =	sadd.s32 s4, s14;
	s19 =	sadd.s32 s4, s13  }
0x14: {  	[dreg:$0x7] =	wrdreg s7;
	s7 =	sadd.s32 s6, s15;
	s17 =	sshrl.u32 s16, $0x3  }
0x15: {  	s15 =	sadd.s32 $0x8000, s5;
	[dreg:$0x8] =	wrdreg s7;
	s7 =	sadd.s32 s6, s17  }
0x16: {  	s16 =	sadd.s32 s4, s15;
	s17 =	sadd.s32 $0x9000, s5;
	s15 =	sadd.s32 s15, s21  }
0x17: {  	[dreg:$0x9] =	wrdreg s7;
	s7 =	sshrl.u32 s19, $0x3;
	s20 =	sshrl.u32 s16, $0x3  }
0x18: {  	s4 =	sadd.s32 s4, s17;
	s19 =	sadd.s32 s25, s21;
	s18 =	sadd.s32 s17, s21  }
0x19: {  	s25 =	sshrl.u32 s10, $0x3;
	s30 =	sshrl.u32 s15, $0x3;
	s7 =	sadd.s32 s6, s7  }
0x1a: {  	s4 =	sshrl.u32 s4, $0x3;
	s31 =	sshrl.u32 s18, $0x3;
	s10 =	sadd.s32 $0x1000, s19  }
0x1b: {  	[dreg:$0xa] =	wrdreg s7;
	s7 =	sadd.s32 s6, s20;
	s4 =	sadd.s32 s6, s4  }
0x1c: {  	s20 =	smax.u32 s0, $0x1;
	s6 =	sadd.s32 s5, s21;
	[dreg:$0xb] =	wrdreg s7  }
0x1d: {  	s0 =	sadd.s32 $0x2000, s19;
	s5 =	sadd.s32 $0x7000, s19;
	[dreg:$0xc] =	wrdreg s4  }
0x1e: {  	s7 =	sadd.s32 s8, s21;
	s8 =	sadd.s32 s9, s21;
	s9 =	sadd.s32 s11, s21  }
0x1f: {  	s11 =	sadd.s32 s12, s21;
	_ =	strace $0x8000004D;
	[dreg:$0xd] =	wrdreg s23  }
0x20: {  	s12 =	sadd.s32 s14, s21;
	s14 =	sadd.s32 s13, s21;
	[dreg:$0xe] =	wrdreg s24  }
0x21: {  	s21 =	sshrl.u32 s6, $0x3;
	s4 =	sadd.s32 $0x6000, s19;
	[dreg:$0xf] =	wrdreg s2  }
0x22: {  	s6 =	sadd.s32 $0x8000, s19;
	s13 =	simm.s32 $0x11800;
	[dreg:$0x10] =	wrdreg s26  }
0x23: {  	[dreg:$0x11] =	wrdreg s3;
	s22 =	sshrl.u32 s7, $0x3;
	s23 =	sshrl.u32 s8, $0x3  }
0x24: {  	s24 =	sshrl.u32 s9, $0x3;
	s26 =	sshrl.u32 s11, $0x3;
	s28 =	sshrl.u32 s12, $0x3  }
0x25: {  	s29 =	sshrl.u32 s14, $0x3;
	s12 =	sadd.s32 $0x3000, s19;
	s2 =	sadd.s32 $0x4000, s19  }
0x26: {  	s3 =	sadd.s32 $0x5000, s19;
	s7 =	sadd.s32 $0x9000, s19;
	s8 =	simm.s32 $0x1  }
0x27: {  	v0 =	vimm.f32 $0.0e+00;
	s9 =	simm.s32 $0x2800;
	s11 =	simm.s32 $0x5000;
	s14 =	simm.s32 $0x0  }
.LBB2_1:
0x28: {  	s15 =	simm.s32 $0x40;
	s16 =	simm.s32 $0x0  }
.LBB2_2:
0x29: {  	p0 =	sne.s32 s15, $0x3FC0;
	[tilespmem:s16+$0x11800] =	vst v0;
	s16 =	smov.u32 s15;
	s15 =	sadd.s32 $0x40, s15  }
.Ltmp0:
0x2a: {  	(pc) =	sbr.rel @p0 .LBB2_2-.Ltmp0, $2  }
0x2b: {  	_ =	sdelay $0x2  }
0x2c: {  	s16 =	sshra.s32 s16, $0x2  }
0x2d: {  	[tilespmem:s16+$0x11800] =	vst v0;
	s15 =	simm.s32 $0x0;
	s17 =	rddreg [dreg:$0xd]  }
0x2e: {  	[tilespmem:s15], [sflag:$0x1] =	stream.linear.gather [hbm4b:s17+s15], $0x2800, $0x38;
	[tilespmem:$0x1C800] =	vst v63  }
0x2f: {  	_ =	swait.ge [sflag:s8], $0x2800  }
0x30: {  	[sflag:s8] =	ssyncset.done $0x0  }
0x31: {  	s18 =	rddreg [dreg:$0xe];
	[sflag:s8] =	ssyncadd.s32 $0xFFFFD800  }
0x32: {  	[tilespmem:s9], [sflag:$0x1] =	stream.linear.gather [hbm4b:s18+s15], $0x2800, $0x38;
	[tilespmem:$0x1C800] =	vst v63  }
0x33: {  	_ =	swait.ge [sflag:s8], $0x2800  }
0x34: {  	[sflag:s8] =	ssyncset.done $0x0  }
0x35: {  	s17 =	rddreg [dreg:$0xf];
	[sflag:s8] =	ssyncadd.s32 $0xFFFFD800  }
0x36: {  	[tilespmem:s11], [sflag:$0x1] =	stream.linear.gather [hbm4b:s17+s15], $0x2800, $0x38;
	[tilespmem:$0x1C800] =	vst v63  }
0x37: {  	_ =	swait.ge [sflag:s8], $0x2800  }
0x38: {  	[sflag:s8] =	ssyncset.done $0x0  }
0x39: {  	s17 =	simm.s32 $0x7800;
	s18 =	rddreg [dreg:$0x10];
	[sflag:s8] =	ssyncadd.s32 $0xFFFFD800  }
0x3a: {  	[tilespmem:s17], [sflag:$0x1] =	stream.linear.gather [hbm4b:s18+s15], $0x2800, $0x38;
	[tilespmem:$0x1C800] =	vst v63  }
0x3b: {  	_ =	swait.ge [sflag:s8], $0x2800  }
0x3c: {  	[sflag:s8] =	ssyncset.done $0x0  }
0x3d: {  	s18 =	simm.s32 $0xA000;
	s17 =	rddreg [dreg:$0x11];
	[sflag:s8] =	ssyncadd.s32 $0xFFFFD800  }
0x3e: {  	[tilespmem:s18], [sflag:$0x1] =	stream.linear.gather [hbm4b:s17+s15], $0x2800, $0x38;
	[tilespmem:$0x1C800] =	vst v63  }
0x3f: {  	_ =	swait.ge [sflag:s8], $0x2800  }
0x40: {  	[sflag:s8] =	ssyncset.done $0x0  }
0x41: {  	[sflag:s8] =	ssyncadd.s32 $0xFFFFD800  }
0x42: {  	[spmem:s19] =	stream.linear.scatter [tilespmem:s13], [sflag:$0x1], $0x1000, $0x38;
	[tilespmem:$0x1C800] =	vst v63  }
0x43: {  	_ =	swait.ge [sflag:s8], $0x1000  }
0x44: {  	[sflag:s8] =	ssyncset.done $0x0  }
0x45: {  	[sflag:s8] =	ssyncadd.s32 $0xFFFFF000  }
0x46: {  	[spmem:s10] =	stream.linear.scatter [tilespmem:s13], [sflag:$0x1], $0x1000, $0x38;
	[tilespmem:$0x1C800] =	vst v63  }
0x47: {  	_ =	swait.ge [sflag:s8], $0x1000  }
0x48: {  	[sflag:s8] =	ssyncset.done $0x0  }
0x49: {  	[sflag:s8] =	ssyncadd.s32 $0xFFFFF000  }
0x4a: {  	[spmem:s0] =	stream.linear.scatter [tilespmem:s13], [sflag:$0x1], $0x1000, $0x38;
	[tilespmem:$0x1C800] =	vst v63  }
0x4b: {  	_ =	swait.ge [sflag:s8], $0x1000  }
0x4c: {  	[sflag:s8] =	ssyncset.done $0x0  }
0x4d: {  	[sflag:s8] =	ssyncadd.s32 $0xFFFFF000  }
0x4e: {  	[spmem:s12] =	stream.linear.scatter [tilespmem:s13], [sflag:$0x1], $0x1000, $0x38;
	[tilespmem:$0x1C800] =	vst v63  }
0x4f: {  	_ =	swait.ge [sflag:s8], $0x1000  }
0x50: {  	[sflag:s8] =	ssyncset.done $0x0  }
0x51: {  	[sflag:s8] =	ssyncadd.s32 $0xFFFFF000  }
0x52: {  	[spmem:s2] =	stream.linear.scatter [tilespmem:s13], [sflag:$0x1], $0x1000, $0x38;
	[tilespmem:$0x1C800] =	vst v63  }
0x53: {  	_ =	swait.ge [sflag:s8], $0x1000  }
0x54: {  	[sflag:s8] =	ssyncset.done $0x0  }
0x55: {  	[sflag:s8] =	ssyncadd.s32 $0xFFFFF000  }
0x56: {  	[spmem:s3] =	stream.linear.scatter [tilespmem:s13], [sflag:$0x1], $0x1000, $0x38;
	[tilespmem:$0x1C800] =	vst v63  }
0x57: {  	_ =	swait.ge [sflag:s8], $0x1000  }
0x58: {  	[sflag:s8] =	ssyncset.done $0x0  }
0x59: {  	[sflag:s8] =	ssyncadd.s32 $0xFFFFF000  }
0x5a: {  	[spmem:s4] =	stream.linear.scatter [tilespmem:s13], [sflag:$0x1], $0x1000, $0x38;
	[tilespmem:$0x1C800] =	vst v63  }
0x5b: {  	_ =	swait.ge [sflag:s8], $0x1000  }
0x5c: {  	[sflag:s8] =	ssyncset.done $0x0  }
0x5d: {  	[sflag:s8] =	ssyncadd.s32 $0xFFFFF000  }
0x5e: {  	[spmem:s5] =	stream.linear.scatter [tilespmem:s13], [sflag:$0x1], $0x1000, $0x38;
	[tilespmem:$0x1C800] =	vst v63  }
0x5f: {  	_ =	swait.ge [sflag:s8], $0x1000  }
0x60: {  	[sflag:s8] =	ssyncset.done $0x0  }
0x61: {  	[sflag:s8] =	ssyncadd.s32 $0xFFFFF000  }
0x62: {  	[spmem:s6] =	stream.linear.scatter [tilespmem:s13], [sflag:$0x1], $0x1000, $0x38;
	[tilespmem:$0x1C800] =	vst v63  }
0x63: {  	_ =	swait.ge [sflag:s8], $0x1000  }
0x64: {  	[sflag:s8] =	ssyncset.done $0x0  }
0x65: {  	[sflag:s8] =	ssyncadd.s32 $0xFFFFF000  }
0x66: {  	[spmem:s7] =	stream.linear.scatter [tilespmem:s13], [sflag:$0x1], $0x1000, $0x38;
	[tilespmem:$0x1C800] =	vst v63  }
0x67: {  	_ =	swait.ge [sflag:s8], $0x1000  }
0x68: {  	[sflag:s8] =	ssyncset.done $0x0  }
0x69: {  	[sflag:s8] =	ssyncadd.s32 $0xFFFFF000  }
0x6a: {  	s15 =	simm.s32 $0x0;
	[bflag:$0x0] =	sbarrier.arrive $0xFFFF  }
0x6b: {  	v1 =	vld [tilespmem:s15+$0x7800]  }
0x6c: {  	v2 =	vld [tilespmem:s15+$0xA000];
	_ =	sdelay $0x6  }
0x6d: {  	v5 =	vld.idx.msk [tilespmem:v1+s1+$0x0], $0xffff  }
0x6e: {  	v6 =	vld.idx.msk [tilespmem:v2+s9+$0x0], $0xffff  }
0x6f: {  	s16 =	simm.s32 $0x10;
	v4 =	vld.idx.msk [tilespmem:v2+s11+$0x0], $0xffff  }
0x70: {  	v2 =	vld [tilespmem:s16+$0x7800]  }
0x71: {  	v3 =	vld [tilespmem:s16+$0xA000];
	_ =	sdelay $0x2  }
0x72: {  	s17 =	simm.s32 $0x80;
	v5 =	vmul.f32 v6, v5  }
.LBB2_4:
0x73: {  	p0 =	sne.s32 s17, $0x9FC0;
	v4 =	vadd.s32 v1, v4;
	v1 =	vmov v2;
	s18 =	smov.u32 s17;
	s17 =	sadd.s32 $0x40, s17  }
0x74: {  	[tilespmem:s15+$0xC800] =	vst v5  }
0x75: {  	[tilespmem:s15+$0xF000] =	vst v4;
	s15 =	smov.u32 s16  }
0x76: {  	v5 =	vld.idx.msk [tilespmem:v2+s1+$0x0], $0xffff  }
0x77: {  	v6 =	vld.idx.msk [tilespmem:v3+s9+$0x0], $0xffff  }
0x78: {  	s16 =	sshra.s32 s18, $0x2;
	v4 =	vld.idx.msk [tilespmem:v3+s11+$0x0], $0xffff  }
.Ltmp1:
0x79: {  	v2 =	vld [tilespmem:s16+$0x7800];
	(pc) =	sbr.rel @p0 .LBB2_4-.Ltmp1, $2  }
0x7a: {  	v3 =	vld [tilespmem:s16+$0xA000];
	_ =	sdelay $0x2  }
0x7b: {  	v5 =	vmul.f32 v6, v5  }
0x7c: {  	_ =	sdelay $0x1  }
0x7d: {  	v1 =	vadd.s32 v1, v4;
	[tilespmem:s15+$0xC800] =	vst v5  }
0x7e: {  	[tilespmem:s15+$0xF000] =	vst v1  }
0x7f: {  	v1 =	vld.idx.msk [tilespmem:v2+s1+$0x0], $0xffff  }
0x80: {  	v63 =	vld.idx.msk [tilespmem:v3+s9+$0x0], $0xffff  }
0x81: {  	v3 =	vld.idx.msk [tilespmem:v3+s11+$0x0], $0xffff;
	_ =	sdelay $0x4  }
0x82: {  	v1 =	vmul.f32 v63, v1;
	v2 =	vadd.s32 v2, v3  }
0x83: {  	[tilespmem:s16+$0xF000] =	vst v2  }
0x84: {  	s18 =	simm.s32 $0xF000;
	s17 =	simm.s32 $0xC800;
	[tilespmem:s16+$0xC800] =	vst v1;
	s16 =	rddreg [dreg:$0x1]  }
0x85: {  	[spmem:s16] =	stream.indirect.scatter.add.f32 [tilespmem:s17], [sflag:$0x1], $0x1, s18, s9, $0xb8;
	[tilespmem:$0x1C800] =	vst v63  }
0x86: {  	_ =	swait.ge [sflag:s8], $0x2800  }
0x87: {  	[sflag:s8] =	ssyncset.done $0x0  }
0x88: {  	s16 =	stileid.u32;
	[sflag:s8] =	ssyncadd.s32 $0xFFFFD800  }
0x89: {  	s15 =	sshll.u32 s16, $0x6;
	[bflag:$0x0] =	sbarrier.arrive $0xFFFF  }
0x8a: {  	s15 =	sor.u32 $0x1C01, s15;
	s17 =	rddreg [dreg:$0x3]  }
0x8b: {  	[hbm:s17], [sflag:s15] =	dma.local [spmem:s21], $0x200  }
0x8c: {  	_ =	swait.ge [sflag:s8], $0x200  }
0x8d: {  	[sflag:s8] =	ssyncset.done $0x0  }
0x8e: {  	s18 =	rddreg [dreg:$0x4];
	[sflag:s8] =	ssyncadd.s32 $0xFFFFFE00  }
0x8f: {  	[hbm:s18], [sflag:s15] =	dma.local [spmem:s22], $0x200  }
0x90: {  	_ =	swait.ge [sflag:s8], $0x200  }
0x91: {  	[sflag:s8] =	ssyncset.done $0x0  }
0x92: {  	s17 =	rddreg [dreg:$0x5];
	[sflag:s8] =	ssyncadd.s32 $0xFFFFFE00  }
0x93: {  	[hbm:s17], [sflag:s15] =	dma.local [spmem:s23], $0x200  }
0x94: {  	_ =	swait.ge [sflag:s8], $0x200  }
0x95: {  	[sflag:s8] =	ssyncset.done $0x0  }
0x96: {  	s18 =	rddreg [dreg:$0x6];
	[sflag:s8] =	ssyncadd.s32 $0xFFFFFE00  }
0x97: {  	[hbm:s18], [sflag:s15] =	dma.local [spmem:s24], $0x200  }
0x98: {  	_ =	swait.ge [sflag:s8], $0x200  }
0x99: {  	[sflag:s8] =	ssyncset.done $0x0  }
0x9a: {  	s17 =	rddreg [dreg:$0x7];
	[sflag:s8] =	ssyncadd.s32 $0xFFFFFE00  }
0x9b: {  	[hbm:s17], [sflag:s15] =	dma.local [spmem:s25], $0x200  }
0x9c: {  	_ =	swait.ge [sflag:s8], $0x200  }
0x9d: {  	[sflag:s8] =	ssyncset.done $0x0  }
0x9e: {  	s18 =	rddreg [dreg:$0x8];
	[sflag:s8] =	ssyncadd.s32 $0xFFFFFE00  }
0x9f: {  	[hbm:s18], [sflag:s15] =	dma.local [spmem:s26], $0x200  }
0xa0: {  	_ =	swait.ge [sflag:s8], $0x200  }
0xa1: {  	[sflag:s8] =	ssyncset.done $0x0  }
0xa2: {  	s17 =	rddreg [dreg:$0x9];
	[sflag:s8] =	ssyncadd.s32 $0xFFFFFE00  }
0xa3: {  	[hbm:s17], [sflag:s15] =	dma.local [spmem:s28], $0x200  }
0xa4: {  	_ =	swait.ge [sflag:s8], $0x200  }
0xa5: {  	[sflag:s8] =	ssyncset.done $0x0  }
0xa6: {  	s18 =	rddreg [dreg:$0xa];
	[sflag:s8] =	ssyncadd.s32 $0xFFFFFE00  }
0xa7: {  	[hbm:s18], [sflag:s15] =	dma.local [spmem:s29], $0x200  }
0xa8: {  	_ =	swait.ge [sflag:s8], $0x200  }
0xa9: {  	[sflag:s8] =	ssyncset.done $0x0  }
0xaa: {  	s17 =	rddreg [dreg:$0xb];
	[sflag:s8] =	ssyncadd.s32 $0xFFFFFE00  }
0xab: {  	[hbm:s17], [sflag:s15] =	dma.local [spmem:s30], $0x200  }
0xac: {  	s14 =	sadd.s32 $0x1, s14;
	_ =	swait.ge [sflag:s8], $0x200  }
0xad: {  	p0 =	sne.s32 s14, s20;
	[sflag:s8] =	ssyncset.done $0x0  }
.Ltmp2:
0xae: {  	s18 =	rddreg [dreg:$0xc];
	[sflag:s8] =	ssyncadd.s32 $0xFFFFFE00;
	(pc) =	sbr.rel @p0 .LBB2_1-.Ltmp2, $4  }
0xaf: {  	[hbm:s18], [sflag:s15] =	dma.local [spmem:s31], $0x200  }
0xb0: {  	_ =	swait.ge [sflag:s8], $0x200  }
0xb1: {  	[sflag:s8] =	ssyncset.done $0x0  }
0xb2: {  	[sflag:s8] =	ssyncadd.s32 $0xFFFFFE00  }
0xb3: {  	_ =	sfence.sel $0x180000  }
0xb4: {  	[bflag:$0x0] =	sbarrier.arrive $0xFFFF  }
0xb5: {  	_ =	strace $0x9000004D  }
0xb6: {  	s0 =	stileid.u32;
	[bflag:$0x2] =	sbarrier.arrive $0xFFFF  }
0xb7: {  	p0 =	sne.s32 s0, $0x0;
	s0 =	rddreg [dreg:$0x2]  }
0xb8: {  	s0 =	sadd.s32 @!p0 $0x100000, s0  }
0xb9: {  	[sflag:s0] =	ssyncadd.tile.s32 @!p0 $0x1;
	_ =	shalt  }
.Lfunc_end2:
_tile_overlayer_lowered:
.L_overlay_start_2:
0xba: {  	(tag) =	ssettag $0x2  }
0xbb: {  	s0 =	rddreg [dreg:$0x0];
	s2 =	stileid.u32  }
0xbc: {  	s1 =	rddreg [dreg:$0x1];
	p0 =	sne.s32 s2, $0x0  }
0xbd: {  	s3 =	rddreg [dreg:$0x2];
	[bflag:$0x3] =	sbarrier.arrive $0xFFFF;
	s2 =	simm.s32 @!p0 $0x1C01  }
0xbe: {  	[timem:s3], [sflag:s2] =	dma.local @!p0 [hbm:s0], s1  }
0xbf: {  	s0 =	simm.s32 @!p0 $0x1  }
0xc0: {  	_ =	swait.ge @!p0 [sflag:s0], s1  }
0xc1: {  	s1 =	ssub.s32 @!p0 $0x0, s1;
	[sflag:s0] =	ssyncset.done @!p0 $0x0  }
0xc2: {  	[sflag:s0] =	ssyncadd.s32 @!p0 s1  }
0xc3: {  	[bflag:$0x3] =	sbarrier.arrive $0xFFFF  }
0xc4: {  	_ =	shalt  }

</sc_bundles>
